<compile_context>
chip_gen: v7x
topology: tpu7x:2x2x1
jax: 0.10.2.dev20260603
libtpu: 0.0.44.dev20260713+nightly
codegen_flags: <defaults>
</compile_context>

<pallas_src>
import functools

import jax
import jax.numpy as jnp
from jax import lax
from jax.experimental import pallas as pl
from jax.experimental.pallas import tpu as pltpu
from jax.experimental.pallas import tpu_sc as plsc

N_NODES = 10000
NP = 10240
N_EDGES = 320000
CW = 128
CPW = 80
NC, NS = 2, 16
NW = NC * NS
NCHUNK = NW * CPW
E_PAD = NCHUNK * CW
D_IN, D_HID, D_OUT = 128, 64, 16
RPS = NP // NS

BPG = 1

NCHUNK_R = N_EDGES // CW
RW_LAST = NCHUNK_R - (NW - 1) * CPW
PW_LAST = CPW - RW_LAST

_sc_mesh = plsc.VectorSubcoreMesh(core_axis_name="c", subcore_axis_name="s")
_sc_params = pltpu.CompilerParams(use_tc_tiling_on_sc=False,
                                  needs_layout_passes=False)


def _hoist_idx(ei3_hbm, padc_hbm, idx_v, which, w):
    @pl.when(w < NW - 1)
    def _():
        pltpu.sync_copy(ei3_hbm.at[which, pl.ds(w * CPW, CPW)], idx_v)

    @pl.when(w == NW - 1)
    def _():
        pltpu.sync_copy(ei3_hbm.at[which, pl.ds((NW - 1) * CPW, RW_LAST)],
                        idx_v.at[pl.ds(0, RW_LAST)])
        pltpu.sync_copy(padc_hbm, idx_v.at[pl.ds(RW_LAST, PW_LAST)])


@functools.partial(
    pl.kernel,
    out_type=jax.ShapeDtypeStruct((NW, NP), jnp.float32),
    mesh=_sc_mesh,
    compiler_params=_sc_params,
    scratch_types=[
        pltpu.VMEM((CPW, CW), jnp.int32),
        pltpu.VMEM((NP,), jnp.float32),
    ],
)
def _deg_kernel(ei3_hbm, padc_hbm, zeros_hbm, out_hbm, cidx, hist):
    c = lax.axis_index("c")
    s = lax.axis_index("s")
    w = s * NC + c
    pltpu.sync_copy(zeros_hbm, hist)
    _hoist_idx(ei3_hbm, padc_hbm, cidx, 1, w)
    ones = jnp.full((16,), 1.0, jnp.float32)

    def body(j, carry):
        for k in range(CW // 16):
            idx = cidx[j, pl.ds(k * 16, 16)]
            plsc.addupdate_scatter(hist, [idx], ones)
        return carry

    lax.fori_loop(0, CPW, body, 0)
    pltpu.sync_copy(hist, out_hbm.at[w])


def _make_agg(D, G):
    NPASS = CPW // (G * BPG)
    @functools.partial(
        pl.kernel,
        out_type=jax.ShapeDtypeStruct((NC, NP, D), jnp.float32),
        mesh=_sc_mesh,
        compiler_params=_sc_params,
        scratch_types=[
            pltpu.VMEM((CPW, CW), jnp.int32),
            pltpu.VMEM((CPW, CW), jnp.int32),
            pltpu.VMEM((G * BPG * CW, D), jnp.float32),
            pltpu.VMEM_SHARED((NP, D), jnp.float32),
            [pltpu.SemaphoreType.DMA] * G,
            [pltpu.SemaphoreType.DMA] * G,
        ],
    )
    def agg(g_hbm, ei3_hbm, padc_hbm, zeros_hbm, out_hbm,
            ridx, cidx, gbuf, acc, gsems, ssems):
        c = lax.axis_index("c")
        s = lax.axis_index("s")
        w = s * NC + c
        pltpu.sync_copy(zeros_hbm.at[pl.ds(s * RPS, RPS)],
                        acc.at[pl.ds(s * RPS, RPS)])
        _hoist_idx(ei3_hbm, padc_hbm, ridx, 0, w)
        _hoist_idx(ei3_hbm, padc_hbm, cidx, 1, w)
        plsc.subcore_barrier()

        def gather(gi, j, k):
            pltpu.async_copy(g_hbm.at[ridx.at[k]],
                             gbuf.at[pl.ds((gi * BPG + j) * CW, CW)],
                             gsems[gi])

        def scatter(gi, j, k):
            pltpu.async_copy(gbuf.at[pl.ds((gi * BPG + j) * CW, CW)],
                             acc.at[cidx.at[k]], ssems[gi], add=True)

        def drain(sem, gi):
            pltpu.make_async_copy(
                zeros_hbm.at[pl.ds(0, BPG * CW)],
                gbuf.at[pl.ds(gi * BPG * CW, BPG * CW)], sem).wait()

        for gi in range(G):
            for j in range(BPG):
                gather(gi, j, gi * BPG + j)

        def body(t, carry):
            for gi in range(G):
                rp = G * (t - 1) + gi
                drain(gsems[gi], gi)
                for j in range(BPG):
                    scatter(gi, j, rp * BPG + j)
                drain(ssems[gi], gi)
                rc = G * t + gi
                for j in range(BPG):
                    gather(gi, j, rc * BPG + j)
            return carry

        lax.fori_loop(1, NPASS, body, 0)

        for gi in range(G):
            rp = G * (NPASS - 1) + gi
            drain(gsems[gi], gi)
            for j in range(BPG):
                scatter(gi, j, rp * BPG + j)
            drain(ssems[gi], gi)

        plsc.subcore_barrier()
        pltpu.sync_copy(acc.at[pl.ds(s * RPS, RPS)],
                        out_hbm.at[c, pl.ds(s * RPS, RPS)])

    return agg


_agg64 = _make_agg(D_HID, 8)
_agg16 = _make_agg(D_OUT, 8)


BR = 2048
GRID = NP // BR


def _dinv_of(deg_ref):
    i = pl.program_id(0)
    sl = deg_ref[:, pl.ds(i * BR, BR)]
    return lax.rsqrt(jnp.sum(sl, axis=0) + 1.0)[:, None]


def _mm_body(x_ref, w1_ref, h1_ref):
    h1_ref[...] = jnp.dot(x_ref[...], w1_ref[...],
                          preferred_element_type=jnp.float32)


def _scale_body(deg_ref, h_ref, g_ref):
    g_ref[...] = h_ref[...] * _dinv_of(deg_ref)


def _post1_body(deg_ref, s_ref, g1_ref, b1_ref, w2_ref, g2_ref):
    dinv = _dinv_of(deg_ref)
    out1 = jnp.maximum((s_ref[0] + s_ref[1] + g1_ref[...]) * dinv + b1_ref[...],
                       0.0)
    h2 = jnp.dot(out1, w2_ref[...], preferred_element_type=jnp.float32)
    g2_ref[...] = h2 * dinv


def _post2_body(deg_ref, t_ref, g2_ref, b2_ref, o_ref):
    dinv = _dinv_of(deg_ref)
    o = (t_ref[0] + t_ref[1] + g2_ref[...]) * dinv + b2_ref[...]
    m = jnp.max(o, axis=1, keepdims=True)
    o_ref[...] = o - (jnp.log(jnp.sum(jnp.exp(o - m), axis=1, keepdims=True)) + m)


def _deg_spec():
    return pl.BlockSpec((NW, NP), lambda i: (0, 0))


def _mm(x_p, W1):
    return pl.pallas_call(
        _mm_body,
        grid=(GRID,),
        in_specs=[
            pl.BlockSpec((BR, D_IN), lambda i: (i, 0)),
            pl.BlockSpec((D_IN, D_HID), lambda i: (0, 0)),
        ],
        out_specs=pl.BlockSpec((BR, D_HID), lambda i: (i, 0)),
        out_shape=jax.ShapeDtypeStruct((NP, D_HID), jnp.float32),
    )(x_p, W1)


def _scale(degP, h1):
    return pl.pallas_call(
        _scale_body,
        grid=(GRID,),
        in_specs=[
            _deg_spec(),
            pl.BlockSpec((BR, D_HID), lambda i: (i, 0)),
        ],
        out_specs=pl.BlockSpec((BR, D_HID), lambda i: (i, 0)),
        out_shape=jax.ShapeDtypeStruct((NP, D_HID), jnp.float32),
    )(degP, h1)


def _post1(degP, S, g1, b1, W2):
    return pl.pallas_call(
        _post1_body,
        grid=(GRID,),
        in_specs=[
            _deg_spec(),
            pl.BlockSpec((NC, BR, D_HID), lambda i: (0, i, 0)),
            pl.BlockSpec((BR, D_HID), lambda i: (i, 0)),
            pl.BlockSpec((1, D_HID), lambda i: (0, 0)),
            pl.BlockSpec((D_HID, D_OUT), lambda i: (0, 0)),
        ],
        out_specs=pl.BlockSpec((BR, D_OUT), lambda i: (i, 0)),
        out_shape=jax.ShapeDtypeStruct((NP, D_OUT), jnp.float32),
    )(degP, S, g1, b1, W2)


def _post2(degP, T, g2, b2):
    return pl.pallas_call(
        _post2_body,
        grid=(GRID,),
        in_specs=[
            _deg_spec(),
            pl.BlockSpec((NC, BR, D_OUT), lambda i: (0, i, 0)),
            pl.BlockSpec((BR, D_OUT), lambda i: (i, 0)),
            pl.BlockSpec((1, D_OUT), lambda i: (0, 0)),
        ],
        out_specs=pl.BlockSpec((BR, D_OUT), lambda i: (i, 0)),
        out_shape=jax.ShapeDtypeStruct((NP, D_OUT), jnp.float32),
    )(degP, T, g2, b2)


def kernel(x, edge_index, W1, b1, W2, b2):
    ei3 = edge_index.astype(jnp.int32).reshape(2, NCHUNK_R, CW)
    padc = (N_NODES + (jnp.arange(PW_LAST * CW, dtype=jnp.int32)
                       % (NP - N_NODES))).reshape(PW_LAST, CW)
    x_p = jnp.pad(x, ((0, NP - N_NODES), (0, 0)))
    z1 = jnp.zeros((NP,), jnp.float32)
    z64 = jnp.zeros((NP, D_HID), jnp.float32)
    z16 = jnp.zeros((NP, D_OUT), jnp.float32)

    degP = _deg_kernel(ei3, padc, z1)
    h1 = _mm(x_p, W1)
    g1 = _scale(degP, h1)
    S = _agg64(g1, ei3, padc, z64)
    g2 = _post1(degP, S, g1, b1.reshape(1, -1), W2)
    T = _agg16(g2, ei3, padc, z16)
    o = _post2(degP, T, g2, b2.reshape(1, -1))
    return o[:N_NODES]

# --- scband reference (transcript-rebuilt; emitter-appended) ---
"""Pipeline reference for scband-gcnnet-69947837383269 (READ-ONLY COPY).

The authoritative reference and input builder live on the scoring server;
editing this copy changes nothing except your own understanding.
"""

import jax, jax.numpy as jnp
import numpy as np

N_NODES = 10000
N_EDGES = 320000
D_IN = 128
D_HID = 64
D_OUT = 16


def setup_inputs(seed: int = 0) -> dict:
    key = jax.random.key(seed)
    k1, k2, k3, k4, k5, k6 = jax.random.split(key, 6)
    x = jax.random.normal(k1, (N_NODES, D_IN), dtype=jnp.float32)
    edge_index = jax.random.randint(k2, (2, N_EDGES), 0, N_NODES, dtype=jnp.int64)
    # GCNConv layer 1 params (glorot-ish init)
    W1 = jax.random.normal(k3, (D_IN, D_HID), dtype=jnp.float32) * (1.0 / np.sqrt(D_IN))
    b1 = jnp.zeros((D_HID,), dtype=jnp.float32)
    # GCNConv layer 2 params
    W2 = jax.random.normal(k4, (D_HID, D_OUT), dtype=jnp.float32) * (1.0 / np.sqrt(D_HID))
    b2 = jnp.zeros((D_OUT,), dtype=jnp.float32)
    return {"x": x, "edge_index": edge_index, "W1": W1, "b1": b1, "W2": W2, "b2": b2}


def _gcn_conv(x, edge_index, W, b, num_nodes):
    # Faithful PyG GCNConv: add self-loops (weight 1), symmetric normalization,
    # linear transform, scatter-add aggregation at dst (edge_index[1]), bias.
    row = edge_index[0]
    col = edge_index[1]
    loop = jnp.arange(num_nodes, dtype=row.dtype)
    row = jnp.concatenate([row, loop])
    col = jnp.concatenate([col, loop])
    ew = jnp.ones((row.shape[0],), dtype=x.dtype)
    deg = jnp.zeros((num_nodes,), dtype=x.dtype).at[col].add(ew)
    deg_inv_sqrt = jnp.where(deg > 0, jax.lax.rsqrt(jnp.where(deg > 0, deg, 1.0)), 0.0)
    norm = deg_inv_sqrt[row] * ew * deg_inv_sqrt[col]
    h = x @ W
    msg = norm[:, None] * jnp.take(h, row, axis=0)
    out = jnp.zeros((num_nodes, W.shape[1]), dtype=x.dtype).at[col].add(msg)
    return out + b


def reference(x, edge_index, W1, b1, W2, b2):
    h = _gcn_conv(x, edge_index, W1, b1, N_NODES)
    h = jax.nn.relu(h)
    # F.dropout(training=self.training): eval mode -> identity
    h = _gcn_conv(h, edge_index, W2, b2, N_NODES)
    return jax.nn.log_softmax(h, axis=1)

if __name__ == "__main__":
    import jax
    _d = setup_inputs()
    print(jax.jit(kernel)(*tuple(_d.values())))

</pallas_src>

<mosaic_0001>
#map = affine_map<(d0, d1) -> (0, 0)>
#map1 = affine_map<(d0, d1) -> (0, 0, 0)>
module attributes {stable_mosaic.version = 14 : i64} {
  func.func @agg(%arg0: i32, %arg1: i32, %arg2: memref<10240x64xf32, #tpu.memory_space<hbm>>, %arg3: memref<2x2500x128xi32, #tpu.memory_space<hbm>>, %arg4: memref<60x128xi32, #tpu.memory_space<hbm>>, %arg5: memref<10240x64xf32, #tpu.memory_space<hbm>>, %arg6: memref<2x10240x64xf32, #tpu.memory_space<hbm>>, %arg7: memref<80x128xi32, #tpu.memory_space<vmem>>, %arg8: memref<80x128xi32, #tpu.memory_space<vmem>>, %arg9: memref<1024x64xf32, #tpu.memory_space<vmem>>, %arg10: memref<10240x64xf32, #tpu.memory_space<vmem_shared>>, %arg11: memref<!tpu.dma_semaphore, #tpu.memory_space<semaphore_mem>>, %arg12: memref<!tpu.dma_semaphore, #tpu.memory_space<semaphore_mem>>, %arg13: memref<!tpu.dma_semaphore, #tpu.memory_space<semaphore_mem>>, %arg14: memref<!tpu.dma_semaphore, #tpu.memory_space<semaphore_mem>>, %arg15: memref<!tpu.dma_semaphore, #tpu.memory_space<semaphore_mem>>, %arg16: memref<!tpu.dma_semaphore, #tpu.memory_space<semaphore_mem>>, %arg17: memref<!tpu.dma_semaphore, #tpu.memory_space<semaphore_mem>>, %arg18: memref<!tpu.dma_semaphore, #tpu.memory_space<semaphore_mem>>, %arg19: memref<!tpu.dma_semaphore, #tpu.memory_space<semaphore_mem>>, %arg20: memref<!tpu.dma_semaphore, #tpu.memory_space<semaphore_mem>>, %arg21: memref<!tpu.dma_semaphore, #tpu.memory_space<semaphore_mem>>, %arg22: memref<!tpu.dma_semaphore, #tpu.memory_space<semaphore_mem>>, %arg23: memref<!tpu.dma_semaphore, #tpu.memory_space<semaphore_mem>>, %arg24: memref<!tpu.dma_semaphore, #tpu.memory_space<semaphore_mem>>, %arg25: memref<!tpu.dma_semaphore, #tpu.memory_space<semaphore_mem>>, %arg26: memref<!tpu.dma_semaphore, #tpu.memory_space<semaphore_mem>>) attributes {dimension_semantics = [#tpu.dimension_semantics<core_parallel>, #tpu.dimension_semantics<subcore_parallel>], iteration_bounds = array<i64: 2, 16>, scalar_prefetch = 0 : i64, scratch_operands = 20 : i64, tpu.core_type = #tpu.core_type<sc_vector_subcore>, window_params = [{transform_indices = #map}, {transform_indices = #map1}, {transform_indices = #map}, {transform_indices = #map}, {transform_indices = #map1}]} {
    %mul3A = arith.constant 2 : i32
    %mul3A_0 = arith.muli %arg1, %mul3A : i32
    %add3A = arith.addi %mul3A_0, %arg0 : i32
    %mul3A_1 = arith.constant 640 : i32
    %mul3A_2 = arith.muli %arg1, %mul3A_1 : i32
    %mul3A_3 = arith.constant 640 : i32
    %mul3A_4 = arith.muli %arg1, %mul3A_3 : i32
    "tpu.region"() ({
      %run_scoped3A = tpu.sem_alloc : memref<!tpu.dma_semaphore, #tpu.memory_space<semaphore_mem>>
      %dma_start3A_381 = arith.constant 0 : i32
      %dma_start3A_382 = tpu.memref_slice %arg10[%mul3A_4, %dma_start3A_381] : memref<10240x64xf32, #tpu.memory_space<vmem_shared>> -> memref<640x64xf32, #tpu.memory_space<vmem_shared>>
      %dma_start3A_383 = arith.constant 0 : i32
      %dma_start3A_384 = tpu.memref_slice %arg5[%mul3A_2, %dma_start3A_383] : memref<10240x64xf32, #tpu.memory_space<hbm>> -> memref<640x64xf32, #tpu.memory_space<hbm>>
      tpu.enqueue_dma source(%dma_start3A_384 : memref<640x64xf32, #tpu.memory_space<hbm>>) target(%dma_start3A_382 : memref<640x64xf32, #tpu.memory_space<vmem_shared>>) target_semaphore(%run_scoped3A : memref<!tpu.dma_semaphore, #tpu.memory_space<semaphore_mem>>)
      %dma_wait3A_385 = arith.constant 0 : i32
      %dma_wait3A_386 = tpu.memref_slice %arg10[%mul3A_4, %dma_wait3A_385] : memref<10240x64xf32, #tpu.memory_space<vmem_shared>> -> memref<640x64xf32, #tpu.memory_space<vmem_shared>>
      %dma_wait3A_387 = arith.constant 0 : i32
      %dma_wait3A_388 = tpu.memref_slice %arg5[%mul3A_2, %dma_wait3A_387] : memref<10240x64xf32, #tpu.memory_space<hbm>> -> memref<640x64xf32, #tpu.memory_space<hbm>>
      tpu.wait_dma2 semaphore(%run_scoped3A : memref<!tpu.dma_semaphore, #tpu.memory_space<semaphore_mem>>) src(%dma_wait3A_388 : memref<640x64xf32, #tpu.memory_space<hbm>>) dst(%dma_wait3A_386 : memref<640x64xf32, #tpu.memory_space<vmem_shared>>)
      tpu.yield
    }) : () -> ()
    %lt3A = arith.constant 31 : i32
    %lt3A_5 = arith.cmpi slt, %add3A, %lt3A : i32
    %convert_element_type3A = arith.extui %lt3A_5 : i1 to i32
    %cond3A = arith.constant 0 : i32
    %cond3A_6 = arith.cmpi ne, %convert_element_type3A, %cond3A : i32
    scf.if %cond3A_6 {
      %mul3A_381 = arith.constant 80 : i32
      %mul3A_382 = arith.muli %add3A, %mul3A_381 : i32
      %run_scoped3A = arith.constant 0 : i32
      "tpu.region"() ({
        %run_scoped3A_383 = tpu.sem_alloc : memref<!tpu.dma_semaphore, #tpu.memory_space<semaphore_mem>>
        %dma_start3A_384 = arith.constant 0 : i32
        %dma_start3A_385 = tpu.memref_slice %arg3[%run_scoped3A, %mul3A_382, %dma_start3A_384] : memref<2x2500x128xi32, #tpu.memory_space<hbm>> -> memref<1x80x128xi32, #tpu.memory_space<hbm>>
        %dma_start3A_386 = tpu.memref_squeeze %dma_start3A_385 : memref<1x80x128xi32, #tpu.memory_space<hbm>> -> memref<80x128xi32, #tpu.memory_space<hbm>>
        %dma_start3A_387 = arith.constant 0 : i32
        %dma_start3A_388 = tpu.memref_slice %arg3[%run_scoped3A, %mul3A_382, %dma_start3A_387] : memref<2x2500x128xi32, #tpu.memory_space<hbm>> -> memref<1x80x128xi32, #tpu.memory_space<hbm>>
        %dma_start3A_389 = tpu.memref_squeeze %dma_start3A_388 : memref<1x80x128xi32, #tpu.memory_space<hbm>> -> memref<80x128xi32, #tpu.memory_space<hbm>>
        tpu.enqueue_dma source(%dma_start3A_389 : memref<80x128xi32, #tpu.memory_space<hbm>>) target(%arg7 : memref<80x128xi32, #tpu.memory_space<vmem>>) target_semaphore(%run_scoped3A_383 : memref<!tpu.dma_semaphore, #tpu.memory_space<semaphore_mem>>)
        %dma_wait3A_390 = arith.constant 0 : i32
        %dma_wait3A_391 = tpu.memref_slice %arg3[%run_scoped3A, %mul3A_382, %dma_wait3A_390] : memref<2x2500x128xi32, #tpu.memory_space<hbm>> -> memref<1x80x128xi32, #tpu.memory_space<hbm>>
        %dma_wait3A_392 = tpu.memref_squeeze %dma_wait3A_391 : memref<1x80x128xi32, #tpu.memory_space<hbm>> -> memref<80x128xi32, #tpu.memory_space<hbm>>
        %dma_wait3A_393 = arith.constant 0 : i32
        %dma_wait3A_394 = tpu.memref_slice %arg3[%run_scoped3A, %mul3A_382, %dma_wait3A_393] : memref<2x2500x128xi32, #tpu.memory_space<hbm>> -> memref<1x80x128xi32, #tpu.memory_space<hbm>>
        %dma_wait3A_395 = tpu.memref_squeeze %dma_wait3A_394 : memref<1x80x128xi32, #tpu.memory_space<hbm>> -> memref<80x128xi32, #tpu.memory_space<hbm>>
        tpu.wait_dma2 semaphore(%run_scoped3A_383 : memref<!tpu.dma_semaphore, #tpu.memory_space<semaphore_mem>>) src(%dma_wait3A_395 : memref<80x128xi32, #tpu.memory_space<hbm>>) dst(%arg7 : memref<80x128xi32, #tpu.memory_space<vmem>>)
        tpu.yield
      }) : () -> ()
    } else {
    }
    %eq3A = arith.constant 31 : i32
    %eq3A_7 = arith.cmpi eq, %add3A, %eq3A : i32
    %convert_element_type3A_8 = arith.extui %eq3A_7 : i1 to i32
    %cond3A_9 = arith.constant 0 : i32
    %cond3A_10 = arith.cmpi ne, %convert_element_type3A_8, %cond3A_9 : i32
    scf.if %cond3A_10 {
      %run_scoped3A = arith.constant 0 : i32
      "tpu.region"() ({
        %run_scoped3A_381 = tpu.sem_alloc : memref<!tpu.dma_semaphore, #tpu.memory_space<semaphore_mem>>
        %dma_start3A_382 = arith.constant 0 : i32
        %dma_start3A_383 = arith.constant 0 : i32
        %dma_start3A_384 = tpu.memref_slice %arg7[%dma_start3A_382, %dma_start3A_383] : memref<80x128xi32, #tpu.memory_space<vmem>> -> memref<20x128xi32, #tpu.memory_space<vmem>>
        %dma_start3A_385 = arith.constant 2480 : i32
        %dma_start3A_386 = arith.constant 0 : i32
        %dma_start3A_387 = tpu.memref_slice %arg3[%run_scoped3A, %dma_start3A_385, %dma_start3A_386] : memref<2x2500x128xi32, #tpu.memory_space<hbm>> -> memref<1x20x128xi32, #tpu.memory_space<hbm>>
        %dma_start3A_388 = tpu.memref_squeeze %dma_start3A_387 : memref<1x20x128xi32, #tpu.memory_space<hbm>> -> memref<20x128xi32, #tpu.memory_space<hbm>>
        %dma_start3A_389 = arith.constant 0 : i32
        %dma_start3A_390 = arith.constant 0 : i32
        %dma_start3A_391 = tpu.memref_slice %arg7[%dma_start3A_389, %dma_start3A_390] : memref<80x128xi32, #tpu.memory_space<vmem>> -> memref<20x128xi32, #tpu.memory_space<vmem>>
        %dma_start3A_392 = arith.constant 2480 : i32
        %dma_start3A_393 = arith.constant 0 : i32
        %dma_start3A_394 = tpu.memref_slice %arg3[%run_scoped3A, %dma_start3A_392, %dma_start3A_393] : memref<2x2500x128xi32, #tpu.memory_space<hbm>> -> memref<1x20x128xi32, #tpu.memory_space<hbm>>
        %dma_start3A_395 = tpu.memref_squeeze %dma_start3A_394 : memref<1x20x128xi32, #tpu.memory_space<hbm>> -> memref<20x128xi32, #tpu.memory_space<hbm>>
        tpu.enqueue_dma source(%dma_start3A_395 : memref<20x128xi32, #tpu.memory_space<hbm>>) target(%dma_start3A_391 : memref<20x128xi32, #tpu.memory_space<vmem>>) target_semaphore(%run_scoped3A_381 : memref<!tpu.dma_semaphore, #tpu.memory_space<semaphore_mem>>)
        %dma_wait3A_396 = arith.constant 0 : i32
        %dma_wait3A_397 = arith.constant 0 : i32
        %dma_wait3A_398 = tpu.memref_slice %arg7[%dma_wait3A_396, %dma_wait3A_397] : memref<80x128xi32, #tpu.memory_space<vmem>> -> memref<20x128xi32, #tpu.memory_space<vmem>>
        %dma_wait3A_399 = arith.constant 2480 : i32
        %dma_wait3A_400 = arith.constant 0 : i32
        %dma_wait3A_401 = tpu.memref_slice %arg3[%run_scoped3A, %dma_wait3A_399, %dma_wait3A_400] : memref<2x2500x128xi32, #tpu.memory_space<hbm>> -> memref<1x20x128xi32, #tpu.memory_space<hbm>>
        %dma_wait3A_402 = tpu.memref_squeeze %dma_wait3A_401 : memref<1x20x128xi32, #tpu.memory_space<hbm>> -> memref<20x128xi32, #tpu.memory_space<hbm>>
        %dma_wait3A_403 = arith.constant 0 : i32
        %dma_wait3A_404 = arith.constant 0 : i32
        %dma_wait3A_405 = tpu.memref_slice %arg7[%dma_wait3A_403, %dma_wait3A_404] : memref<80x128xi32, #tpu.memory_space<vmem>> -> memref<20x128xi32, #tpu.memory_space<vmem>>
        %dma_wait3A_406 = arith.constant 2480 : i32
        %dma_wait3A_407 = arith.constant 0 : i32
        %dma_wait3A_408 = tpu.memref_slice %arg3[%run_scoped3A, %dma_wait3A_406, %dma_wait3A_407] : memref<2x2500x128xi32, #tpu.memory_space<hbm>> -> memref<1x20x128xi32, #tpu.memory_space<hbm>>
        %dma_wait3A_409 = tpu.memref_squeeze %dma_wait3A_408 : memref<1x20x128xi32, #tpu.memory_space<hbm>> -> memref<20x128xi32, #tpu.memory_space<hbm>>
        tpu.wait_dma2 semaphore(%run_scoped3A_381 : memref<!tpu.dma_semaphore, #tpu.memory_space<semaphore_mem>>) src(%dma_wait3A_409 : memref<20x128xi32, #tpu.memory_space<hbm>>) dst(%dma_wait3A_405 : memref<20x128xi32, #tpu.memory_space<vmem>>)
        tpu.yield
      }) : () -> ()
      "tpu.region"() ({
        %run_scoped3A_381 = tpu.sem_alloc : memref<!tpu.dma_semaphore, #tpu.memory_space<semaphore_mem>>
        %dma_start3A_382 = arith.constant 20 : i32
        %dma_start3A_383 = arith.constant 0 : i32
        %dma_start3A_384 = tpu.memref_slice %arg7[%dma_start3A_382, %dma_start3A_383] : memref<80x128xi32, #tpu.memory_space<vmem>> -> memref<60x128xi32, #tpu.memory_space<vmem>>
        %dma_start3A_385 = arith.constant 20 : i32
        %dma_start3A_386 = arith.constant 0 : i32
        %dma_start3A_387 = tpu.memref_slice %arg7[%dma_start3A_385, %dma_start3A_386] : memref<80x128xi32, #tpu.memory_space<vmem>> -> memref<60x128xi32, #tpu.memory_space<vmem>>
        tpu.enqueue_dma source(%arg4 : memref<60x128xi32, #tpu.memory_space<hbm>>) target(%dma_start3A_387 : memref<60x128xi32, #tpu.memory_space<vmem>>) target_semaphore(%run_scoped3A_381 : memref<!tpu.dma_semaphore, #tpu.memory_space<semaphore_mem>>)
        %dma_wait3A_388 = arith.constant 20 : i32
        %dma_wait3A_389 = arith.constant 0 : i32
        %dma_wait3A_390 = tpu.memref_slice %arg7[%dma_wait3A_388, %dma_wait3A_389] : memref<80x128xi32, #tpu.memory_space<vmem>> -> memref<60x128xi32, #tpu.memory_space<vmem>>
        %dma_wait3A_391 = arith.constant 20 : i32
        %dma_wait3A_392 = arith.constant 0 : i32
        %dma_wait3A_393 = tpu.memref_slice %arg7[%dma_wait3A_391, %dma_wait3A_392] : memref<80x128xi32, #tpu.memory_space<vmem>> -> memref<60x128xi32, #tpu.memory_space<vmem>>
        tpu.wait_dma2 semaphore(%run_scoped3A_381 : memref<!tpu.dma_semaphore, #tpu.memory_space<semaphore_mem>>) src(%arg4 : memref<60x128xi32, #tpu.memory_space<hbm>>) dst(%dma_wait3A_393 : memref<60x128xi32, #tpu.memory_space<vmem>>)
        tpu.yield
      }) : () -> ()
    } else {
    }
    %lt3A_11 = arith.constant 31 : i32
    %lt3A_12 = arith.cmpi slt, %add3A, %lt3A_11 : i32
    %convert_element_type3A_13 = arith.extui %lt3A_12 : i1 to i32
    %cond3A_14 = arith.constant 0 : i32
    %cond3A_15 = arith.cmpi ne, %convert_element_type3A_13, %cond3A_14 : i32
    scf.if %cond3A_15 {
      %mul3A_381 = arith.constant 80 : i32
      %mul3A_382 = arith.muli %add3A, %mul3A_381 : i32
      %run_scoped3A = arith.constant 1 : i32
      "tpu.region"() ({
        %run_scoped3A_383 = tpu.sem_alloc : memref<!tpu.dma_semaphore, #tpu.memory_space<semaphore_mem>>
        %dma_start3A_384 = arith.constant 0 : i32
        %dma_start3A_385 = tpu.memref_slice %arg3[%run_scoped3A, %mul3A_382, %dma_start3A_384] : memref<2x2500x128xi32, #tpu.memory_space<hbm>> -> memref<1x80x128xi32, #tpu.memory_space<hbm>>
        %dma_start3A_386 = tpu.memref_squeeze %dma_start3A_385 : memref<1x80x128xi32, #tpu.memory_space<hbm>> -> memref<80x128xi32, #tpu.memory_space<hbm>>
        %dma_start3A_387 = arith.constant 0 : i32
        %dma_start3A_388 = tpu.memref_slice %arg3[%run_scoped3A, %mul3A_382, %dma_start3A_387] : memref<2x2500x128xi32, #tpu.memory_space<hbm>> -> memref<1x80x128xi32, #tpu.memory_space<hbm>>
        %dma_start3A_389 = tpu.memref_squeeze %dma_start3A_388 : memref<1x80x128xi32, #tpu.memory_space<hbm>> -> memref<80x128xi32, #tpu.memory_space<hbm>>
        tpu.enqueue_dma source(%dma_start3A_389 : memref<80x128xi32, #tpu.memory_space<hbm>>) target(%arg8 : memref<80x128xi32, #tpu.memory_space<vmem>>) target_semaphore(%run_scoped3A_383 : memref<!tpu.dma_semaphore, #tpu.memory_space<semaphore_mem>>)
        %dma_wait3A_390 = arith.constant 0 : i32
        %dma_wait3A_391 = tpu.memref_slice %arg3[%run_scoped3A, %mul3A_382, %dma_wait3A_390] : memref<2x2500x128xi32, #tpu.memory_space<hbm>> -> memref<1x80x128xi32, #tpu.memory_space<hbm>>
        %dma_wait3A_392 = tpu.memref_squeeze %dma_wait3A_391 : memref<1x80x128xi32, #tpu.memory_space<hbm>> -> memref<80x128xi32, #tpu.memory_space<hbm>>
        %dma_wait3A_393 = arith.constant 0 : i32
        %dma_wait3A_394 = tpu.memref_slice %arg3[%run_scoped3A, %mul3A_382, %dma_wait3A_393] : memref<2x2500x128xi32, #tpu.memory_space<hbm>> -> memref<1x80x128xi32, #tpu.memory_space<hbm>>
        %dma_wait3A_395 = tpu.memref_squeeze %dma_wait3A_394 : memref<1x80x128xi32, #tpu.memory_space<hbm>> -> memref<80x128xi32, #tpu.memory_space<hbm>>
        tpu.wait_dma2 semaphore(%run_scoped3A_383 : memref<!tpu.dma_semaphore, #tpu.memory_space<semaphore_mem>>) src(%dma_wait3A_395 : memref<80x128xi32, #tpu.memory_space<hbm>>) dst(%arg8 : memref<80x128xi32, #tpu.memory_space<vmem>>)
        tpu.yield
      }) : () -> ()
    } else {
    }
    %eq3A_16 = arith.constant 31 : i32
    %eq3A_17 = arith.cmpi eq, %add3A, %eq3A_16 : i32
    %convert_element_type3A_18 = arith.extui %eq3A_17 : i1 to i32
    %cond3A_19 = arith.constant 0 : i32
    %cond3A_20 = arith.cmpi ne, %convert_element_type3A_18, %cond3A_19 : i32
    scf.if %cond3A_20 {
      %run_scoped3A = arith.constant 1 : i32
      "tpu.region"() ({
        %run_scoped3A_381 = tpu.sem_alloc : memref<!tpu.dma_semaphore, #tpu.memory_space<semaphore_mem>>
        %dma_start3A_382 = arith.constant 0 : i32
        %dma_start3A_383 = arith.constant 0 : i32
        %dma_start3A_384 = tpu.memref_slice %arg8[%dma_start3A_382, %dma_start3A_383] : memref<80x128xi32, #tpu.memory_space<vmem>> -> memref<20x128xi32, #tpu.memory_space<vmem>>
        %dma_start3A_385 = arith.constant 2480 : i32
        %dma_start3A_386 = arith.constant 0 : i32
        %dma_start3A_387 = tpu.memref_slice %arg3[%run_scoped3A, %dma_start3A_385, %dma_start3A_386] : memref<2x2500x128xi32, #tpu.memory_space<hbm>> -> memref<1x20x128xi32, #tpu.memory_space<hbm>>
        %dma_start3A_388 = tpu.memref_squeeze %dma_start3A_387 : memref<1x20x128xi32, #tpu.memory_space<hbm>> -> memref<20x128xi32, #tpu.memory_space<hbm>>
        %dma_start3A_389 = arith.constant 0 : i32
        %dma_start3A_390 = arith.constant 0 : i32
        %dma_start3A_391 = tpu.memref_slice %arg8[%dma_start3A_389, %dma_start3A_390] : memref<80x128xi32, #tpu.memory_space<vmem>> -> memref<20x128xi32, #tpu.memory_space<vmem>>
        %dma_start3A_392 = arith.constant 2480 : i32
        %dma_start3A_393 = arith.constant 0 : i32
        %dma_start3A_394 = tpu.memref_slice %arg3[%run_scoped3A, %dma_start3A_392, %dma_start3A_393] : memref<2x2500x128xi32, #tpu.memory_space<hbm>> -> memref<1x20x128xi32, #tpu.memory_space<hbm>>
        %dma_start3A_395 = tpu.memref_squeeze %dma_start3A_394 : memref<1x20x128xi32, #tpu.memory_space<hbm>> -> memref<20x128xi32, #tpu.memory_space<hbm>>
        tpu.enqueue_dma source(%dma_start3A_395 : memref<20x128xi32, #tpu.memory_space<hbm>>) target(%dma_start3A_391 : memref<20x128xi32, #tpu.memory_space<vmem>>) target_semaphore(%run_scoped3A_381 : memref<!tpu.dma_semaphore, #tpu.memory_space<semaphore_mem>>)
        %dma_wait3A_396 = arith.constant 0 : i32
        %dma_wait3A_397 = arith.constant 0 : i32
        %dma_wait3A_398 = tpu.memref_slice %arg8[%dma_wait3A_396, %dma_wait3A_397] : memref<80x128xi32, #tpu.memory_space<vmem>> -> memref<20x128xi32, #tpu.memory_space<vmem>>
        %dma_wait3A_399 = arith.constant 2480 : i32
        %dma_wait3A_400 = arith.constant 0 : i32
        %dma_wait3A_401 = tpu.memref_slice %arg3[%run_scoped3A, %dma_wait3A_399, %dma_wait3A_400] : memref<2x2500x128xi32, #tpu.memory_space<hbm>> -> memref<1x20x128xi32, #tpu.memory_space<hbm>>
        %dma_wait3A_402 = tpu.memref_squeeze %dma_wait3A_401 : memref<1x20x128xi32, #tpu.memory_space<hbm>> -> memref<20x128xi32, #tpu.memory_space<hbm>>
        %dma_wait3A_403 = arith.constant 0 : i32
        %dma_wait3A_404 = arith.constant 0 : i32
        %dma_wait3A_405 = tpu.memref_slice %arg8[%dma_wait3A_403, %dma_wait3A_404] : memref<80x128xi32, #tpu.memory_space<vmem>> -> memref<20x128xi32, #tpu.memory_space<vmem>>
        %dma_wait3A_406 = arith.constant 2480 : i32
        %dma_wait3A_407 = arith.constant 0 : i32
        %dma_wait3A_408 = tpu.memref_slice %arg3[%run_scoped3A, %dma_wait3A_406, %dma_wait3A_407] : memref<2x2500x128xi32, #tpu.memory_space<hbm>> -> memref<1x20x128xi32, #tpu.memory_space<hbm>>
        %dma_wait3A_409 = tpu.memref_squeeze %dma_wait3A_408 : memref<1x20x128xi32, #tpu.memory_space<hbm>> -> memref<20x128xi32, #tpu.memory_space<hbm>>
        tpu.wait_dma2 semaphore(%run_scoped3A_381 : memref<!tpu.dma_semaphore, #tpu.memory_space<semaphore_mem>>) src(%dma_wait3A_409 : memref<20x128xi32, #tpu.memory_space<hbm>>) dst(%dma_wait3A_405 : memref<20x128xi32, #tpu.memory_space<vmem>>)
        tpu.yield
      }) : () -> ()
      "tpu.region"() ({
        %run_scoped3A_381 = tpu.sem_alloc : memref<!tpu.dma_semaphore, #tpu.memory_space<semaphore_mem>>
        %dma_start3A_382 = arith.constant 20 : i32
        %dma_start3A_383 = arith.constant 0 : i32
        %dma_start3A_384 = tpu.memref_slice %arg8[%dma_start3A_382, %dma_start3A_383] : memref<80x128xi32, #tpu.memory_space<vmem>> -> memref<60x128xi32, #tpu.memory_space<vmem>>
        %dma_start3A_385 = arith.constant 20 : i32
        %dma_start3A_386 = arith.constant 0 : i32
        %dma_start3A_387 = tpu.memref_slice %arg8[%dma_start3A_385, %dma_start3A_386] : memref<80x128xi32, #tpu.memory_space<vmem>> -> memref<60x128xi32, #tpu.memory_space<vmem>>
        tpu.enqueue_dma source(%arg4 : memref<60x128xi32, #tpu.memory_space<hbm>>) target(%dma_start3A_387 : memref<60x128xi32, #tpu.memory_space<vmem>>) target_semaphore(%run_scoped3A_381 : memref<!tpu.dma_semaphore, #tpu.memory_space<semaphore_mem>>)
        %dma_wait3A_388 = arith.constant 20 : i32
        %dma_wait3A_389 = arith.constant 0 : i32
        %dma_wait3A_390 = tpu.memref_slice %arg8[%dma_wait3A_388, %dma_wait3A_389] : memref<80x128xi32, #tpu.memory_space<vmem>> -> memref<60x128xi32, #tpu.memory_space<vmem>>
        %dma_wait3A_391 = arith.constant 20 : i32
        %dma_wait3A_392 = arith.constant 0 : i32
        %dma_wait3A_393 = tpu.memref_slice %arg8[%dma_wait3A_391, %dma_wait3A_392] : memref<80x128xi32, #tpu.memory_space<vmem>> -> memref<60x128xi32, #tpu.memory_space<vmem>>
        tpu.wait_dma2 semaphore(%run_scoped3A_381 : memref<!tpu.dma_semaphore, #tpu.memory_space<semaphore_mem>>) src(%arg4 : memref<60x128xi32, #tpu.memory_space<hbm>>) dst(%dma_wait3A_393 : memref<60x128xi32, #tpu.memory_space<vmem>>)
        tpu.yield
      }) : () -> ()
    } else {
    }
    %barrier3A = arith.constant 0 : index
    tpu.barrier barrier_id(%barrier3A)
    %dma_start3A = arith.constant 0 : i32
    %dma_start3A_21 = arith.constant 0 : i32
    %dma_start3A_22 = arith.constant 0 : i32
    %dma_start3A_23 = tpu.memref_slice %arg9[%dma_start3A_21, %dma_start3A_22] : memref<1024x64xf32, #tpu.memory_space<vmem>> -> memref<128x64xf32, #tpu.memory_space<vmem>>
    %dma_start3A_24 = arith.constant 0 : i32
    %dma_start3A_25 = tpu.memref_slice %arg7[%dma_start3A, %dma_start3A_24] : memref<80x128xi32, #tpu.memory_space<vmem>> -> memref<1x128xi32, #tpu.memory_space<vmem>>
    %dma_start3A_26 = tpu.memref_squeeze %dma_start3A_25 : memref<1x128xi32, #tpu.memory_space<vmem>> -> memref<128xi32, #tpu.memory_space<vmem>>
    %dma_start3A_27 = arith.constant 0 : i32
    %dma_start3A_28 = arith.constant 0 : i32
    %dma_start3A_29 = tpu.memref_slice %arg2[%dma_start3A_27, %dma_start3A_28] : memref<10240x64xf32, #tpu.memory_space<hbm>> -> memref<10240x64xf32, #tpu.memory_space<hbm>>
    tpu.enqueue_indirect_dma source(%dma_start3A_29 : memref<10240x64xf32, #tpu.memory_space<hbm>>) target(%dma_start3A_23 : memref<128x64xf32, #tpu.memory_space<vmem>>) offsets(%dma_start3A_26 : memref<128xi32, #tpu.memory_space<vmem>>) semaphore(%arg11 : memref<!tpu.dma_semaphore, #tpu.memory_space<semaphore_mem>>)
    %dma_start3A_30 = arith.constant 1 : i32
    %dma_start3A_31 = arith.constant 128 : i32
    %dma_start3A_32 = arith.constant 0 : i32
    %dma_start3A_33 = tpu.memref_slice %arg9[%dma_start3A_31, %dma_start3A_32] : memref<1024x64xf32, #tpu.memory_space<vmem>> -> memref<128x64xf32, #tpu.memory_space<vmem>>
    %dma_start3A_34 = arith.constant 0 : i32
    %dma_start3A_35 = tpu.memref_slice %arg7[%dma_start3A_30, %dma_start3A_34] : memref<80x128xi32, #tpu.memory_space<vmem>> -> memref<1x128xi32, #tpu.memory_space<vmem>>
    %dma_start3A_36 = tpu.memref_squeeze %dma_start3A_35 : memref<1x128xi32, #tpu.memory_space<vmem>> -> memref<128xi32, #tpu.memory_space<vmem>>
    %dma_start3A_37 = arith.constant 0 : i32
    %dma_start3A_38 = arith.constant 0 : i32
    %dma_start3A_39 = tpu.memref_slice %arg2[%dma_start3A_37, %dma_start3A_38] : memref<10240x64xf32, #tpu.memory_space<hbm>> -> memref<10240x64xf32, #tpu.memory_space<hbm>>
    tpu.enqueue_indirect_dma source(%dma_start3A_39 : memref<10240x64xf32, #tpu.memory_space<hbm>>) target(%dma_start3A_33 : memref<128x64xf32, #tpu.memory_space<vmem>>) offsets(%dma_start3A_36 : memref<128xi32, #tpu.memory_space<vmem>>) semaphore(%arg12 : memref<!tpu.dma_semaphore, #tpu.memory_space<semaphore_mem>>)
    %dma_start3A_40 = arith.constant 2 : i32
    %dma_start3A_41 = arith.constant 256 : i32
    %dma_start3A_42 = arith.constant 0 : i32
    %dma_start3A_43 = tpu.memref_slice %arg9[%dma_start3A_41, %dma_start3A_42] : memref<1024x64xf32, #tpu.memory_space<vmem>> -> memref<128x64xf32, #tpu.memory_space<vmem>>
    %dma_start3A_44 = arith.constant 0 : i32
    %dma_start3A_45 = tpu.memref_slice %arg7[%dma_start3A_40, %dma_start3A_44] : memref<80x128xi32, #tpu.memory_space<vmem>> -> memref<1x128xi32, #tpu.memory_space<vmem>>
    %dma_start3A_46 = tpu.memref_squeeze %dma_start3A_45 : memref<1x128xi32, #tpu.memory_space<vmem>> -> memref<128xi32, #tpu.memory_space<vmem>>
    %dma_start3A_47 = arith.constant 0 : i32
    %dma_start3A_48 = arith.constant 0 : i32
    %dma_start3A_49 = tpu.memref_slice %arg2[%dma_start3A_47, %dma_start3A_48] : memref<10240x64xf32, #tpu.memory_space<hbm>> -> memref<10240x64xf32, #tpu.memory_space<hbm>>
    tpu.enqueue_indirect_dma source(%dma_start3A_49 : memref<10240x64xf32, #tpu.memory_space<hbm>>) target(%dma_start3A_43 : memref<128x64xf32, #tpu.memory_space<vmem>>) offsets(%dma_start3A_46 : memref<128xi32, #tpu.memory_space<vmem>>) semaphore(%arg13 : memref<!tpu.dma_semaphore, #tpu.memory_space<semaphore_mem>>)
    %dma_start3A_50 = arith.constant 3 : i32
    %dma_start3A_51 = arith.constant 384 : i32
    %dma_start3A_52 = arith.constant 0 : i32
    %dma_start3A_53 = tpu.memref_slice %arg9[%dma_start3A_51, %dma_start3A_52] : memref<1024x64xf32, #tpu.memory_space<vmem>> -> memref<128x64xf32, #tpu.memory_space<vmem>>
    %dma_start3A_54 = arith.constant 0 : i32
    %dma_start3A_55 = tpu.memref_slice %arg7[%dma_start3A_50, %dma_start3A_54] : memref<80x128xi32, #tpu.memory_space<vmem>> -> memref<1x128xi32, #tpu.memory_space<vmem>>
    %dma_start3A_56 = tpu.memref_squeeze %dma_start3A_55 : memref<1x128xi32, #tpu.memory_space<vmem>> -> memref<128xi32, #tpu.memory_space<vmem>>
    %dma_start3A_57 = arith.constant 0 : i32
    %dma_start3A_58 = arith.constant 0 : i32
    %dma_start3A_59 = tpu.memref_slice %arg2[%dma_start3A_57, %dma_start3A_58] : memref<10240x64xf32, #tpu.memory_space<hbm>> -> memref<10240x64xf32, #tpu.memory_space<hbm>>
    tpu.enqueue_indirect_dma source(%dma_start3A_59 : memref<10240x64xf32, #tpu.memory_space<hbm>>) target(%dma_start3A_53 : memref<128x64xf32, #tpu.memory_space<vmem>>) offsets(%dma_start3A_56 : memref<128xi32, #tpu.memory_space<vmem>>) semaphore(%arg14 : memref<!tpu.dma_semaphore, #tpu.memory_space<semaphore_mem>>)
    %dma_start3A_60 = arith.constant 4 : i32
    %dma_start3A_61 = arith.constant 512 : i32
    %dma_start3A_62 = arith.constant 0 : i32
    %dma_start3A_63 = tpu.memref_slice %arg9[%dma_start3A_61, %dma_start3A_62] : memref<1024x64xf32, #tpu.memory_space<vmem>> -> memref<128x64xf32, #tpu.memory_space<vmem>>
    %dma_start3A_64 = arith.constant 0 : i32
    %dma_start3A_65 = tpu.memref_slice %arg7[%dma_start3A_60, %dma_start3A_64] : memref<80x128xi32, #tpu.memory_space<vmem>> -> memref<1x128xi32, #tpu.memory_space<vmem>>
    %dma_start3A_66 = tpu.memref_squeeze %dma_start3A_65 : memref<1x128xi32, #tpu.memory_space<vmem>> -> memref<128xi32, #tpu.memory_space<vmem>>
    %dma_start3A_67 = arith.constant 0 : i32
    %dma_start3A_68 = arith.constant 0 : i32
    %dma_start3A_69 = tpu.memref_slice %arg2[%dma_start3A_67, %dma_start3A_68] : memref<10240x64xf32, #tpu.memory_space<hbm>> -> memref<10240x64xf32, #tpu.memory_space<hbm>>
    tpu.enqueue_indirect_dma source(%dma_start3A_69 : memref<10240x64xf32, #tpu.memory_space<hbm>>) target(%dma_start3A_63 : memref<128x64xf32, #tpu.memory_space<vmem>>) offsets(%dma_start3A_66 : memref<128xi32, #tpu.memory_space<vmem>>) semaphore(%arg15 : memref<!tpu.dma_semaphore, #tpu.memory_space<semaphore_mem>>)
    %dma_start3A_70 = arith.constant 5 : i32
    %dma_start3A_71 = arith.constant 640 : i32
    %dma_start3A_72 = arith.constant 0 : i32
    %dma_start3A_73 = tpu.memref_slice %arg9[%dma_start3A_71, %dma_start3A_72] : memref<1024x64xf32, #tpu.memory_space<vmem>> -> memref<128x64xf32, #tpu.memory_space<vmem>>
    %dma_start3A_74 = arith.constant 0 : i32
    %dma_start3A_75 = tpu.memref_slice %arg7[%dma_start3A_70, %dma_start3A_74] : memref<80x128xi32, #tpu.memory_space<vmem>> -> memref<1x128xi32, #tpu.memory_space<vmem>>
    %dma_start3A_76 = tpu.memref_squeeze %dma_start3A_75 : memref<1x128xi32, #tpu.memory_space<vmem>> -> memref<128xi32, #tpu.memory_space<vmem>>
    %dma_start3A_77 = arith.constant 0 : i32
    %dma_start3A_78 = arith.constant 0 : i32
    %dma_start3A_79 = tpu.memref_slice %arg2[%dma_start3A_77, %dma_start3A_78] : memref<10240x64xf32, #tpu.memory_space<hbm>> -> memref<10240x64xf32, #tpu.memory_space<hbm>>
    tpu.enqueue_indirect_dma source(%dma_start3A_79 : memref<10240x64xf32, #tpu.memory_space<hbm>>) target(%dma_start3A_73 : memref<128x64xf32, #tpu.memory_space<vmem>>) offsets(%dma_start3A_76 : memref<128xi32, #tpu.memory_space<vmem>>) semaphore(%arg16 : memref<!tpu.dma_semaphore, #tpu.memory_space<semaphore_mem>>)
    %dma_start3A_80 = arith.constant 6 : i32
    %dma_start3A_81 = arith.constant 768 : i32
    %dma_start3A_82 = arith.constant 0 : i32
    %dma_start3A_83 = tpu.memref_slice %arg9[%dma_start3A_81, %dma_start3A_82] : memref<1024x64xf32, #tpu.memory_space<vmem>> -> memref<128x64xf32, #tpu.memory_space<vmem>>
    %dma_start3A_84 = arith.constant 0 : i32
    %dma_start3A_85 = tpu.memref_slice %arg7[%dma_start3A_80, %dma_start3A_84] : memref<80x128xi32, #tpu.memory_space<vmem>> -> memref<1x128xi32, #tpu.memory_space<vmem>>
    %dma_start3A_86 = tpu.memref_squeeze %dma_start3A_85 : memref<1x128xi32, #tpu.memory_space<vmem>> -> memref<128xi32, #tpu.memory_space<vmem>>
    %dma_start3A_87 = arith.constant 0 : i32
    %dma_start3A_88 = arith.constant 0 : i32
    %dma_start3A_89 = tpu.memref_slice %arg2[%dma_start3A_87, %dma_start3A_88] : memref<10240x64xf32, #tpu.memory_space<hbm>> -> memref<10240x64xf32, #tpu.memory_space<hbm>>
    tpu.enqueue_indirect_dma source(%dma_start3A_89 : memref<10240x64xf32, #tpu.memory_space<hbm>>) target(%dma_start3A_83 : memref<128x64xf32, #tpu.memory_space<vmem>>) offsets(%dma_start3A_86 : memref<128xi32, #tpu.memory_space<vmem>>) semaphore(%arg17 : memref<!tpu.dma_semaphore, #tpu.memory_space<semaphore_mem>>)
    %dma_start3A_90 = arith.constant 7 : i32
    %dma_start3A_91 = arith.constant 896 : i32
    %dma_start3A_92 = arith.constant 0 : i32
    %dma_start3A_93 = tpu.memref_slice %arg9[%dma_start3A_91, %dma_start3A_92] : memref<1024x64xf32, #tpu.memory_space<vmem>> -> memref<128x64xf32, #tpu.memory_space<vmem>>
    %dma_start3A_94 = arith.constant 0 : i32
    %dma_start3A_95 = tpu.memref_slice %arg7[%dma_start3A_90, %dma_start3A_94] : memref<80x128xi32, #tpu.memory_space<vmem>> -> memref<1x128xi32, #tpu.memory_space<vmem>>
    %dma_start3A_96 = tpu.memref_squeeze %dma_start3A_95 : memref<1x128xi32, #tpu.memory_space<vmem>> -> memref<128xi32, #tpu.memory_space<vmem>>
    %dma_start3A_97 = arith.constant 0 : i32
    %dma_start3A_98 = arith.constant 0 : i32
    %dma_start3A_99 = tpu.memref_slice %arg2[%dma_start3A_97, %dma_start3A_98] : memref<10240x64xf32, #tpu.memory_space<hbm>> -> memref<10240x64xf32, #tpu.memory_space<hbm>>
    tpu.enqueue_indirect_dma source(%dma_start3A_99 : memref<10240x64xf32, #tpu.memory_space<hbm>>) target(%dma_start3A_93 : memref<128x64xf32, #tpu.memory_space<vmem>>) offsets(%dma_start3A_96 : memref<128xi32, #tpu.memory_space<vmem>>) semaphore(%arg18 : memref<!tpu.dma_semaphore, #tpu.memory_space<semaphore_mem>>)
    %scan3A = arith.constant 0 : i32
    %scan3A_100 = arith.constant 1 : i32
    %scan3A_101 = arith.constant 9 : i32
    %scan3A_102 = arith.addi %scan3A_100, %scan3A_101 : i32
    %scan3A_103 = arith.constant 1 : i32
    scf.for %scan3A_381 = %scan3A_100 to %scan3A_102 step %scan3A_103  : i32 {
      %sub3A = arith.constant 1 : i32
      %sub3A_382 = arith.subi %scan3A_381, %sub3A : i32
      %mul3A_383 = arith.constant 8 : i32
      %mul3A_384 = arith.muli %mul3A_383, %sub3A_382 : i32
      %add3A_385 = arith.constant 0 : i32
      %add3A_386 = arith.addi %mul3A_384, %add3A_385 : i32
      %dma_wait3A_387 = arith.constant 0 : i32
      %dma_wait3A_388 = arith.constant 0 : i32
      %dma_wait3A_389 = tpu.memref_slice %arg9[%dma_wait3A_387, %dma_wait3A_388] : memref<1024x64xf32, #tpu.memory_space<vmem>> -> memref<128x64xf32, #tpu.memory_space<vmem>>
      %dma_wait3A_390 = arith.constant 0 : i32
      %dma_wait3A_391 = arith.constant 0 : i32
      %dma_wait3A_392 = tpu.memref_slice %arg5[%dma_wait3A_390, %dma_wait3A_391] : memref<10240x64xf32, #tpu.memory_space<hbm>> -> memref<128x64xf32, #tpu.memory_space<hbm>>
      %dma_wait3A_393 = arith.constant 0 : i32
      %dma_wait3A_394 = arith.constant 0 : i32
      %dma_wait3A_395 = tpu.memref_slice %arg9[%dma_wait3A_393, %dma_wait3A_394] : memref<1024x64xf32, #tpu.memory_space<vmem>> -> memref<128x64xf32, #tpu.memory_space<vmem>>
      %dma_wait3A_396 = arith.constant 0 : i32
      %dma_wait3A_397 = arith.constant 0 : i32
      %dma_wait3A_398 = tpu.memref_slice %arg5[%dma_wait3A_396, %dma_wait3A_397] : memref<10240x64xf32, #tpu.memory_space<hbm>> -> memref<128x64xf32, #tpu.memory_space<hbm>>
      tpu.wait_dma2 semaphore(%arg11 : memref<!tpu.dma_semaphore, #tpu.memory_space<semaphore_mem>>) src(%dma_wait3A_398 : memref<128x64xf32, #tpu.memory_space<hbm>>) dst(%dma_wait3A_395 : memref<128x64xf32, #tpu.memory_space<vmem>>)
      %mul3A_399 = arith.constant 1 : i32
      %mul3A_400 = arith.muli %add3A_386, %mul3A_399 : i32
      %add3A_401 = arith.constant 0 : i32
      %add3A_402 = arith.addi %mul3A_400, %add3A_401 : i32
      %dma_start3A_403 = arith.constant 0 : i32
      %dma_start3A_404 = arith.constant 0 : i32
      %dma_start3A_405 = tpu.memref_slice %arg9[%dma_start3A_403, %dma_start3A_404] : memref<1024x64xf32, #tpu.memory_space<vmem>> -> memref<128x64xf32, #tpu.memory_space<vmem>>
      %dma_start3A_406 = arith.constant 0 : i32
      %dma_start3A_407 = tpu.memref_slice %arg8[%add3A_402, %dma_start3A_406] : memref<80x128xi32, #tpu.memory_space<vmem>> -> memref<1x128xi32, #tpu.memory_space<vmem>>
      %dma_start3A_408 = tpu.memref_squeeze %dma_start3A_407 : memref<1x128xi32, #tpu.memory_space<vmem>> -> memref<128xi32, #tpu.memory_space<vmem>>
      %dma_start3A_409 = arith.constant 0 : i32
      %dma_start3A_410 = arith.constant 0 : i32
      %dma_start3A_411 = tpu.memref_slice %arg10[%dma_start3A_409, %dma_start3A_410] : memref<10240x64xf32, #tpu.memory_space<vmem_shared>> -> memref<10240x64xf32, #tpu.memory_space<vmem_shared>>
      tpu.enqueue_indirect_dma source(%dma_start3A_405 : memref<128x64xf32, #tpu.memory_space<vmem>>) target(%dma_start3A_411 : memref<10240x64xf32, #tpu.memory_space<vmem_shared>>) offsets(%dma_start3A_408 : memref<128xi32, #tpu.memory_space<vmem>>) semaphore(%arg19 : memref<!tpu.dma_semaphore, #tpu.memory_space<semaphore_mem>>) {add = true}
      %dma_wait3A_412 = arith.constant 0 : i32
      %dma_wait3A_413 = arith.constant 0 : i32
      %dma_wait3A_414 = tpu.memref_slice %arg9[%dma_wait3A_412, %dma_wait3A_413] : memref<1024x64xf32, #tpu.memory_space<vmem>> -> memref<128x64xf32, #tpu.memory_space<vmem>>
      %dma_wait3A_415 = arith.constant 0 : i32
      %dma_wait3A_416 = arith.constant 0 : i32
      %dma_wait3A_417 = tpu.memref_slice %arg5[%dma_wait3A_415, %dma_wait3A_416] : memref<10240x64xf32, #tpu.memory_space<hbm>> -> memref<128x64xf32, #tpu.memory_space<hbm>>
      %dma_wait3A_418 = arith.constant 0 : i32
      %dma_wait3A_419 = arith.constant 0 : i32
      %dma_wait3A_420 = tpu.memref_slice %arg9[%dma_wait3A_418, %dma_wait3A_419] : memref<1024x64xf32, #tpu.memory_space<vmem>> -> memref<128x64xf32, #tpu.memory_space<vmem>>
      %dma_wait3A_421 = arith.constant 0 : i32
      %dma_wait3A_422 = arith.constant 0 : i32
      %dma_wait3A_423 = tpu.memref_slice %arg5[%dma_wait3A_421, %dma_wait3A_422] : memref<10240x64xf32, #tpu.memory_space<hbm>> -> memref<128x64xf32, #tpu.memory_space<hbm>>
      tpu.wait_dma2 semaphore(%arg19 : memref<!tpu.dma_semaphore, #tpu.memory_space<semaphore_mem>>) src(%dma_wait3A_423 : memref<128x64xf32, #tpu.memory_space<hbm>>) dst(%dma_wait3A_420 : memref<128x64xf32, #tpu.memory_space<vmem>>)
      %mul3A_424 = arith.constant 8 : i32
      %mul3A_425 = arith.muli %mul3A_424, %scan3A_381 : i32
      %add3A_426 = arith.constant 0 : i32
      %add3A_427 = arith.addi %mul3A_425, %add3A_426 : i32
      %mul3A_428 = arith.constant 1 : i32
      %mul3A_429 = arith.muli %add3A_427, %mul3A_428 : i32
      %add3A_430 = arith.constant 0 : i32
      %add3A_431 = arith.addi %mul3A_429, %add3A_430 : i32
      %dma_start3A_432 = arith.constant 0 : i32
      %dma_start3A_433 = arith.constant 0 : i32
      %dma_start3A_434 = tpu.memref_slice %arg9[%dma_start3A_432, %dma_start3A_433] : memref<1024x64xf32, #tpu.memory_space<vmem>> -> memref<128x64xf32, #tpu.memory_space<vmem>>
      %dma_start3A_435 = arith.constant 0 : i32
      %dma_start3A_436 = tpu.memref_slice %arg7[%add3A_431, %dma_start3A_435] : memref<80x128xi32, #tpu.memory_space<vmem>> -> memref<1x128xi32, #tpu.memory_space<vmem>>
      %dma_start3A_437 = tpu.memref_squeeze %dma_start3A_436 : memref<1x128xi32, #tpu.memory_space<vmem>> -> memref<128xi32, #tpu.memory_space<vmem>>
      %dma_start3A_438 = arith.constant 0 : i32
      %dma_start3A_439 = arith.constant 0 : i32
      %dma_start3A_440 = tpu.memref_slice %arg2[%dma_start3A_438, %dma_start3A_439] : memref<10240x64xf32, #tpu.memory_space<hbm>> -> memref<10240x64xf32, #tpu.memory_space<hbm>>
      tpu.enqueue_indirect_dma source(%dma_start3A_440 : memref<10240x64xf32, #tpu.memory_space<hbm>>) target(%dma_start3A_434 : memref<128x64xf32, #tpu.memory_space<vmem>>) offsets(%dma_start3A_437 : memref<128xi32, #tpu.memory_space<vmem>>) semaphore(%arg11 : memref<!tpu.dma_semaphore, #tpu.memory_space<semaphore_mem>>)
      %sub3A_441 = arith.constant 1 : i32
      %sub3A_442 = arith.subi %scan3A_381, %sub3A_441 : i32
      %mul3A_443 = arith.constant 8 : i32
      %mul3A_444 = arith.muli %mul3A_443, %sub3A_442 : i32
      %add3A_445 = arith.constant 1 : i32
      %add3A_446 = arith.addi %mul3A_444, %add3A_445 : i32
      %dma_wait3A_447 = arith.constant 128 : i32
      %dma_wait3A_448 = arith.constant 0 : i32
      %dma_wait3A_449 = tpu.memref_slice %arg9[%dma_wait3A_447, %dma_wait3A_448] : memref<1024x64xf32, #tpu.memory_space<vmem>> -> memref<128x64xf32, #tpu.memory_space<vmem>>
      %dma_wait3A_450 = arith.constant 0 : i32
      %dma_wait3A_451 = arith.constant 0 : i32
      %dma_wait3A_452 = tpu.memref_slice %arg5[%dma_wait3A_450, %dma_wait3A_451] : memref<10240x64xf32, #tpu.memory_space<hbm>> -> memref<128x64xf32, #tpu.memory_space<hbm>>
      %dma_wait3A_453 = arith.constant 128 : i32
      %dma_wait3A_454 = arith.constant 0 : i32
      %dma_wait3A_455 = tpu.memref_slice %arg9[%dma_wait3A_453, %dma_wait3A_454] : memref<1024x64xf32, #tpu.memory_space<vmem>> -> memref<128x64xf32, #tpu.memory_space<vmem>>
      %dma_wait3A_456 = arith.constant 0 : i32
      %dma_wait3A_457 = arith.constant 0 : i32
      %dma_wait3A_458 = tpu.memref_slice %arg5[%dma_wait3A_456, %dma_wait3A_457] : memref<10240x64xf32, #tpu.memory_space<hbm>> -> memref<128x64xf32, #tpu.memory_space<hbm>>
      tpu.wait_dma2 semaphore(%arg12 : memref<!tpu.dma_semaphore, #tpu.memory_space<semaphore_mem>>) src(%dma_wait3A_458 : memref<128x64xf32, #tpu.memory_space<hbm>>) dst(%dma_wait3A_455 : memref<128x64xf32, #tpu.memory_space<vmem>>)
      %mul3A_459 = arith.constant 1 : i32
      %mul3A_460 = arith.muli %add3A_446, %mul3A_459 : i32
      %add3A_461 = arith.constant 0 : i32
      %add3A_462 = arith.addi %mul3A_460, %add3A_461 : i32
      %dma_start3A_463 = arith.constant 128 : i32
      %dma_start3A_464 = arith.constant 0 : i32
      %dma_start3A_465 = tpu.memref_slice %arg9[%dma_start3A_463, %dma_start3A_464] : memref<1024x64xf32, #tpu.memory_space<vmem>> -> memref<128x64xf32, #tpu.memory_space<vmem>>
      %dma_start3A_466 = arith.constant 0 : i32
      %dma_start3A_467 = tpu.memref_slice %arg8[%add3A_462, %dma_start3A_466] : memref<80x128xi32, #tpu.memory_space<vmem>> -> memref<1x128xi32, #tpu.memory_space<vmem>>
      %dma_start3A_468 = tpu.memref_squeeze %dma_start3A_467 : memref<1x128xi32, #tpu.memory_space<vmem>> -> memref<128xi32, #tpu.memory_space<vmem>>
      %dma_start3A_469 = arith.constant 0 : i32
      %dma_start3A_470 = arith.constant 0 : i32
      %dma_start3A_471 = tpu.memref_slice %arg10[%dma_start3A_469, %dma_start3A_470] : memref<10240x64xf32, #tpu.memory_space<vmem_shared>> -> memref<10240x64xf32, #tpu.memory_space<vmem_shared>>
      tpu.enqueue_indirect_dma source(%dma_start3A_465 : memref<128x64xf32, #tpu.memory_space<vmem>>) target(%dma_start3A_471 : memref<10240x64xf32, #tpu.memory_space<vmem_shared>>) offsets(%dma_start3A_468 : memref<128xi32, #tpu.memory_space<vmem>>) semaphore(%arg20 : memref<!tpu.dma_semaphore, #tpu.memory_space<semaphore_mem>>) {add = true}
      %dma_wait3A_472 = arith.constant 128 : i32
      %dma_wait3A_473 = arith.constant 0 : i32
      %dma_wait3A_474 = tpu.memref_slice %arg9[%dma_wait3A_472, %dma_wait3A_473] : memref<1024x64xf32, #tpu.memory_space<vmem>> -> memref<128x64xf32, #tpu.memory_space<vmem>>
      %dma_wait3A_475 = arith.constant 0 : i32
      %dma_wait3A_476 = arith.constant 0 : i32
      %dma_wait3A_477 = tpu.memref_slice %arg5[%dma_wait3A_475, %dma_wait3A_476] : memref<10240x64xf32, #tpu.memory_space<hbm>> -> memref<128x64xf32, #tpu.memory_space<hbm>>
      %dma_wait3A_478 = arith.constant 128 : i32
      %dma_wait3A_479 = arith.constant 0 : i32
      %dma_wait3A_480 = tpu.memref_slice %arg9[%dma_wait3A_478, %dma_wait3A_479] : memref<1024x64xf32, #tpu.memory_space<vmem>> -> memref<128x64xf32, #tpu.memory_space<vmem>>
      %dma_wait3A_481 = arith.constant 0 : i32
      %dma_wait3A_482 = arith.constant 0 : i32
      %dma_wait3A_483 = tpu.memref_slice %arg5[%dma_wait3A_481, %dma_wait3A_482] : memref<10240x64xf32, #tpu.memory_space<hbm>> -> memref<128x64xf32, #tpu.memory_space<hbm>>
      tpu.wait_dma2 semaphore(%arg20 : memref<!tpu.dma_semaphore, #tpu.memory_space<semaphore_mem>>) src(%dma_wait3A_483 : memref<128x64xf32, #tpu.memory_space<hbm>>) dst(%dma_wait3A_480 : memref<128x64xf32, #tpu.memory_space<vmem>>)
      %mul3A_484 = arith.constant 8 : i32
      %mul3A_485 = arith.muli %mul3A_484, %scan3A_381 : i32
      %add3A_486 = arith.constant 1 : i32
      %add3A_487 = arith.addi %mul3A_485, %add3A_486 : i32
      %mul3A_488 = arith.constant 1 : i32
      %mul3A_489 = arith.muli %add3A_487, %mul3A_488 : i32
      %add3A_490 = arith.constant 0 : i32
      %add3A_491 = arith.addi %mul3A_489, %add3A_490 : i32
      %dma_start3A_492 = arith.constant 128 : i32
      %dma_start3A_493 = arith.constant 0 : i32
      %dma_start3A_494 = tpu.memref_slice %arg9[%dma_start3A_492, %dma_start3A_493] : memref<1024x64xf32, #tpu.memory_space<vmem>> -> memref<128x64xf32, #tpu.memory_space<vmem>>
      %dma_start3A_495 = arith.constant 0 : i32
      %dma_start3A_496 = tpu.memref_slice %arg7[%add3A_491, %dma_start3A_495] : memref<80x128xi32, #tpu.memory_space<vmem>> -> memref<1x128xi32, #tpu.memory_space<vmem>>
      %dma_start3A_497 = tpu.memref_squeeze %dma_start3A_496 : memref<1x128xi32, #tpu.memory_space<vmem>> -> memref<128xi32, #tpu.memory_space<vmem>>
      %dma_start3A_498 = arith.constant 0 : i32
      %dma_start3A_499 = arith.constant 0 : i32
      %dma_start3A_500 = tpu.memref_slice %arg2[%dma_start3A_498, %dma_start3A_499] : memref<10240x64xf32, #tpu.memory_space<hbm>> -> memref<10240x64xf32, #tpu.memory_space<hbm>>
      tpu.enqueue_indirect_dma source(%dma_start3A_500 : memref<10240x64xf32, #tpu.memory_space<hbm>>) target(%dma_start3A_494 : memref<128x64xf32, #tpu.memory_space<vmem>>) offsets(%dma_start3A_497 : memref<128xi32, #tpu.memory_space<vmem>>) semaphore(%arg12 : memref<!tpu.dma_semaphore, #tpu.memory_space<semaphore_mem>>)
      %sub3A_501 = arith.constant 1 : i32
      %sub3A_502 = arith.subi %scan3A_381, %sub3A_501 : i32
      %mul3A_503 = arith.constant 8 : i32
      %mul3A_504 = arith.muli %mul3A_503, %sub3A_502 : i32
      %add3A_505 = arith.constant 2 : i32
      %add3A_506 = arith.addi %mul3A_504, %add3A_505 : i32
      %dma_wait3A_507 = arith.constant 256 : i32
      %dma_wait3A_508 = arith.constant 0 : i32
      %dma_wait3A_509 = tpu.memref_slice %arg9[%dma_wait3A_507, %dma_wait3A_508] : memref<1024x64xf32, #tpu.memory_space<vmem>> -> memref<128x64xf32, #tpu.memory_space<vmem>>
      %dma_wait3A_510 = arith.constant 0 : i32
      %dma_wait3A_511 = arith.constant 0 : i32
      %dma_wait3A_512 = tpu.memref_slice %arg5[%dma_wait3A_510, %dma_wait3A_511] : memref<10240x64xf32, #tpu.memory_space<hbm>> -> memref<128x64xf32, #tpu.memory_space<hbm>>
      %dma_wait3A_513 = arith.constant 256 : i32
      %dma_wait3A_514 = arith.constant 0 : i32
      %dma_wait3A_515 = tpu.memref_slice %arg9[%dma_wait3A_513, %dma_wait3A_514] : memref<1024x64xf32, #tpu.memory_space<vmem>> -> memref<128x64xf32, #tpu.memory_space<vmem>>
      %dma_wait3A_516 = arith.constant 0 : i32
      %dma_wait3A_517 = arith.constant 0 : i32
      %dma_wait3A_518 = tpu.memref_slice %arg5[%dma_wait3A_516, %dma_wait3A_517] : memref<10240x64xf32, #tpu.memory_space<hbm>> -> memref<128x64xf32, #tpu.memory_space<hbm>>
      tpu.wait_dma2 semaphore(%arg13 : memref<!tpu.dma_semaphore, #tpu.memory_space<semaphore_mem>>) src(%dma_wait3A_518 : memref<128x64xf32, #tpu.memory_space<hbm>>) dst(%dma_wait3A_515 : memref<128x64xf32, #tpu.memory_space<vmem>>)
      %mul3A_519 = arith.constant 1 : i32
      %mul3A_520 = arith.muli %add3A_506, %mul3A_519 : i32
      %add3A_521 = arith.constant 0 : i32
      %add3A_522 = arith.addi %mul3A_520, %add3A_521 : i32
      %dma_start3A_523 = arith.constant 256 : i32
      %dma_start3A_524 = arith.constant 0 : i32
      %dma_start3A_525 = tpu.memref_slice %arg9[%dma_start3A_523, %dma_start3A_524] : memref<1024x64xf32, #tpu.memory_space<vmem>> -> memref<128x64xf32, #tpu.memory_space<vmem>>
      %dma_start3A_526 = arith.constant 0 : i32
      %dma_start3A_527 = tpu.memref_slice %arg8[%add3A_522, %dma_start3A_526] : memref<80x128xi32, #tpu.memory_space<vmem>> -> memref<1x128xi32, #tpu.memory_space<vmem>>
      %dma_start3A_528 = tpu.memref_squeeze %dma_start3A_527 : memref<1x128xi32, #tpu.memory_space<vmem>> -> memref<128xi32, #tpu.memory_space<vmem>>
      %dma_start3A_529 = arith.constant 0 : i32
      %dma_start3A_530 = arith.constant 0 : i32
      %dma_start3A_531 = tpu.memref_slice %arg10[%dma_start3A_529, %dma_start3A_530] : memref<10240x64xf32, #tpu.memory_space<vmem_shared>> -> memref<10240x64xf32, #tpu.memory_space<vmem_shared>>
      tpu.enqueue_indirect_dma source(%dma_start3A_525 : memref<128x64xf32, #tpu.memory_space<vmem>>) target(%dma_start3A_531 : memref<10240x64xf32, #tpu.memory_space<vmem_shared>>) offsets(%dma_start3A_528 : memref<128xi32, #tpu.memory_space<vmem>>) semaphore(%arg21 : memref<!tpu.dma_semaphore, #tpu.memory_space<semaphore_mem>>) {add = true}
      %dma_wait3A_532 = arith.constant 256 : i32
      %dma_wait3A_533 = arith.constant 0 : i32
      %dma_wait3A_534 = tpu.memref_slice %arg9[%dma_wait3A_532, %dma_wait3A_533] : memref<1024x64xf32, #tpu.memory_space<vmem>> -> memref<128x64xf32, #tpu.memory_space<vmem>>
      %dma_wait3A_535 = arith.constant 0 : i32
      %dma_wait3A_536 = arith.constant 0 : i32
      %dma_wait3A_537 = tpu.memref_slice %arg5[%dma_wait3A_535, %dma_wait3A_536] : memref<10240x64xf32, #tpu.memory_space<hbm>> -> memref<128x64xf32, #tpu.memory_space<hbm>>
      %dma_wait3A_538 = arith.constant 256 : i32
      %dma_wait3A_539 = arith.constant 0 : i32
      %dma_wait3A_540 = tpu.memref_slice %arg9[%dma_wait3A_538, %dma_wait3A_539] : memref<1024x64xf32, #tpu.memory_space<vmem>> -> memref<128x64xf32, #tpu.memory_space<vmem>>
      %dma_wait3A_541 = arith.constant 0 : i32
      %dma_wait3A_542 = arith.constant 0 : i32
      %dma_wait3A_543 = tpu.memref_slice %arg5[%dma_wait3A_541, %dma_wait3A_542] : memref<10240x64xf32, #tpu.memory_space<hbm>> -> memref<128x64xf32, #tpu.memory_space<hbm>>
      tpu.wait_dma2 semaphore(%arg21 : memref<!tpu.dma_semaphore, #tpu.memory_space<semaphore_mem>>) src(%dma_wait3A_543 : memref<128x64xf32, #tpu.memory_space<hbm>>) dst(%dma_wait3A_540 : memref<128x64xf32, #tpu.memory_space<vmem>>)
      %mul3A_544 = arith.constant 8 : i32
      %mul3A_545 = arith.muli %mul3A_544, %scan3A_381 : i32
      %add3A_546 = arith.constant 2 : i32
      %add3A_547 = arith.addi %mul3A_545, %add3A_546 : i32
      %mul3A_548 = arith.constant 1 : i32
      %mul3A_549 = arith.muli %add3A_547, %mul3A_548 : i32
      %add3A_550 = arith.constant 0 : i32
      %add3A_551 = arith.addi %mul3A_549, %add3A_550 : i32
      %dma_start3A_552 = arith.constant 256 : i32
      %dma_start3A_553 = arith.constant 0 : i32
      %dma_start3A_554 = tpu.memref_slice %arg9[%dma_start3A_552, %dma_start3A_553] : memref<1024x64xf32, #tpu.memory_space<vmem>> -> memref<128x64xf32, #tpu.memory_space<vmem>>
      %dma_start3A_555 = arith.constant 0 : i32
      %dma_start3A_556 = tpu.memref_slice %arg7[%add3A_551, %dma_start3A_555] : memref<80x128xi32, #tpu.memory_space<vmem>> -> memref<1x128xi32, #tpu.memory_space<vmem>>
      %dma_start3A_557 = tpu.memref_squeeze %dma_start3A_556 : memref<1x128xi32, #tpu.memory_space<vmem>> -> memref<128xi32, #tpu.memory_space<vmem>>
      %dma_start3A_558 = arith.constant 0 : i32
      %dma_start3A_559 = arith.constant 0 : i32
      %dma_start3A_560 = tpu.memref_slice %arg2[%dma_start3A_558, %dma_start3A_559] : memref<10240x64xf32, #tpu.memory_space<hbm>> -> memref<10240x64xf32, #tpu.memory_space<hbm>>
      tpu.enqueue_indirect_dma source(%dma_start3A_560 : memref<10240x64xf32, #tpu.memory_space<hbm>>) target(%dma_start3A_554 : memref<128x64xf32, #tpu.memory_space<vmem>>) offsets(%dma_start3A_557 : memref<128xi32, #tpu.memory_space<vmem>>) semaphore(%arg13 : memref<!tpu.dma_semaphore, #tpu.memory_space<semaphore_mem>>)
      %sub3A_561 = arith.constant 1 : i32
      %sub3A_562 = arith.subi %scan3A_381, %sub3A_561 : i32
      %mul3A_563 = arith.constant 8 : i32
      %mul3A_564 = arith.muli %mul3A_563, %sub3A_562 : i32
      %add3A_565 = arith.constant 3 : i32
      %add3A_566 = arith.addi %mul3A_564, %add3A_565 : i32
      %dma_wait3A_567 = arith.constant 384 : i32
      %dma_wait3A_568 = arith.constant 0 : i32
      %dma_wait3A_569 = tpu.memref_slice %arg9[%dma_wait3A_567, %dma_wait3A_568] : memref<1024x64xf32, #tpu.memory_space<vmem>> -> memref<128x64xf32, #tpu.memory_space<vmem>>
      %dma_wait3A_570 = arith.constant 0 : i32
      %dma_wait3A_571 = arith.constant 0 : i32
      %dma_wait3A_572 = tpu.memref_slice %arg5[%dma_wait3A_570, %dma_wait3A_571] : memref<10240x64xf32, #tpu.memory_space<hbm>> -> memref<128x64xf32, #tpu.memory_space<hbm>>
      %dma_wait3A_573 = arith.constant 384 : i32
      %dma_wait3A_574 = arith.constant 0 : i32
      %dma_wait3A_575 = tpu.memref_slice %arg9[%dma_wait3A_573, %dma_wait3A_574] : memref<1024x64xf32, #tpu.memory_space<vmem>> -> memref<128x64xf32, #tpu.memory_space<vmem>>
      %dma_wait3A_576 = arith.constant 0 : i32
      %dma_wait3A_577 = arith.constant 0 : i32
      %dma_wait3A_578 = tpu.memref_slice %arg5[%dma_wait3A_576, %dma_wait3A_577] : memref<10240x64xf32, #tpu.memory_space<hbm>> -> memref<128x64xf32, #tpu.memory_space<hbm>>
      tpu.wait_dma2 semaphore(%arg14 : memref<!tpu.dma_semaphore, #tpu.memory_space<semaphore_mem>>) src(%dma_wait3A_578 : memref<128x64xf32, #tpu.memory_space<hbm>>) dst(%dma_wait3A_575 : memref<128x64xf32, #tpu.memory_space<vmem>>)
      %mul3A_579 = arith.constant 1 : i32
      %mul3A_580 = arith.muli %add3A_566, %mul3A_579 : i32
      %add3A_581 = arith.constant 0 : i32
      %add3A_582 = arith.addi %mul3A_580, %add3A_581 : i32
      %dma_start3A_583 = arith.constant 384 : i32
      %dma_start3A_584 = arith.constant 0 : i32
      %dma_start3A_585 = tpu.memref_slice %arg9[%dma_start3A_583, %dma_start3A_584] : memref<1024x64xf32, #tpu.memory_space<vmem>> -> memref<128x64xf32, #tpu.memory_space<vmem>>
      %dma_start3A_586 = arith.constant 0 : i32
      %dma_start3A_587 = tpu.memref_slice %arg8[%add3A_582, %dma_start3A_586] : memref<80x128xi32, #tpu.memory_space<vmem>> -> memref<1x128xi32, #tpu.memory_space<vmem>>
      %dma_start3A_588 = tpu.memref_squeeze %dma_start3A_587 : memref<1x128xi32, #tpu.memory_space<vmem>> -> memref<128xi32, #tpu.memory_space<vmem>>
      %dma_start3A_589 = arith.constant 0 : i32
      %dma_start3A_590 = arith.constant 0 : i32
      %dma_start3A_591 = tpu.memref_slice %arg10[%dma_start3A_589, %dma_start3A_590] : memref<10240x64xf32, #tpu.memory_space<vmem_shared>> -> memref<10240x64xf32, #tpu.memory_space<vmem_shared>>
      tpu.enqueue_indirect_dma source(%dma_start3A_585 : memref<128x64xf32, #tpu.memory_space<vmem>>) target(%dma_start3A_591 : memref<10240x64xf32, #tpu.memory_space<vmem_shared>>) offsets(%dma_start3A_588 : memref<128xi32, #tpu.memory_space<vmem>>) semaphore(%arg22 : memref<!tpu.dma_semaphore, #tpu.memory_space<semaphore_mem>>) {add = true}
      %dma_wait3A_592 = arith.constant 384 : i32
      %dma_wait3A_593 = arith.constant 0 : i32
      %dma_wait3A_594 = tpu.memref_slice %arg9[%dma_wait3A_592, %dma_wait3A_593] : memref<1024x64xf32, #tpu.memory_space<vmem>> -> memref<128x64xf32, #tpu.memory_space<vmem>>
      %dma_wait3A_595 = arith.constant 0 : i32
      %dma_wait3A_596 = arith.constant 0 : i32
      %dma_wait3A_597 = tpu.memref_slice %arg5[%dma_wait3A_595, %dma_wait3A_596] : memref<10240x64xf32, #tpu.memory_space<hbm>> -> memref<128x64xf32, #tpu.memory_space<hbm>>
      %dma_wait3A_598 = arith.constant 384 : i32
      %dma_wait3A_599 = arith.constant 0 : i32
      %dma_wait3A_600 = tpu.memref_slice %arg9[%dma_wait3A_598, %dma_wait3A_599] : memref<1024x64xf32, #tpu.memory_space<vmem>> -> memref<128x64xf32, #tpu.memory_space<vmem>>
      %dma_wait3A_601 = arith.constant 0 : i32
      %dma_wait3A_602 = arith.constant 0 : i32
      %dma_wait3A_603 = tpu.memref_slice %arg5[%dma_wait3A_601, %dma_wait3A_602] : memref<10240x64xf32, #tpu.memory_space<hbm>> -> memref<128x64xf32, #tpu.memory_space<hbm>>
      tpu.wait_dma2 semaphore(%arg22 : memref<!tpu.dma_semaphore, #tpu.memory_space<semaphore_mem>>) src(%dma_wait3A_603 : memref<128x64xf32, #tpu.memory_space<hbm>>) dst(%dma_wait3A_600 : memref<128x64xf32, #tpu.memory_space<vmem>>)
      %mul3A_604 = arith.constant 8 : i32
      %mul3A_605 = arith.muli %mul3A_604, %scan3A_381 : i32
      %add3A_606 = arith.constant 3 : i32
      %add3A_607 = arith.addi %mul3A_605, %add3A_606 : i32
      %mul3A_608 = arith.constant 1 : i32
      %mul3A_609 = arith.muli %add3A_607, %mul3A_608 : i32
      %add3A_610 = arith.constant 0 : i32
      %add3A_611 = arith.addi %mul3A_609, %add3A_610 : i32
      %dma_start3A_612 = arith.constant 384 : i32
      %dma_start3A_613 = arith.constant 0 : i32
      %dma_start3A_614 = tpu.memref_slice %arg9[%dma_start3A_612, %dma_start3A_613] : memref<1024x64xf32, #tpu.memory_space<vmem>> -> memref<128x64xf32, #tpu.memory_space<vmem>>
      %dma_start3A_615 = arith.constant 0 : i32
      %dma_start3A_616 = tpu.memref_slice %arg7[%add3A_611, %dma_start3A_615] : memref<80x128xi32, #tpu.memory_space<vmem>> -> memref<1x128xi32, #tpu.memory_space<vmem>>
      %dma_start3A_617 = tpu.memref_squeeze %dma_start3A_616 : memref<1x128xi32, #tpu.memory_space<vmem>> -> memref<128xi32, #tpu.memory_space<vmem>>
      %dma_start3A_618 = arith.constant 0 : i32
      %dma_start3A_619 = arith.constant 0 : i32
      %dma_start3A_620 = tpu.memref_slice %arg2[%dma_start3A_618, %dma_start3A_619] : memref<10240x64xf32, #tpu.memory_space<hbm>> -> memref<10240x64xf32, #tpu.memory_space<hbm>>
      tpu.enqueue_indirect_dma source(%dma_start3A_620 : memref<10240x64xf32, #tpu.memory_space<hbm>>) target(%dma_start3A_614 : memref<128x64xf32, #tpu.memory_space<vmem>>) offsets(%dma_start3A_617 : memref<128xi32, #tpu.memory_space<vmem>>) semaphore(%arg14 : memref<!tpu.dma_semaphore, #tpu.memory_space<semaphore_mem>>)
      %sub3A_621 = arith.constant 1 : i32
      %sub3A_622 = arith.subi %scan3A_381, %sub3A_621 : i32
      %mul3A_623 = arith.constant 8 : i32
      %mul3A_624 = arith.muli %mul3A_623, %sub3A_622 : i32
      %add3A_625 = arith.constant 4 : i32
      %add3A_626 = arith.addi %mul3A_624, %add3A_625 : i32
      %dma_wait3A_627 = arith.constant 512 : i32
      %dma_wait3A_628 = arith.constant 0 : i32
      %dma_wait3A_629 = tpu.memref_slice %arg9[%dma_wait3A_627, %dma_wait3A_628] : memref<1024x64xf32, #tpu.memory_space<vmem>> -> memref<128x64xf32, #tpu.memory_space<vmem>>
      %dma_wait3A_630 = arith.constant 0 : i32
      %dma_wait3A_631 = arith.constant 0 : i32
      %dma_wait3A_632 = tpu.memref_slice %arg5[%dma_wait3A_630, %dma_wait3A_631] : memref<10240x64xf32, #tpu.memory_space<hbm>> -> memref<128x64xf32, #tpu.memory_space<hbm>>
      %dma_wait3A_633 = arith.constant 512 : i32
      %dma_wait3A_634 = arith.constant 0 : i32
      %dma_wait3A_635 = tpu.memref_slice %arg9[%dma_wait3A_633, %dma_wait3A_634] : memref<1024x64xf32, #tpu.memory_space<vmem>> -> memref<128x64xf32, #tpu.memory_space<vmem>>
      %dma_wait3A_636 = arith.constant 0 : i32
      %dma_wait3A_637 = arith.constant 0 : i32
      %dma_wait3A_638 = tpu.memref_slice %arg5[%dma_wait3A_636, %dma_wait3A_637] : memref<10240x64xf32, #tpu.memory_space<hbm>> -> memref<128x64xf32, #tpu.memory_space<hbm>>
      tpu.wait_dma2 semaphore(%arg15 : memref<!tpu.dma_semaphore, #tpu.memory_space<semaphore_mem>>) src(%dma_wait3A_638 : memref<128x64xf32, #tpu.memory_space<hbm>>) dst(%dma_wait3A_635 : memref<128x64xf32, #tpu.memory_space<vmem>>)
      %mul3A_639 = arith.constant 1 : i32
      %mul3A_640 = arith.muli %add3A_626, %mul3A_639 : i32
      %add3A_641 = arith.constant 0 : i32
      %add3A_642 = arith.addi %mul3A_640, %add3A_641 : i32
      %dma_start3A_643 = arith.constant 512 : i32
      %dma_start3A_644 = arith.constant 0 : i32
      %dma_start3A_645 = tpu.memref_slice %arg9[%dma_start3A_643, %dma_start3A_644] : memref<1024x64xf32, #tpu.memory_space<vmem>> -> memref<128x64xf32, #tpu.memory_space<vmem>>
      %dma_start3A_646 = arith.constant 0 : i32
      %dma_start3A_647 = tpu.memref_slice %arg8[%add3A_642, %dma_start3A_646] : memref<80x128xi32, #tpu.memory_space<vmem>> -> memref<1x128xi32, #tpu.memory_space<vmem>>
      %dma_start3A_648 = tpu.memref_squeeze %dma_start3A_647 : memref<1x128xi32, #tpu.memory_space<vmem>> -> memref<128xi32, #tpu.memory_space<vmem>>
      %dma_start3A_649 = arith.constant 0 : i32
      %dma_start3A_650 = arith.constant 0 : i32
      %dma_start3A_651 = tpu.memref_slice %arg10[%dma_start3A_649, %dma_start3A_650] : memref<10240x64xf32, #tpu.memory_space<vmem_shared>> -> memref<10240x64xf32, #tpu.memory_space<vmem_shared>>
      tpu.enqueue_indirect_dma source(%dma_start3A_645 : memref<128x64xf32, #tpu.memory_space<vmem>>) target(%dma_start3A_651 : memref<10240x64xf32, #tpu.memory_space<vmem_shared>>) offsets(%dma_start3A_648 : memref<128xi32, #tpu.memory_space<vmem>>) semaphore(%arg23 : memref<!tpu.dma_semaphore, #tpu.memory_space<semaphore_mem>>) {add = true}
      %dma_wait3A_652 = arith.constant 512 : i32
      %dma_wait3A_653 = arith.constant 0 : i32
      %dma_wait3A_654 = tpu.memref_slice %arg9[%dma_wait3A_652, %dma_wait3A_653] : memref<1024x64xf32, #tpu.memory_space<vmem>> -> memref<128x64xf32, #tpu.memory_space<vmem>>
      %dma_wait3A_655 = arith.constant 0 : i32
      %dma_wait3A_656 = arith.constant 0 : i32
      %dma_wait3A_657 = tpu.memref_slice %arg5[%dma_wait3A_655, %dma_wait3A_656] : memref<10240x64xf32, #tpu.memory_space<hbm>> -> memref<128x64xf32, #tpu.memory_space<hbm>>
      %dma_wait3A_658 = arith.constant 512 : i32
      %dma_wait3A_659 = arith.constant 0 : i32
      %dma_wait3A_660 = tpu.memref_slice %arg9[%dma_wait3A_658, %dma_wait3A_659] : memref<1024x64xf32, #tpu.memory_space<vmem>> -> memref<128x64xf32, #tpu.memory_space<vmem>>
      %dma_wait3A_661 = arith.constant 0 : i32
      %dma_wait3A_662 = arith.constant 0 : i32
      %dma_wait3A_663 = tpu.memref_slice %arg5[%dma_wait3A_661, %dma_wait3A_662] : memref<10240x64xf32, #tpu.memory_space<hbm>> -> memref<128x64xf32, #tpu.memory_space<hbm>>
      tpu.wait_dma2 semaphore(%arg23 : memref<!tpu.dma_semaphore, #tpu.memory_space<semaphore_mem>>) src(%dma_wait3A_663 : memref<128x64xf32, #tpu.memory_space<hbm>>) dst(%dma_wait3A_660 : memref<128x64xf32, #tpu.memory_space<vmem>>)
      %mul3A_664 = arith.constant 8 : i32
      %mul3A_665 = arith.muli %mul3A_664, %scan3A_381 : i32
      %add3A_666 = arith.constant 4 : i32
      %add3A_667 = arith.addi %mul3A_665, %add3A_666 : i32
      %mul3A_668 = arith.constant 1 : i32
      %mul3A_669 = arith.muli %add3A_667, %mul3A_668 : i32
      %add3A_670 = arith.constant 0 : i32
      %add3A_671 = arith.addi %mul3A_669, %add3A_670 : i32
      %dma_start3A_672 = arith.constant 512 : i32
      %dma_start3A_673 = arith.constant 0 : i32
      %dma_start3A_674 = tpu.memref_slice %arg9[%dma_start3A_672, %dma_start3A_673] : memref<1024x64xf32, #tpu.memory_space<vmem>> -> memref<128x64xf32, #tpu.memory_space<vmem>>
      %dma_start3A_675 = arith.constant 0 : i32
      %dma_start3A_676 = tpu.memref_slice %arg7[%add3A_671, %dma_start3A_675] : memref<80x128xi32, #tpu.memory_space<vmem>> -> memref<1x128xi32, #tpu.memory_space<vmem>>
      %dma_start3A_677 = tpu.memref_squeeze %dma_start3A_676 : memref<1x128xi32, #tpu.memory_space<vmem>> -> memref<128xi32, #tpu.memory_space<vmem>>
      %dma_start3A_678 = arith.constant 0 : i32
      %dma_start3A_679 = arith.constant 0 : i32
      %dma_start3A_680 = tpu.memref_slice %arg2[%dma_start3A_678, %dma_start3A_679] : memref<10240x64xf32, #tpu.memory_space<hbm>> -> memref<10240x64xf32, #tpu.memory_space<hbm>>
      tpu.enqueue_indirect_dma source(%dma_start3A_680 : memref<10240x64xf32, #tpu.memory_space<hbm>>) target(%dma_start3A_674 : memref<128x64xf32, #tpu.memory_space<vmem>>) offsets(%dma_start3A_677 : memref<128xi32, #tpu.memory_space<vmem>>) semaphore(%arg15 : memref<!tpu.dma_semaphore, #tpu.memory_space<semaphore_mem>>)
      %sub3A_681 = arith.constant 1 : i32
      %sub3A_682 = arith.subi %scan3A_381, %sub3A_681 : i32
      %mul3A_683 = arith.constant 8 : i32
      %mul3A_684 = arith.muli %mul3A_683, %sub3A_682 : i32
      %add3A_685 = arith.constant 5 : i32
      %add3A_686 = arith.addi %mul3A_684, %add3A_685 : i32
      %dma_wait3A_687 = arith.constant 640 : i32
      %dma_wait3A_688 = arith.constant 0 : i32
      %dma_wait3A_689 = tpu.memref_slice %arg9[%dma_wait3A_687, %dma_wait3A_688] : memref<1024x64xf32, #tpu.memory_space<vmem>> -> memref<128x64xf32, #tpu.memory_space<vmem>>
      %dma_wait3A_690 = arith.constant 0 : i32
      %dma_wait3A_691 = arith.constant 0 : i32
      %dma_wait3A_692 = tpu.memref_slice %arg5[%dma_wait3A_690, %dma_wait3A_691] : memref<10240x64xf32, #tpu.memory_space<hbm>> -> memref<128x64xf32, #tpu.memory_space<hbm>>
      %dma_wait3A_693 = arith.constant 640 : i32
      %dma_wait3A_694 = arith.constant 0 : i32
      %dma_wait3A_695 = tpu.memref_slice %arg9[%dma_wait3A_693, %dma_wait3A_694] : memref<1024x64xf32, #tpu.memory_space<vmem>> -> memref<128x64xf32, #tpu.memory_space<vmem>>
      %dma_wait3A_696 = arith.constant 0 : i32
      %dma_wait3A_697 = arith.constant 0 : i32
      %dma_wait3A_698 = tpu.memref_slice %arg5[%dma_wait3A_696, %dma_wait3A_697] : memref<10240x64xf32, #tpu.memory_space<hbm>> -> memref<128x64xf32, #tpu.memory_space<hbm>>
      tpu.wait_dma2 semaphore(%arg16 : memref<!tpu.dma_semaphore, #tpu.memory_space<semaphore_mem>>) src(%dma_wait3A_698 : memref<128x64xf32, #tpu.memory_space<hbm>>) dst(%dma_wait3A_695 : memref<128x64xf32, #tpu.memory_space<vmem>>)
      %mul3A_699 = arith.constant 1 : i32
      %mul3A_700 = arith.muli %add3A_686, %mul3A_699 : i32
      %add3A_701 = arith.constant 0 : i32
      %add3A_702 = arith.addi %mul3A_700, %add3A_701 : i32
      %dma_start3A_703 = arith.constant 640 : i32
      %dma_start3A_704 = arith.constant 0 : i32
      %dma_start3A_705 = tpu.memref_slice %arg9[%dma_start3A_703, %dma_start3A_704] : memref<1024x64xf32, #tpu.memory_space<vmem>> -> memref<128x64xf32, #tpu.memory_space<vmem>>
      %dma_start3A_706 = arith.constant 0 : i32
      %dma_start3A_707 = tpu.memref_slice %arg8[%add3A_702, %dma_start3A_706] : memref<80x128xi32, #tpu.memory_space<vmem>> -> memref<1x128xi32, #tpu.memory_space<vmem>>
      %dma_start3A_708 = tpu.memref_squeeze %dma_start3A_707 : memref<1x128xi32, #tpu.memory_space<vmem>> -> memref<128xi32, #tpu.memory_space<vmem>>
      %dma_start3A_709 = arith.constant 0 : i32
      %dma_start3A_710 = arith.constant 0 : i32
      %dma_start3A_711 = tpu.memref_slice %arg10[%dma_start3A_709, %dma_start3A_710] : memref<10240x64xf32, #tpu.memory_space<vmem_shared>> -> memref<10240x64xf32, #tpu.memory_space<vmem_shared>>
      tpu.enqueue_indirect_dma source(%dma_start3A_705 : memref<128x64xf32, #tpu.memory_space<vmem>>) target(%dma_start3A_711 : memref<10240x64xf32, #tpu.memory_space<vmem_shared>>) offsets(%dma_start3A_708 : memref<128xi32, #tpu.memory_space<vmem>>) semaphore(%arg24 : memref<!tpu.dma_semaphore, #tpu.memory_space<semaphore_mem>>) {add = true}
      %dma_wait3A_712 = arith.constant 640 : i32
      %dma_wait3A_713 = arith.constant 0 : i32
      %dma_wait3A_714 = tpu.memref_slice %arg9[%dma_wait3A_712, %dma_wait3A_713] : memref<1024x64xf32, #tpu.memory_space<vmem>> -> memref<128x64xf32, #tpu.memory_space<vmem>>
      %dma_wait3A_715 = arith.constant 0 : i32
      %dma_wait3A_716 = arith.constant 0 : i32
      %dma_wait3A_717 = tpu.memref_slice %arg5[%dma_wait3A_715, %dma_wait3A_716] : memref<10240x64xf32, #tpu.memory_space<hbm>> -> memref<128x64xf32, #tpu.memory_space<hbm>>
      %dma_wait3A_718 = arith.constant 640 : i32
      %dma_wait3A_719 = arith.constant 0 : i32
      %dma_wait3A_720 = tpu.memref_slice %arg9[%dma_wait3A_718, %dma_wait3A_719] : memref<1024x64xf32, #tpu.memory_space<vmem>> -> memref<128x64xf32, #tpu.memory_space<vmem>>
      %dma_wait3A_721 = arith.constant 0 : i32
      %dma_wait3A_722 = arith.constant 0 : i32
      %dma_wait3A_723 = tpu.memref_slice %arg5[%dma_wait3A_721, %dma_wait3A_722] : memref<10240x64xf32, #tpu.memory_space<hbm>> -> memref<128x64xf32, #tpu.memory_space<hbm>>
      tpu.wait_dma2 semaphore(%arg24 : memref<!tpu.dma_semaphore, #tpu.memory_space<semaphore_mem>>) src(%dma_wait3A_723 : memref<128x64xf32, #tpu.memory_space<hbm>>) dst(%dma_wait3A_720 : memref<128x64xf32, #tpu.memory_space<vmem>>)
      %mul3A_724 = arith.constant 8 : i32
      %mul3A_725 = arith.muli %mul3A_724, %scan3A_381 : i32
      %add3A_726 = arith.constant 5 : i32
      %add3A_727 = arith.addi %mul3A_725, %add3A_726 : i32
      %mul3A_728 = arith.constant 1 : i32
      %mul3A_729 = arith.muli %add3A_727, %mul3A_728 : i32
      %add3A_730 = arith.constant 0 : i32
      %add3A_731 = arith.addi %mul3A_729, %add3A_730 : i32
      %dma_start3A_732 = arith.constant 640 : i32
      %dma_start3A_733 = arith.constant 0 : i32
      %dma_start3A_734 = tpu.memref_slice %arg9[%dma_start3A_732, %dma_start3A_733] : memref<1024x64xf32, #tpu.memory_space<vmem>> -> memref<128x64xf32, #tpu.memory_space<vmem>>
      %dma_start3A_735 = arith.constant 0 : i32
      %dma_start3A_736 = tpu.memref_slice %arg7[%add3A_731, %dma_start3A_735] : memref<80x128xi32, #tpu.memory_space<vmem>> -> memref<1x128xi32, #tpu.memory_space<vmem>>
      %dma_start3A_737 = tpu.memref_squeeze %dma_start3A_736 : memref<1x128xi32, #tpu.memory_space<vmem>> -> memref<128xi32, #tpu.memory_space<vmem>>
      %dma_start3A_738 = arith.constant 0 : i32
      %dma_start3A_739 = arith.constant 0 : i32
      %dma_start3A_740 = tpu.memref_slice %arg2[%dma_start3A_738, %dma_start3A_739] : memref<10240x64xf32, #tpu.memory_space<hbm>> -> memref<10240x64xf32, #tpu.memory_space<hbm>>
      tpu.enqueue_indirect_dma source(%dma_start3A_740 : memref<10240x64xf32, #tpu.memory_space<hbm>>) target(%dma_start3A_734 : memref<128x64xf32, #tpu.memory_space<vmem>>) offsets(%dma_start3A_737 : memref<128xi32, #tpu.memory_space<vmem>>) semaphore(%arg16 : memref<!tpu.dma_semaphore, #tpu.memory_space<semaphore_mem>>)
      %sub3A_741 = arith.constant 1 : i32
      %sub3A_742 = arith.subi %scan3A_381, %sub3A_741 : i32
      %mul3A_743 = arith.constant 8 : i32
      %mul3A_744 = arith.muli %mul3A_743, %sub3A_742 : i32
      %add3A_745 = arith.constant 6 : i32
      %add3A_746 = arith.addi %mul3A_744, %add3A_745 : i32
      %dma_wait3A_747 = arith.constant 768 : i32
      %dma_wait3A_748 = arith.constant 0 : i32
      %dma_wait3A_749 = tpu.memref_slice %arg9[%dma_wait3A_747, %dma_wait3A_748] : memref<1024x64xf32, #tpu.memory_space<vmem>> -> memref<128x64xf32, #tpu.memory_space<vmem>>
      %dma_wait3A_750 = arith.constant 0 : i32
      %dma_wait3A_751 = arith.constant 0 : i32
      %dma_wait3A_752 = tpu.memref_slice %arg5[%dma_wait3A_750, %dma_wait3A_751] : memref<10240x64xf32, #tpu.memory_space<hbm>> -> memref<128x64xf32, #tpu.memory_space<hbm>>
      %dma_wait3A_753 = arith.constant 768 : i32
      %dma_wait3A_754 = arith.constant 0 : i32
      %dma_wait3A_755 = tpu.memref_slice %arg9[%dma_wait3A_753, %dma_wait3A_754] : memref<1024x64xf32, #tpu.memory_space<vmem>> -> memref<128x64xf32, #tpu.memory_space<vmem>>
      %dma_wait3A_756 = arith.constant 0 : i32
      %dma_wait3A_757 = arith.constant 0 : i32
      %dma_wait3A_758 = tpu.memref_slice %arg5[%dma_wait3A_756, %dma_wait3A_757] : memref<10240x64xf32, #tpu.memory_space<hbm>> -> memref<128x64xf32, #tpu.memory_space<hbm>>
      tpu.wait_dma2 semaphore(%arg17 : memref<!tpu.dma_semaphore, #tpu.memory_space<semaphore_mem>>) src(%dma_wait3A_758 : memref<128x64xf32, #tpu.memory_space<hbm>>) dst(%dma_wait3A_755 : memref<128x64xf32, #tpu.memory_space<vmem>>)
      %mul3A_759 = arith.constant 1 : i32
      %mul3A_760 = arith.muli %add3A_746, %mul3A_759 : i32
      %add3A_761 = arith.constant 0 : i32
      %add3A_762 = arith.addi %mul3A_760, %add3A_761 : i32
      %dma_start3A_763 = arith.constant 768 : i32
      %dma_start3A_764 = arith.constant 0 : i32
      %dma_start3A_765 = tpu.memref_slice %arg9[%dma_start3A_763, %dma_start3A_764] : memref<1024x64xf32, #tpu.memory_space<vmem>> -> memref<128x64xf32, #tpu.memory_space<vmem>>
      %dma_start3A_766 = arith.constant 0 : i32
      %dma_start3A_767 = tpu.memref_slice %arg8[%add3A_762, %dma_start3A_766] : memref<80x128xi32, #tpu.memory_space<vmem>> -> memref<1x128xi32, #tpu.memory_space<vmem>>
      %dma_start3A_768 = tpu.memref_squeeze %dma_start3A_767 : memref<1x128xi32, #tpu.memory_space<vmem>> -> memref<128xi32, #tpu.memory_space<vmem>>
      %dma_start3A_769 = arith.constant 0 : i32
      %dma_start3A_770 = arith.constant 0 : i32
      %dma_start3A_771 = tpu.memref_slice %arg10[%dma_start3A_769, %dma_start3A_770] : memref<10240x64xf32, #tpu.memory_space<vmem_shared>> -> memref<10240x64xf32, #tpu.memory_space<vmem_shared>>
      tpu.enqueue_indirect_dma source(%dma_start3A_765 : memref<128x64xf32, #tpu.memory_space<vmem>>) target(%dma_start3A_771 : memref<10240x64xf32, #tpu.memory_space<vmem_shared>>) offsets(%dma_start3A_768 : memref<128xi32, #tpu.memory_space<vmem>>) semaphore(%arg25 : memref<!tpu.dma_semaphore, #tpu.memory_space<semaphore_mem>>) {add = true}
      %dma_wait3A_772 = arith.constant 768 : i32
      %dma_wait3A_773 = arith.constant 0 : i32
      %dma_wait3A_774 = tpu.memref_slice %arg9[%dma_wait3A_772, %dma_wait3A_773] : memref<1024x64xf32, #tpu.memory_space<vmem>> -> memref<128x64xf32, #tpu.memory_space<vmem>>
      %dma_wait3A_775 = arith.constant 0 : i32
      %dma_wait3A_776 = arith.constant 0 : i32
      %dma_wait3A_777 = tpu.memref_slice %arg5[%dma_wait3A_775, %dma_wait3A_776] : memref<10240x64xf32, #tpu.memory_space<hbm>> -> memref<128x64xf32, #tpu.memory_space<hbm>>
      %dma_wait3A_778 = arith.constant 768 : i32
      %dma_wait3A_779 = arith.constant 0 : i32
      %dma_wait3A_780 = tpu.memref_slice %arg9[%dma_wait3A_778, %dma_wait3A_779] : memref<1024x64xf32, #tpu.memory_space<vmem>> -> memref<128x64xf32, #tpu.memory_space<vmem>>
      %dma_wait3A_781 = arith.constant 0 : i32
      %dma_wait3A_782 = arith.constant 0 : i32
      %dma_wait3A_783 = tpu.memref_slice %arg5[%dma_wait3A_781, %dma_wait3A_782] : memref<10240x64xf32, #tpu.memory_space<hbm>> -> memref<128x64xf32, #tpu.memory_space<hbm>>
      tpu.wait_dma2 semaphore(%arg25 : memref<!tpu.dma_semaphore, #tpu.memory_space<semaphore_mem>>) src(%dma_wait3A_783 : memref<128x64xf32, #tpu.memory_space<hbm>>) dst(%dma_wait3A_780 : memref<128x64xf32, #tpu.memory_space<vmem>>)
      %mul3A_784 = arith.constant 8 : i32
      %mul3A_785 = arith.muli %mul3A_784, %scan3A_381 : i32
      %add3A_786 = arith.constant 6 : i32
      %add3A_787 = arith.addi %mul3A_785, %add3A_786 : i32
      %mul3A_788 = arith.constant 1 : i32
      %mul3A_789 = arith.muli %add3A_787, %mul3A_788 : i32
      %add3A_790 = arith.constant 0 : i32
      %add3A_791 = arith.addi %mul3A_789, %add3A_790 : i32
      %dma_start3A_792 = arith.constant 768 : i32
      %dma_start3A_793 = arith.constant 0 : i32
      %dma_start3A_794 = tpu.memref_slice %arg9[%dma_start3A_792, %dma_start3A_793] : memref<1024x64xf32, #tpu.memory_space<vmem>> -> memref<128x64xf32, #tpu.memory_space<vmem>>
      %dma_start3A_795 = arith.constant 0 : i32
      %dma_start3A_796 = tpu.memref_slice %arg7[%add3A_791, %dma_start3A_795] : memref<80x128xi32, #tpu.memory_space<vmem>> -> memref<1x128xi32, #tpu.memory_space<vmem>>
      %dma_start3A_797 = tpu.memref_squeeze %dma_start3A_796 : memref<1x128xi32, #tpu.memory_space<vmem>> -> memref<128xi32, #tpu.memory_space<vmem>>
      %dma_start3A_798 = arith.constant 0 : i32
      %dma_start3A_799 = arith.constant 0 : i32
      %dma_start3A_800 = tpu.memref_slice %arg2[%dma_start3A_798, %dma_start3A_799] : memref<10240x64xf32, #tpu.memory_space<hbm>> -> memref<10240x64xf32, #tpu.memory_space<hbm>>
      tpu.enqueue_indirect_dma source(%dma_start3A_800 : memref<10240x64xf32, #tpu.memory_space<hbm>>) target(%dma_start3A_794 : memref<128x64xf32, #tpu.memory_space<vmem>>) offsets(%dma_start3A_797 : memref<128xi32, #tpu.memory_space<vmem>>) semaphore(%arg17 : memref<!tpu.dma_semaphore, #tpu.memory_space<semaphore_mem>>)
      %sub3A_801 = arith.constant 1 : i32
      %sub3A_802 = arith.subi %scan3A_381, %sub3A_801 : i32
      %mul3A_803 = arith.constant 8 : i32
      %mul3A_804 = arith.muli %mul3A_803, %sub3A_802 : i32
      %add3A_805 = arith.constant 7 : i32
      %add3A_806 = arith.addi %mul3A_804, %add3A_805 : i32
      %dma_wait3A_807 = arith.constant 896 : i32
      %dma_wait3A_808 = arith.constant 0 : i32
      %dma_wait3A_809 = tpu.memref_slice %arg9[%dma_wait3A_807, %dma_wait3A_808] : memref<1024x64xf32, #tpu.memory_space<vmem>> -> memref<128x64xf32, #tpu.memory_space<vmem>>
      %dma_wait3A_810 = arith.constant 0 : i32
      %dma_wait3A_811 = arith.constant 0 : i32
      %dma_wait3A_812 = tpu.memref_slice %arg5[%dma_wait3A_810, %dma_wait3A_811] : memref<10240x64xf32, #tpu.memory_space<hbm>> -> memref<128x64xf32, #tpu.memory_space<hbm>>
      %dma_wait3A_813 = arith.constant 896 : i32
      %dma_wait3A_814 = arith.constant 0 : i32
      %dma_wait3A_815 = tpu.memref_slice %arg9[%dma_wait3A_813, %dma_wait3A_814] : memref<1024x64xf32, #tpu.memory_space<vmem>> -> memref<128x64xf32, #tpu.memory_space<vmem>>
      %dma_wait3A_816 = arith.constant 0 : i32
      %dma_wait3A_817 = arith.constant 0 : i32
      %dma_wait3A_818 = tpu.memref_slice %arg5[%dma_wait3A_816, %dma_wait3A_817] : memref<10240x64xf32, #tpu.memory_space<hbm>> -> memref<128x64xf32, #tpu.memory_space<hbm>>
      tpu.wait_dma2 semaphore(%arg18 : memref<!tpu.dma_semaphore, #tpu.memory_space<semaphore_mem>>) src(%dma_wait3A_818 : memref<128x64xf32, #tpu.memory_space<hbm>>) dst(%dma_wait3A_815 : memref<128x64xf32, #tpu.memory_space<vmem>>)
      %mul3A_819 = arith.constant 1 : i32
      %mul3A_820 = arith.muli %add3A_806, %mul3A_819 : i32
      %add3A_821 = arith.constant 0 : i32
      %add3A_822 = arith.addi %mul3A_820, %add3A_821 : i32
      %dma_start3A_823 = arith.constant 896 : i32
      %dma_start3A_824 = arith.constant 0 : i32
      %dma_start3A_825 = tpu.memref_slice %arg9[%dma_start3A_823, %dma_start3A_824] : memref<1024x64xf32, #tpu.memory_space<vmem>> -> memref<128x64xf32, #tpu.memory_space<vmem>>
      %dma_start3A_826 = arith.constant 0 : i32
      %dma_start3A_827 = tpu.memref_slice %arg8[%add3A_822, %dma_start3A_826] : memref<80x128xi32, #tpu.memory_space<vmem>> -> memref<1x128xi32, #tpu.memory_space<vmem>>
      %dma_start3A_828 = tpu.memref_squeeze %dma_start3A_827 : memref<1x128xi32, #tpu.memory_space<vmem>> -> memref<128xi32, #tpu.memory_space<vmem>>
      %dma_start3A_829 = arith.constant 0 : i32
      %dma_start3A_830 = arith.constant 0 : i32
      %dma_start3A_831 = tpu.memref_slice %arg10[%dma_start3A_829, %dma_start3A_830] : memref<10240x64xf32, #tpu.memory_space<vmem_shared>> -> memref<10240x64xf32, #tpu.memory_space<vmem_shared>>
      tpu.enqueue_indirect_dma source(%dma_start3A_825 : memref<128x64xf32, #tpu.memory_space<vmem>>) target(%dma_start3A_831 : memref<10240x64xf32, #tpu.memory_space<vmem_shared>>) offsets(%dma_start3A_828 : memref<128xi32, #tpu.memory_space<vmem>>) semaphore(%arg26 : memref<!tpu.dma_semaphore, #tpu.memory_space<semaphore_mem>>) {add = true}
      %dma_wait3A_832 = arith.constant 896 : i32
      %dma_wait3A_833 = arith.constant 0 : i32
      %dma_wait3A_834 = tpu.memref_slice %arg9[%dma_wait3A_832, %dma_wait3A_833] : memref<1024x64xf32, #tpu.memory_space<vmem>> -> memref<128x64xf32, #tpu.memory_space<vmem>>
      %dma_wait3A_835 = arith.constant 0 : i32
      %dma_wait3A_836 = arith.constant 0 : i32
      %dma_wait3A_837 = tpu.memref_slice %arg5[%dma_wait3A_835, %dma_wait3A_836] : memref<10240x64xf32, #tpu.memory_space<hbm>> -> memref<128x64xf32, #tpu.memory_space<hbm>>
      %dma_wait3A_838 = arith.constant 896 : i32
      %dma_wait3A_839 = arith.constant 0 : i32
      %dma_wait3A_840 = tpu.memref_slice %arg9[%dma_wait3A_838, %dma_wait3A_839] : memref<1024x64xf32, #tpu.memory_space<vmem>> -> memref<128x64xf32, #tpu.memory_space<vmem>>
      %dma_wait3A_841 = arith.constant 0 : i32
      %dma_wait3A_842 = arith.constant 0 : i32
      %dma_wait3A_843 = tpu.memref_slice %arg5[%dma_wait3A_841, %dma_wait3A_842] : memref<10240x64xf32, #tpu.memory_space<hbm>> -> memref<128x64xf32, #tpu.memory_space<hbm>>
      tpu.wait_dma2 semaphore(%arg26 : memref<!tpu.dma_semaphore, #tpu.memory_space<semaphore_mem>>) src(%dma_wait3A_843 : memref<128x64xf32, #tpu.memory_space<hbm>>) dst(%dma_wait3A_840 : memref<128x64xf32, #tpu.memory_space<vmem>>)
      %mul3A_844 = arith.constant 8 : i32
      %mul3A_845 = arith.muli %mul3A_844, %scan3A_381 : i32
      %add3A_846 = arith.constant 7 : i32
      %add3A_847 = arith.addi %mul3A_845, %add3A_846 : i32
      %mul3A_848 = arith.constant 1 : i32
      %mul3A_849 = arith.muli %add3A_847, %mul3A_848 : i32
      %add3A_850 = arith.constant 0 : i32
      %add3A_851 = arith.addi %mul3A_849, %add3A_850 : i32
      %dma_start3A_852 = arith.constant 896 : i32
      %dma_start3A_853 = arith.constant 0 : i32
      %dma_start3A_854 = tpu.memref_slice %arg9[%dma_start3A_852, %dma_start3A_853] : memref<1024x64xf32, #tpu.memory_space<vmem>> -> memref<128x64xf32, #tpu.memory_space<vmem>>
      %dma_start3A_855 = arith.constant 0 : i32
      %dma_start3A_856 = tpu.memref_slice %arg7[%add3A_851, %dma_start3A_855] : memref<80x128xi32, #tpu.memory_space<vmem>> -> memref<1x128xi32, #tpu.memory_space<vmem>>
      %dma_start3A_857 = tpu.memref_squeeze %dma_start3A_856 : memref<1x128xi32, #tpu.memory_space<vmem>> -> memref<128xi32, #tpu.memory_space<vmem>>
      %dma_start3A_858 = arith.constant 0 : i32
      %dma_start3A_859 = arith.constant 0 : i32
      %dma_start3A_860 = tpu.memref_slice %arg2[%dma_start3A_858, %dma_start3A_859] : memref<10240x64xf32, #tpu.memory_space<hbm>> -> memref<10240x64xf32, #tpu.memory_space<hbm>>
      tpu.enqueue_indirect_dma source(%dma_start3A_860 : memref<10240x64xf32, #tpu.memory_space<hbm>>) target(%dma_start3A_854 : memref<128x64xf32, #tpu.memory_space<vmem>>) offsets(%dma_start3A_857 : memref<128xi32, #tpu.memory_space<vmem>>) semaphore(%arg18 : memref<!tpu.dma_semaphore, #tpu.memory_space<semaphore_mem>>)
    }
    %scan3A_104 = arith.constant 9 : i32
    %dma_wait3A = arith.constant 0 : i32
    %dma_wait3A_105 = arith.constant 0 : i32
    %dma_wait3A_106 = tpu.memref_slice %arg9[%dma_wait3A, %dma_wait3A_105] : memref<1024x64xf32, #tpu.memory_space<vmem>> -> memref<128x64xf32, #tpu.memory_space<vmem>>
    %dma_wait3A_107 = arith.constant 0 : i32
    %dma_wait3A_108 = arith.constant 0 : i32
    %dma_wait3A_109 = tpu.memref_slice %arg5[%dma_wait3A_107, %dma_wait3A_108] : memref<10240x64xf32, #tpu.memory_space<hbm>> -> memref<128x64xf32, #tpu.memory_space<hbm>>
    %dma_wait3A_110 = arith.constant 0 : i32
    %dma_wait3A_111 = arith.constant 0 : i32
    %dma_wait3A_112 = tpu.memref_slice %arg9[%dma_wait3A_110, %dma_wait3A_111] : memref<1024x64xf32, #tpu.memory_space<vmem>> -> memref<128x64xf32, #tpu.memory_space<vmem>>
    %dma_wait3A_113 = arith.constant 0 : i32
    %dma_wait3A_114 = arith.constant 0 : i32
    %dma_wait3A_115 = tpu.memref_slice %arg5[%dma_wait3A_113, %dma_wait3A_114] : memref<10240x64xf32, #tpu.memory_space<hbm>> -> memref<128x64xf32, #tpu.memory_space<hbm>>
    tpu.wait_dma2 semaphore(%arg11 : memref<!tpu.dma_semaphore, #tpu.memory_space<semaphore_mem>>) src(%dma_wait3A_115 : memref<128x64xf32, #tpu.memory_space<hbm>>) dst(%dma_wait3A_112 : memref<128x64xf32, #tpu.memory_space<vmem>>)
    %dma_start3A_116 = arith.constant 72 : i32
    %dma_start3A_117 = arith.constant 0 : i32
    %dma_start3A_118 = arith.constant 0 : i32
    %dma_start3A_119 = tpu.memref_slice %arg9[%dma_start3A_117, %dma_start3A_118] : memref<1024x64xf32, #tpu.memory_space<vmem>> -> memref<128x64xf32, #tpu.memory_space<vmem>>
    %dma_start3A_120 = arith.constant 0 : i32
    %dma_start3A_121 = tpu.memref_slice %arg8[%dma_start3A_116, %dma_start3A_120] : memref<80x128xi32, #tpu.memory_space<vmem>> -> memref<1x128xi32, #tpu.memory_space<vmem>>
    %dma_start3A_122 = tpu.memref_squeeze %dma_start3A_121 : memref<1x128xi32, #tpu.memory_space<vmem>> -> memref<128xi32, #tpu.memory_space<vmem>>
    %dma_start3A_123 = arith.constant 0 : i32
    %dma_start3A_124 = arith.constant 0 : i32
    %dma_start3A_125 = tpu.memref_slice %arg10[%dma_start3A_123, %dma_start3A_124] : memref<10240x64xf32, #tpu.memory_space<vmem_shared>> -> memref<10240x64xf32, #tpu.memory_space<vmem_shared>>
    tpu.enqueue_indirect_dma source(%dma_start3A_119 : memref<128x64xf32, #tpu.memory_space<vmem>>) target(%dma_start3A_125 : memref<10240x64xf32, #tpu.memory_space<vmem_shared>>) offsets(%dma_start3A_122 : memref<128xi32, #tpu.memory_space<vmem>>) semaphore(%arg19 : memref<!tpu.dma_semaphore, #tpu.memory_space<semaphore_mem>>) {add = true}
    %dma_wait3A_126 = arith.constant 0 : i32
    %dma_wait3A_127 = arith.constant 0 : i32
    %dma_wait3A_128 = tpu.memref_slice %arg9[%dma_wait3A_126, %dma_wait3A_127] : memref<1024x64xf32, #tpu.memory_space<vmem>> -> memref<128x64xf32, #tpu.memory_space<vmem>>
    %dma_wait3A_129 = arith.constant 0 : i32
    %dma_wait3A_130 = arith.constant 0 : i32
    %dma_wait3A_131 = tpu.memref_slice %arg5[%dma_wait3A_129, %dma_wait3A_130] : memref<10240x64xf32, #tpu.memory_space<hbm>> -> memref<128x64xf32, #tpu.memory_space<hbm>>
    %dma_wait3A_132 = arith.constant 0 : i32
    %dma_wait3A_133 = arith.constant 0 : i32
    %dma_wait3A_134 = tpu.memref_slice %arg9[%dma_wait3A_132, %dma_wait3A_133] : memref<1024x64xf32, #tpu.memory_space<vmem>> -> memref<128x64xf32, #tpu.memory_space<vmem>>
    %dma_wait3A_135 = arith.constant 0 : i32
    %dma_wait3A_136 = arith.constant 0 : i32
    %dma_wait3A_137 = tpu.memref_slice %arg5[%dma_wait3A_135, %dma_wait3A_136] : memref<10240x64xf32, #tpu.memory_space<hbm>> -> memref<128x64xf32, #tpu.memory_space<hbm>>
    tpu.wait_dma2 semaphore(%arg19 : memref<!tpu.dma_semaphore, #tpu.memory_space<semaphore_mem>>) src(%dma_wait3A_137 : memref<128x64xf32, #tpu.memory_space<hbm>>) dst(%dma_wait3A_134 : memref<128x64xf32, #tpu.memory_space<vmem>>)
    %dma_wait3A_138 = arith.constant 128 : i32
    %dma_wait3A_139 = arith.constant 0 : i32
    %dma_wait3A_140 = tpu.memref_slice %arg9[%dma_wait3A_138, %dma_wait3A_139] : memref<1024x64xf32, #tpu.memory_space<vmem>> -> memref<128x64xf32, #tpu.memory_space<vmem>>
    %dma_wait3A_141 = arith.constant 0 : i32
    %dma_wait3A_142 = arith.constant 0 : i32
    %dma_wait3A_143 = tpu.memref_slice %arg5[%dma_wait3A_141, %dma_wait3A_142] : memref<10240x64xf32, #tpu.memory_space<hbm>> -> memref<128x64xf32, #tpu.memory_space<hbm>>
    %dma_wait3A_144 = arith.constant 128 : i32
    %dma_wait3A_145 = arith.constant 0 : i32
    %dma_wait3A_146 = tpu.memref_slice %arg9[%dma_wait3A_144, %dma_wait3A_145] : memref<1024x64xf32, #tpu.memory_space<vmem>> -> memref<128x64xf32, #tpu.memory_space<vmem>>
    %dma_wait3A_147 = arith.constant 0 : i32
    %dma_wait3A_148 = arith.constant 0 : i32
    %dma_wait3A_149 = tpu.memref_slice %arg5[%dma_wait3A_147, %dma_wait3A_148] : memref<10240x64xf32, #tpu.memory_space<hbm>> -> memref<128x64xf32, #tpu.memory_space<hbm>>
    tpu.wait_dma2 semaphore(%arg12 : memref<!tpu.dma_semaphore, #tpu.memory_space<semaphore_mem>>) src(%dma_wait3A_149 : memref<128x64xf32, #tpu.memory_space<hbm>>) dst(%dma_wait3A_146 : memref<128x64xf32, #tpu.memory_space<vmem>>)
    %dma_start3A_150 = arith.constant 73 : i32
    %dma_start3A_151 = arith.constant 128 : i32
    %dma_start3A_152 = arith.constant 0 : i32
    %dma_start3A_153 = tpu.memref_slice %arg9[%dma_start3A_151, %dma_start3A_152] : memref<1024x64xf32, #tpu.memory_space<vmem>> -> memref<128x64xf32, #tpu.memory_space<vmem>>
    %dma_start3A_154 = arith.constant 0 : i32
    %dma_start3A_155 = tpu.memref_slice %arg8[%dma_start3A_150, %dma_start3A_154] : memref<80x128xi32, #tpu.memory_space<vmem>> -> memref<1x128xi32, #tpu.memory_space<vmem>>
    %dma_start3A_156 = tpu.memref_squeeze %dma_start3A_155 : memref<1x128xi32, #tpu.memory_space<vmem>> -> memref<128xi32, #tpu.memory_space<vmem>>
    %dma_start3A_157 = arith.constant 0 : i32
    %dma_start3A_158 = arith.constant 0 : i32
    %dma_start3A_159 = tpu.memref_slice %arg10[%dma_start3A_157, %dma_start3A_158] : memref<10240x64xf32, #tpu.memory_space<vmem_shared>> -> memref<10240x64xf32, #tpu.memory_space<vmem_shared>>
    tpu.enqueue_indirect_dma source(%dma_start3A_153 : memref<128x64xf32, #tpu.memory_space<vmem>>) target(%dma_start3A_159 : memref<10240x64xf32, #tpu.memory_space<vmem_shared>>) offsets(%dma_start3A_156 : memref<128xi32, #tpu.memory_space<vmem>>) semaphore(%arg20 : memref<!tpu.dma_semaphore, #tpu.memory_space<semaphore_mem>>) {add = true}
    %dma_wait3A_160 = arith.constant 128 : i32
    %dma_wait3A_161 = arith.constant 0 : i32
    %dma_wait3A_162 = tpu.memref_slice %arg9[%dma_wait3A_160, %dma_wait3A_161] : memref<1024x64xf32, #tpu.memory_space<vmem>> -> memref<128x64xf32, #tpu.memory_space<vmem>>
    %dma_wait3A_163 = arith.constant 0 : i32
    %dma_wait3A_164 = arith.constant 0 : i32
    %dma_wait3A_165 = tpu.memref_slice %arg5[%dma_wait3A_163, %dma_wait3A_164] : memref<10240x64xf32, #tpu.memory_space<hbm>> -> memref<128x64xf32, #tpu.memory_space<hbm>>
    %dma_wait3A_166 = arith.constant 128 : i32
    %dma_wait3A_167 = arith.constant 0 : i32
    %dma_wait3A_168 = tpu.memref_slice %arg9[%dma_wait3A_166, %dma_wait3A_167] : memref<1024x64xf32, #tpu.memory_space<vmem>> -> memref<128x64xf32, #tpu.memory_space<vmem>>
    %dma_wait3A_169 = arith.constant 0 : i32
    %dma_wait3A_170 = arith.constant 0 : i32
    %dma_wait3A_171 = tpu.memref_slice %arg5[%dma_wait3A_169, %dma_wait3A_170] : memref<10240x64xf32, #tpu.memory_space<hbm>> -> memref<128x64xf32, #tpu.memory_space<hbm>>
    tpu.wait_dma2 semaphore(%arg20 : memref<!tpu.dma_semaphore, #tpu.memory_space<semaphore_mem>>) src(%dma_wait3A_171 : memref<128x64xf32, #tpu.memory_space<hbm>>) dst(%dma_wait3A_168 : memref<128x64xf32, #tpu.memory_space<vmem>>)
    %dma_wait3A_172 = arith.constant 256 : i32
    %dma_wait3A_173 = arith.constant 0 : i32
    %dma_wait3A_174 = tpu.memref_slice %arg9[%dma_wait3A_172, %dma_wait3A_173] : memref<1024x64xf32, #tpu.memory_space<vmem>> -> memref<128x64xf32, #tpu.memory_space<vmem>>
    %dma_wait3A_175 = arith.constant 0 : i32
    %dma_wait3A_176 = arith.constant 0 : i32
    %dma_wait3A_177 = tpu.memref_slice %arg5[%dma_wait3A_175, %dma_wait3A_176] : memref<10240x64xf32, #tpu.memory_space<hbm>> -> memref<128x64xf32, #tpu.memory_space<hbm>>
    %dma_wait3A_178 = arith.constant 256 : i32
    %dma_wait3A_179 = arith.constant 0 : i32
    %dma_wait3A_180 = tpu.memref_slice %arg9[%dma_wait3A_178, %dma_wait3A_179] : memref<1024x64xf32, #tpu.memory_space<vmem>> -> memref<128x64xf32, #tpu.memory_space<vmem>>
    %dma_wait3A_181 = arith.constant 0 : i32
    %dma_wait3A_182 = arith.constant 0 : i32
    %dma_wait3A_183 = tpu.memref_slice %arg5[%dma_wait3A_181, %dma_wait3A_182] : memref<10240x64xf32, #tpu.memory_space<hbm>> -> memref<128x64xf32, #tpu.memory_space<hbm>>
    tpu.wait_dma2 semaphore(%arg13 : memref<!tpu.dma_semaphore, #tpu.memory_space<semaphore_mem>>) src(%dma_wait3A_183 : memref<128x64xf32, #tpu.memory_space<hbm>>) dst(%dma_wait3A_180 : memref<128x64xf32, #tpu.memory_space<vmem>>)
    %dma_start3A_184 = arith.constant 74 : i32
    %dma_start3A_185 = arith.constant 256 : i32
    %dma_start3A_186 = arith.constant 0 : i32
    %dma_start3A_187 = tpu.memref_slice %arg9[%dma_start3A_185, %dma_start3A_186] : memref<1024x64xf32, #tpu.memory_space<vmem>> -> memref<128x64xf32, #tpu.memory_space<vmem>>
    %dma_start3A_188 = arith.constant 0 : i32
    %dma_start3A_189 = tpu.memref_slice %arg8[%dma_start3A_184, %dma_start3A_188] : memref<80x128xi32, #tpu.memory_space<vmem>> -> memref<1x128xi32, #tpu.memory_space<vmem>>
    %dma_start3A_190 = tpu.memref_squeeze %dma_start3A_189 : memref<1x128xi32, #tpu.memory_space<vmem>> -> memref<128xi32, #tpu.memory_space<vmem>>
    %dma_start3A_191 = arith.constant 0 : i32
    %dma_start3A_192 = arith.constant 0 : i32
    %dma_start3A_193 = tpu.memref_slice %arg10[%dma_start3A_191, %dma_start3A_192] : memref<10240x64xf32, #tpu.memory_space<vmem_shared>> -> memref<10240x64xf32, #tpu.memory_space<vmem_shared>>
    tpu.enqueue_indirect_dma source(%dma_start3A_187 : memref<128x64xf32, #tpu.memory_space<vmem>>) target(%dma_start3A_193 : memref<10240x64xf32, #tpu.memory_space<vmem_shared>>) offsets(%dma_start3A_190 : memref<128xi32, #tpu.memory_space<vmem>>) semaphore(%arg21 : memref<!tpu.dma_semaphore, #tpu.memory_space<semaphore_mem>>) {add = true}
    %dma_wait3A_194 = arith.constant 256 : i32
    %dma_wait3A_195 = arith.constant 0 : i32
    %dma_wait3A_196 = tpu.memref_slice %arg9[%dma_wait3A_194, %dma_wait3A_195] : memref<1024x64xf32, #tpu.memory_space<vmem>> -> memref<128x64xf32, #tpu.memory_space<vmem>>
    %dma_wait3A_197 = arith.constant 0 : i32
    %dma_wait3A_198 = arith.constant 0 : i32
    %dma_wait3A_199 = tpu.memref_slice %arg5[%dma_wait3A_197, %dma_wait3A_198] : memref<10240x64xf32, #tpu.memory_space<hbm>> -> memref<128x64xf32, #tpu.memory_space<hbm>>
    %dma_wait3A_200 = arith.constant 256 : i32
    %dma_wait3A_201 = arith.constant 0 : i32
    %dma_wait3A_202 = tpu.memref_slice %arg9[%dma_wait3A_200, %dma_wait3A_201] : memref<1024x64xf32, #tpu.memory_space<vmem>> -> memref<128x64xf32, #tpu.memory_space<vmem>>
    %dma_wait3A_203 = arith.constant 0 : i32
    %dma_wait3A_204 = arith.constant 0 : i32
    %dma_wait3A_205 = tpu.memref_slice %arg5[%dma_wait3A_203, %dma_wait3A_204] : memref<10240x64xf32, #tpu.memory_space<hbm>> -> memref<128x64xf32, #tpu.memory_space<hbm>>
    tpu.wait_dma2 semaphore(%arg21 : memref<!tpu.dma_semaphore, #tpu.memory_space<semaphore_mem>>) src(%dma_wait3A_205 : memref<128x64xf32, #tpu.memory_space<hbm>>) dst(%dma_wait3A_202 : memref<128x64xf32, #tpu.memory_space<vmem>>)
    %dma_wait3A_206 = arith.constant 384 : i32
    %dma_wait3A_207 = arith.constant 0 : i32
    %dma_wait3A_208 = tpu.memref_slice %arg9[%dma_wait3A_206, %dma_wait3A_207] : memref<1024x64xf32, #tpu.memory_space<vmem>> -> memref<128x64xf32, #tpu.memory_space<vmem>>
    %dma_wait3A_209 = arith.constant 0 : i32
    %dma_wait3A_210 = arith.constant 0 : i32
    %dma_wait3A_211 = tpu.memref_slice %arg5[%dma_wait3A_209, %dma_wait3A_210] : memref<10240x64xf32, #tpu.memory_space<hbm>> -> memref<128x64xf32, #tpu.memory_space<hbm>>
    %dma_wait3A_212 = arith.constant 384 : i32
    %dma_wait3A_213 = arith.constant 0 : i32
    %dma_wait3A_214 = tpu.memref_slice %arg9[%dma_wait3A_212, %dma_wait3A_213] : memref<1024x64xf32, #tpu.memory_space<vmem>> -> memref<128x64xf32, #tpu.memory_space<vmem>>
    %dma_wait3A_215 = arith.constant 0 : i32
    %dma_wait3A_216 = arith.constant 0 : i32
    %dma_wait3A_217 = tpu.memref_slice %arg5[%dma_wait3A_215, %dma_wait3A_216] : memref<10240x64xf32, #tpu.memory_space<hbm>> -> memref<128x64xf32, #tpu.memory_space<hbm>>
    tpu.wait_dma2 semaphore(%arg14 : memref<!tpu.dma_semaphore, #tpu.memory_space<semaphore_mem>>) src(%dma_wait3A_217 : memref<128x64xf32, #tpu.memory_space<hbm>>) dst(%dma_wait3A_214 : memref<128x64xf32, #tpu.memory_space<vmem>>)
    %dma_start3A_218 = arith.constant 75 : i32
    %dma_start3A_219 = arith.constant 384 : i32
    %dma_start3A_220 = arith.constant 0 : i32
    %dma_start3A_221 = tpu.memref_slice %arg9[%dma_start3A_219, %dma_start3A_220] : memref<1024x64xf32, #tpu.memory_space<vmem>> -> memref<128x64xf32, #tpu.memory_space<vmem>>
    %dma_start3A_222 = arith.constant 0 : i32
    %dma_start3A_223 = tpu.memref_slice %arg8[%dma_start3A_218, %dma_start3A_222] : memref<80x128xi32, #tpu.memory_space<vmem>> -> memref<1x128xi32, #tpu.memory_space<vmem>>
    %dma_start3A_224 = tpu.memref_squeeze %dma_start3A_223 : memref<1x128xi32, #tpu.memory_space<vmem>> -> memref<128xi32, #tpu.memory_space<vmem>>
    %dma_start3A_225 = arith.constant 0 : i32
    %dma_start3A_226 = arith.constant 0 : i32
    %dma_start3A_227 = tpu.memref_slice %arg10[%dma_start3A_225, %dma_start3A_226] : memref<10240x64xf32, #tpu.memory_space<vmem_shared>> -> memref<10240x64xf32, #tpu.memory_space<vmem_shared>>
    tpu.enqueue_indirect_dma source(%dma_start3A_221 : memref<128x64xf32, #tpu.memory_space<vmem>>) target(%dma_start3A_227 : memref<10240x64xf32, #tpu.memory_space<vmem_shared>>) offsets(%dma_start3A_224 : memref<128xi32, #tpu.memory_space<vmem>>) semaphore(%arg22 : memref<!tpu.dma_semaphore, #tpu.memory_space<semaphore_mem>>) {add = true}
    %dma_wait3A_228 = arith.constant 384 : i32
    %dma_wait3A_229 = arith.constant 0 : i32
    %dma_wait3A_230 = tpu.memref_slice %arg9[%dma_wait3A_228, %dma_wait3A_229] : memref<1024x64xf32, #tpu.memory_space<vmem>> -> memref<128x64xf32, #tpu.memory_space<vmem>>
    %dma_wait3A_231 = arith.constant 0 : i32
    %dma_wait3A_232 = arith.constant 0 : i32
    %dma_wait3A_233 = tpu.memref_slice %arg5[%dma_wait3A_231, %dma_wait3A_232] : memref<10240x64xf32, #tpu.memory_space<hbm>> -> memref<128x64xf32, #tpu.memory_space<hbm>>
    %dma_wait3A_234 = arith.constant 384 : i32
    %dma_wait3A_235 = arith.constant 0 : i32
    %dma_wait3A_236 = tpu.memref_slice %arg9[%dma_wait3A_234, %dma_wait3A_235] : memref<1024x64xf32, #tpu.memory_space<vmem>> -> memref<128x64xf32, #tpu.memory_space<vmem>>
    %dma_wait3A_237 = arith.constant 0 : i32
    %dma_wait3A_238 = arith.constant 0 : i32
    %dma_wait3A_239 = tpu.memref_slice %arg5[%dma_wait3A_237, %dma_wait3A_238] : memref<10240x64xf32, #tpu.memory_space<hbm>> -> memref<128x64xf32, #tpu.memory_space<hbm>>
    tpu.wait_dma2 semaphore(%arg22 : memref<!tpu.dma_semaphore, #tpu.memory_space<semaphore_mem>>) src(%dma_wait3A_239 : memref<128x64xf32, #tpu.memory_space<hbm>>) dst(%dma_wait3A_236 : memref<128x64xf32, #tpu.memory_space<vmem>>)
    %dma_wait3A_240 = arith.constant 512 : i32
    %dma_wait3A_241 = arith.constant 0 : i32
    %dma_wait3A_242 = tpu.memref_slice %arg9[%dma_wait3A_240, %dma_wait3A_241] : memref<1024x64xf32, #tpu.memory_space<vmem>> -> memref<128x64xf32, #tpu.memory_space<vmem>>
    %dma_wait3A_243 = arith.constant 0 : i32
    %dma_wait3A_244 = arith.constant 0 : i32
    %dma_wait3A_245 = tpu.memref_slice %arg5[%dma_wait3A_243, %dma_wait3A_244] : memref<10240x64xf32, #tpu.memory_space<hbm>> -> memref<128x64xf32, #tpu.memory_space<hbm>>
    %dma_wait3A_246 = arith.constant 512 : i32
    %dma_wait3A_247 = arith.constant 0 : i32
    %dma_wait3A_248 = tpu.memref_slice %arg9[%dma_wait3A_246, %dma_wait3A_247] : memref<1024x64xf32, #tpu.memory_space<vmem>> -> memref<128x64xf32, #tpu.memory_space<vmem>>
    %dma_wait3A_249 = arith.constant 0 : i32
    %dma_wait3A_250 = arith.constant 0 : i32
    %dma_wait3A_251 = tpu.memref_slice %arg5[%dma_wait3A_249, %dma_wait3A_250] : memref<10240x64xf32, #tpu.memory_space<hbm>> -> memref<128x64xf32, #tpu.memory_space<hbm>>
    tpu.wait_dma2 semaphore(%arg15 : memref<!tpu.dma_semaphore, #tpu.memory_space<semaphore_mem>>) src(%dma_wait3A_251 : memref<128x64xf32, #tpu.memory_space<hbm>>) dst(%dma_wait3A_248 : memref<128x64xf32, #tpu.memory_space<vmem>>)
    %dma_start3A_252 = arith.constant 76 : i32
    %dma_start3A_253 = arith.constant 512 : i32
    %dma_start3A_254 = arith.constant 0 : i32
    %dma_start3A_255 = tpu.memref_slice %arg9[%dma_start3A_253, %dma_start3A_254] : memref<1024x64xf32, #tpu.memory_space<vmem>> -> memref<128x64xf32, #tpu.memory_space<vmem>>
    %dma_start3A_256 = arith.constant 0 : i32
    %dma_start3A_257 = tpu.memref_slice %arg8[%dma_start3A_252, %dma_start3A_256] : memref<80x128xi32, #tpu.memory_space<vmem>> -> memref<1x128xi32, #tpu.memory_space<vmem>>
    %dma_start3A_258 = tpu.memref_squeeze %dma_start3A_257 : memref<1x128xi32, #tpu.memory_space<vmem>> -> memref<128xi32, #tpu.memory_space<vmem>>
    %dma_start3A_259 = arith.constant 0 : i32
    %dma_start3A_260 = arith.constant 0 : i32
    %dma_start3A_261 = tpu.memref_slice %arg10[%dma_start3A_259, %dma_start3A_260] : memref<10240x64xf32, #tpu.memory_space<vmem_shared>> -> memref<10240x64xf32, #tpu.memory_space<vmem_shared>>
    tpu.enqueue_indirect_dma source(%dma_start3A_255 : memref<128x64xf32, #tpu.memory_space<vmem>>) target(%dma_start3A_261 : memref<10240x64xf32, #tpu.memory_space<vmem_shared>>) offsets(%dma_start3A_258 : memref<128xi32, #tpu.memory_space<vmem>>) semaphore(%arg23 : memref<!tpu.dma_semaphore, #tpu.memory_space<semaphore_mem>>) {add = true}
    %dma_wait3A_262 = arith.constant 512 : i32
    %dma_wait3A_263 = arith.constant 0 : i32
    %dma_wait3A_264 = tpu.memref_slice %arg9[%dma_wait3A_262, %dma_wait3A_263] : memref<1024x64xf32, #tpu.memory_space<vmem>> -> memref<128x64xf32, #tpu.memory_space<vmem>>
    %dma_wait3A_265 = arith.constant 0 : i32
    %dma_wait3A_266 = arith.constant 0 : i32
    %dma_wait3A_267 = tpu.memref_slice %arg5[%dma_wait3A_265, %dma_wait3A_266] : memref<10240x64xf32, #tpu.memory_space<hbm>> -> memref<128x64xf32, #tpu.memory_space<hbm>>
    %dma_wait3A_268 = arith.constant 512 : i32
    %dma_wait3A_269 = arith.constant 0 : i32
    %dma_wait3A_270 = tpu.memref_slice %arg9[%dma_wait3A_268, %dma_wait3A_269] : memref<1024x64xf32, #tpu.memory_space<vmem>> -> memref<128x64xf32, #tpu.memory_space<vmem>>
    %dma_wait3A_271 = arith.constant 0 : i32
    %dma_wait3A_272 = arith.constant 0 : i32
    %dma_wait3A_273 = tpu.memref_slice %arg5[%dma_wait3A_271, %dma_wait3A_272] : memref<10240x64xf32, #tpu.memory_space<hbm>> -> memref<128x64xf32, #tpu.memory_space<hbm>>
    tpu.wait_dma2 semaphore(%arg23 : memref<!tpu.dma_semaphore, #tpu.memory_space<semaphore_mem>>) src(%dma_wait3A_273 : memref<128x64xf32, #tpu.memory_space<hbm>>) dst(%dma_wait3A_270 : memref<128x64xf32, #tpu.memory_space<vmem>>)
    %dma_wait3A_274 = arith.constant 640 : i32
    %dma_wait3A_275 = arith.constant 0 : i32
    %dma_wait3A_276 = tpu.memref_slice %arg9[%dma_wait3A_274, %dma_wait3A_275] : memref<1024x64xf32, #tpu.memory_space<vmem>> -> memref<128x64xf32, #tpu.memory_space<vmem>>
    %dma_wait3A_277 = arith.constant 0 : i32
    %dma_wait3A_278 = arith.constant 0 : i32
    %dma_wait3A_279 = tpu.memref_slice %arg5[%dma_wait3A_277, %dma_wait3A_278] : memref<10240x64xf32, #tpu.memory_space<hbm>> -> memref<128x64xf32, #tpu.memory_space<hbm>>
    %dma_wait3A_280 = arith.constant 640 : i32
    %dma_wait3A_281 = arith.constant 0 : i32
    %dma_wait3A_282 = tpu.memref_slice %arg9[%dma_wait3A_280, %dma_wait3A_281] : memref<1024x64xf32, #tpu.memory_space<vmem>> -> memref<128x64xf32, #tpu.memory_space<vmem>>
    %dma_wait3A_283 = arith.constant 0 : i32
    %dma_wait3A_284 = arith.constant 0 : i32
    %dma_wait3A_285 = tpu.memref_slice %arg5[%dma_wait3A_283, %dma_wait3A_284] : memref<10240x64xf32, #tpu.memory_space<hbm>> -> memref<128x64xf32, #tpu.memory_space<hbm>>
    tpu.wait_dma2 semaphore(%arg16 : memref<!tpu.dma_semaphore, #tpu.memory_space<semaphore_mem>>) src(%dma_wait3A_285 : memref<128x64xf32, #tpu.memory_space<hbm>>) dst(%dma_wait3A_282 : memref<128x64xf32, #tpu.memory_space<vmem>>)
    %dma_start3A_286 = arith.constant 77 : i32
    %dma_start3A_287 = arith.constant 640 : i32
    %dma_start3A_288 = arith.constant 0 : i32
    %dma_start3A_289 = tpu.memref_slice %arg9[%dma_start3A_287, %dma_start3A_288] : memref<1024x64xf32, #tpu.memory_space<vmem>> -> memref<128x64xf32, #tpu.memory_space<vmem>>
    %dma_start3A_290 = arith.constant 0 : i32
    %dma_start3A_291 = tpu.memref_slice %arg8[%dma_start3A_286, %dma_start3A_290] : memref<80x128xi32, #tpu.memory_space<vmem>> -> memref<1x128xi32, #tpu.memory_space<vmem>>
    %dma_start3A_292 = tpu.memref_squeeze %dma_start3A_291 : memref<1x128xi32, #tpu.memory_space<vmem>> -> memref<128xi32, #tpu.memory_space<vmem>>
    %dma_start3A_293 = arith.constant 0 : i32
    %dma_start3A_294 = arith.constant 0 : i32
    %dma_start3A_295 = tpu.memref_slice %arg10[%dma_start3A_293, %dma_start3A_294] : memref<10240x64xf32, #tpu.memory_space<vmem_shared>> -> memref<10240x64xf32, #tpu.memory_space<vmem_shared>>
    tpu.enqueue_indirect_dma source(%dma_start3A_289 : memref<128x64xf32, #tpu.memory_space<vmem>>) target(%dma_start3A_295 : memref<10240x64xf32, #tpu.memory_space<vmem_shared>>) offsets(%dma_start3A_292 : memref<128xi32, #tpu.memory_space<vmem>>) semaphore(%arg24 : memref<!tpu.dma_semaphore, #tpu.memory_space<semaphore_mem>>) {add = true}
    %dma_wait3A_296 = arith.constant 640 : i32
    %dma_wait3A_297 = arith.constant 0 : i32
    %dma_wait3A_298 = tpu.memref_slice %arg9[%dma_wait3A_296, %dma_wait3A_297] : memref<1024x64xf32, #tpu.memory_space<vmem>> -> memref<128x64xf32, #tpu.memory_space<vmem>>
    %dma_wait3A_299 = arith.constant 0 : i32
    %dma_wait3A_300 = arith.constant 0 : i32
    %dma_wait3A_301 = tpu.memref_slice %arg5[%dma_wait3A_299, %dma_wait3A_300] : memref<10240x64xf32, #tpu.memory_space<hbm>> -> memref<128x64xf32, #tpu.memory_space<hbm>>
    %dma_wait3A_302 = arith.constant 640 : i32
    %dma_wait3A_303 = arith.constant 0 : i32
    %dma_wait3A_304 = tpu.memref_slice %arg9[%dma_wait3A_302, %dma_wait3A_303] : memref<1024x64xf32, #tpu.memory_space<vmem>> -> memref<128x64xf32, #tpu.memory_space<vmem>>
    %dma_wait3A_305 = arith.constant 0 : i32
    %dma_wait3A_306 = arith.constant 0 : i32
    %dma_wait3A_307 = tpu.memref_slice %arg5[%dma_wait3A_305, %dma_wait3A_306] : memref<10240x64xf32, #tpu.memory_space<hbm>> -> memref<128x64xf32, #tpu.memory_space<hbm>>
    tpu.wait_dma2 semaphore(%arg24 : memref<!tpu.dma_semaphore, #tpu.memory_space<semaphore_mem>>) src(%dma_wait3A_307 : memref<128x64xf32, #tpu.memory_space<hbm>>) dst(%dma_wait3A_304 : memref<128x64xf32, #tpu.memory_space<vmem>>)
    %dma_wait3A_308 = arith.constant 768 : i32
    %dma_wait3A_309 = arith.constant 0 : i32
    %dma_wait3A_310 = tpu.memref_slice %arg9[%dma_wait3A_308, %dma_wait3A_309] : memref<1024x64xf32, #tpu.memory_space<vmem>> -> memref<128x64xf32, #tpu.memory_space<vmem>>
    %dma_wait3A_311 = arith.constant 0 : i32
    %dma_wait3A_312 = arith.constant 0 : i32
    %dma_wait3A_313 = tpu.memref_slice %arg5[%dma_wait3A_311, %dma_wait3A_312] : memref<10240x64xf32, #tpu.memory_space<hbm>> -> memref<128x64xf32, #tpu.memory_space<hbm>>
    %dma_wait3A_314 = arith.constant 768 : i32
    %dma_wait3A_315 = arith.constant 0 : i32
    %dma_wait3A_316 = tpu.memref_slice %arg9[%dma_wait3A_314, %dma_wait3A_315] : memref<1024x64xf32, #tpu.memory_space<vmem>> -> memref<128x64xf32, #tpu.memory_space<vmem>>
    %dma_wait3A_317 = arith.constant 0 : i32
    %dma_wait3A_318 = arith.constant 0 : i32
    %dma_wait3A_319 = tpu.memref_slice %arg5[%dma_wait3A_317, %dma_wait3A_318] : memref<10240x64xf32, #tpu.memory_space<hbm>> -> memref<128x64xf32, #tpu.memory_space<hbm>>
    tpu.wait_dma2 semaphore(%arg17 : memref<!tpu.dma_semaphore, #tpu.memory_space<semaphore_mem>>) src(%dma_wait3A_319 : memref<128x64xf32, #tpu.memory_space<hbm>>) dst(%dma_wait3A_316 : memref<128x64xf32, #tpu.memory_space<vmem>>)
    %dma_start3A_320 = arith.constant 78 : i32
    %dma_start3A_321 = arith.constant 768 : i32
    %dma_start3A_322 = arith.constant 0 : i32
    %dma_start3A_323 = tpu.memref_slice %arg9[%dma_start3A_321, %dma_start3A_322] : memref<1024x64xf32, #tpu.memory_space<vmem>> -> memref<128x64xf32, #tpu.memory_space<vmem>>
    %dma_start3A_324 = arith.constant 0 : i32
    %dma_start3A_325 = tpu.memref_slice %arg8[%dma_start3A_320, %dma_start3A_324] : memref<80x128xi32, #tpu.memory_space<vmem>> -> memref<1x128xi32, #tpu.memory_space<vmem>>
    %dma_start3A_326 = tpu.memref_squeeze %dma_start3A_325 : memref<1x128xi32, #tpu.memory_space<vmem>> -> memref<128xi32, #tpu.memory_space<vmem>>
    %dma_start3A_327 = arith.constant 0 : i32
    %dma_start3A_328 = arith.constant 0 : i32
    %dma_start3A_329 = tpu.memref_slice %arg10[%dma_start3A_327, %dma_start3A_328] : memref<10240x64xf32, #tpu.memory_space<vmem_shared>> -> memref<10240x64xf32, #tpu.memory_space<vmem_shared>>
    tpu.enqueue_indirect_dma source(%dma_start3A_323 : memref<128x64xf32, #tpu.memory_space<vmem>>) target(%dma_start3A_329 : memref<10240x64xf32, #tpu.memory_space<vmem_shared>>) offsets(%dma_start3A_326 : memref<128xi32, #tpu.memory_space<vmem>>) semaphore(%arg25 : memref<!tpu.dma_semaphore, #tpu.memory_space<semaphore_mem>>) {add = true}
    %dma_wait3A_330 = arith.constant 768 : i32
    %dma_wait3A_331 = arith.constant 0 : i32
    %dma_wait3A_332 = tpu.memref_slice %arg9[%dma_wait3A_330, %dma_wait3A_331] : memref<1024x64xf32, #tpu.memory_space<vmem>> -> memref<128x64xf32, #tpu.memory_space<vmem>>
    %dma_wait3A_333 = arith.constant 0 : i32
    %dma_wait3A_334 = arith.constant 0 : i32
    %dma_wait3A_335 = tpu.memref_slice %arg5[%dma_wait3A_333, %dma_wait3A_334] : memref<10240x64xf32, #tpu.memory_space<hbm>> -> memref<128x64xf32, #tpu.memory_space<hbm>>
    %dma_wait3A_336 = arith.constant 768 : i32
    %dma_wait3A_337 = arith.constant 0 : i32
    %dma_wait3A_338 = tpu.memref_slice %arg9[%dma_wait3A_336, %dma_wait3A_337] : memref<1024x64xf32, #tpu.memory_space<vmem>> -> memref<128x64xf32, #tpu.memory_space<vmem>>
    %dma_wait3A_339 = arith.constant 0 : i32
    %dma_wait3A_340 = arith.constant 0 : i32
    %dma_wait3A_341 = tpu.memref_slice %arg5[%dma_wait3A_339, %dma_wait3A_340] : memref<10240x64xf32, #tpu.memory_space<hbm>> -> memref<128x64xf32, #tpu.memory_space<hbm>>
    tpu.wait_dma2 semaphore(%arg25 : memref<!tpu.dma_semaphore, #tpu.memory_space<semaphore_mem>>) src(%dma_wait3A_341 : memref<128x64xf32, #tpu.memory_space<hbm>>) dst(%dma_wait3A_338 : memref<128x64xf32, #tpu.memory_space<vmem>>)
    %dma_wait3A_342 = arith.constant 896 : i32
    %dma_wait3A_343 = arith.constant 0 : i32
    %dma_wait3A_344 = tpu.memref_slice %arg9[%dma_wait3A_342, %dma_wait3A_343] : memref<1024x64xf32, #tpu.memory_space<vmem>> -> memref<128x64xf32, #tpu.memory_space<vmem>>
    %dma_wait3A_345 = arith.constant 0 : i32
    %dma_wait3A_346 = arith.constant 0 : i32
    %dma_wait3A_347 = tpu.memref_slice %arg5[%dma_wait3A_345, %dma_wait3A_346] : memref<10240x64xf32, #tpu.memory_space<hbm>> -> memref<128x64xf32, #tpu.memory_space<hbm>>
    %dma_wait3A_348 = arith.constant 896 : i32
    %dma_wait3A_349 = arith.constant 0 : i32
    %dma_wait3A_350 = tpu.memref_slice %arg9[%dma_wait3A_348, %dma_wait3A_349] : memref<1024x64xf32, #tpu.memory_space<vmem>> -> memref<128x64xf32, #tpu.memory_space<vmem>>
    %dma_wait3A_351 = arith.constant 0 : i32
    %dma_wait3A_352 = arith.constant 0 : i32
    %dma_wait3A_353 = tpu.memref_slice %arg5[%dma_wait3A_351, %dma_wait3A_352] : memref<10240x64xf32, #tpu.memory_space<hbm>> -> memref<128x64xf32, #tpu.memory_space<hbm>>
    tpu.wait_dma2 semaphore(%arg18 : memref<!tpu.dma_semaphore, #tpu.memory_space<semaphore_mem>>) src(%dma_wait3A_353 : memref<128x64xf32, #tpu.memory_space<hbm>>) dst(%dma_wait3A_350 : memref<128x64xf32, #tpu.memory_space<vmem>>)
    %dma_start3A_354 = arith.constant 79 : i32
    %dma_start3A_355 = arith.constant 896 : i32
    %dma_start3A_356 = arith.constant 0 : i32
    %dma_start3A_357 = tpu.memref_slice %arg9[%dma_start3A_355, %dma_start3A_356] : memref<1024x64xf32, #tpu.memory_space<vmem>> -> memref<128x64xf32, #tpu.memory_space<vmem>>
    %dma_start3A_358 = arith.constant 0 : i32
    %dma_start3A_359 = tpu.memref_slice %arg8[%dma_start3A_354, %dma_start3A_358] : memref<80x128xi32, #tpu.memory_space<vmem>> -> memref<1x128xi32, #tpu.memory_space<vmem>>
    %dma_start3A_360 = tpu.memref_squeeze %dma_start3A_359 : memref<1x128xi32, #tpu.memory_space<vmem>> -> memref<128xi32, #tpu.memory_space<vmem>>
    %dma_start3A_361 = arith.constant 0 : i32
    %dma_start3A_362 = arith.constant 0 : i32
    %dma_start3A_363 = tpu.memref_slice %arg10[%dma_start3A_361, %dma_start3A_362] : memref<10240x64xf32, #tpu.memory_space<vmem_shared>> -> memref<10240x64xf32, #tpu.memory_space<vmem_shared>>
    tpu.enqueue_indirect_dma source(%dma_start3A_357 : memref<128x64xf32, #tpu.memory_space<vmem>>) target(%dma_start3A_363 : memref<10240x64xf32, #tpu.memory_space<vmem_shared>>) offsets(%dma_start3A_360 : memref<128xi32, #tpu.memory_space<vmem>>) semaphore(%arg26 : memref<!tpu.dma_semaphore, #tpu.memory_space<semaphore_mem>>) {add = true}
    %dma_wait3A_364 = arith.constant 896 : i32
    %dma_wait3A_365 = arith.constant 0 : i32
    %dma_wait3A_366 = tpu.memref_slice %arg9[%dma_wait3A_364, %dma_wait3A_365] : memref<1024x64xf32, #tpu.memory_space<vmem>> -> memref<128x64xf32, #tpu.memory_space<vmem>>
    %dma_wait3A_367 = arith.constant 0 : i32
    %dma_wait3A_368 = arith.constant 0 : i32
    %dma_wait3A_369 = tpu.memref_slice %arg5[%dma_wait3A_367, %dma_wait3A_368] : memref<10240x64xf32, #tpu.memory_space<hbm>> -> memref<128x64xf32, #tpu.memory_space<hbm>>
    %dma_wait3A_370 = arith.constant 896 : i32
    %dma_wait3A_371 = arith.constant 0 : i32
    %dma_wait3A_372 = tpu.memref_slice %arg9[%dma_wait3A_370, %dma_wait3A_371] : memref<1024x64xf32, #tpu.memory_space<vmem>> -> memref<128x64xf32, #tpu.memory_space<vmem>>
    %dma_wait3A_373 = arith.constant 0 : i32
    %dma_wait3A_374 = arith.constant 0 : i32
    %dma_wait3A_375 = tpu.memref_slice %arg5[%dma_wait3A_373, %dma_wait3A_374] : memref<10240x64xf32, #tpu.memory_space<hbm>> -> memref<128x64xf32, #tpu.memory_space<hbm>>
    tpu.wait_dma2 semaphore(%arg26 : memref<!tpu.dma_semaphore, #tpu.memory_space<semaphore_mem>>) src(%dma_wait3A_375 : memref<128x64xf32, #tpu.memory_space<hbm>>) dst(%dma_wait3A_372 : memref<128x64xf32, #tpu.memory_space<vmem>>)
    %barrier3A_376 = arith.constant 0 : index
    tpu.barrier barrier_id(%barrier3A_376)
    %mul3A_377 = arith.constant 640 : i32
    %mul3A_378 = arith.muli %arg1, %mul3A_377 : i32
    %mul3A_379 = arith.constant 640 : i32
    %mul3A_380 = arith.muli %arg1, %mul3A_379 : i32
    "tpu.region"() ({
      %run_scoped3A = tpu.sem_alloc : memref<!tpu.dma_semaphore, #tpu.memory_space<semaphore_mem>>
      %dma_start3A_381 = arith.constant 0 : i32
      %dma_start3A_382 = tpu.memref_slice %arg6[%arg0, %mul3A_380, %dma_start3A_381] : memref<2x10240x64xf32, #tpu.memory_space<hbm>> -> memref<1x640x64xf32, #tpu.memory_space<hbm>>
      %dma_start3A_383 = tpu.memref_squeeze %dma_start3A_382 : memref<1x640x64xf32, #tpu.memory_space<hbm>> -> memref<640x64xf32, #tpu.memory_space<hbm>>
      %dma_start3A_384 = arith.constant 0 : i32
      %dma_start3A_385 = tpu.memref_slice %arg10[%mul3A_378, %dma_start3A_384] : memref<10240x64xf32, #tpu.memory_space<vmem_shared>> -> memref<640x64xf32, #tpu.memory_space<vmem_shared>>
      tpu.enqueue_dma source(%dma_start3A_385 : memref<640x64xf32, #tpu.memory_space<vmem_shared>>) target(%dma_start3A_383 : memref<640x64xf32, #tpu.memory_space<hbm>>) target_semaphore(%run_scoped3A : memref<!tpu.dma_semaphore, #tpu.memory_space<semaphore_mem>>)
      %dma_wait3A_386 = arith.constant 0 : i32
      %dma_wait3A_387 = tpu.memref_slice %arg6[%arg0, %mul3A_380, %dma_wait3A_386] : memref<2x10240x64xf32, #tpu.memory_space<hbm>> -> memref<1x640x64xf32, #tpu.memory_space<hbm>>
      %dma_wait3A_388 = tpu.memref_squeeze %dma_wait3A_387 : memref<1x640x64xf32, #tpu.memory_space<hbm>> -> memref<640x64xf32, #tpu.memory_space<hbm>>
      %dma_wait3A_389 = arith.constant 0 : i32
      %dma_wait3A_390 = tpu.memref_slice %arg10[%mul3A_378, %dma_wait3A_389] : memref<10240x64xf32, #tpu.memory_space<vmem_shared>> -> memref<640x64xf32, #tpu.memory_space<vmem_shared>>
      tpu.wait_dma2 semaphore(%run_scoped3A : memref<!tpu.dma_semaphore, #tpu.memory_space<semaphore_mem>>) src(%dma_wait3A_390 : memref<640x64xf32, #tpu.memory_space<vmem_shared>>) dst(%dma_wait3A_388 : memref<640x64xf32, #tpu.memory_space<hbm>>)
      tpu.yield
    }) : () -> ()
    return
  }
}

#map = affine_map<(d0, d1) -> (0, 0, 0)>
#map1 = affine_map<(d0, d1) -> (0, 0)>
#map2 = affine_map<(d0, d1) -> (0)>
module attributes {stable_mosaic.version = 14 : i64} {
  func.func @_deg_kernel(%arg0: i32, %arg1: i32, %arg2: memref<2x2500x128xi32, #tpu.memory_space<hbm>>, %arg3: memref<60x128xi32, #tpu.memory_space<hbm>>, %arg4: memref<10240xf32, #tpu.memory_space<hbm>>, %arg5: memref<32x10240xf32, #tpu.memory_space<hbm>>, %arg6: memref<80x128xi32, #tpu.memory_space<vmem>>, %arg7: memref<10240xf32, #tpu.memory_space<vmem>>) attributes {dimension_semantics = [#tpu.dimension_semantics<core_parallel>, #tpu.dimension_semantics<subcore_parallel>], iteration_bounds = array<i64: 2, 16>, scalar_prefetch = 0 : i64, scratch_operands = 2 : i64, tpu.core_type = #tpu.core_type<sc_vector_subcore>, window_params = [{transform_indices = #map}, {transform_indices = #map1}, {transform_indices = #map2}, {transform_indices = #map1}]} {
    %mul3A = arith.constant 2 : i32
    %mul3A_0 = arith.muli %arg1, %mul3A : i32
    %add3A = arith.addi %mul3A_0, %arg0 : i32
    "tpu.region"() ({
      %run_scoped3A = tpu.sem_alloc : memref<!tpu.dma_semaphore, #tpu.memory_space<semaphore_mem>>
      tpu.enqueue_dma source(%arg4 : memref<10240xf32, #tpu.memory_space<hbm>>) target(%arg7 : memref<10240xf32, #tpu.memory_space<vmem>>) target_semaphore(%run_scoped3A : memref<!tpu.dma_semaphore, #tpu.memory_space<semaphore_mem>>)
      tpu.wait_dma2 semaphore(%run_scoped3A : memref<!tpu.dma_semaphore, #tpu.memory_space<semaphore_mem>>) src(%arg4 : memref<10240xf32, #tpu.memory_space<hbm>>) dst(%arg7 : memref<10240xf32, #tpu.memory_space<vmem>>)
      tpu.yield
    }) : () -> ()
    %lt3A = arith.constant 31 : i32
    %lt3A_1 = arith.cmpi slt, %add3A, %lt3A : i32
    %convert_element_type3A = arith.extui %lt3A_1 : i1 to i32
    %cond3A = arith.constant 0 : i32
    %cond3A_2 = arith.cmpi ne, %convert_element_type3A, %cond3A : i32
    scf.if %cond3A_2 {
      %mul3A_13 = arith.constant 80 : i32
      %mul3A_14 = arith.muli %add3A, %mul3A_13 : i32
      %run_scoped3A = arith.constant 1 : i32
      "tpu.region"() ({
        %run_scoped3A_15 = tpu.sem_alloc : memref<!tpu.dma_semaphore, #tpu.memory_space<semaphore_mem>>
        %dma_start3A = arith.constant 0 : i32
        %dma_start3A_16 = tpu.memref_slice %arg2[%run_scoped3A, %mul3A_14, %dma_start3A] : memref<2x2500x128xi32, #tpu.memory_space<hbm>> -> memref<1x80x128xi32, #tpu.memory_space<hbm>>
        %dma_start3A_17 = tpu.memref_squeeze %dma_start3A_16 : memref<1x80x128xi32, #tpu.memory_space<hbm>> -> memref<80x128xi32, #tpu.memory_space<hbm>>
        %dma_start3A_18 = arith.constant 0 : i32
        %dma_start3A_19 = tpu.memref_slice %arg2[%run_scoped3A, %mul3A_14, %dma_start3A_18] : memref<2x2500x128xi32, #tpu.memory_space<hbm>> -> memref<1x80x128xi32, #tpu.memory_space<hbm>>
        %dma_start3A_20 = tpu.memref_squeeze %dma_start3A_19 : memref<1x80x128xi32, #tpu.memory_space<hbm>> -> memref<80x128xi32, #tpu.memory_space<hbm>>
        tpu.enqueue_dma source(%dma_start3A_20 : memref<80x128xi32, #tpu.memory_space<hbm>>) target(%arg6 : memref<80x128xi32, #tpu.memory_space<vmem>>) target_semaphore(%run_scoped3A_15 : memref<!tpu.dma_semaphore, #tpu.memory_space<semaphore_mem>>)
        %dma_wait3A = arith.constant 0 : i32
        %dma_wait3A_21 = tpu.memref_slice %arg2[%run_scoped3A, %mul3A_14, %dma_wait3A] : memref<2x2500x128xi32, #tpu.memory_space<hbm>> -> memref<1x80x128xi32, #tpu.memory_space<hbm>>
        %dma_wait3A_22 = tpu.memref_squeeze %dma_wait3A_21 : memref<1x80x128xi32, #tpu.memory_space<hbm>> -> memref<80x128xi32, #tpu.memory_space<hbm>>
        %dma_wait3A_23 = arith.constant 0 : i32
        %dma_wait3A_24 = tpu.memref_slice %arg2[%run_scoped3A, %mul3A_14, %dma_wait3A_23] : memref<2x2500x128xi32, #tpu.memory_space<hbm>> -> memref<1x80x128xi32, #tpu.memory_space<hbm>>
        %dma_wait3A_25 = tpu.memref_squeeze %dma_wait3A_24 : memref<1x80x128xi32, #tpu.memory_space<hbm>> -> memref<80x128xi32, #tpu.memory_space<hbm>>
        tpu.wait_dma2 semaphore(%run_scoped3A_15 : memref<!tpu.dma_semaphore, #tpu.memory_space<semaphore_mem>>) src(%dma_wait3A_25 : memref<80x128xi32, #tpu.memory_space<hbm>>) dst(%arg6 : memref<80x128xi32, #tpu.memory_space<vmem>>)
        tpu.yield
      }) : () -> ()
    } else {
    }
    %eq3A = arith.constant 31 : i32
    %eq3A_3 = arith.cmpi eq, %add3A, %eq3A : i32
    %convert_element_type3A_4 = arith.extui %eq3A_3 : i1 to i32
    %cond3A_5 = arith.constant 0 : i32
    %cond3A_6 = arith.cmpi ne, %convert_element_type3A_4, %cond3A_5 : i32
    scf.if %cond3A_6 {
      %run_scoped3A = arith.constant 1 : i32
      "tpu.region"() ({
        %run_scoped3A_13 = tpu.sem_alloc : memref<!tpu.dma_semaphore, #tpu.memory_space<semaphore_mem>>
        %dma_start3A = arith.constant 0 : i32
        %dma_start3A_14 = arith.constant 0 : i32
        %dma_start3A_15 = tpu.memref_slice %arg6[%dma_start3A, %dma_start3A_14] : memref<80x128xi32, #tpu.memory_space<vmem>> -> memref<20x128xi32, #tpu.memory_space<vmem>>
        %dma_start3A_16 = arith.constant 2480 : i32
        %dma_start3A_17 = arith.constant 0 : i32
        %dma_start3A_18 = tpu.memref_slice %arg2[%run_scoped3A, %dma_start3A_16, %dma_start3A_17] : memref<2x2500x128xi32, #tpu.memory_space<hbm>> -> memref<1x20x128xi32, #tpu.memory_space<hbm>>
        %dma_start3A_19 = tpu.memref_squeeze %dma_start3A_18 : memref<1x20x128xi32, #tpu.memory_space<hbm>> -> memref<20x128xi32, #tpu.memory_space<hbm>>
        %dma_start3A_20 = arith.constant 0 : i32
        %dma_start3A_21 = arith.constant 0 : i32
        %dma_start3A_22 = tpu.memref_slice %arg6[%dma_start3A_20, %dma_start3A_21] : memref<80x128xi32, #tpu.memory_space<vmem>> -> memref<20x128xi32, #tpu.memory_space<vmem>>
        %dma_start3A_23 = arith.constant 2480 : i32
        %dma_start3A_24 = arith.constant 0 : i32
        %dma_start3A_25 = tpu.memref_slice %arg2[%run_scoped3A, %dma_start3A_23, %dma_start3A_24] : memref<2x2500x128xi32, #tpu.memory_space<hbm>> -> memref<1x20x128xi32, #tpu.memory_space<hbm>>
        %dma_start3A_26 = tpu.memref_squeeze %dma_start3A_25 : memref<1x20x128xi32, #tpu.memory_space<hbm>> -> memref<20x128xi32, #tpu.memory_space<hbm>>
        tpu.enqueue_dma source(%dma_start3A_26 : memref<20x128xi32, #tpu.memory_space<hbm>>) target(%dma_start3A_22 : memref<20x128xi32, #tpu.memory_space<vmem>>) target_semaphore(%run_scoped3A_13 : memref<!tpu.dma_semaphore, #tpu.memory_space<semaphore_mem>>)
        %dma_wait3A = arith.constant 0 : i32
        %dma_wait3A_27 = arith.constant 0 : i32
        %dma_wait3A_28 = tpu.memref_slice %arg6[%dma_wait3A, %dma_wait3A_27] : memref<80x128xi32, #tpu.memory_space<vmem>> -> memref<20x128xi32, #tpu.memory_space<vmem>>
        %dma_wait3A_29 = arith.constant 2480 : i32
        %dma_wait3A_30 = arith.constant 0 : i32
        %dma_wait3A_31 = tpu.memref_slice %arg2[%run_scoped3A, %dma_wait3A_29, %dma_wait3A_30] : memref<2x2500x128xi32, #tpu.memory_space<hbm>> -> memref<1x20x128xi32, #tpu.memory_space<hbm>>
        %dma_wait3A_32 = tpu.memref_squeeze %dma_wait3A_31 : memref<1x20x128xi32, #tpu.memory_space<hbm>> -> memref<20x128xi32, #tpu.memory_space<hbm>>
        %dma_wait3A_33 = arith.constant 0 : i32
        %dma_wait3A_34 = arith.constant 0 : i32
        %dma_wait3A_35 = tpu.memref_slice %arg6[%dma_wait3A_33, %dma_wait3A_34] : memref<80x128xi32, #tpu.memory_space<vmem>> -> memref<20x128xi32, #tpu.memory_space<vmem>>
        %dma_wait3A_36 = arith.constant 2480 : i32
        %dma_wait3A_37 = arith.constant 0 : i32
        %dma_wait3A_38 = tpu.memref_slice %arg2[%run_scoped3A, %dma_wait3A_36, %dma_wait3A_37] : memref<2x2500x128xi32, #tpu.memory_space<hbm>> -> memref<1x20x128xi32, #tpu.memory_space<hbm>>
        %dma_wait3A_39 = tpu.memref_squeeze %dma_wait3A_38 : memref<1x20x128xi32, #tpu.memory_space<hbm>> -> memref<20x128xi32, #tpu.memory_space<hbm>>
        tpu.wait_dma2 semaphore(%run_scoped3A_13 : memref<!tpu.dma_semaphore, #tpu.memory_space<semaphore_mem>>) src(%dma_wait3A_39 : memref<20x128xi32, #tpu.memory_space<hbm>>) dst(%dma_wait3A_35 : memref<20x128xi32, #tpu.memory_space<vmem>>)
        tpu.yield
      }) : () -> ()
      "tpu.region"() ({
        %run_scoped3A_13 = tpu.sem_alloc : memref<!tpu.dma_semaphore, #tpu.memory_space<semaphore_mem>>
        %dma_start3A = arith.constant 20 : i32
        %dma_start3A_14 = arith.constant 0 : i32
        %dma_start3A_15 = tpu.memref_slice %arg6[%dma_start3A, %dma_start3A_14] : memref<80x128xi32, #tpu.memory_space<vmem>> -> memref<60x128xi32, #tpu.memory_space<vmem>>
        %dma_start3A_16 = arith.constant 20 : i32
        %dma_start3A_17 = arith.constant 0 : i32
        %dma_start3A_18 = tpu.memref_slice %arg6[%dma_start3A_16, %dma_start3A_17] : memref<80x128xi32, #tpu.memory_space<vmem>> -> memref<60x128xi32, #tpu.memory_space<vmem>>
        tpu.enqueue_dma source(%arg3 : memref<60x128xi32, #tpu.memory_space<hbm>>) target(%dma_start3A_18 : memref<60x128xi32, #tpu.memory_space<vmem>>) target_semaphore(%run_scoped3A_13 : memref<!tpu.dma_semaphore, #tpu.memory_space<semaphore_mem>>)
        %dma_wait3A = arith.constant 20 : i32
        %dma_wait3A_19 = arith.constant 0 : i32
        %dma_wait3A_20 = tpu.memref_slice %arg6[%dma_wait3A, %dma_wait3A_19] : memref<80x128xi32, #tpu.memory_space<vmem>> -> memref<60x128xi32, #tpu.memory_space<vmem>>
        %dma_wait3A_21 = arith.constant 20 : i32
        %dma_wait3A_22 = arith.constant 0 : i32
        %dma_wait3A_23 = tpu.memref_slice %arg6[%dma_wait3A_21, %dma_wait3A_22] : memref<80x128xi32, #tpu.memory_space<vmem>> -> memref<60x128xi32, #tpu.memory_space<vmem>>
        tpu.wait_dma2 semaphore(%run_scoped3A_13 : memref<!tpu.dma_semaphore, #tpu.memory_space<semaphore_mem>>) src(%arg3 : memref<60x128xi32, #tpu.memory_space<hbm>>) dst(%dma_wait3A_23 : memref<60x128xi32, #tpu.memory_space<vmem>>)
        tpu.yield
      }) : () -> ()
    } else {
    }
    %broadcast_in_dim3A = arith.constant 1.000000e+00 : f32
    %broadcast_in_dim3A_7 = vector.broadcast %broadcast_in_dim3A : f32 to vector<16xf32>
    %scan3A = arith.constant 0 : i32
    %scan3A_8 = arith.constant 0 : i32
    %scan3A_9 = arith.constant 80 : i32
    %scan3A_10 = arith.addi %scan3A_8, %scan3A_9 : i32
    %scan3A_11 = arith.constant 1 : i32
    scf.for %scan3A_13 = %scan3A_8 to %scan3A_10 step %scan3A_11  : i32 {
      %get3A = arith.index_cast %scan3A_13 : i32 to index
      %get3A_14 = arith.constant 0 : index
      %get3A_15 = tpu.vector_load %arg6[%get3A, %get3A_14] {strides = array<i32>} : memref<80x128xi32, #tpu.memory_space<vmem>>, vector<16xi32>,
      tpu.vector_store_idx %arg7[%get3A_15], %broadcast_in_dim3A_7 {add = true} : memref<10240xf32, #tpu.memory_space<vmem>>[vector<16xi32>], vector<16xf32>,
      %get3A_16 = arith.index_cast %scan3A_13 : i32 to index
      %get3A_17 = arith.constant 16 : index
      %get3A_18 = tpu.vector_load %arg6[%get3A_16, %get3A_17] {strides = array<i32>} : memref<80x128xi32, #tpu.memory_space<vmem>>, vector<16xi32>,
      tpu.vector_store_idx %arg7[%get3A_18], %broadcast_in_dim3A_7 {add = true} : memref<10240xf32, #tpu.memory_space<vmem>>[vector<16xi32>], vector<16xf32>,
      %get3A_19 = arith.index_cast %scan3A_13 : i32 to index
      %get3A_20 = arith.constant 32 : index
      %get3A_21 = tpu.vector_load %arg6[%get3A_19, %get3A_20] {strides = array<i32>} : memref<80x128xi32, #tpu.memory_space<vmem>>, vector<16xi32>,
      tpu.vector_store_idx %arg7[%get3A_21], %broadcast_in_dim3A_7 {add = true} : memref<10240xf32, #tpu.memory_space<vmem>>[vector<16xi32>], vector<16xf32>,
      %get3A_22 = arith.index_cast %scan3A_13 : i32 to index
      %get3A_23 = arith.constant 48 : index
      %get3A_24 = tpu.vector_load %arg6[%get3A_22, %get3A_23] {strides = array<i32>} : memref<80x128xi32, #tpu.memory_space<vmem>>, vector<16xi32>,
      tpu.vector_store_idx %arg7[%get3A_24], %broadcast_in_dim3A_7 {add = true} : memref<10240xf32, #tpu.memory_space<vmem>>[vector<16xi32>], vector<16xf32>,
      %get3A_25 = arith.index_cast %scan3A_13 : i32 to index
      %get3A_26 = arith.constant 64 : index
      %get3A_27 = tpu.vector_load %arg6[%get3A_25, %get3A_26] {strides = array<i32>} : memref<80x128xi32, #tpu.memory_space<vmem>>, vector<16xi32>,
      tpu.vector_store_idx %arg7[%get3A_27], %broadcast_in_dim3A_7 {add = true} : memref<10240xf32, #tpu.memory_space<vmem>>[vector<16xi32>], vector<16xf32>,
      %get3A_28 = arith.index_cast %scan3A_13 : i32 to index
      %get3A_29 = arith.constant 80 : index
      %get3A_30 = tpu.vector_load %arg6[%get3A_28, %get3A_29] {strides = array<i32>} : memref<80x128xi32, #tpu.memory_space<vmem>>, vector<16xi32>,
      tpu.vector_store_idx %arg7[%get3A_30], %broadcast_in_dim3A_7 {add = true} : memref<10240xf32, #tpu.memory_space<vmem>>[vector<16xi32>], vector<16xf32>,
      %get3A_31 = arith.index_cast %scan3A_13 : i32 to index
      %get3A_32 = arith.constant 96 : index
      %get3A_33 = tpu.vector_load %arg6[%get3A_31, %get3A_32] {strides = array<i32>} : memref<80x128xi32, #tpu.memory_space<vmem>>, vector<16xi32>,
      tpu.vector_store_idx %arg7[%get3A_33], %broadcast_in_dim3A_7 {add = true} : memref<10240xf32, #tpu.memory_space<vmem>>[vector<16xi32>], vector<16xf32>,
      %get3A_34 = arith.index_cast %scan3A_13 : i32 to index
      %get3A_35 = arith.constant 112 : index
      %get3A_36 = tpu.vector_load %arg6[%get3A_34, %get3A_35] {strides = array<i32>} : memref<80x128xi32, #tpu.memory_space<vmem>>, vector<16xi32>,
      tpu.vector_store_idx %arg7[%get3A_36], %broadcast_in_dim3A_7 {add = true} : memref<10240xf32, #tpu.memory_space<vmem>>[vector<16xi32>], vector<16xf32>,
    }
    %scan3A_12 = arith.constant 80 : i32
    "tpu.region"() ({
      %run_scoped3A = tpu.sem_alloc : memref<!tpu.dma_semaphore, #tpu.memory_space<semaphore_mem>>
      %dma_start3A = arith.constant 0 : i32
      %dma_start3A_13 = tpu.memref_slice %arg5[%add3A, %dma_start3A] : memref<32x10240xf32, #tpu.memory_space<hbm>> -> memref<1x10240xf32, #tpu.memory_space<hbm>>
      %dma_start3A_14 = tpu.memref_squeeze %dma_start3A_13 : memref<1x10240xf32, #tpu.memory_space<hbm>> -> memref<10240xf32, #tpu.memory_space<hbm>>
      %dma_start3A_15 = arith.constant 0 : i32
      %dma_start3A_16 = tpu.memref_slice %arg5[%add3A, %dma_start3A_15] : memref<32x10240xf32, #tpu.memory_space<hbm>> -> memref<1x10240xf32, #tpu.memory_space<hbm>>
      %dma_start3A_17 = tpu.memref_squeeze %dma_start3A_16 : memref<1x10240xf32, #tpu.memory_space<hbm>> -> memref<10240xf32, #tpu.memory_space<hbm>>
      tpu.enqueue_dma source(%arg7 : memref<10240xf32, #tpu.memory_space<vmem>>) target(%dma_start3A_17 : memref<10240xf32, #tpu.memory_space<hbm>>) target_semaphore(%run_scoped3A : memref<!tpu.dma_semaphore, #tpu.memory_space<semaphore_mem>>)
      %dma_wait3A = arith.constant 0 : i32
      %dma_wait3A_18 = tpu.memref_slice %arg5[%add3A, %dma_wait3A] : memref<32x10240xf32, #tpu.memory_space<hbm>> -> memref<1x10240xf32, #tpu.memory_space<hbm>>
      %dma_wait3A_19 = tpu.memref_squeeze %dma_wait3A_18 : memref<1x10240xf32, #tpu.memory_space<hbm>> -> memref<10240xf32, #tpu.memory_space<hbm>>
      %dma_wait3A_20 = arith.constant 0 : i32
      %dma_wait3A_21 = tpu.memref_slice %arg5[%add3A, %dma_wait3A_20] : memref<32x10240xf32, #tpu.memory_space<hbm>> -> memref<1x10240xf32, #tpu.memory_space<hbm>>
      %dma_wait3A_22 = tpu.memref_squeeze %dma_wait3A_21 : memref<1x10240xf32, #tpu.memory_space<hbm>> -> memref<10240xf32, #tpu.memory_space<hbm>>
      tpu.wait_dma2 semaphore(%run_scoped3A : memref<!tpu.dma_semaphore, #tpu.memory_space<semaphore_mem>>) src(%arg7 : memref<10240xf32, #tpu.memory_space<vmem>>) dst(%dma_wait3A_22 : memref<10240xf32, #tpu.memory_space<hbm>>)
      tpu.yield
    }) : () -> ()
    return
  }
}

#map = affine_map<(d0, d1) -> (0, 0)>
#map1 = affine_map<(d0, d1) -> (0, 0, 0)>
module attributes {stable_mosaic.version = 14 : i64} {
  func.func @agg(%arg0: i32, %arg1: i32, %arg2: memref<10240x16xf32, #tpu.memory_space<hbm>>, %arg3: memref<2x2500x128xi32, #tpu.memory_space<hbm>>, %arg4: memref<60x128xi32, #tpu.memory_space<hbm>>, %arg5: memref<10240x16xf32, #tpu.memory_space<hbm>>, %arg6: memref<2x10240x16xf32, #tpu.memory_space<hbm>>, %arg7: memref<80x128xi32, #tpu.memory_space<vmem>>, %arg8: memref<80x128xi32, #tpu.memory_space<vmem>>, %arg9: memref<1024x16xf32, #tpu.memory_space<vmem>>, %arg10: memref<10240x16xf32, #tpu.memory_space<vmem_shared>>, %arg11: memref<!tpu.dma_semaphore, #tpu.memory_space<semaphore_mem>>, %arg12: memref<!tpu.dma_semaphore, #tpu.memory_space<semaphore_mem>>, %arg13: memref<!tpu.dma_semaphore, #tpu.memory_space<semaphore_mem>>, %arg14: memref<!tpu.dma_semaphore, #tpu.memory_space<semaphore_mem>>, %arg15: memref<!tpu.dma_semaphore, #tpu.memory_space<semaphore_mem>>, %arg16: memref<!tpu.dma_semaphore, #tpu.memory_space<semaphore_mem>>, %arg17: memref<!tpu.dma_semaphore, #tpu.memory_space<semaphore_mem>>, %arg18: memref<!tpu.dma_semaphore, #tpu.memory_space<semaphore_mem>>, %arg19: memref<!tpu.dma_semaphore, #tpu.memory_space<semaphore_mem>>, %arg20: memref<!tpu.dma_semaphore, #tpu.memory_space<semaphore_mem>>, %arg21: memref<!tpu.dma_semaphore, #tpu.memory_space<semaphore_mem>>, %arg22: memref<!tpu.dma_semaphore, #tpu.memory_space<semaphore_mem>>, %arg23: memref<!tpu.dma_semaphore, #tpu.memory_space<semaphore_mem>>, %arg24: memref<!tpu.dma_semaphore, #tpu.memory_space<semaphore_mem>>, %arg25: memref<!tpu.dma_semaphore, #tpu.memory_space<semaphore_mem>>, %arg26: memref<!tpu.dma_semaphore, #tpu.memory_space<semaphore_mem>>) attributes {dimension_semantics = [#tpu.dimension_semantics<core_parallel>, #tpu.dimension_semantics<subcore_parallel>], iteration_bounds = array<i64: 2, 16>, scalar_prefetch = 0 : i64, scratch_operands = 20 : i64, tpu.core_type = #tpu.core_type<sc_vector_subcore>, window_params = [{transform_indices = #map}, {transform_indices = #map1}, {transform_indices = #map}, {transform_indices = #map}, {transform_indices = #map1}]} {
    %mul3A = arith.constant 2 : i32
    %mul3A_0 = arith.muli %arg1, %mul3A : i32
    %add3A = arith.addi %mul3A_0, %arg0 : i32
    %mul3A_1 = arith.constant 640 : i32
    %mul3A_2 = arith.muli %arg1, %mul3A_1 : i32
    %mul3A_3 = arith.constant 640 : i32
    %mul3A_4 = arith.muli %arg1, %mul3A_3 : i32
    "tpu.region"() ({
      %run_scoped3A = tpu.sem_alloc : memref<!tpu.dma_semaphore, #tpu.memory_space<semaphore_mem>>
      %dma_start3A_381 = arith.constant 0 : i32
      %dma_start3A_382 = tpu.memref_slice %arg10[%mul3A_4, %dma_start3A_381] : memref<10240x16xf32, #tpu.memory_space<vmem_shared>> -> memref<640x16xf32, #tpu.memory_space<vmem_shared>>
      %dma_start3A_383 = arith.constant 0 : i32
      %dma_start3A_384 = tpu.memref_slice %arg5[%mul3A_2, %dma_start3A_383] : memref<10240x16xf32, #tpu.memory_space<hbm>> -> memref<640x16xf32, #tpu.memory_space<hbm>>
      tpu.enqueue_dma source(%dma_start3A_384 : memref<640x16xf32, #tpu.memory_space<hbm>>) target(%dma_start3A_382 : memref<640x16xf32, #tpu.memory_space<vmem_shared>>) target_semaphore(%run_scoped3A : memref<!tpu.dma_semaphore, #tpu.memory_space<semaphore_mem>>)
      %dma_wait3A_385 = arith.constant 0 : i32
      %dma_wait3A_386 = tpu.memref_slice %arg10[%mul3A_4, %dma_wait3A_385] : memref<10240x16xf32, #tpu.memory_space<vmem_shared>> -> memref<640x16xf32, #tpu.memory_space<vmem_shared>>
      %dma_wait3A_387 = arith.constant 0 : i32
      %dma_wait3A_388 = tpu.memref_slice %arg5[%mul3A_2, %dma_wait3A_387] : memref<10240x16xf32, #tpu.memory_space<hbm>> -> memref<640x16xf32, #tpu.memory_space<hbm>>
      tpu.wait_dma2 semaphore(%run_scoped3A : memref<!tpu.dma_semaphore, #tpu.memory_space<semaphore_mem>>) src(%dma_wait3A_388 : memref<640x16xf32, #tpu.memory_space<hbm>>) dst(%dma_wait3A_386 : memref<640x16xf32, #tpu.memory_space<vmem_shared>>)
      tpu.yield
    }) : () -> ()
    %lt3A = arith.constant 31 : i32
    %lt3A_5 = arith.cmpi slt, %add3A, %lt3A : i32
    %convert_element_type3A = arith.extui %lt3A_5 : i1 to i32
    %cond3A = arith.constant 0 : i32
    %cond3A_6 = arith.cmpi ne, %convert_element_type3A, %cond3A : i32
    scf.if %cond3A_6 {
      %mul3A_381 = arith.constant 80 : i32
      %mul3A_382 = arith.muli %add3A, %mul3A_381 : i32
      %run_scoped3A = arith.constant 0 : i32
      "tpu.region"() ({
        %run_scoped3A_383 = tpu.sem_alloc : memref<!tpu.dma_semaphore, #tpu.memory_space<semaphore_mem>>
        %dma_start3A_384 = arith.constant 0 : i32
        %dma_start3A_385 = tpu.memref_slice %arg3[%run_scoped3A, %mul3A_382, %dma_start3A_384] : memref<2x2500x128xi32, #tpu.memory_space<hbm>> -> memref<1x80x128xi32, #tpu.memory_space<hbm>>
        %dma_start3A_386 = tpu.memref_squeeze %dma_start3A_385 : memref<1x80x128xi32, #tpu.memory_space<hbm>> -> memref<80x128xi32, #tpu.memory_space<hbm>>
        %dma_start3A_387 = arith.constant 0 : i32
        %dma_start3A_388 = tpu.memref_slice %arg3[%run_scoped3A, %mul3A_382, %dma_start3A_387] : memref<2x2500x128xi32, #tpu.memory_space<hbm>> -> memref<1x80x128xi32, #tpu.memory_space<hbm>>
        %dma_start3A_389 = tpu.memref_squeeze %dma_start3A_388 : memref<1x80x128xi32, #tpu.memory_space<hbm>> -> memref<80x128xi32, #tpu.memory_space<hbm>>
        tpu.enqueue_dma source(%dma_start3A_389 : memref<80x128xi32, #tpu.memory_space<hbm>>) target(%arg7 : memref<80x128xi32, #tpu.memory_space<vmem>>) target_semaphore(%run_scoped3A_383 : memref<!tpu.dma_semaphore, #tpu.memory_space<semaphore_mem>>)
        %dma_wait3A_390 = arith.constant 0 : i32
        %dma_wait3A_391 = tpu.memref_slice %arg3[%run_scoped3A, %mul3A_382, %dma_wait3A_390] : memref<2x2500x128xi32, #tpu.memory_space<hbm>> -> memref<1x80x128xi32, #tpu.memory_space<hbm>>
        %dma_wait3A_392 = tpu.memref_squeeze %dma_wait3A_391 : memref<1x80x128xi32, #tpu.memory_space<hbm>> -> memref<80x128xi32, #tpu.memory_space<hbm>>
        %dma_wait3A_393 = arith.constant 0 : i32
        %dma_wait3A_394 = tpu.memref_slice %arg3[%run_scoped3A, %mul3A_382, %dma_wait3A_393] : memref<2x2500x128xi32, #tpu.memory_space<hbm>> -> memref<1x80x128xi32, #tpu.memory_space<hbm>>
        %dma_wait3A_395 = tpu.memref_squeeze %dma_wait3A_394 : memref<1x80x128xi32, #tpu.memory_space<hbm>> -> memref<80x128xi32, #tpu.memory_space<hbm>>
        tpu.wait_dma2 semaphore(%run_scoped3A_383 : memref<!tpu.dma_semaphore, #tpu.memory_space<semaphore_mem>>) src(%dma_wait3A_395 : memref<80x128xi32, #tpu.memory_space<hbm>>) dst(%arg7 : memref<80x128xi32, #tpu.memory_space<vmem>>)
        tpu.yield
      }) : () -> ()
    } else {
    }
    %eq3A = arith.constant 31 : i32
    %eq3A_7 = arith.cmpi eq, %add3A, %eq3A : i32
    %convert_element_type3A_8 = arith.extui %eq3A_7 : i1 to i32
    %cond3A_9 = arith.constant 0 : i32
    %cond3A_10 = arith.cmpi ne, %convert_element_type3A_8, %cond3A_9 : i32
    scf.if %cond3A_10 {
      %run_scoped3A = arith.constant 0 : i32
      "tpu.region"() ({
        %run_scoped3A_381 = tpu.sem_alloc : memref<!tpu.dma_semaphore, #tpu.memory_space<semaphore_mem>>
        %dma_start3A_382 = arith.constant 0 : i32
        %dma_start3A_383 = arith.constant 0 : i32
        %dma_start3A_384 = tpu.memref_slice %arg7[%dma_start3A_382, %dma_start3A_383] : memref<80x128xi32, #tpu.memory_space<vmem>> -> memref<20x128xi32, #tpu.memory_space<vmem>>
        %dma_start3A_385 = arith.constant 2480 : i32
        %dma_start3A_386 = arith.constant 0 : i32
        %dma_start3A_387 = tpu.memref_slice %arg3[%run_scoped3A, %dma_start3A_385, %dma_start3A_386] : memref<2x2500x128xi32, #tpu.memory_space<hbm>> -> memref<1x20x128xi32, #tpu.memory_space<hbm>>
        %dma_start3A_388 = tpu.memref_squeeze %dma_start3A_387 : memref<1x20x128xi32, #tpu.memory_space<hbm>> -> memref<20x128xi32, #tpu.memory_space<hbm>>
        %dma_start3A_389 = arith.constant 0 : i32
        %dma_start3A_390 = arith.constant 0 : i32
        %dma_start3A_391 = tpu.memref_slice %arg7[%dma_start3A_389, %dma_start3A_390] : memref<80x128xi32, #tpu.memory_space<vmem>> -> memref<20x128xi32, #tpu.memory_space<vmem>>
        %dma_start3A_392 = arith.constant 2480 : i32
        %dma_start3A_393 = arith.constant 0 : i32
        %dma_start3A_394 = tpu.memref_slice %arg3[%run_scoped3A, %dma_start3A_392, %dma_start3A_393] : memref<2x2500x128xi32, #tpu.memory_space<hbm>> -> memref<1x20x128xi32, #tpu.memory_space<hbm>>
        %dma_start3A_395 = tpu.memref_squeeze %dma_start3A_394 : memref<1x20x128xi32, #tpu.memory_space<hbm>> -> memref<20x128xi32, #tpu.memory_space<hbm>>
        tpu.enqueue_dma source(%dma_start3A_395 : memref<20x128xi32, #tpu.memory_space<hbm>>) target(%dma_start3A_391 : memref<20x128xi32, #tpu.memory_space<vmem>>) target_semaphore(%run_scoped3A_381 : memref<!tpu.dma_semaphore, #tpu.memory_space<semaphore_mem>>)
        %dma_wait3A_396 = arith.constant 0 : i32
        %dma_wait3A_397 = arith.constant 0 : i32
        %dma_wait3A_398 = tpu.memref_slice %arg7[%dma_wait3A_396, %dma_wait3A_397] : memref<80x128xi32, #tpu.memory_space<vmem>> -> memref<20x128xi32, #tpu.memory_space<vmem>>
        %dma_wait3A_399 = arith.constant 2480 : i32
        %dma_wait3A_400 = arith.constant 0 : i32
        %dma_wait3A_401 = tpu.memref_slice %arg3[%run_scoped3A, %dma_wait3A_399, %dma_wait3A_400] : memref<2x2500x128xi32, #tpu.memory_space<hbm>> -> memref<1x20x128xi32, #tpu.memory_space<hbm>>
        %dma_wait3A_402 = tpu.memref_squeeze %dma_wait3A_401 : memref<1x20x128xi32, #tpu.memory_space<hbm>> -> memref<20x128xi32, #tpu.memory_space<hbm>>
        %dma_wait3A_403 = arith.constant 0 : i32
        %dma_wait3A_404 = arith.constant 0 : i32
        %dma_wait3A_405 = tpu.memref_slice %arg7[%dma_wait3A_403, %dma_wait3A_404] : memref<80x128xi32, #tpu.memory_space<vmem>> -> memref<20x128xi32, #tpu.memory_space<vmem>>
        %dma_wait3A_406 = arith.constant 2480 : i32
        %dma_wait3A_407 = arith.constant 0 : i32
        %dma_wait3A_408 = tpu.memref_slice %arg3[%run_scoped3A, %dma_wait3A_406, %dma_wait3A_407] : memref<2x2500x128xi32, #tpu.memory_space<hbm>> -> memref<1x20x128xi32, #tpu.memory_space<hbm>>
        %dma_wait3A_409 = tpu.memref_squeeze %dma_wait3A_408 : memref<1x20x128xi32, #tpu.memory_space<hbm>> -> memref<20x128xi32, #tpu.memory_space<hbm>>
        tpu.wait_dma2 semaphore(%run_scoped3A_381 : memref<!tpu.dma_semaphore, #tpu.memory_space<semaphore_mem>>) src(%dma_wait3A_409 : memref<20x128xi32, #tpu.memory_space<hbm>>) dst(%dma_wait3A_405 : memref<20x128xi32, #tpu.memory_space<vmem>>)
        tpu.yield
      }) : () -> ()
      "tpu.region"() ({
        %run_scoped3A_381 = tpu.sem_alloc : memref<!tpu.dma_semaphore, #tpu.memory_space<semaphore_mem>>
        %dma_start3A_382 = arith.constant 20 : i32
        %dma_start3A_383 = arith.constant 0 : i32
        %dma_start3A_384 = tpu.memref_slice %arg7[%dma_start3A_382, %dma_start3A_383] : memref<80x128xi32, #tpu.memory_space<vmem>> -> memref<60x128xi32, #tpu.memory_space<vmem>>
        %dma_start3A_385 = arith.constant 20 : i32
        %dma_start3A_386 = arith.constant 0 : i32
        %dma_start3A_387 = tpu.memref_slice %arg7[%dma_start3A_385, %dma_start3A_386] : memref<80x128xi32, #tpu.memory_space<vmem>> -> memref<60x128xi32, #tpu.memory_space<vmem>>
        tpu.enqueue_dma source(%arg4 : memref<60x128xi32, #tpu.memory_space<hbm>>) target(%dma_start3A_387 : memref<60x128xi32, #tpu.memory_space<vmem>>) target_semaphore(%run_scoped3A_381 : memref<!tpu.dma_semaphore, #tpu.memory_space<semaphore_mem>>)
        %dma_wait3A_388 = arith.constant 20 : i32
        %dma_wait3A_389 = arith.constant 0 : i32
        %dma_wait3A_390 = tpu.memref_slice %arg7[%dma_wait3A_388, %dma_wait3A_389] : memref<80x128xi32, #tpu.memory_space<vmem>> -> memref<60x128xi32, #tpu.memory_space<vmem>>
        %dma_wait3A_391 = arith.constant 20 : i32
        %dma_wait3A_392 = arith.constant 0 : i32
        %dma_wait3A_393 = tpu.memref_slice %arg7[%dma_wait3A_391, %dma_wait3A_392] : memref<80x128xi32, #tpu.memory_space<vmem>> -> memref<60x128xi32, #tpu.memory_space<vmem>>
        tpu.wait_dma2 semaphore(%run_scoped3A_381 : memref<!tpu.dma_semaphore, #tpu.memory_space<semaphore_mem>>) src(%arg4 : memref<60x128xi32, #tpu.memory_space<hbm>>) dst(%dma_wait3A_393 : memref<60x128xi32, #tpu.memory_space<vmem>>)
        tpu.yield
      }) : () -> ()
    } else {
    }
    %lt3A_11 = arith.constant 31 : i32
    %lt3A_12 = arith.cmpi slt, %add3A, %lt3A_11 : i32
    %convert_element_type3A_13 = arith.extui %lt3A_12 : i1 to i32
    %cond3A_14 = arith.constant 0 : i32
    %cond3A_15 = arith.cmpi ne, %convert_element_type3A_13, %cond3A_14 : i32
    scf.if %cond3A_15 {
      %mul3A_381 = arith.constant 80 : i32
      %mul3A_382 = arith.muli %add3A, %mul3A_381 : i32
      %run_scoped3A = arith.constant 1 : i32
      "tpu.region"() ({
        %run_scoped3A_383 = tpu.sem_alloc : memref<!tpu.dma_semaphore, #tpu.memory_space<semaphore_mem>>
        %dma_start3A_384 = arith.constant 0 : i32
        %dma_start3A_385 = tpu.memref_slice %arg3[%run_scoped3A, %mul3A_382, %dma_start3A_384] : memref<2x2500x128xi32, #tpu.memory_space<hbm>> -> memref<1x80x128xi32, #tpu.memory_space<hbm>>
        %dma_start3A_386 = tpu.memref_squeeze %dma_start3A_385 : memref<1x80x128xi32, #tpu.memory_space<hbm>> -> memref<80x128xi32, #tpu.memory_space<hbm>>
        %dma_start3A_387 = arith.constant 0 : i32
        %dma_start3A_388 = tpu.memref_slice %arg3[%run_scoped3A, %mul3A_382, %dma_start3A_387] : memref<2x2500x128xi32, #tpu.memory_space<hbm>> -> memref<1x80x128xi32, #tpu.memory_space<hbm>>
        %dma_start3A_389 = tpu.memref_squeeze %dma_start3A_388 : memref<1x80x128xi32, #tpu.memory_space<hbm>> -> memref<80x128xi32, #tpu.memory_space<hbm>>
        tpu.enqueue_dma source(%dma_start3A_389 : memref<80x128xi32, #tpu.memory_space<hbm>>) target(%arg8 : memref<80x128xi32, #tpu.memory_space<vmem>>) target_semaphore(%run_scoped3A_383 : memref<!tpu.dma_semaphore, #tpu.memory_space<semaphore_mem>>)
        %dma_wait3A_390 = arith.constant 0 : i32
        %dma_wait3A_391 = tpu.memref_slice %arg3[%run_scoped3A, %mul3A_382, %dma_wait3A_390] : memref<2x2500x128xi32, #tpu.memory_space<hbm>> -> memref<1x80x128xi32, #tpu.memory_space<hbm>>
        %dma_wait3A_392 = tpu.memref_squeeze %dma_wait3A_391 : memref<1x80x128xi32, #tpu.memory_space<hbm>> -> memref<80x128xi32, #tpu.memory_space<hbm>>
        %dma_wait3A_393 = arith.constant 0 : i32
        %dma_wait3A_394 = tpu.memref_slice %arg3[%run_scoped3A, %mul3A_382, %dma_wait3A_393] : memref<2x2500x128xi32, #tpu.memory_space<hbm>> -> memref<1x80x128xi32, #tpu.memory_space<hbm>>
        %dma_wait3A_395 = tpu.memref_squeeze %dma_wait3A_394 : memref<1x80x128xi32, #tpu.memory_space<hbm>> -> memref<80x128xi32, #tpu.memory_space<hbm>>
        tpu.wait_dma2 semaphore(%run_scoped3A_383 : memref<!tpu.dma_semaphore, #tpu.memory_space<semaphore_mem>>) src(%dma_wait3A_395 : memref<80x128xi32, #tpu.memory_space<hbm>>) dst(%arg8 : memref<80x128xi32, #tpu.memory_space<vmem>>)
        tpu.yield
      }) : () -> ()
    } else {
    }
    %eq3A_16 = arith.constant 31 : i32
    %eq3A_17 = arith.cmpi eq, %add3A, %eq3A_16 : i32
    %convert_element_type3A_18 = arith.extui %eq3A_17 : i1 to i32
    %cond3A_19 = arith.constant 0 : i32
    %cond3A_20 = arith.cmpi ne, %convert_element_type3A_18, %cond3A_19 : i32
    scf.if %cond3A_20 {
      %run_scoped3A = arith.constant 1 : i32
      "tpu.region"() ({
        %run_scoped3A_381 = tpu.sem_alloc : memref<!tpu.dma_semaphore, #tpu.memory_space<semaphore_mem>>
        %dma_start3A_382 = arith.constant 0 : i32
        %dma_start3A_383 = arith.constant 0 : i32
        %dma_start3A_384 = tpu.memref_slice %arg8[%dma_start3A_382, %dma_start3A_383] : memref<80x128xi32, #tpu.memory_space<vmem>> -> memref<20x128xi32, #tpu.memory_space<vmem>>
        %dma_start3A_385 = arith.constant 2480 : i32
        %dma_start3A_386 = arith.constant 0 : i32
        %dma_start3A_387 = tpu.memref_slice %arg3[%run_scoped3A, %dma_start3A_385, %dma_start3A_386] : memref<2x2500x128xi32, #tpu.memory_space<hbm>> -> memref<1x20x128xi32, #tpu.memory_space<hbm>>
        %dma_start3A_388 = tpu.memref_squeeze %dma_start3A_387 : memref<1x20x128xi32, #tpu.memory_space<hbm>> -> memref<20x128xi32, #tpu.memory_space<hbm>>
        %dma_start3A_389 = arith.constant 0 : i32
        %dma_start3A_390 = arith.constant 0 : i32
        %dma_start3A_391 = tpu.memref_slice %arg8[%dma_start3A_389, %dma_start3A_390] : memref<80x128xi32, #tpu.memory_space<vmem>> -> memref<20x128xi32, #tpu.memory_space<vmem>>
        %dma_start3A_392 = arith.constant 2480 : i32
        %dma_start3A_393 = arith.constant 0 : i32
        %dma_start3A_394 = tpu.memref_slice %arg3[%run_scoped3A, %dma_start3A_392, %dma_start3A_393] : memref<2x2500x128xi32, #tpu.memory_space<hbm>> -> memref<1x20x128xi32, #tpu.memory_space<hbm>>
        %dma_start3A_395 = tpu.memref_squeeze %dma_start3A_394 : memref<1x20x128xi32, #tpu.memory_space<hbm>> -> memref<20x128xi32, #tpu.memory_space<hbm>>
        tpu.enqueue_dma source(%dma_start3A_395 : memref<20x128xi32, #tpu.memory_space<hbm>>) target(%dma_start3A_391 : memref<20x128xi32, #tpu.memory_space<vmem>>) target_semaphore(%run_scoped3A_381 : memref<!tpu.dma_semaphore, #tpu.memory_space<semaphore_mem>>)
        %dma_wait3A_396 = arith.constant 0 : i32
        %dma_wait3A_397 = arith.constant 0 : i32
        %dma_wait3A_398 = tpu.memref_slice %arg8[%dma_wait3A_396, %dma_wait3A_397] : memref<80x128xi32, #tpu.memory_space<vmem>> -> memref<20x128xi32, #tpu.memory_space<vmem>>
        %dma_wait3A_399 = arith.constant 2480 : i32
        %dma_wait3A_400 = arith.constant 0 : i32
        %dma_wait3A_401 = tpu.memref_slice %arg3[%run_scoped3A, %dma_wait3A_399, %dma_wait3A_400] : memref<2x2500x128xi32, #tpu.memory_space<hbm>> -> memref<1x20x128xi32, #tpu.memory_space<hbm>>
        %dma_wait3A_402 = tpu.memref_squeeze %dma_wait3A_401 : memref<1x20x128xi32, #tpu.memory_space<hbm>> -> memref<20x128xi32, #tpu.memory_space<hbm>>
        %dma_wait3A_403 = arith.constant 0 : i32
        %dma_wait3A_404 = arith.constant 0 : i32
        %dma_wait3A_405 = tpu.memref_slice %arg8[%dma_wait3A_403, %dma_wait3A_404] : memref<80x128xi32, #tpu.memory_space<vmem>> -> memref<20x128xi32, #tpu.memory_space<vmem>>
        %dma_wait3A_406 = arith.constant 2480 : i32
        %dma_wait3A_407 = arith.constant 0 : i32
        %dma_wait3A_408 = tpu.memref_slice %arg3[%run_scoped3A, %dma_wait3A_406, %dma_wait3A_407] : memref<2x2500x128xi32, #tpu.memory_space<hbm>> -> memref<1x20x128xi32, #tpu.memory_space<hbm>>
        %dma_wait3A_409 = tpu.memref_squeeze %dma_wait3A_408 : memref<1x20x128xi32, #tpu.memory_space<hbm>> -> memref<20x128xi32, #tpu.memory_space<hbm>>
        tpu.wait_dma2 semaphore(%run_scoped3A_381 : memref<!tpu.dma_semaphore, #tpu.memory_space<semaphore_mem>>) src(%dma_wait3A_409 : memref<20x128xi32, #tpu.memory_space<hbm>>) dst(%dma_wait3A_405 : memref<20x128xi32, #tpu.memory_space<vmem>>)
        tpu.yield
      }) : () -> ()
      "tpu.region"() ({
        %run_scoped3A_381 = tpu.sem_alloc : memref<!tpu.dma_semaphore, #tpu.memory_space<semaphore_mem>>
        %dma_start3A_382 = arith.constant 20 : i32
        %dma_start3A_383 = arith.constant 0 : i32
        %dma_start3A_384 = tpu.memref_slice %arg8[%dma_start3A_382, %dma_start3A_383] : memref<80x128xi32, #tpu.memory_space<vmem>> -> memref<60x128xi32, #tpu.memory_space<vmem>>
        %dma_start3A_385 = arith.constant 20 : i32
        %dma_start3A_386 = arith.constant 0 : i32
        %dma_start3A_387 = tpu.memref_slice %arg8[%dma_start3A_385, %dma_start3A_386] : memref<80x128xi32, #tpu.memory_space<vmem>> -> memref<60x128xi32, #tpu.memory_space<vmem>>
        tpu.enqueue_dma source(%arg4 : memref<60x128xi32, #tpu.memory_space<hbm>>) target(%dma_start3A_387 : memref<60x128xi32, #tpu.memory_space<vmem>>) target_semaphore(%run_scoped3A_381 : memref<!tpu.dma_semaphore, #tpu.memory_space<semaphore_mem>>)
        %dma_wait3A_388 = arith.constant 20 : i32
        %dma_wait3A_389 = arith.constant 0 : i32
        %dma_wait3A_390 = tpu.memref_slice %arg8[%dma_wait3A_388, %dma_wait3A_389] : memref<80x128xi32, #tpu.memory_space<vmem>> -> memref<60x128xi32, #tpu.memory_space<vmem>>
        %dma_wait3A_391 = arith.constant 20 : i32
        %dma_wait3A_392 = arith.constant 0 : i32
        %dma_wait3A_393 = tpu.memref_slice %arg8[%dma_wait3A_391, %dma_wait3A_392] : memref<80x128xi32, #tpu.memory_space<vmem>> -> memref<60x128xi32, #tpu.memory_space<vmem>>
        tpu.wait_dma2 semaphore(%run_scoped3A_381 : memref<!tpu.dma_semaphore, #tpu.memory_space<semaphore_mem>>) src(%arg4 : memref<60x128xi32, #tpu.memory_space<hbm>>) dst(%dma_wait3A_393 : memref<60x128xi32, #tpu.memory_space<vmem>>)
        tpu.yield
      }) : () -> ()
    } else {
    }
    %barrier3A = arith.constant 0 : index
    tpu.barrier barrier_id(%barrier3A)
    %dma_start3A = arith.constant 0 : i32
    %dma_start3A_21 = arith.constant 0 : i32
    %dma_start3A_22 = arith.constant 0 : i32
    %dma_start3A_23 = tpu.memref_slice %arg9[%dma_start3A_21, %dma_start3A_22] : memref<1024x16xf32, #tpu.memory_space<vmem>> -> memref<128x16xf32, #tpu.memory_space<vmem>>
    %dma_start3A_24 = arith.constant 0 : i32
    %dma_start3A_25 = tpu.memref_slice %arg7[%dma_start3A, %dma_start3A_24] : memref<80x128xi32, #tpu.memory_space<vmem>> -> memref<1x128xi32, #tpu.memory_space<vmem>>
    %dma_start3A_26 = tpu.memref_squeeze %dma_start3A_25 : memref<1x128xi32, #tpu.memory_space<vmem>> -> memref<128xi32, #tpu.memory_space<vmem>>
    %dma_start3A_27 = arith.constant 0 : i32
    %dma_start3A_28 = arith.constant 0 : i32
    %dma_start3A_29 = tpu.memref_slice %arg2[%dma_start3A_27, %dma_start3A_28] : memref<10240x16xf32, #tpu.memory_space<hbm>> -> memref<10240x16xf32, #tpu.memory_space<hbm>>
    tpu.enqueue_indirect_dma source(%dma_start3A_29 : memref<10240x16xf32, #tpu.memory_space<hbm>>) target(%dma_start3A_23 : memref<128x16xf32, #tpu.memory_space<vmem>>) offsets(%dma_start3A_26 : memref<128xi32, #tpu.memory_space<vmem>>) semaphore(%arg11 : memref<!tpu.dma_semaphore, #tpu.memory_space<semaphore_mem>>)
    %dma_start3A_30 = arith.constant 1 : i32
    %dma_start3A_31 = arith.constant 128 : i32
    %dma_start3A_32 = arith.constant 0 : i32
    %dma_start3A_33 = tpu.memref_slice %arg9[%dma_start3A_31, %dma_start3A_32] : memref<1024x16xf32, #tpu.memory_space<vmem>> -> memref<128x16xf32, #tpu.memory_space<vmem>>
    %dma_start3A_34 = arith.constant 0 : i32
    %dma_start3A_35 = tpu.memref_slice %arg7[%dma_start3A_30, %dma_start3A_34] : memref<80x128xi32, #tpu.memory_space<vmem>> -> memref<1x128xi32, #tpu.memory_space<vmem>>
    %dma_start3A_36 = tpu.memref_squeeze %dma_start3A_35 : memref<1x128xi32, #tpu.memory_space<vmem>> -> memref<128xi32, #tpu.memory_space<vmem>>
    %dma_start3A_37 = arith.constant 0 : i32
    %dma_start3A_38 = arith.constant 0 : i32
    %dma_start3A_39 = tpu.memref_slice %arg2[%dma_start3A_37, %dma_start3A_38] : memref<10240x16xf32, #tpu.memory_space<hbm>> -> memref<10240x16xf32, #tpu.memory_space<hbm>>
    tpu.enqueue_indirect_dma source(%dma_start3A_39 : memref<10240x16xf32, #tpu.memory_space<hbm>>) target(%dma_start3A_33 : memref<128x16xf32, #tpu.memory_space<vmem>>) offsets(%dma_start3A_36 : memref<128xi32, #tpu.memory_space<vmem>>) semaphore(%arg12 : memref<!tpu.dma_semaphore, #tpu.memory_space<semaphore_mem>>)
    %dma_start3A_40 = arith.constant 2 : i32
    %dma_start3A_41 = arith.constant 256 : i32
    %dma_start3A_42 = arith.constant 0 : i32
    %dma_start3A_43 = tpu.memref_slice %arg9[%dma_start3A_41, %dma_start3A_42] : memref<1024x16xf32, #tpu.memory_space<vmem>> -> memref<128x16xf32, #tpu.memory_space<vmem>>
    %dma_start3A_44 = arith.constant 0 : i32
    %dma_start3A_45 = tpu.memref_slice %arg7[%dma_start3A_40, %dma_start3A_44] : memref<80x128xi32, #tpu.memory_space<vmem>> -> memref<1x128xi32, #tpu.memory_space<vmem>>
    %dma_start3A_46 = tpu.memref_squeeze %dma_start3A_45 : memref<1x128xi32, #tpu.memory_space<vmem>> -> memref<128xi32, #tpu.memory_space<vmem>>
    %dma_start3A_47 = arith.constant 0 : i32
    %dma_start3A_48 = arith.constant 0 : i32
    %dma_start3A_49 = tpu.memref_slice %arg2[%dma_start3A_47, %dma_start3A_48] : memref<10240x16xf32, #tpu.memory_space<hbm>> -> memref<10240x16xf32, #tpu.memory_space<hbm>>
    tpu.enqueue_indirect_dma source(%dma_start3A_49 : memref<10240x16xf32, #tpu.memory_space<hbm>>) target(%dma_start3A_43 : memref<128x16xf32, #tpu.memory_space<vmem>>) offsets(%dma_start3A_46 : memref<128xi32, #tpu.memory_space<vmem>>) semaphore(%arg13 : memref<!tpu.dma_semaphore, #tpu.memory_space<semaphore_mem>>)
    %dma_start3A_50 = arith.constant 3 : i32
    %dma_start3A_51 = arith.constant 384 : i32
    %dma_start3A_52 = arith.constant 0 : i32
    %dma_start3A_53 = tpu.memref_slice %arg9[%dma_start3A_51, %dma_start3A_52] : memref<1024x16xf32, #tpu.memory_space<vmem>> -> memref<128x16xf32, #tpu.memory_space<vmem>>
    %dma_start3A_54 = arith.constant 0 : i32
    %dma_start3A_55 = tpu.memref_slice %arg7[%dma_start3A_50, %dma_start3A_54] : memref<80x128xi32, #tpu.memory_space<vmem>> -> memref<1x128xi32, #tpu.memory_space<vmem>>
    %dma_start3A_56 = tpu.memref_squeeze %dma_start3A_55 : memref<1x128xi32, #tpu.memory_space<vmem>> -> memref<128xi32, #tpu.memory_space<vmem>>
    %dma_start3A_57 = arith.constant 0 : i32
    %dma_start3A_58 = arith.constant 0 : i32
    %dma_start3A_59 = tpu.memref_slice %arg2[%dma_start3A_57, %dma_start3A_58] : memref<10240x16xf32, #tpu.memory_space<hbm>> -> memref<10240x16xf32, #tpu.memory_space<hbm>>
    tpu.enqueue_indirect_dma source(%dma_start3A_59 : memref<10240x16xf32, #tpu.memory_space<hbm>>) target(%dma_start3A_53 : memref<128x16xf32, #tpu.memory_space<vmem>>) offsets(%dma_start3A_56 : memref<128xi32, #tpu.memory_space<vmem>>) semaphore(%arg14 : memref<!tpu.dma_semaphore, #tpu.memory_space<semaphore_mem>>)
    %dma_start3A_60 = arith.constant 4 : i32
    %dma_start3A_61 = arith.constant 512 : i32
    %dma_start3A_62 = arith.constant 0 : i32
    %dma_start3A_63 = tpu.memref_slice %arg9[%dma_start3A_61, %dma_start3A_62] : memref<1024x16xf32, #tpu.memory_space<vmem>> -> memref<128x16xf32, #tpu.memory_space<vmem>>
    %dma_start3A_64 = arith.constant 0 : i32
    %dma_start3A_65 = tpu.memref_slice %arg7[%dma_start3A_60, %dma_start3A_64] : memref<80x128xi32, #tpu.memory_space<vmem>> -> memref<1x128xi32, #tpu.memory_space<vmem>>
    %dma_start3A_66 = tpu.memref_squeeze %dma_start3A_65 : memref<1x128xi32, #tpu.memory_space<vmem>> -> memref<128xi32, #tpu.memory_space<vmem>>
    %dma_start3A_67 = arith.constant 0 : i32
    %dma_start3A_68 = arith.constant 0 : i32
    %dma_start3A_69 = tpu.memref_slice %arg2[%dma_start3A_67, %dma_start3A_68] : memref<10240x16xf32, #tpu.memory_space<hbm>> -> memref<10240x16xf32, #tpu.memory_space<hbm>>
    tpu.enqueue_indirect_dma source(%dma_start3A_69 : memref<10240x16xf32, #tpu.memory_space<hbm>>) target(%dma_start3A_63 : memref<128x16xf32, #tpu.memory_space<vmem>>) offsets(%dma_start3A_66 : memref<128xi32, #tpu.memory_space<vmem>>) semaphore(%arg15 : memref<!tpu.dma_semaphore, #tpu.memory_space<semaphore_mem>>)
    %dma_start3A_70 = arith.constant 5 : i32
    %dma_start3A_71 = arith.constant 640 : i32
    %dma_start3A_72 = arith.constant 0 : i32
    %dma_start3A_73 = tpu.memref_slice %arg9[%dma_start3A_71, %dma_start3A_72] : memref<1024x16xf32, #tpu.memory_space<vmem>> -> memref<128x16xf32, #tpu.memory_space<vmem>>
    %dma_start3A_74 = arith.constant 0 : i32
    %dma_start3A_75 = tpu.memref_slice %arg7[%dma_start3A_70, %dma_start3A_74] : memref<80x128xi32, #tpu.memory_space<vmem>> -> memref<1x128xi32, #tpu.memory_space<vmem>>
    %dma_start3A_76 = tpu.memref_squeeze %dma_start3A_75 : memref<1x128xi32, #tpu.memory_space<vmem>> -> memref<128xi32, #tpu.memory_space<vmem>>
    %dma_start3A_77 = arith.constant 0 : i32
    %dma_start3A_78 = arith.constant 0 : i32
    %dma_start3A_79 = tpu.memref_slice %arg2[%dma_start3A_77, %dma_start3A_78] : memref<10240x16xf32, #tpu.memory_space<hbm>> -> memref<10240x16xf32, #tpu.memory_space<hbm>>
    tpu.enqueue_indirect_dma source(%dma_start3A_79 : memref<10240x16xf32, #tpu.memory_space<hbm>>) target(%dma_start3A_73 : memref<128x16xf32, #tpu.memory_space<vmem>>) offsets(%dma_start3A_76 : memref<128xi32, #tpu.memory_space<vmem>>) semaphore(%arg16 : memref<!tpu.dma_semaphore, #tpu.memory_space<semaphore_mem>>)
    %dma_start3A_80 = arith.constant 6 : i32
    %dma_start3A_81 = arith.constant 768 : i32
    %dma_start3A_82 = arith.constant 0 : i32
    %dma_start3A_83 = tpu.memref_slice %arg9[%dma_start3A_81, %dma_start3A_82] : memref<1024x16xf32, #tpu.memory_space<vmem>> -> memref<128x16xf32, #tpu.memory_space<vmem>>
    %dma_start3A_84 = arith.constant 0 : i32
    %dma_start3A_85 = tpu.memref_slice %arg7[%dma_start3A_80, %dma_start3A_84] : memref<80x128xi32, #tpu.memory_space<vmem>> -> memref<1x128xi32, #tpu.memory_space<vmem>>
    %dma_start3A_86 = tpu.memref_squeeze %dma_start3A_85 : memref<1x128xi32, #tpu.memory_space<vmem>> -> memref<128xi32, #tpu.memory_space<vmem>>
    %dma_start3A_87 = arith.constant 0 : i32
    %dma_start3A_88 = arith.constant 0 : i32
    %dma_start3A_89 = tpu.memref_slice %arg2[%dma_start3A_87, %dma_start3A_88] : memref<10240x16xf32, #tpu.memory_space<hbm>> -> memref<10240x16xf32, #tpu.memory_space<hbm>>
    tpu.enqueue_indirect_dma source(%dma_start3A_89 : memref<10240x16xf32, #tpu.memory_space<hbm>>) target(%dma_start3A_83 : memref<128x16xf32, #tpu.memory_space<vmem>>) offsets(%dma_start3A_86 : memref<128xi32, #tpu.memory_space<vmem>>) semaphore(%arg17 : memref<!tpu.dma_semaphore, #tpu.memory_space<semaphore_mem>>)
    %dma_start3A_90 = arith.constant 7 : i32
    %dma_start3A_91 = arith.constant 896 : i32
    %dma_start3A_92 = arith.constant 0 : i32
    %dma_start3A_93 = tpu.memref_slice %arg9[%dma_start3A_91, %dma_start3A_92] : memref<1024x16xf32, #tpu.memory_space<vmem>> -> memref<128x16xf32, #tpu.memory_space<vmem>>
    %dma_start3A_94 = arith.constant 0 : i32
    %dma_start3A_95 = tpu.memref_slice %arg7[%dma_start3A_90, %dma_start3A_94] : memref<80x128xi32, #tpu.memory_space<vmem>> -> memref<1x128xi32, #tpu.memory_space<vmem>>
    %dma_start3A_96 = tpu.memref_squeeze %dma_start3A_95 : memref<1x128xi32, #tpu.memory_space<vmem>> -> memref<128xi32, #tpu.memory_space<vmem>>
    %dma_start3A_97 = arith.constant 0 : i32
    %dma_start3A_98 = arith.constant 0 : i32
    %dma_start3A_99 = tpu.memref_slice %arg2[%dma_start3A_97, %dma_start3A_98] : memref<10240x16xf32, #tpu.memory_space<hbm>> -> memref<10240x16xf32, #tpu.memory_space<hbm>>
    tpu.enqueue_indirect_dma source(%dma_start3A_99 : memref<10240x16xf32, #tpu.memory_space<hbm>>) target(%dma_start3A_93 : memref<128x16xf32, #tpu.memory_space<vmem>>) offsets(%dma_start3A_96 : memref<128xi32, #tpu.memory_space<vmem>>) semaphore(%arg18 : memref<!tpu.dma_semaphore, #tpu.memory_space<semaphore_mem>>)
    %scan3A = arith.constant 0 : i32
    %scan3A_100 = arith.constant 1 : i32
    %scan3A_101 = arith.constant 9 : i32
    %scan3A_102 = arith.addi %scan3A_100, %scan3A_101 : i32
    %scan3A_103 = arith.constant 1 : i32
    scf.for %scan3A_381 = %scan3A_100 to %scan3A_102 step %scan3A_103  : i32 {
      %sub3A = arith.constant 1 : i32
      %sub3A_382 = arith.subi %scan3A_381, %sub3A : i32
      %mul3A_383 = arith.constant 8 : i32
      %mul3A_384 = arith.muli %mul3A_383, %sub3A_382 : i32
      %add3A_385 = arith.constant 0 : i32
      %add3A_386 = arith.addi %mul3A_384, %add3A_385 : i32
      %dma_wait3A_387 = arith.constant 0 : i32
      %dma_wait3A_388 = arith.constant 0 : i32
      %dma_wait3A_389 = tpu.memref_slice %arg9[%dma_wait3A_387, %dma_wait3A_388] : memref<1024x16xf32, #tpu.memory_space<vmem>> -> memref<128x16xf32, #tpu.memory_space<vmem>>
      %dma_wait3A_390 = arith.constant 0 : i32
      %dma_wait3A_391 = arith.constant 0 : i32
      %dma_wait3A_392 = tpu.memref_slice %arg5[%dma_wait3A_390, %dma_wait3A_391] : memref<10240x16xf32, #tpu.memory_space<hbm>> -> memref<128x16xf32, #tpu.memory_space<hbm>>
      %dma_wait3A_393 = arith.constant 0 : i32
      %dma_wait3A_394 = arith.constant 0 : i32
      %dma_wait3A_395 = tpu.memref_slice %arg9[%dma_wait3A_393, %dma_wait3A_394] : memref<1024x16xf32, #tpu.memory_space<vmem>> -> memref<128x16xf32, #tpu.memory_space<vmem>>
      %dma_wait3A_396 = arith.constant 0 : i32
      %dma_wait3A_397 = arith.constant 0 : i32
      %dma_wait3A_398 = tpu.memref_slice %arg5[%dma_wait3A_396, %dma_wait3A_397] : memref<10240x16xf32, #tpu.memory_space<hbm>> -> memref<128x16xf32, #tpu.memory_space<hbm>>
      tpu.wait_dma2 semaphore(%arg11 : memref<!tpu.dma_semaphore, #tpu.memory_space<semaphore_mem>>) src(%dma_wait3A_398 : memref<128x16xf32, #tpu.memory_space<hbm>>) dst(%dma_wait3A_395 : memref<128x16xf32, #tpu.memory_space<vmem>>)
      %mul3A_399 = arith.constant 1 : i32
      %mul3A_400 = arith.muli %add3A_386, %mul3A_399 : i32
      %add3A_401 = arith.constant 0 : i32
      %add3A_402 = arith.addi %mul3A_400, %add3A_401 : i32
      %dma_start3A_403 = arith.constant 0 : i32
      %dma_start3A_404 = arith.constant 0 : i32
      %dma_start3A_405 = tpu.memref_slice %arg9[%dma_start3A_403, %dma_start3A_404] : memref<1024x16xf32, #tpu.memory_space<vmem>> -> memref<128x16xf32, #tpu.memory_space<vmem>>
      %dma_start3A_406 = arith.constant 0 : i32
      %dma_start3A_407 = tpu.memref_slice %arg8[%add3A_402, %dma_start3A_406] : memref<80x128xi32, #tpu.memory_space<vmem>> -> memref<1x128xi32, #tpu.memory_space<vmem>>
      %dma_start3A_408 = tpu.memref_squeeze %dma_start3A_407 : memref<1x128xi32, #tpu.memory_space<vmem>> -> memref<128xi32, #tpu.memory_space<vmem>>
      %dma_start3A_409 = arith.constant 0 : i32
      %dma_start3A_410 = arith.constant 0 : i32
      %dma_start3A_411 = tpu.memref_slice %arg10[%dma_start3A_409, %dma_start3A_410] : memref<10240x16xf32, #tpu.memory_space<vmem_shared>> -> memref<10240x16xf32, #tpu.memory_space<vmem_shared>>
      tpu.enqueue_indirect_dma source(%dma_start3A_405 : memref<128x16xf32, #tpu.memory_space<vmem>>) target(%dma_start3A_411 : memref<10240x16xf32, #tpu.memory_space<vmem_shared>>) offsets(%dma_start3A_408 : memref<128xi32, #tpu.memory_space<vmem>>) semaphore(%arg19 : memref<!tpu.dma_semaphore, #tpu.memory_space<semaphore_mem>>) {add = true}
      %dma_wait3A_412 = arith.constant 0 : i32
      %dma_wait3A_413 = arith.constant 0 : i32
      %dma_wait3A_414 = tpu.memref_slice %arg9[%dma_wait3A_412, %dma_wait3A_413] : memref<1024x16xf32, #tpu.memory_space<vmem>> -> memref<128x16xf32, #tpu.memory_space<vmem>>
      %dma_wait3A_415 = arith.constant 0 : i32
      %dma_wait3A_416 = arith.constant 0 : i32
      %dma_wait3A_417 = tpu.memref_slice %arg5[%dma_wait3A_415, %dma_wait3A_416] : memref<10240x16xf32, #tpu.memory_space<hbm>> -> memref<128x16xf32, #tpu.memory_space<hbm>>
      %dma_wait3A_418 = arith.constant 0 : i32
      %dma_wait3A_419 = arith.constant 0 : i32
      %dma_wait3A_420 = tpu.memref_slice %arg9[%dma_wait3A_418, %dma_wait3A_419] : memref<1024x16xf32, #tpu.memory_space<vmem>> -> memref<128x16xf32, #tpu.memory_space<vmem>>
      %dma_wait3A_421 = arith.constant 0 : i32
      %dma_wait3A_422 = arith.constant 0 : i32
      %dma_wait3A_423 = tpu.memref_slice %arg5[%dma_wait3A_421, %dma_wait3A_422] : memref<10240x16xf32, #tpu.memory_space<hbm>> -> memref<128x16xf32, #tpu.memory_space<hbm>>
      tpu.wait_dma2 semaphore(%arg19 : memref<!tpu.dma_semaphore, #tpu.memory_space<semaphore_mem>>) src(%dma_wait3A_423 : memref<128x16xf32, #tpu.memory_space<hbm>>) dst(%dma_wait3A_420 : memref<128x16xf32, #tpu.memory_space<vmem>>)
      %mul3A_424 = arith.constant 8 : i32
      %mul3A_425 = arith.muli %mul3A_424, %scan3A_381 : i32
      %add3A_426 = arith.constant 0 : i32
      %add3A_427 = arith.addi %mul3A_425, %add3A_426 : i32
      %mul3A_428 = arith.constant 1 : i32
      %mul3A_429 = arith.muli %add3A_427, %mul3A_428 : i32
      %add3A_430 = arith.constant 0 : i32
      %add3A_431 = arith.addi %mul3A_429, %add3A_430 : i32
      %dma_start3A_432 = arith.constant 0 : i32
      %dma_start3A_433 = arith.constant 0 : i32
      %dma_start3A_434 = tpu.memref_slice %arg9[%dma_start3A_432, %dma_start3A_433] : memref<1024x16xf32, #tpu.memory_space<vmem>> -> memref<128x16xf32, #tpu.memory_space<vmem>>
      %dma_start3A_435 = arith.constant 0 : i32
      %dma_start3A_436 = tpu.memref_slice %arg7[%add3A_431, %dma_start3A_435] : memref<80x128xi32, #tpu.memory_space<vmem>> -> memref<1x128xi32, #tpu.memory_space<vmem>>
      %dma_start3A_437 = tpu.memref_squeeze %dma_start3A_436 : memref<1x128xi32, #tpu.memory_space<vmem>> -> memref<128xi32, #tpu.memory_space<vmem>>
      %dma_start3A_438 = arith.constant 0 : i32
      %dma_start3A_439 = arith.constant 0 : i32
      %dma_start3A_440 = tpu.memref_slice %arg2[%dma_start3A_438, %dma_start3A_439] : memref<10240x16xf32, #tpu.memory_space<hbm>> -> memref<10240x16xf32, #tpu.memory_space<hbm>>
      tpu.enqueue_indirect_dma source(%dma_start3A_440 : memref<10240x16xf32, #tpu.memory_space<hbm>>) target(%dma_start3A_434 : memref<128x16xf32, #tpu.memory_space<vmem>>) offsets(%dma_start3A_437 : memref<128xi32, #tpu.memory_space<vmem>>) semaphore(%arg11 : memref<!tpu.dma_semaphore, #tpu.memory_space<semaphore_mem>>)
      %sub3A_441 = arith.constant 1 : i32
      %sub3A_442 = arith.subi %scan3A_381, %sub3A_441 : i32
      %mul3A_443 = arith.constant 8 : i32
      %mul3A_444 = arith.muli %mul3A_443, %sub3A_442 : i32
      %add3A_445 = arith.constant 1 : i32
      %add3A_446 = arith.addi %mul3A_444, %add3A_445 : i32
      %dma_wait3A_447 = arith.constant 128 : i32
      %dma_wait3A_448 = arith.constant 0 : i32
      %dma_wait3A_449 = tpu.memref_slice %arg9[%dma_wait3A_447, %dma_wait3A_448] : memref<1024x16xf32, #tpu.memory_space<vmem>> -> memref<128x16xf32, #tpu.memory_space<vmem>>
      %dma_wait3A_450 = arith.constant 0 : i32
      %dma_wait3A_451 = arith.constant 0 : i32
      %dma_wait3A_452 = tpu.memref_slice %arg5[%dma_wait3A_450, %dma_wait3A_451] : memref<10240x16xf32, #tpu.memory_space<hbm>> -> memref<128x16xf32, #tpu.memory_space<hbm>>
      %dma_wait3A_453 = arith.constant 128 : i32
      %dma_wait3A_454 = arith.constant 0 : i32
      %dma_wait3A_455 = tpu.memref_slice %arg9[%dma_wait3A_453, %dma_wait3A_454] : memref<1024x16xf32, #tpu.memory_space<vmem>> -> memref<128x16xf32, #tpu.memory_space<vmem>>
      %dma_wait3A_456 = arith.constant 0 : i32
      %dma_wait3A_457 = arith.constant 0 : i32
      %dma_wait3A_458 = tpu.memref_slice %arg5[%dma_wait3A_456, %dma_wait3A_457] : memref<10240x16xf32, #tpu.memory_space<hbm>> -> memref<128x16xf32, #tpu.memory_space<hbm>>
      tpu.wait_dma2 semaphore(%arg12 : memref<!tpu.dma_semaphore, #tpu.memory_space<semaphore_mem>>) src(%dma_wait3A_458 : memref<128x16xf32, #tpu.memory_space<hbm>>) dst(%dma_wait3A_455 : memref<128x16xf32, #tpu.memory_space<vmem>>)
      %mul3A_459 = arith.constant 1 : i32
      %mul3A_460 = arith.muli %add3A_446, %mul3A_459 : i32
      %add3A_461 = arith.constant 0 : i32
      %add3A_462 = arith.addi %mul3A_460, %add3A_461 : i32
      %dma_start3A_463 = arith.constant 128 : i32
      %dma_start3A_464 = arith.constant 0 : i32
      %dma_start3A_465 = tpu.memref_slice %arg9[%dma_start3A_463, %dma_start3A_464] : memref<1024x16xf32, #tpu.memory_space<vmem>> -> memref<128x16xf32, #tpu.memory_space<vmem>>
      %dma_start3A_466 = arith.constant 0 : i32
      %dma_start3A_467 = tpu.memref_slice %arg8[%add3A_462, %dma_start3A_466] : memref<80x128xi32, #tpu.memory_space<vmem>> -> memref<1x128xi32, #tpu.memory_space<vmem>>
      %dma_start3A_468 = tpu.memref_squeeze %dma_start3A_467 : memref<1x128xi32, #tpu.memory_space<vmem>> -> memref<128xi32, #tpu.memory_space<vmem>>
      %dma_start3A_469 = arith.constant 0 : i32
      %dma_start3A_470 = arith.constant 0 : i32
      %dma_start3A_471 = tpu.memref_slice %arg10[%dma_start3A_469, %dma_start3A_470] : memref<10240x16xf32, #tpu.memory_space<vmem_shared>> -> memref<10240x16xf32, #tpu.memory_space<vmem_shared>>
      tpu.enqueue_indirect_dma source(%dma_start3A_465 : memref<128x16xf32, #tpu.memory_space<vmem>>) target(%dma_start3A_471 : memref<10240x16xf32, #tpu.memory_space<vmem_shared>>) offsets(%dma_start3A_468 : memref<128xi32, #tpu.memory_space<vmem>>) semaphore(%arg20 : memref<!tpu.dma_semaphore, #tpu.memory_space<semaphore_mem>>) {add = true}
      %dma_wait3A_472 = arith.constant 128 : i32
      %dma_wait3A_473 = arith.constant 0 : i32
      %dma_wait3A_474 = tpu.memref_slice %arg9[%dma_wait3A_472, %dma_wait3A_473] : memref<1024x16xf32, #tpu.memory_space<vmem>> -> memref<128x16xf32, #tpu.memory_space<vmem>>
      %dma_wait3A_475 = arith.constant 0 : i32
      %dma_wait3A_476 = arith.constant 0 : i32
      %dma_wait3A_477 = tpu.memref_slice %arg5[%dma_wait3A_475, %dma_wait3A_476] : memref<10240x16xf32, #tpu.memory_space<hbm>> -> memref<128x16xf32, #tpu.memory_space<hbm>>
      %dma_wait3A_478 = arith.constant 128 : i32
      %dma_wait3A_479 = arith.constant 0 : i32
      %dma_wait3A_480 = tpu.memref_slice %arg9[%dma_wait3A_478, %dma_wait3A_479] : memref<1024x16xf32, #tpu.memory_space<vmem>> -> memref<128x16xf32, #tpu.memory_space<vmem>>
      %dma_wait3A_481 = arith.constant 0 : i32
      %dma_wait3A_482 = arith.constant 0 : i32
      %dma_wait3A_483 = tpu.memref_slice %arg5[%dma_wait3A_481, %dma_wait3A_482] : memref<10240x16xf32, #tpu.memory_space<hbm>> -> memref<128x16xf32, #tpu.memory_space<hbm>>
      tpu.wait_dma2 semaphore(%arg20 : memref<!tpu.dma_semaphore, #tpu.memory_space<semaphore_mem>>) src(%dma_wait3A_483 : memref<128x16xf32, #tpu.memory_space<hbm>>) dst(%dma_wait3A_480 : memref<128x16xf32, #tpu.memory_space<vmem>>)
      %mul3A_484 = arith.constant 8 : i32
      %mul3A_485 = arith.muli %mul3A_484, %scan3A_381 : i32
      %add3A_486 = arith.constant 1 : i32
      %add3A_487 = arith.addi %mul3A_485, %add3A_486 : i32
      %mul3A_488 = arith.constant 1 : i32
      %mul3A_489 = arith.muli %add3A_487, %mul3A_488 : i32
      %add3A_490 = arith.constant 0 : i32
      %add3A_491 = arith.addi %mul3A_489, %add3A_490 : i32
      %dma_start3A_492 = arith.constant 128 : i32
      %dma_start3A_493 = arith.constant 0 : i32
      %dma_start3A_494 = tpu.memref_slice %arg9[%dma_start3A_492, %dma_start3A_493] : memref<1024x16xf32, #tpu.memory_space<vmem>> -> memref<128x16xf32, #tpu.memory_space<vmem>>
      %dma_start3A_495 = arith.constant 0 : i32
      %dma_start3A_496 = tpu.memref_slice %arg7[%add3A_491, %dma_start3A_495] : memref<80x128xi32, #tpu.memory_space<vmem>> -> memref<1x128xi32, #tpu.memory_space<vmem>>
      %dma_start3A_497 = tpu.memref_squeeze %dma_start3A_496 : memref<1x128xi32, #tpu.memory_space<vmem>> -> memref<128xi32, #tpu.memory_space<vmem>>
      %dma_start3A_498 = arith.constant 0 : i32
      %dma_start3A_499 = arith.constant 0 : i32
      %dma_start3A_500 = tpu.memref_slice %arg2[%dma_start3A_498, %dma_start3A_499] : memref<10240x16xf32, #tpu.memory_space<hbm>> -> memref<10240x16xf32, #tpu.memory_space<hbm>>
      tpu.enqueue_indirect_dma source(%dma_start3A_500 : memref<10240x16xf32, #tpu.memory_space<hbm>>) target(%dma_start3A_494 : memref<128x16xf32, #tpu.memory_space<vmem>>) offsets(%dma_start3A_497 : memref<128xi32, #tpu.memory_space<vmem>>) semaphore(%arg12 : memref<!tpu.dma_semaphore, #tpu.memory_space<semaphore_mem>>)
      %sub3A_501 = arith.constant 1 : i32
      %sub3A_502 = arith.subi %scan3A_381, %sub3A_501 : i32
      %mul3A_503 = arith.constant 8 : i32
      %mul3A_504 = arith.muli %mul3A_503, %sub3A_502 : i32
      %add3A_505 = arith.constant 2 : i32
      %add3A_506 = arith.addi %mul3A_504, %add3A_505 : i32
      %dma_wait3A_507 = arith.constant 256 : i32
      %dma_wait3A_508 = arith.constant 0 : i32
      %dma_wait3A_509 = tpu.memref_slice %arg9[%dma_wait3A_507, %dma_wait3A_508] : memref<1024x16xf32, #tpu.memory_space<vmem>> -> memref<128x16xf32, #tpu.memory_space<vmem>>
      %dma_wait3A_510 = arith.constant 0 : i32
      %dma_wait3A_511 = arith.constant 0 : i32
      %dma_wait3A_512 = tpu.memref_slice %arg5[%dma_wait3A_510, %dma_wait3A_511] : memref<10240x16xf32, #tpu.memory_space<hbm>> -> memref<128x16xf32, #tpu.memory_space<hbm>>
      %dma_wait3A_513 = arith.constant 256 : i32
      %dma_wait3A_514 = arith.constant 0 : i32
      %dma_wait3A_515 = tpu.memref_slice %arg9[%dma_wait3A_513, %dma_wait3A_514] : memref<1024x16xf32, #tpu.memory_space<vmem>> -> memref<128x16xf32, #tpu.memory_space<vmem>>
      %dma_wait3A_516 = arith.constant 0 : i32
      %dma_wait3A_517 = arith.constant 0 : i32
      %dma_wait3A_518 = tpu.memref_slice %arg5[%dma_wait3A_516, %dma_wait3A_517] : memref<10240x16xf32, #tpu.memory_space<hbm>> -> memref<128x16xf32, #tpu.memory_space<hbm>>
      tpu.wait_dma2 semaphore(%arg13 : memref<!tpu.dma_semaphore, #tpu.memory_space<semaphore_mem>>) src(%dma_wait3A_518 : memref<128x16xf32, #tpu.memory_space<hbm>>) dst(%dma_wait3A_515 : memref<128x16xf32, #tpu.memory_space<vmem>>)
      %mul3A_519 = arith.constant 1 : i32
      %mul3A_520 = arith.muli %add3A_506, %mul3A_519 : i32
      %add3A_521 = arith.constant 0 : i32
      %add3A_522 = arith.addi %mul3A_520, %add3A_521 : i32
      %dma_start3A_523 = arith.constant 256 : i32
      %dma_start3A_524 = arith.constant 0 : i32
      %dma_start3A_525 = tpu.memref_slice %arg9[%dma_start3A_523, %dma_start3A_524] : memref<1024x16xf32, #tpu.memory_space<vmem>> -> memref<128x16xf32, #tpu.memory_space<vmem>>
      %dma_start3A_526 = arith.constant 0 : i32
      %dma_start3A_527 = tpu.memref_slice %arg8[%add3A_522, %dma_start3A_526] : memref<80x128xi32, #tpu.memory_space<vmem>> -> memref<1x128xi32, #tpu.memory_space<vmem>>
      %dma_start3A_528 = tpu.memref_squeeze %dma_start3A_527 : memref<1x128xi32, #tpu.memory_space<vmem>> -> memref<128xi32, #tpu.memory_space<vmem>>
      %dma_start3A_529 = arith.constant 0 : i32
      %dma_start3A_530 = arith.constant 0 : i32
      %dma_start3A_531 = tpu.memref_slice %arg10[%dma_start3A_529, %dma_start3A_530] : memref<10240x16xf32, #tpu.memory_space<vmem_shared>> -> memref<10240x16xf32, #tpu.memory_space<vmem_shared>>
      tpu.enqueue_indirect_dma source(%dma_start3A_525 : memref<128x16xf32, #tpu.memory_space<vmem>>) target(%dma_start3A_531 : memref<10240x16xf32, #tpu.memory_space<vmem_shared>>) offsets(%dma_start3A_528 : memref<128xi32, #tpu.memory_space<vmem>>) semaphore(%arg21 : memref<!tpu.dma_semaphore, #tpu.memory_space<semaphore_mem>>) {add = true}
      %dma_wait3A_532 = arith.constant 256 : i32
      %dma_wait3A_533 = arith.constant 0 : i32
      %dma_wait3A_534 = tpu.memref_slice %arg9[%dma_wait3A_532, %dma_wait3A_533] : memref<1024x16xf32, #tpu.memory_space<vmem>> -> memref<128x16xf32, #tpu.memory_space<vmem>>
      %dma_wait3A_535 = arith.constant 0 : i32
      %dma_wait3A_536 = arith.constant 0 : i32
      %dma_wait3A_537 = tpu.memref_slice %arg5[%dma_wait3A_535, %dma_wait3A_536] : memref<10240x16xf32, #tpu.memory_space<hbm>> -> memref<128x16xf32, #tpu.memory_space<hbm>>
      %dma_wait3A_538 = arith.constant 256 : i32
      %dma_wait3A_539 = arith.constant 0 : i32
      %dma_wait3A_540 = tpu.memref_slice %arg9[%dma_wait3A_538, %dma_wait3A_539] : memref<1024x16xf32, #tpu.memory_space<vmem>> -> memref<128x16xf32, #tpu.memory_space<vmem>>
      %dma_wait3A_541 = arith.constant 0 : i32
      %dma_wait3A_542 = arith.constant 0 : i32
      %dma_wait3A_543 = tpu.memref_slice %arg5[%dma_wait3A_541, %dma_wait3A_542] : memref<10240x16xf32, #tpu.memory_space<hbm>> -> memref<128x16xf32, #tpu.memory_space<hbm>>
      tpu.wait_dma2 semaphore(%arg21 : memref<!tpu.dma_semaphore, #tpu.memory_space<semaphore_mem>>) src(%dma_wait3A_543 : memref<128x16xf32, #tpu.memory_space<hbm>>) dst(%dma_wait3A_540 : memref<128x16xf32, #tpu.memory_space<vmem>>)
      %mul3A_544 = arith.constant 8 : i32
      %mul3A_545 = arith.muli %mul3A_544, %scan3A_381 : i32
      %add3A_546 = arith.constant 2 : i32
      %add3A_547 = arith.addi %mul3A_545, %add3A_546 : i32
      %mul3A_548 = arith.constant 1 : i32
      %mul3A_549 = arith.muli %add3A_547, %mul3A_548 : i32
      %add3A_550 = arith.constant 0 : i32
      %add3A_551 = arith.addi %mul3A_549, %add3A_550 : i32
      %dma_start3A_552 = arith.constant 256 : i32
      %dma_start3A_553 = arith.constant 0 : i32
      %dma_start3A_554 = tpu.memref_slice %arg9[%dma_start3A_552, %dma_start3A_553] : memref<1024x16xf32, #tpu.memory_space<vmem>> -> memref<128x16xf32, #tpu.memory_space<vmem>>
      %dma_start3A_555 = arith.constant 0 : i32
      %dma_start3A_556 = tpu.memref_slice %arg7[%add3A_551, %dma_start3A_555] : memref<80x128xi32, #tpu.memory_space<vmem>> -> memref<1x128xi32, #tpu.memory_space<vmem>>
      %dma_start3A_557 = tpu.memref_squeeze %dma_start3A_556 : memref<1x128xi32, #tpu.memory_space<vmem>> -> memref<128xi32, #tpu.memory_space<vmem>>
      %dma_start3A_558 = arith.constant 0 : i32
      %dma_start3A_559 = arith.constant 0 : i32
      %dma_start3A_560 = tpu.memref_slice %arg2[%dma_start3A_558, %dma_start3A_559] : memref<10240x16xf32, #tpu.memory_space<hbm>> -> memref<10240x16xf32, #tpu.memory_space<hbm>>
      tpu.enqueue_indirect_dma source(%dma_start3A_560 : memref<10240x16xf32, #tpu.memory_space<hbm>>) target(%dma_start3A_554 : memref<128x16xf32, #tpu.memory_space<vmem>>) offsets(%dma_start3A_557 : memref<128xi32, #tpu.memory_space<vmem>>) semaphore(%arg13 : memref<!tpu.dma_semaphore, #tpu.memory_space<semaphore_mem>>)
      %sub3A_561 = arith.constant 1 : i32
      %sub3A_562 = arith.subi %scan3A_381, %sub3A_561 : i32
      %mul3A_563 = arith.constant 8 : i32
      %mul3A_564 = arith.muli %mul3A_563, %sub3A_562 : i32
      %add3A_565 = arith.constant 3 : i32
      %add3A_566 = arith.addi %mul3A_564, %add3A_565 : i32
      %dma_wait3A_567 = arith.constant 384 : i32
      %dma_wait3A_568 = arith.constant 0 : i32
      %dma_wait3A_569 = tpu.memref_slice %arg9[%dma_wait3A_567, %dma_wait3A_568] : memref<1024x16xf32, #tpu.memory_space<vmem>> -> memref<128x16xf32, #tpu.memory_space<vmem>>
      %dma_wait3A_570 = arith.constant 0 : i32
      %dma_wait3A_571 = arith.constant 0 : i32
      %dma_wait3A_572 = tpu.memref_slice %arg5[%dma_wait3A_570, %dma_wait3A_571] : memref<10240x16xf32, #tpu.memory_space<hbm>> -> memref<128x16xf32, #tpu.memory_space<hbm>>
      %dma_wait3A_573 = arith.constant 384 : i32
      %dma_wait3A_574 = arith.constant 0 : i32
      %dma_wait3A_575 = tpu.memref_slice %arg9[%dma_wait3A_573, %dma_wait3A_574] : memref<1024x16xf32, #tpu.memory_space<vmem>> -> memref<128x16xf32, #tpu.memory_space<vmem>>
      %dma_wait3A_576 = arith.constant 0 : i32
      %dma_wait3A_577 = arith.constant 0 : i32
      %dma_wait3A_578 = tpu.memref_slice %arg5[%dma_wait3A_576, %dma_wait3A_577] : memref<10240x16xf32, #tpu.memory_space<hbm>> -> memref<128x16xf32, #tpu.memory_space<hbm>>
      tpu.wait_dma2 semaphore(%arg14 : memref<!tpu.dma_semaphore, #tpu.memory_space<semaphore_mem>>) src(%dma_wait3A_578 : memref<128x16xf32, #tpu.memory_space<hbm>>) dst(%dma_wait3A_575 : memref<128x16xf32, #tpu.memory_space<vmem>>)
      %mul3A_579 = arith.constant 1 : i32
      %mul3A_580 = arith.muli %add3A_566, %mul3A_579 : i32
      %add3A_581 = arith.constant 0 : i32
      %add3A_582 = arith.addi %mul3A_580, %add3A_581 : i32
      %dma_start3A_583 = arith.constant 384 : i32
      %dma_start3A_584 = arith.constant 0 : i32
      %dma_start3A_585 = tpu.memref_slice %arg9[%dma_start3A_583, %dma_start3A_584] : memref<1024x16xf32, #tpu.memory_space<vmem>> -> memref<128x16xf32, #tpu.memory_space<vmem>>
      %dma_start3A_586 = arith.constant 0 : i32
      %dma_start3A_587 = tpu.memref_slice %arg8[%add3A_582, %dma_start3A_586] : memref<80x128xi32, #tpu.memory_space<vmem>> -> memref<1x128xi32, #tpu.memory_space<vmem>>
      %dma_start3A_588 = tpu.memref_squeeze %dma_start3A_587 : memref<1x128xi32, #tpu.memory_space<vmem>> -> memref<128xi32, #tpu.memory_space<vmem>>
      %dma_start3A_589 = arith.constant 0 : i32
      %dma_start3A_590 = arith.constant 0 : i32
      %dma_start3A_591 = tpu.memref_slice %arg10[%dma_start3A_589, %dma_start3A_590] : memref<10240x16xf32, #tpu.memory_space<vmem_shared>> -> memref<10240x16xf32, #tpu.memory_space<vmem_shared>>
      tpu.enqueue_indirect_dma source(%dma_start3A_585 : memref<128x16xf32, #tpu.memory_space<vmem>>) target(%dma_start3A_591 : memref<10240x16xf32, #tpu.memory_space<vmem_shared>>) offsets(%dma_start3A_588 : memref<128xi32, #tpu.memory_space<vmem>>) semaphore(%arg22 : memref<!tpu.dma_semaphore, #tpu.memory_space<semaphore_mem>>) {add = true}
      %dma_wait3A_592 = arith.constant 384 : i32
      %dma_wait3A_593 = arith.constant 0 : i32
      %dma_wait3A_594 = tpu.memref_slice %arg9[%dma_wait3A_592, %dma_wait3A_593] : memref<1024x16xf32, #tpu.memory_space<vmem>> -> memref<128x16xf32, #tpu.memory_space<vmem>>
      %dma_wait3A_595 = arith.constant 0 : i32
      %dma_wait3A_596 = arith.constant 0 : i32
      %dma_wait3A_597 = tpu.memref_slice %arg5[%dma_wait3A_595, %dma_wait3A_596] : memref<10240x16xf32, #tpu.memory_space<hbm>> -> memref<128x16xf32, #tpu.memory_space<hbm>>
      %dma_wait3A_598 = arith.constant 384 : i32
      %dma_wait3A_599 = arith.constant 0 : i32
      %dma_wait3A_600 = tpu.memref_slice %arg9[%dma_wait3A_598, %dma_wait3A_599] : memref<1024x16xf32, #tpu.memory_space<vmem>> -> memref<128x16xf32, #tpu.memory_space<vmem>>
      %dma_wait3A_601 = arith.constant 0 : i32
      %dma_wait3A_602 = arith.constant 0 : i32
      %dma_wait3A_603 = tpu.memref_slice %arg5[%dma_wait3A_601, %dma_wait3A_602] : memref<10240x16xf32, #tpu.memory_space<hbm>> -> memref<128x16xf32, #tpu.memory_space<hbm>>
      tpu.wait_dma2 semaphore(%arg22 : memref<!tpu.dma_semaphore, #tpu.memory_space<semaphore_mem>>) src(%dma_wait3A_603 : memref<128x16xf32, #tpu.memory_space<hbm>>) dst(%dma_wait3A_600 : memref<128x16xf32, #tpu.memory_space<vmem>>)
      %mul3A_604 = arith.constant 8 : i32
      %mul3A_605 = arith.muli %mul3A_604, %scan3A_381 : i32
      %add3A_606 = arith.constant 3 : i32
      %add3A_607 = arith.addi %mul3A_605, %add3A_606 : i32
      %mul3A_608 = arith.constant 1 : i32
      %mul3A_609 = arith.muli %add3A_607, %mul3A_608 : i32
      %add3A_610 = arith.constant 0 : i32
      %add3A_611 = arith.addi %mul3A_609, %add3A_610 : i32
      %dma_start3A_612 = arith.constant 384 : i32
      %dma_start3A_613 = arith.constant 0 : i32
      %dma_start3A_614 = tpu.memref_slice %arg9[%dma_start3A_612, %dma_start3A_613] : memref<1024x16xf32, #tpu.memory_space<vmem>> -> memref<128x16xf32, #tpu.memory_space<vmem>>
      %dma_start3A_615 = arith.constant 0 : i32
      %dma_start3A_616 = tpu.memref_slice %arg7[%add3A_611, %dma_start3A_615] : memref<80x128xi32, #tpu.memory_space<vmem>> -> memref<1x128xi32, #tpu.memory_space<vmem>>
      %dma_start3A_617 = tpu.memref_squeeze %dma_start3A_616 : memref<1x128xi32, #tpu.memory_space<vmem>> -> memref<128xi32, #tpu.memory_space<vmem>>
      %dma_start3A_618 = arith.constant 0 : i32
      %dma_start3A_619 = arith.constant 0 : i32
      %dma_start3A_620 = tpu.memref_slice %arg2[%dma_start3A_618, %dma_start3A_619] : memref<10240x16xf32, #tpu.memory_space<hbm>> -> memref<10240x16xf32, #tpu.memory_space<hbm>>
      tpu.enqueue_indirect_dma source(%dma_start3A_620 : memref<10240x16xf32, #tpu.memory_space<hbm>>) target(%dma_start3A_614 : memref<128x16xf32, #tpu.memory_space<vmem>>) offsets(%dma_start3A_617 : memref<128xi32, #tpu.memory_space<vmem>>) semaphore(%arg14 : memref<!tpu.dma_semaphore, #tpu.memory_space<semaphore_mem>>)
      %sub3A_621 = arith.constant 1 : i32
      %sub3A_622 = arith.subi %scan3A_381, %sub3A_621 : i32
      %mul3A_623 = arith.constant 8 : i32
      %mul3A_624 = arith.muli %mul3A_623, %sub3A_622 : i32
      %add3A_625 = arith.constant 4 : i32
      %add3A_626 = arith.addi %mul3A_624, %add3A_625 : i32
      %dma_wait3A_627 = arith.constant 512 : i32
      %dma_wait3A_628 = arith.constant 0 : i32
      %dma_wait3A_629 = tpu.memref_slice %arg9[%dma_wait3A_627, %dma_wait3A_628] : memref<1024x16xf32, #tpu.memory_space<vmem>> -> memref<128x16xf32, #tpu.memory_space<vmem>>
      %dma_wait3A_630 = arith.constant 0 : i32
      %dma_wait3A_631 = arith.constant 0 : i32
      %dma_wait3A_632 = tpu.memref_slice %arg5[%dma_wait3A_630, %dma_wait3A_631] : memref<10240x16xf32, #tpu.memory_space<hbm>> -> memref<128x16xf32, #tpu.memory_space<hbm>>
      %dma_wait3A_633 = arith.constant 512 : i32
      %dma_wait3A_634 = arith.constant 0 : i32
      %dma_wait3A_635 = tpu.memref_slice %arg9[%dma_wait3A_633, %dma_wait3A_634] : memref<1024x16xf32, #tpu.memory_space<vmem>> -> memref<128x16xf32, #tpu.memory_space<vmem>>
      %dma_wait3A_636 = arith.constant 0 : i32
      %dma_wait3A_637 = arith.constant 0 : i32
      %dma_wait3A_638 = tpu.memref_slice %arg5[%dma_wait3A_636, %dma_wait3A_637] : memref<10240x16xf32, #tpu.memory_space<hbm>> -> memref<128x16xf32, #tpu.memory_space<hbm>>
      tpu.wait_dma2 semaphore(%arg15 : memref<!tpu.dma_semaphore, #tpu.memory_space<semaphore_mem>>) src(%dma_wait3A_638 : memref<128x16xf32, #tpu.memory_space<hbm>>) dst(%dma_wait3A_635 : memref<128x16xf32, #tpu.memory_space<vmem>>)
      %mul3A_639 = arith.constant 1 : i32
      %mul3A_640 = arith.muli %add3A_626, %mul3A_639 : i32
      %add3A_641 = arith.constant 0 : i32
      %add3A_642 = arith.addi %mul3A_640, %add3A_641 : i32
      %dma_start3A_643 = arith.constant 512 : i32
      %dma_start3A_644 = arith.constant 0 : i32
      %dma_start3A_645 = tpu.memref_slice %arg9[%dma_start3A_643, %dma_start3A_644] : memref<1024x16xf32, #tpu.memory_space<vmem>> -> memref<128x16xf32, #tpu.memory_space<vmem>>
      %dma_start3A_646 = arith.constant 0 : i32
      %dma_start3A_647 = tpu.memref_slice %arg8[%add3A_642, %dma_start3A_646] : memref<80x128xi32, #tpu.memory_space<vmem>> -> memref<1x128xi32, #tpu.memory_space<vmem>>
      %dma_start3A_648 = tpu.memref_squeeze %dma_start3A_647 : memref<1x128xi32, #tpu.memory_space<vmem>> -> memref<128xi32, #tpu.memory_space<vmem>>
      %dma_start3A_649 = arith.constant 0 : i32
      %dma_start3A_650 = arith.constant 0 : i32
      %dma_start3A_651 = tpu.memref_slice %arg10[%dma_start3A_649, %dma_start3A_650] : memref<10240x16xf32, #tpu.memory_space<vmem_shared>> -> memref<10240x16xf32, #tpu.memory_space<vmem_shared>>
      tpu.enqueue_indirect_dma source(%dma_start3A_645 : memref<128x16xf32, #tpu.memory_space<vmem>>) target(%dma_start3A_651 : memref<10240x16xf32, #tpu.memory_space<vmem_shared>>) offsets(%dma_start3A_648 : memref<128xi32, #tpu.memory_space<vmem>>) semaphore(%arg23 : memref<!tpu.dma_semaphore, #tpu.memory_space<semaphore_mem>>) {add = true}
      %dma_wait3A_652 = arith.constant 512 : i32
      %dma_wait3A_653 = arith.constant 0 : i32
      %dma_wait3A_654 = tpu.memref_slice %arg9[%dma_wait3A_652, %dma_wait3A_653] : memref<1024x16xf32, #tpu.memory_space<vmem>> -> memref<128x16xf32, #tpu.memory_space<vmem>>
      %dma_wait3A_655 = arith.constant 0 : i32
      %dma_wait3A_656 = arith.constant 0 : i32
      %dma_wait3A_657 = tpu.memref_slice %arg5[%dma_wait3A_655, %dma_wait3A_656] : memref<10240x16xf32, #tpu.memory_space<hbm>> -> memref<128x16xf32, #tpu.memory_space<hbm>>
      %dma_wait3A_658 = arith.constant 512 : i32
      %dma_wait3A_659 = arith.constant 0 : i32
      %dma_wait3A_660 = tpu.memref_slice %arg9[%dma_wait3A_658, %dma_wait3A_659] : memref<1024x16xf32, #tpu.memory_space<vmem>> -> memref<128x16xf32, #tpu.memory_space<vmem>>
      %dma_wait3A_661 = arith.constant 0 : i32
      %dma_wait3A_662 = arith.constant 0 : i32
      %dma_wait3A_663 = tpu.memref_slice %arg5[%dma_wait3A_661, %dma_wait3A_662] : memref<10240x16xf32, #tpu.memory_space<hbm>> -> memref<128x16xf32, #tpu.memory_space<hbm>>
      tpu.wait_dma2 semaphore(%arg23 : memref<!tpu.dma_semaphore, #tpu.memory_space<semaphore_mem>>) src(%dma_wait3A_663 : memref<128x16xf32, #tpu.memory_space<hbm>>) dst(%dma_wait3A_660 : memref<128x16xf32, #tpu.memory_space<vmem>>)
      %mul3A_664 = arith.constant 8 : i32
      %mul3A_665 = arith.muli %mul3A_664, %scan3A_381 : i32
      %add3A_666 = arith.constant 4 : i32
      %add3A_667 = arith.addi %mul3A_665, %add3A_666 : i32
      %mul3A_668 = arith.constant 1 : i32
      %mul3A_669 = arith.muli %add3A_667, %mul3A_668 : i32
      %add3A_670 = arith.constant 0 : i32
      %add3A_671 = arith.addi %mul3A_669, %add3A_670 : i32
      %dma_start3A_672 = arith.constant 512 : i32
      %dma_start3A_673 = arith.constant 0 : i32
      %dma_start3A_674 = tpu.memref_slice %arg9[%dma_start3A_672, %dma_start3A_673] : memref<1024x16xf32, #tpu.memory_space<vmem>> -> memref<128x16xf32, #tpu.memory_space<vmem>>
      %dma_start3A_675 = arith.constant 0 : i32
      %dma_start3A_676 = tpu.memref_slice %arg7[%add3A_671, %dma_start3A_675] : memref<80x128xi32, #tpu.memory_space<vmem>> -> memref<1x128xi32, #tpu.memory_space<vmem>>
      %dma_start3A_677 = tpu.memref_squeeze %dma_start3A_676 : memref<1x128xi32, #tpu.memory_space<vmem>> -> memref<128xi32, #tpu.memory_space<vmem>>
      %dma_start3A_678 = arith.constant 0 : i32
      %dma_start3A_679 = arith.constant 0 : i32
      %dma_start3A_680 = tpu.memref_slice %arg2[%dma_start3A_678, %dma_start3A_679] : memref<10240x16xf32, #tpu.memory_space<hbm>> -> memref<10240x16xf32, #tpu.memory_space<hbm>>
      tpu.enqueue_indirect_dma source(%dma_start3A_680 : memref<10240x16xf32, #tpu.memory_space<hbm>>) target(%dma_start3A_674 : memref<128x16xf32, #tpu.memory_space<vmem>>) offsets(%dma_start3A_677 : memref<128xi32, #tpu.memory_space<vmem>>) semaphore(%arg15 : memref<!tpu.dma_semaphore, #tpu.memory_space<semaphore_mem>>)
      %sub3A_681 = arith.constant 1 : i32
      %sub3A_682 = arith.subi %scan3A_381, %sub3A_681 : i32
      %mul3A_683 = arith.constant 8 : i32
      %mul3A_684 = arith.muli %mul3A_683, %sub3A_682 : i32
      %add3A_685 = arith.constant 5 : i32
      %add3A_686 = arith.addi %mul3A_684, %add3A_685 : i32
      %dma_wait3A_687 = arith.constant 640 : i32
      %dma_wait3A_688 = arith.constant 0 : i32
      %dma_wait3A_689 = tpu.memref_slice %arg9[%dma_wait3A_687, %dma_wait3A_688] : memref<1024x16xf32, #tpu.memory_space<vmem>> -> memref<128x16xf32, #tpu.memory_space<vmem>>
      %dma_wait3A_690 = arith.constant 0 : i32
      %dma_wait3A_691 = arith.constant 0 : i32
      %dma_wait3A_692 = tpu.memref_slice %arg5[%dma_wait3A_690, %dma_wait3A_691] : memref<10240x16xf32, #tpu.memory_space<hbm>> -> memref<128x16xf32, #tpu.memory_space<hbm>>
      %dma_wait3A_693 = arith.constant 640 : i32
      %dma_wait3A_694 = arith.constant 0 : i32
      %dma_wait3A_695 = tpu.memref_slice %arg9[%dma_wait3A_693, %dma_wait3A_694] : memref<1024x16xf32, #tpu.memory_space<vmem>> -> memref<128x16xf32, #tpu.memory_space<vmem>>
      %dma_wait3A_696 = arith.constant 0 : i32
      %dma_wait3A_697 = arith.constant 0 : i32
      %dma_wait3A_698 = tpu.memref_slice %arg5[%dma_wait3A_696, %dma_wait3A_697] : memref<10240x16xf32, #tpu.memory_space<hbm>> -> memref<128x16xf32, #tpu.memory_space<hbm>>
      tpu.wait_dma2 semaphore(%arg16 : memref<!tpu.dma_semaphore, #tpu.memory_space<semaphore_mem>>) src(%dma_wait3A_698 : memref<128x16xf32, #tpu.memory_space<hbm>>) dst(%dma_wait3A_695 : memref<128x16xf32, #tpu.memory_space<vmem>>)
      %mul3A_699 = arith.constant 1 : i32
      %mul3A_700 = arith.muli %add3A_686, %mul3A_699 : i32
      %add3A_701 = arith.constant 0 : i32
      %add3A_702 = arith.addi %mul3A_700, %add3A_701 : i32
      %dma_start3A_703 = arith.constant 640 : i32
      %dma_start3A_704 = arith.constant 0 : i32
      %dma_start3A_705 = tpu.memref_slice %arg9[%dma_start3A_703, %dma_start3A_704] : memref<1024x16xf32, #tpu.memory_space<vmem>> -> memref<128x16xf32, #tpu.memory_space<vmem>>
      %dma_start3A_706 = arith.constant 0 : i32
      %dma_start3A_707 = tpu.memref_slice %arg8[%add3A_702, %dma_start3A_706] : memref<80x128xi32, #tpu.memory_space<vmem>> -> memref<1x128xi32, #tpu.memory_space<vmem>>
      %dma_start3A_708 = tpu.memref_squeeze %dma_start3A_707 : memref<1x128xi32, #tpu.memory_space<vmem>> -> memref<128xi32, #tpu.memory_space<vmem>>
      %dma_start3A_709 = arith.constant 0 : i32
      %dma_start3A_710 = arith.constant 0 : i32
      %dma_start3A_711 = tpu.memref_slice %arg10[%dma_start3A_709, %dma_start3A_710] : memref<10240x16xf32, #tpu.memory_space<vmem_shared>> -> memref<10240x16xf32, #tpu.memory_space<vmem_shared>>
      tpu.enqueue_indirect_dma source(%dma_start3A_705 : memref<128x16xf32, #tpu.memory_space<vmem>>) target(%dma_start3A_711 : memref<10240x16xf32, #tpu.memory_space<vmem_shared>>) offsets(%dma_start3A_708 : memref<128xi32, #tpu.memory_space<vmem>>) semaphore(%arg24 : memref<!tpu.dma_semaphore, #tpu.memory_space<semaphore_mem>>) {add = true}
      %dma_wait3A_712 = arith.constant 640 : i32
      %dma_wait3A_713 = arith.constant 0 : i32
      %dma_wait3A_714 = tpu.memref_slice %arg9[%dma_wait3A_712, %dma_wait3A_713] : memref<1024x16xf32, #tpu.memory_space<vmem>> -> memref<128x16xf32, #tpu.memory_space<vmem>>
      %dma_wait3A_715 = arith.constant 0 : i32
      %dma_wait3A_716 = arith.constant 0 : i32
      %dma_wait3A_717 = tpu.memref_slice %arg5[%dma_wait3A_715, %dma_wait3A_716] : memref<10240x16xf32, #tpu.memory_space<hbm>> -> memref<128x16xf32, #tpu.memory_space<hbm>>
      %dma_wait3A_718 = arith.constant 640 : i32
      %dma_wait3A_719 = arith.constant 0 : i32
      %dma_wait3A_720 = tpu.memref_slice %arg9[%dma_wait3A_718, %dma_wait3A_719] : memref<1024x16xf32, #tpu.memory_space<vmem>> -> memref<128x16xf32, #tpu.memory_space<vmem>>
      %dma_wait3A_721 = arith.constant 0 : i32
      %dma_wait3A_722 = arith.constant 0 : i32
      %dma_wait3A_723 = tpu.memref_slice %arg5[%dma_wait3A_721, %dma_wait3A_722] : memref<10240x16xf32, #tpu.memory_space<hbm>> -> memref<128x16xf32, #tpu.memory_space<hbm>>
      tpu.wait_dma2 semaphore(%arg24 : memref<!tpu.dma_semaphore, #tpu.memory_space<semaphore_mem>>) src(%dma_wait3A_723 : memref<128x16xf32, #tpu.memory_space<hbm>>) dst(%dma_wait3A_720 : memref<128x16xf32, #tpu.memory_space<vmem>>)
      %mul3A_724 = arith.constant 8 : i32
      %mul3A_725 = arith.muli %mul3A_724, %scan3A_381 : i32
      %add3A_726 = arith.constant 5 : i32
      %add3A_727 = arith.addi %mul3A_725, %add3A_726 : i32
      %mul3A_728 = arith.constant 1 : i32
      %mul3A_729 = arith.muli %add3A_727, %mul3A_728 : i32
      %add3A_730 = arith.constant 0 : i32
      %add3A_731 = arith.addi %mul3A_729, %add3A_730 : i32
      %dma_start3A_732 = arith.constant 640 : i32
      %dma_start3A_733 = arith.constant 0 : i32
      %dma_start3A_734 = tpu.memref_slice %arg9[%dma_start3A_732, %dma_start3A_733] : memref<1024x16xf32, #tpu.memory_space<vmem>> -> memref<128x16xf32, #tpu.memory_space<vmem>>
      %dma_start3A_735 = arith.constant 0 : i32
      %dma_start3A_736 = tpu.memref_slice %arg7[%add3A_731, %dma_start3A_735] : memref<80x128xi32, #tpu.memory_space<vmem>> -> memref<1x128xi32, #tpu.memory_space<vmem>>
      %dma_start3A_737 = tpu.memref_squeeze %dma_start3A_736 : memref<1x128xi32, #tpu.memory_space<vmem>> -> memref<128xi32, #tpu.memory_space<vmem>>
      %dma_start3A_738 = arith.constant 0 : i32
      %dma_start3A_739 = arith.constant 0 : i32
      %dma_start3A_740 = tpu.memref_slice %arg2[%dma_start3A_738, %dma_start3A_739] : memref<10240x16xf32, #tpu.memory_space<hbm>> -> memref<10240x16xf32, #tpu.memory_space<hbm>>
      tpu.enqueue_indirect_dma source(%dma_start3A_740 : memref<10240x16xf32, #tpu.memory_space<hbm>>) target(%dma_start3A_734 : memref<128x16xf32, #tpu.memory_space<vmem>>) offsets(%dma_start3A_737 : memref<128xi32, #tpu.memory_space<vmem>>) semaphore(%arg16 : memref<!tpu.dma_semaphore, #tpu.memory_space<semaphore_mem>>)
      %sub3A_741 = arith.constant 1 : i32
      %sub3A_742 = arith.subi %scan3A_381, %sub3A_741 : i32
      %mul3A_743 = arith.constant 8 : i32
      %mul3A_744 = arith.muli %mul3A_743, %sub3A_742 : i32
      %add3A_745 = arith.constant 6 : i32
      %add3A_746 = arith.addi %mul3A_744, %add3A_745 : i32
      %dma_wait3A_747 = arith.constant 768 : i32
      %dma_wait3A_748 = arith.constant 0 : i32
      %dma_wait3A_749 = tpu.memref_slice %arg9[%dma_wait3A_747, %dma_wait3A_748] : memref<1024x16xf32, #tpu.memory_space<vmem>> -> memref<128x16xf32, #tpu.memory_space<vmem>>
      %dma_wait3A_750 = arith.constant 0 : i32
      %dma_wait3A_751 = arith.constant 0 : i32
      %dma_wait3A_752 = tpu.memref_slice %arg5[%dma_wait3A_750, %dma_wait3A_751] : memref<10240x16xf32, #tpu.memory_space<hbm>> -> memref<128x16xf32, #tpu.memory_space<hbm>>
      %dma_wait3A_753 = arith.constant 768 : i32
      %dma_wait3A_754 = arith.constant 0 : i32
      %dma_wait3A_755 = tpu.memref_slice %arg9[%dma_wait3A_753, %dma_wait3A_754] : memref<1024x16xf32, #tpu.memory_space<vmem>> -> memref<128x16xf32, #tpu.memory_space<vmem>>
      %dma_wait3A_756 = arith.constant 0 : i32
      %dma_wait3A_757 = arith.constant 0 : i32
      %dma_wait3A_758 = tpu.memref_slice %arg5[%dma_wait3A_756, %dma_wait3A_757] : memref<10240x16xf32, #tpu.memory_space<hbm>> -> memref<128x16xf32, #tpu.memory_space<hbm>>
      tpu.wait_dma2 semaphore(%arg17 : memref<!tpu.dma_semaphore, #tpu.memory_space<semaphore_mem>>) src(%dma_wait3A_758 : memref<128x16xf32, #tpu.memory_space<hbm>>) dst(%dma_wait3A_755 : memref<128x16xf32, #tpu.memory_space<vmem>>)
      %mul3A_759 = arith.constant 1 : i32
      %mul3A_760 = arith.muli %add3A_746, %mul3A_759 : i32
      %add3A_761 = arith.constant 0 : i32
      %add3A_762 = arith.addi %mul3A_760, %add3A_761 : i32
      %dma_start3A_763 = arith.constant 768 : i32
      %dma_start3A_764 = arith.constant 0 : i32
      %dma_start3A_765 = tpu.memref_slice %arg9[%dma_start3A_763, %dma_start3A_764] : memref<1024x16xf32, #tpu.memory_space<vmem>> -> memref<128x16xf32, #tpu.memory_space<vmem>>
      %dma_start3A_766 = arith.constant 0 : i32
      %dma_start3A_767 = tpu.memref_slice %arg8[%add3A_762, %dma_start3A_766] : memref<80x128xi32, #tpu.memory_space<vmem>> -> memref<1x128xi32, #tpu.memory_space<vmem>>
      %dma_start3A_768 = tpu.memref_squeeze %dma_start3A_767 : memref<1x128xi32, #tpu.memory_space<vmem>> -> memref<128xi32, #tpu.memory_space<vmem>>
      %dma_start3A_769 = arith.constant 0 : i32
      %dma_start3A_770 = arith.constant 0 : i32
      %dma_start3A_771 = tpu.memref_slice %arg10[%dma_start3A_769, %dma_start3A_770] : memref<10240x16xf32, #tpu.memory_space<vmem_shared>> -> memref<10240x16xf32, #tpu.memory_space<vmem_shared>>
      tpu.enqueue_indirect_dma source(%dma_start3A_765 : memref<128x16xf32, #tpu.memory_space<vmem>>) target(%dma_start3A_771 : memref<10240x16xf32, #tpu.memory_space<vmem_shared>>) offsets(%dma_start3A_768 : memref<128xi32, #tpu.memory_space<vmem>>) semaphore(%arg25 : memref<!tpu.dma_semaphore, #tpu.memory_space<semaphore_mem>>) {add = true}
      %dma_wait3A_772 = arith.constant 768 : i32
      %dma_wait3A_773 = arith.constant 0 : i32
      %dma_wait3A_774 = tpu.memref_slice %arg9[%dma_wait3A_772, %dma_wait3A_773] : memref<1024x16xf32, #tpu.memory_space<vmem>> -> memref<128x16xf32, #tpu.memory_space<vmem>>
      %dma_wait3A_775 = arith.constant 0 : i32
      %dma_wait3A_776 = arith.constant 0 : i32
      %dma_wait3A_777 = tpu.memref_slice %arg5[%dma_wait3A_775, %dma_wait3A_776] : memref<10240x16xf32, #tpu.memory_space<hbm>> -> memref<128x16xf32, #tpu.memory_space<hbm>>
      %dma_wait3A_778 = arith.constant 768 : i32
      %dma_wait3A_779 = arith.constant 0 : i32
      %dma_wait3A_780 = tpu.memref_slice %arg9[%dma_wait3A_778, %dma_wait3A_779] : memref<1024x16xf32, #tpu.memory_space<vmem>> -> memref<128x16xf32, #tpu.memory_space<vmem>>
      %dma_wait3A_781 = arith.constant 0 : i32
      %dma_wait3A_782 = arith.constant 0 : i32
      %dma_wait3A_783 = tpu.memref_slice %arg5[%dma_wait3A_781, %dma_wait3A_782] : memref<10240x16xf32, #tpu.memory_space<hbm>> -> memref<128x16xf32, #tpu.memory_space<hbm>>
      tpu.wait_dma2 semaphore(%arg25 : memref<!tpu.dma_semaphore, #tpu.memory_space<semaphore_mem>>) src(%dma_wait3A_783 : memref<128x16xf32, #tpu.memory_space<hbm>>) dst(%dma_wait3A_780 : memref<128x16xf32, #tpu.memory_space<vmem>>)
      %mul3A_784 = arith.constant 8 : i32
      %mul3A_785 = arith.muli %mul3A_784, %scan3A_381 : i32
      %add3A_786 = arith.constant 6 : i32
      %add3A_787 = arith.addi %mul3A_785, %add3A_786 : i32
      %mul3A_788 = arith.constant 1 : i32
      %mul3A_789 = arith.muli %add3A_787, %mul3A_788 : i32
      %add3A_790 = arith.constant 0 : i32
      %add3A_791 = arith.addi %mul3A_789, %add3A_790 : i32
      %dma_start3A_792 = arith.constant 768 : i32
      %dma_start3A_793 = arith.constant 0 : i32
      %dma_start3A_794 = tpu.memref_slice %arg9[%dma_start3A_792, %dma_start3A_793] : memref<1024x16xf32, #tpu.memory_space<vmem>> -> memref<128x16xf32, #tpu.memory_space<vmem>>
      %dma_start3A_795 = arith.constant 0 : i32
      %dma_start3A_796 = tpu.memref_slice %arg7[%add3A_791, %dma_start3A_795] : memref<80x128xi32, #tpu.memory_space<vmem>> -> memref<1x128xi32, #tpu.memory_space<vmem>>
      %dma_start3A_797 = tpu.memref_squeeze %dma_start3A_796 : memref<1x128xi32, #tpu.memory_space<vmem>> -> memref<128xi32, #tpu.memory_space<vmem>>
      %dma_start3A_798 = arith.constant 0 : i32
      %dma_start3A_799 = arith.constant 0 : i32
      %dma_start3A_800 = tpu.memref_slice %arg2[%dma_start3A_798, %dma_start3A_799] : memref<10240x16xf32, #tpu.memory_space<hbm>> -> memref<10240x16xf32, #tpu.memory_space<hbm>>
      tpu.enqueue_indirect_dma source(%dma_start3A_800 : memref<10240x16xf32, #tpu.memory_space<hbm>>) target(%dma_start3A_794 : memref<128x16xf32, #tpu.memory_space<vmem>>) offsets(%dma_start3A_797 : memref<128xi32, #tpu.memory_space<vmem>>) semaphore(%arg17 : memref<!tpu.dma_semaphore, #tpu.memory_space<semaphore_mem>>)
      %sub3A_801 = arith.constant 1 : i32
      %sub3A_802 = arith.subi %scan3A_381, %sub3A_801 : i32
      %mul3A_803 = arith.constant 8 : i32
      %mul3A_804 = arith.muli %mul3A_803, %sub3A_802 : i32
      %add3A_805 = arith.constant 7 : i32
      %add3A_806 = arith.addi %mul3A_804, %add3A_805 : i32
      %dma_wait3A_807 = arith.constant 896 : i32
      %dma_wait3A_808 = arith.constant 0 : i32
      %dma_wait3A_809 = tpu.memref_slice %arg9[%dma_wait3A_807, %dma_wait3A_808] : memref<1024x16xf32, #tpu.memory_space<vmem>> -> memref<128x16xf32, #tpu.memory_space<vmem>>
      %dma_wait3A_810 = arith.constant 0 : i32
      %dma_wait3A_811 = arith.constant 0 : i32
      %dma_wait3A_812 = tpu.memref_slice %arg5[%dma_wait3A_810, %dma_wait3A_811] : memref<10240x16xf32, #tpu.memory_space<hbm>> -> memref<128x16xf32, #tpu.memory_space<hbm>>
      %dma_wait3A_813 = arith.constant 896 : i32
      %dma_wait3A_814 = arith.constant 0 : i32
      %dma_wait3A_815 = tpu.memref_slice %arg9[%dma_wait3A_813, %dma_wait3A_814] : memref<1024x16xf32, #tpu.memory_space<vmem>> -> memref<128x16xf32, #tpu.memory_space<vmem>>
      %dma_wait3A_816 = arith.constant 0 : i32
      %dma_wait3A_817 = arith.constant 0 : i32
      %dma_wait3A_818 = tpu.memref_slice %arg5[%dma_wait3A_816, %dma_wait3A_817] : memref<10240x16xf32, #tpu.memory_space<hbm>> -> memref<128x16xf32, #tpu.memory_space<hbm>>
      tpu.wait_dma2 semaphore(%arg18 : memref<!tpu.dma_semaphore, #tpu.memory_space<semaphore_mem>>) src(%dma_wait3A_818 : memref<128x16xf32, #tpu.memory_space<hbm>>) dst(%dma_wait3A_815 : memref<128x16xf32, #tpu.memory_space<vmem>>)
      %mul3A_819 = arith.constant 1 : i32
      %mul3A_820 = arith.muli %add3A_806, %mul3A_819 : i32
      %add3A_821 = arith.constant 0 : i32
      %add3A_822 = arith.addi %mul3A_820, %add3A_821 : i32
      %dma_start3A_823 = arith.constant 896 : i32
      %dma_start3A_824 = arith.constant 0 : i32
      %dma_start3A_825 = tpu.memref_slice %arg9[%dma_start3A_823, %dma_start3A_824] : memref<1024x16xf32, #tpu.memory_space<vmem>> -> memref<128x16xf32, #tpu.memory_space<vmem>>
      %dma_start3A_826 = arith.constant 0 : i32
      %dma_start3A_827 = tpu.memref_slice %arg8[%add3A_822, %dma_start3A_826] : memref<80x128xi32, #tpu.memory_space<vmem>> -> memref<1x128xi32, #tpu.memory_space<vmem>>
      %dma_start3A_828 = tpu.memref_squeeze %dma_start3A_827 : memref<1x128xi32, #tpu.memory_space<vmem>> -> memref<128xi32, #tpu.memory_space<vmem>>
      %dma_start3A_829 = arith.constant 0 : i32
      %dma_start3A_830 = arith.constant 0 : i32
      %dma_start3A_831 = tpu.memref_slice %arg10[%dma_start3A_829, %dma_start3A_830] : memref<10240x16xf32, #tpu.memory_space<vmem_shared>> -> memref<10240x16xf32, #tpu.memory_space<vmem_shared>>
      tpu.enqueue_indirect_dma source(%dma_start3A_825 : memref<128x16xf32, #tpu.memory_space<vmem>>) target(%dma_start3A_831 : memref<10240x16xf32, #tpu.memory_space<vmem_shared>>) offsets(%dma_start3A_828 : memref<128xi32, #tpu.memory_space<vmem>>) semaphore(%arg26 : memref<!tpu.dma_semaphore, #tpu.memory_space<semaphore_mem>>) {add = true}
      %dma_wait3A_832 = arith.constant 896 : i32
      %dma_wait3A_833 = arith.constant 0 : i32
      %dma_wait3A_834 = tpu.memref_slice %arg9[%dma_wait3A_832, %dma_wait3A_833] : memref<1024x16xf32, #tpu.memory_space<vmem>> -> memref<128x16xf32, #tpu.memory_space<vmem>>
      %dma_wait3A_835 = arith.constant 0 : i32
      %dma_wait3A_836 = arith.constant 0 : i32
      %dma_wait3A_837 = tpu.memref_slice %arg5[%dma_wait3A_835, %dma_wait3A_836] : memref<10240x16xf32, #tpu.memory_space<hbm>> -> memref<128x16xf32, #tpu.memory_space<hbm>>
      %dma_wait3A_838 = arith.constant 896 : i32
      %dma_wait3A_839 = arith.constant 0 : i32
      %dma_wait3A_840 = tpu.memref_slice %arg9[%dma_wait3A_838, %dma_wait3A_839] : memref<1024x16xf32, #tpu.memory_space<vmem>> -> memref<128x16xf32, #tpu.memory_space<vmem>>
      %dma_wait3A_841 = arith.constant 0 : i32
      %dma_wait3A_842 = arith.constant 0 : i32
      %dma_wait3A_843 = tpu.memref_slice %arg5[%dma_wait3A_841, %dma_wait3A_842] : memref<10240x16xf32, #tpu.memory_space<hbm>> -> memref<128x16xf32, #tpu.memory_space<hbm>>
      tpu.wait_dma2 semaphore(%arg26 : memref<!tpu.dma_semaphore, #tpu.memory_space<semaphore_mem>>) src(%dma_wait3A_843 : memref<128x16xf32, #tpu.memory_space<hbm>>) dst(%dma_wait3A_840 : memref<128x16xf32, #tpu.memory_space<vmem>>)
      %mul3A_844 = arith.constant 8 : i32
      %mul3A_845 = arith.muli %mul3A_844, %scan3A_381 : i32
      %add3A_846 = arith.constant 7 : i32
      %add3A_847 = arith.addi %mul3A_845, %add3A_846 : i32
      %mul3A_848 = arith.constant 1 : i32
      %mul3A_849 = arith.muli %add3A_847, %mul3A_848 : i32
      %add3A_850 = arith.constant 0 : i32
      %add3A_851 = arith.addi %mul3A_849, %add3A_850 : i32
      %dma_start3A_852 = arith.constant 896 : i32
      %dma_start3A_853 = arith.constant 0 : i32
      %dma_start3A_854 = tpu.memref_slice %arg9[%dma_start3A_852, %dma_start3A_853] : memref<1024x16xf32, #tpu.memory_space<vmem>> -> memref<128x16xf32, #tpu.memory_space<vmem>>
      %dma_start3A_855 = arith.constant 0 : i32
      %dma_start3A_856 = tpu.memref_slice %arg7[%add3A_851, %dma_start3A_855] : memref<80x128xi32, #tpu.memory_space<vmem>> -> memref<1x128xi32, #tpu.memory_space<vmem>>
      %dma_start3A_857 = tpu.memref_squeeze %dma_start3A_856 : memref<1x128xi32, #tpu.memory_space<vmem>> -> memref<128xi32, #tpu.memory_space<vmem>>
      %dma_start3A_858 = arith.constant 0 : i32
      %dma_start3A_859 = arith.constant 0 : i32
      %dma_start3A_860 = tpu.memref_slice %arg2[%dma_start3A_858, %dma_start3A_859] : memref<10240x16xf32, #tpu.memory_space<hbm>> -> memref<10240x16xf32, #tpu.memory_space<hbm>>
      tpu.enqueue_indirect_dma source(%dma_start3A_860 : memref<10240x16xf32, #tpu.memory_space<hbm>>) target(%dma_start3A_854 : memref<128x16xf32, #tpu.memory_space<vmem>>) offsets(%dma_start3A_857 : memref<128xi32, #tpu.memory_space<vmem>>) semaphore(%arg18 : memref<!tpu.dma_semaphore, #tpu.memory_space<semaphore_mem>>)
    }
    %scan3A_104 = arith.constant 9 : i32
    %dma_wait3A = arith.constant 0 : i32
    %dma_wait3A_105 = arith.constant 0 : i32
    %dma_wait3A_106 = tpu.memref_slice %arg9[%dma_wait3A, %dma_wait3A_105] : memref<1024x16xf32, #tpu.memory_space<vmem>> -> memref<128x16xf32, #tpu.memory_space<vmem>>
    %dma_wait3A_107 = arith.constant 0 : i32
    %dma_wait3A_108 = arith.constant 0 : i32
    %dma_wait3A_109 = tpu.memref_slice %arg5[%dma_wait3A_107, %dma_wait3A_108] : memref<10240x16xf32, #tpu.memory_space<hbm>> -> memref<128x16xf32, #tpu.memory_space<hbm>>
    %dma_wait3A_110 = arith.constant 0 : i32
    %dma_wait3A_111 = arith.constant 0 : i32
    %dma_wait3A_112 = tpu.memref_slice %arg9[%dma_wait3A_110, %dma_wait3A_111] : memref<1024x16xf32, #tpu.memory_space<vmem>> -> memref<128x16xf32, #tpu.memory_space<vmem>>
    %dma_wait3A_113 = arith.constant 0 : i32
    %dma_wait3A_114 = arith.constant 0 : i32
    %dma_wait3A_115 = tpu.memref_slice %arg5[%dma_wait3A_113, %dma_wait3A_114] : memref<10240x16xf32, #tpu.memory_space<hbm>> -> memref<128x16xf32, #tpu.memory_space<hbm>>
    tpu.wait_dma2 semaphore(%arg11 : memref<!tpu.dma_semaphore, #tpu.memory_space<semaphore_mem>>) src(%dma_wait3A_115 : memref<128x16xf32, #tpu.memory_space<hbm>>) dst(%dma_wait3A_112 : memref<128x16xf32, #tpu.memory_space<vmem>>)
    %dma_start3A_116 = arith.constant 72 : i32
    %dma_start3A_117 = arith.constant 0 : i32
    %dma_start3A_118 = arith.constant 0 : i32
    %dma_start3A_119 = tpu.memref_slice %arg9[%dma_start3A_117, %dma_start3A_118] : memref<1024x16xf32, #tpu.memory_space<vmem>> -> memref<128x16xf32, #tpu.memory_space<vmem>>
    %dma_start3A_120 = arith.constant 0 : i32
    %dma_start3A_121 = tpu.memref_slice %arg8[%dma_start3A_116, %dma_start3A_120] : memref<80x128xi32, #tpu.memory_space<vmem>> -> memref<1x128xi32, #tpu.memory_space<vmem>>
    %dma_start3A_122 = tpu.memref_squeeze %dma_start3A_121 : memref<1x128xi32, #tpu.memory_space<vmem>> -> memref<128xi32, #tpu.memory_space<vmem>>
    %dma_start3A_123 = arith.constant 0 : i32
    %dma_start3A_124 = arith.constant 0 : i32
    %dma_start3A_125 = tpu.memref_slice %arg10[%dma_start3A_123, %dma_start3A_124] : memref<10240x16xf32, #tpu.memory_space<vmem_shared>> -> memref<10240x16xf32, #tpu.memory_space<vmem_shared>>
    tpu.enqueue_indirect_dma source(%dma_start3A_119 : memref<128x16xf32, #tpu.memory_space<vmem>>) target(%dma_start3A_125 : memref<10240x16xf32, #tpu.memory_space<vmem_shared>>) offsets(%dma_start3A_122 : memref<128xi32, #tpu.memory_space<vmem>>) semaphore(%arg19 : memref<!tpu.dma_semaphore, #tpu.memory_space<semaphore_mem>>) {add = true}
    %dma_wait3A_126 = arith.constant 0 : i32
    %dma_wait3A_127 = arith.constant 0 : i32
    %dma_wait3A_128 = tpu.memref_slice %arg9[%dma_wait3A_126, %dma_wait3A_127] : memref<1024x16xf32, #tpu.memory_space<vmem>> -> memref<128x16xf32, #tpu.memory_space<vmem>>
    %dma_wait3A_129 = arith.constant 0 : i32
    %dma_wait3A_130 = arith.constant 0 : i32
    %dma_wait3A_131 = tpu.memref_slice %arg5[%dma_wait3A_129, %dma_wait3A_130] : memref<10240x16xf32, #tpu.memory_space<hbm>> -> memref<128x16xf32, #tpu.memory_space<hbm>>
    %dma_wait3A_132 = arith.constant 0 : i32
    %dma_wait3A_133 = arith.constant 0 : i32
    %dma_wait3A_134 = tpu.memref_slice %arg9[%dma_wait3A_132, %dma_wait3A_133] : memref<1024x16xf32, #tpu.memory_space<vmem>> -> memref<128x16xf32, #tpu.memory_space<vmem>>
    %dma_wait3A_135 = arith.constant 0 : i32
    %dma_wait3A_136 = arith.constant 0 : i32
    %dma_wait3A_137 = tpu.memref_slice %arg5[%dma_wait3A_135, %dma_wait3A_136] : memref<10240x16xf32, #tpu.memory_space<hbm>> -> memref<128x16xf32, #tpu.memory_space<hbm>>
    tpu.wait_dma2 semaphore(%arg19 : memref<!tpu.dma_semaphore, #tpu.memory_space<semaphore_mem>>) src(%dma_wait3A_137 : memref<128x16xf32, #tpu.memory_space<hbm>>) dst(%dma_wait3A_134 : memref<128x16xf32, #tpu.memory_space<vmem>>)
    %dma_wait3A_138 = arith.constant 128 : i32
    %dma_wait3A_139 = arith.constant 0 : i32
    %dma_wait3A_140 = tpu.memref_slice %arg9[%dma_wait3A_138, %dma_wait3A_139] : memref<1024x16xf32, #tpu.memory_space<vmem>> -> memref<128x16xf32, #tpu.memory_space<vmem>>
    %dma_wait3A_141 = arith.constant 0 : i32
    %dma_wait3A_142 = arith.constant 0 : i32
    %dma_wait3A_143 = tpu.memref_slice %arg5[%dma_wait3A_141, %dma_wait3A_142] : memref<10240x16xf32, #tpu.memory_space<hbm>> -> memref<128x16xf32, #tpu.memory_space<hbm>>
    %dma_wait3A_144 = arith.constant 128 : i32
    %dma_wait3A_145 = arith.constant 0 : i32
    %dma_wait3A_146 = tpu.memref_slice %arg9[%dma_wait3A_144, %dma_wait3A_145] : memref<1024x16xf32, #tpu.memory_space<vmem>> -> memref<128x16xf32, #tpu.memory_space<vmem>>
    %dma_wait3A_147 = arith.constant 0 : i32
    %dma_wait3A_148 = arith.constant 0 : i32
    %dma_wait3A_149 = tpu.memref_slice %arg5[%dma_wait3A_147, %dma_wait3A_148] : memref<10240x16xf32, #tpu.memory_space<hbm>> -> memref<128x16xf32, #tpu.memory_space<hbm>>
    tpu.wait_dma2 semaphore(%arg12 : memref<!tpu.dma_semaphore, #tpu.memory_space<semaphore_mem>>) src(%dma_wait3A_149 : memref<128x16xf32, #tpu.memory_space<hbm>>) dst(%dma_wait3A_146 : memref<128x16xf32, #tpu.memory_space<vmem>>)
    %dma_start3A_150 = arith.constant 73 : i32
    %dma_start3A_151 = arith.constant 128 : i32
    %dma_start3A_152 = arith.constant 0 : i32
    %dma_start3A_153 = tpu.memref_slice %arg9[%dma_start3A_151, %dma_start3A_152] : memref<1024x16xf32, #tpu.memory_space<vmem>> -> memref<128x16xf32, #tpu.memory_space<vmem>>
    %dma_start3A_154 = arith.constant 0 : i32
    %dma_start3A_155 = tpu.memref_slice %arg8[%dma_start3A_150, %dma_start3A_154] : memref<80x128xi32, #tpu.memory_space<vmem>> -> memref<1x128xi32, #tpu.memory_space<vmem>>
    %dma_start3A_156 = tpu.memref_squeeze %dma_start3A_155 : memref<1x128xi32, #tpu.memory_space<vmem>> -> memref<128xi32, #tpu.memory_space<vmem>>
    %dma_start3A_157 = arith.constant 0 : i32
    %dma_start3A_158 = arith.constant 0 : i32
    %dma_start3A_159 = tpu.memref_slice %arg10[%dma_start3A_157, %dma_start3A_158] : memref<10240x16xf32, #tpu.memory_space<vmem_shared>> -> memref<10240x16xf32, #tpu.memory_space<vmem_shared>>
    tpu.enqueue_indirect_dma source(%dma_start3A_153 : memref<128x16xf32, #tpu.memory_space<vmem>>) target(%dma_start3A_159 : memref<10240x16xf32, #tpu.memory_space<vmem_shared>>) offsets(%dma_start3A_156 : memref<128xi32, #tpu.memory_space<vmem>>) semaphore(%arg20 : memref<!tpu.dma_semaphore, #tpu.memory_space<semaphore_mem>>) {add = true}
    %dma_wait3A_160 = arith.constant 128 : i32
    %dma_wait3A_161 = arith.constant 0 : i32
    %dma_wait3A_162 = tpu.memref_slice %arg9[%dma_wait3A_160, %dma_wait3A_161] : memref<1024x16xf32, #tpu.memory_space<vmem>> -> memref<128x16xf32, #tpu.memory_space<vmem>>
    %dma_wait3A_163 = arith.constant 0 : i32
    %dma_wait3A_164 = arith.constant 0 : i32
    %dma_wait3A_165 = tpu.memref_slice %arg5[%dma_wait3A_163, %dma_wait3A_164] : memref<10240x16xf32, #tpu.memory_space<hbm>> -> memref<128x16xf32, #tpu.memory_space<hbm>>
    %dma_wait3A_166 = arith.constant 128 : i32
    %dma_wait3A_167 = arith.constant 0 : i32
    %dma_wait3A_168 = tpu.memref_slice %arg9[%dma_wait3A_166, %dma_wait3A_167] : memref<1024x16xf32, #tpu.memory_space<vmem>> -> memref<128x16xf32, #tpu.memory_space<vmem>>
    %dma_wait3A_169 = arith.constant 0 : i32
    %dma_wait3A_170 = arith.constant 0 : i32
    %dma_wait3A_171 = tpu.memref_slice %arg5[%dma_wait3A_169, %dma_wait3A_170] : memref<10240x16xf32, #tpu.memory_space<hbm>> -> memref<128x16xf32, #tpu.memory_space<hbm>>
    tpu.wait_dma2 semaphore(%arg20 : memref<!tpu.dma_semaphore, #tpu.memory_space<semaphore_mem>>) src(%dma_wait3A_171 : memref<128x16xf32, #tpu.memory_space<hbm>>) dst(%dma_wait3A_168 : memref<128x16xf32, #tpu.memory_space<vmem>>)
    %dma_wait3A_172 = arith.constant 256 : i32
    %dma_wait3A_173 = arith.constant 0 : i32
    %dma_wait3A_174 = tpu.memref_slice %arg9[%dma_wait3A_172, %dma_wait3A_173] : memref<1024x16xf32, #tpu.memory_space<vmem>> -> memref<128x16xf32, #tpu.memory_space<vmem>>
    %dma_wait3A_175 = arith.constant 0 : i32
    %dma_wait3A_176 = arith.constant 0 : i32
    %dma_wait3A_177 = tpu.memref_slice %arg5[%dma_wait3A_175, %dma_wait3A_176] : memref<10240x16xf32, #tpu.memory_space<hbm>> -> memref<128x16xf32, #tpu.memory_space<hbm>>
    %dma_wait3A_178 = arith.constant 256 : i32
    %dma_wait3A_179 = arith.constant 0 : i32
    %dma_wait3A_180 = tpu.memref_slice %arg9[%dma_wait3A_178, %dma_wait3A_179] : memref<1024x16xf32, #tpu.memory_space<vmem>> -> memref<128x16xf32, #tpu.memory_space<vmem>>
    %dma_wait3A_181 = arith.constant 0 : i32
    %dma_wait3A_182 = arith.constant 0 : i32
    %dma_wait3A_183 = tpu.memref_slice %arg5[%dma_wait3A_181, %dma_wait3A_182] : memref<10240x16xf32, #tpu.memory_space<hbm>> -> memref<128x16xf32, #tpu.memory_space<hbm>>
    tpu.wait_dma2 semaphore(%arg13 : memref<!tpu.dma_semaphore, #tpu.memory_space<semaphore_mem>>) src(%dma_wait3A_183 : memref<128x16xf32, #tpu.memory_space<hbm>>) dst(%dma_wait3A_180 : memref<128x16xf32, #tpu.memory_space<vmem>>)
    %dma_start3A_184 = arith.constant 74 : i32
    %dma_start3A_185 = arith.constant 256 : i32
    %dma_start3A_186 = arith.constant 0 : i32
    %dma_start3A_187 = tpu.memref_slice %arg9[%dma_start3A_185, %dma_start3A_186] : memref<1024x16xf32, #tpu.memory_space<vmem>> -> memref<128x16xf32, #tpu.memory_space<vmem>>
    %dma_start3A_188 = arith.constant 0 : i32
    %dma_start3A_189 = tpu.memref_slice %arg8[%dma_start3A_184, %dma_start3A_188] : memref<80x128xi32, #tpu.memory_space<vmem>> -> memref<1x128xi32, #tpu.memory_space<vmem>>
    %dma_start3A_190 = tpu.memref_squeeze %dma_start3A_189 : memref<1x128xi32, #tpu.memory_space<vmem>> -> memref<128xi32, #tpu.memory_space<vmem>>
    %dma_start3A_191 = arith.constant 0 : i32
    %dma_start3A_192 = arith.constant 0 : i32
    %dma_start3A_193 = tpu.memref_slice %arg10[%dma_start3A_191, %dma_start3A_192] : memref<10240x16xf32, #tpu.memory_space<vmem_shared>> -> memref<10240x16xf32, #tpu.memory_space<vmem_shared>>
    tpu.enqueue_indirect_dma source(%dma_start3A_187 : memref<128x16xf32, #tpu.memory_space<vmem>>) target(%dma_start3A_193 : memref<10240x16xf32, #tpu.memory_space<vmem_shared>>) offsets(%dma_start3A_190 : memref<128xi32, #tpu.memory_space<vmem>>) semaphore(%arg21 : memref<!tpu.dma_semaphore, #tpu.memory_space<semaphore_mem>>) {add = true}
    %dma_wait3A_194 = arith.constant 256 : i32
    %dma_wait3A_195 = arith.constant 0 : i32
    %dma_wait3A_196 = tpu.memref_slice %arg9[%dma_wait3A_194, %dma_wait3A_195] : memref<1024x16xf32, #tpu.memory_space<vmem>> -> memref<128x16xf32, #tpu.memory_space<vmem>>
    %dma_wait3A_197 = arith.constant 0 : i32
    %dma_wait3A_198 = arith.constant 0 : i32
    %dma_wait3A_199 = tpu.memref_slice %arg5[%dma_wait3A_197, %dma_wait3A_198] : memref<10240x16xf32, #tpu.memory_space<hbm>> -> memref<128x16xf32, #tpu.memory_space<hbm>>
    %dma_wait3A_200 = arith.constant 256 : i32
    %dma_wait3A_201 = arith.constant 0 : i32
    %dma_wait3A_202 = tpu.memref_slice %arg9[%dma_wait3A_200, %dma_wait3A_201] : memref<1024x16xf32, #tpu.memory_space<vmem>> -> memref<128x16xf32, #tpu.memory_space<vmem>>
    %dma_wait3A_203 = arith.constant 0 : i32
    %dma_wait3A_204 = arith.constant 0 : i32
    %dma_wait3A_205 = tpu.memref_slice %arg5[%dma_wait3A_203, %dma_wait3A_204] : memref<10240x16xf32, #tpu.memory_space<hbm>> -> memref<128x16xf32, #tpu.memory_space<hbm>>
    tpu.wait_dma2 semaphore(%arg21 : memref<!tpu.dma_semaphore, #tpu.memory_space<semaphore_mem>>) src(%dma_wait3A_205 : memref<128x16xf32, #tpu.memory_space<hbm>>) dst(%dma_wait3A_202 : memref<128x16xf32, #tpu.memory_space<vmem>>)
    %dma_wait3A_206 = arith.constant 384 : i32
    %dma_wait3A_207 = arith.constant 0 : i32
    %dma_wait3A_208 = tpu.memref_slice %arg9[%dma_wait3A_206, %dma_wait3A_207] : memref<1024x16xf32, #tpu.memory_space<vmem>> -> memref<128x16xf32, #tpu.memory_space<vmem>>
    %dma_wait3A_209 = arith.constant 0 : i32
    %dma_wait3A_210 = arith.constant 0 : i32
    %dma_wait3A_211 = tpu.memref_slice %arg5[%dma_wait3A_209, %dma_wait3A_210] : memref<10240x16xf32, #tpu.memory_space<hbm>> -> memref<128x16xf32, #tpu.memory_space<hbm>>
    %dma_wait3A_212 = arith.constant 384 : i32
    %dma_wait3A_213 = arith.constant 0 : i32
    %dma_wait3A_214 = tpu.memref_slice %arg9[%dma_wait3A_212, %dma_wait3A_213] : memref<1024x16xf32, #tpu.memory_space<vmem>> -> memref<128x16xf32, #tpu.memory_space<vmem>>
    %dma_wait3A_215 = arith.constant 0 : i32
    %dma_wait3A_216 = arith.constant 0 : i32
    %dma_wait3A_217 = tpu.memref_slice %arg5[%dma_wait3A_215, %dma_wait3A_216] : memref<10240x16xf32, #tpu.memory_space<hbm>> -> memref<128x16xf32, #tpu.memory_space<hbm>>
    tpu.wait_dma2 semaphore(%arg14 : memref<!tpu.dma_semaphore, #tpu.memory_space<semaphore_mem>>) src(%dma_wait3A_217 : memref<128x16xf32, #tpu.memory_space<hbm>>) dst(%dma_wait3A_214 : memref<128x16xf32, #tpu.memory_space<vmem>>)
    %dma_start3A_218 = arith.constant 75 : i32
    %dma_start3A_219 = arith.constant 384 : i32
    %dma_start3A_220 = arith.constant 0 : i32
    %dma_start3A_221 = tpu.memref_slice %arg9[%dma_start3A_219, %dma_start3A_220] : memref<1024x16xf32, #tpu.memory_space<vmem>> -> memref<128x16xf32, #tpu.memory_space<vmem>>
    %dma_start3A_222 = arith.constant 0 : i32
    %dma_start3A_223 = tpu.memref_slice %arg8[%dma_start3A_218, %dma_start3A_222] : memref<80x128xi32, #tpu.memory_space<vmem>> -> memref<1x128xi32, #tpu.memory_space<vmem>>
    %dma_start3A_224 = tpu.memref_squeeze %dma_start3A_223 : memref<1x128xi32, #tpu.memory_space<vmem>> -> memref<128xi32, #tpu.memory_space<vmem>>
    %dma_start3A_225 = arith.constant 0 : i32
    %dma_start3A_226 = arith.constant 0 : i32
    %dma_start3A_227 = tpu.memref_slice %arg10[%dma_start3A_225, %dma_start3A_226] : memref<10240x16xf32, #tpu.memory_space<vmem_shared>> -> memref<10240x16xf32, #tpu.memory_space<vmem_shared>>
    tpu.enqueue_indirect_dma source(%dma_start3A_221 : memref<128x16xf32, #tpu.memory_space<vmem>>) target(%dma_start3A_227 : memref<10240x16xf32, #tpu.memory_space<vmem_shared>>) offsets(%dma_start3A_224 : memref<128xi32, #tpu.memory_space<vmem>>) semaphore(%arg22 : memref<!tpu.dma_semaphore, #tpu.memory_space<semaphore_mem>>) {add = true}
    %dma_wait3A_228 = arith.constant 384 : i32
    %dma_wait3A_229 = arith.constant 0 : i32
    %dma_wait3A_230 = tpu.memref_slice %arg9[%dma_wait3A_228, %dma_wait3A_229] : memref<1024x16xf32, #tpu.memory_space<vmem>> -> memref<128x16xf32, #tpu.memory_space<vmem>>
    %dma_wait3A_231 = arith.constant 0 : i32
    %dma_wait3A_232 = arith.constant 0 : i32
    %dma_wait3A_233 = tpu.memref_slice %arg5[%dma_wait3A_231, %dma_wait3A_232] : memref<10240x16xf32, #tpu.memory_space<hbm>> -> memref<128x16xf32, #tpu.memory_space<hbm>>
    %dma_wait3A_234 = arith.constant 384 : i32
    %dma_wait3A_235 = arith.constant 0 : i32
    %dma_wait3A_236 = tpu.memref_slice %arg9[%dma_wait3A_234, %dma_wait3A_235] : memref<1024x16xf32, #tpu.memory_space<vmem>> -> memref<128x16xf32, #tpu.memory_space<vmem>>
    %dma_wait3A_237 = arith.constant 0 : i32
    %dma_wait3A_238 = arith.constant 0 : i32
    %dma_wait3A_239 = tpu.memref_slice %arg5[%dma_wait3A_237, %dma_wait3A_238] : memref<10240x16xf32, #tpu.memory_space<hbm>> -> memref<128x16xf32, #tpu.memory_space<hbm>>
    tpu.wait_dma2 semaphore(%arg22 : memref<!tpu.dma_semaphore, #tpu.memory_space<semaphore_mem>>) src(%dma_wait3A_239 : memref<128x16xf32, #tpu.memory_space<hbm>>) dst(%dma_wait3A_236 : memref<128x16xf32, #tpu.memory_space<vmem>>)
    %dma_wait3A_240 = arith.constant 512 : i32
    %dma_wait3A_241 = arith.constant 0 : i32
    %dma_wait3A_242 = tpu.memref_slice %arg9[%dma_wait3A_240, %dma_wait3A_241] : memref<1024x16xf32, #tpu.memory_space<vmem>> -> memref<128x16xf32, #tpu.memory_space<vmem>>
    %dma_wait3A_243 = arith.constant 0 : i32
    %dma_wait3A_244 = arith.constant 0 : i32
    %dma_wait3A_245 = tpu.memref_slice %arg5[%dma_wait3A_243, %dma_wait3A_244] : memref<10240x16xf32, #tpu.memory_space<hbm>> -> memref<128x16xf32, #tpu.memory_space<hbm>>
    %dma_wait3A_246 = arith.constant 512 : i32
    %dma_wait3A_247 = arith.constant 0 : i32
    %dma_wait3A_248 = tpu.memref_slice %arg9[%dma_wait3A_246, %dma_wait3A_247] : memref<1024x16xf32, #tpu.memory_space<vmem>> -> memref<128x16xf32, #tpu.memory_space<vmem>>
    %dma_wait3A_249 = arith.constant 0 : i32
    %dma_wait3A_250 = arith.constant 0 : i32
    %dma_wait3A_251 = tpu.memref_slice %arg5[%dma_wait3A_249, %dma_wait3A_250] : memref<10240x16xf32, #tpu.memory_space<hbm>> -> memref<128x16xf32, #tpu.memory_space<hbm>>
    tpu.wait_dma2 semaphore(%arg15 : memref<!tpu.dma_semaphore, #tpu.memory_space<semaphore_mem>>) src(%dma_wait3A_251 : memref<128x16xf32, #tpu.memory_space<hbm>>) dst(%dma_wait3A_248 : memref<128x16xf32, #tpu.memory_space<vmem>>)
    %dma_start3A_252 = arith.constant 76 : i32
    %dma_start3A_253 = arith.constant 512 : i32
    %dma_start3A_254 = arith.constant 0 : i32
    %dma_start3A_255 = tpu.memref_slice %arg9[%dma_start3A_253, %dma_start3A_254] : memref<1024x16xf32, #tpu.memory_space<vmem>> -> memref<128x16xf32, #tpu.memory_space<vmem>>
    %dma_start3A_256 = arith.constant 0 : i32
    %dma_start3A_257 = tpu.memref_slice %arg8[%dma_start3A_252, %dma_start3A_256] : memref<80x128xi32, #tpu.memory_space<vmem>> -> memref<1x128xi32, #tpu.memory_space<vmem>>
    %dma_start3A_258 = tpu.memref_squeeze %dma_start3A_257 : memref<1x128xi32, #tpu.memory_space<vmem>> -> memref<128xi32, #tpu.memory_space<vmem>>
    %dma_start3A_259 = arith.constant 0 : i32
    %dma_start3A_260 = arith.constant 0 : i32
    %dma_start3A_261 = tpu.memref_slice %arg10[%dma_start3A_259, %dma_start3A_260] : memref<10240x16xf32, #tpu.memory_space<vmem_shared>> -> memref<10240x16xf32, #tpu.memory_space<vmem_shared>>
    tpu.enqueue_indirect_dma source(%dma_start3A_255 : memref<128x16xf32, #tpu.memory_space<vmem>>) target(%dma_start3A_261 : memref<10240x16xf32, #tpu.memory_space<vmem_shared>>) offsets(%dma_start3A_258 : memref<128xi32, #tpu.memory_space<vmem>>) semaphore(%arg23 : memref<!tpu.dma_semaphore, #tpu.memory_space<semaphore_mem>>) {add = true}
    %dma_wait3A_262 = arith.constant 512 : i32
    %dma_wait3A_263 = arith.constant 0 : i32
    %dma_wait3A_264 = tpu.memref_slice %arg9[%dma_wait3A_262, %dma_wait3A_263] : memref<1024x16xf32, #tpu.memory_space<vmem>> -> memref<128x16xf32, #tpu.memory_space<vmem>>
    %dma_wait3A_265 = arith.constant 0 : i32
    %dma_wait3A_266 = arith.constant 0 : i32
    %dma_wait3A_267 = tpu.memref_slice %arg5[%dma_wait3A_265, %dma_wait3A_266] : memref<10240x16xf32, #tpu.memory_space<hbm>> -> memref<128x16xf32, #tpu.memory_space<hbm>>
    %dma_wait3A_268 = arith.constant 512 : i32
    %dma_wait3A_269 = arith.constant 0 : i32
    %dma_wait3A_270 = tpu.memref_slice %arg9[%dma_wait3A_268, %dma_wait3A_269] : memref<1024x16xf32, #tpu.memory_space<vmem>> -> memref<128x16xf32, #tpu.memory_space<vmem>>
    %dma_wait3A_271 = arith.constant 0 : i32
    %dma_wait3A_272 = arith.constant 0 : i32
    %dma_wait3A_273 = tpu.memref_slice %arg5[%dma_wait3A_271, %dma_wait3A_272] : memref<10240x16xf32, #tpu.memory_space<hbm>> -> memref<128x16xf32, #tpu.memory_space<hbm>>
    tpu.wait_dma2 semaphore(%arg23 : memref<!tpu.dma_semaphore, #tpu.memory_space<semaphore_mem>>) src(%dma_wait3A_273 : memref<128x16xf32, #tpu.memory_space<hbm>>) dst(%dma_wait3A_270 : memref<128x16xf32, #tpu.memory_space<vmem>>)
    %dma_wait3A_274 = arith.constant 640 : i32
    %dma_wait3A_275 = arith.constant 0 : i32
    %dma_wait3A_276 = tpu.memref_slice %arg9[%dma_wait3A_274, %dma_wait3A_275] : memref<1024x16xf32, #tpu.memory_space<vmem>> -> memref<128x16xf32, #tpu.memory_space<vmem>>
    %dma_wait3A_277 = arith.constant 0 : i32
    %dma_wait3A_278 = arith.constant 0 : i32
    %dma_wait3A_279 = tpu.memref_slice %arg5[%dma_wait3A_277, %dma_wait3A_278] : memref<10240x16xf32, #tpu.memory_space<hbm>> -> memref<128x16xf32, #tpu.memory_space<hbm>>
    %dma_wait3A_280 = arith.constant 640 : i32
    %dma_wait3A_281 = arith.constant 0 : i32
    %dma_wait3A_282 = tpu.memref_slice %arg9[%dma_wait3A_280, %dma_wait3A_281] : memref<1024x16xf32, #tpu.memory_space<vmem>> -> memref<128x16xf32, #tpu.memory_space<vmem>>
    %dma_wait3A_283 = arith.constant 0 : i32
    %dma_wait3A_284 = arith.constant 0 : i32
    %dma_wait3A_285 = tpu.memref_slice %arg5[%dma_wait3A_283, %dma_wait3A_284] : memref<10240x16xf32, #tpu.memory_space<hbm>> -> memref<128x16xf32, #tpu.memory_space<hbm>>
    tpu.wait_dma2 semaphore(%arg16 : memref<!tpu.dma_semaphore, #tpu.memory_space<semaphore_mem>>) src(%dma_wait3A_285 : memref<128x16xf32, #tpu.memory_space<hbm>>) dst(%dma_wait3A_282 : memref<128x16xf32, #tpu.memory_space<vmem>>)
    %dma_start3A_286 = arith.constant 77 : i32
    %dma_start3A_287 = arith.constant 640 : i32
    %dma_start3A_288 = arith.constant 0 : i32
    %dma_start3A_289 = tpu.memref_slice %arg9[%dma_start3A_287, %dma_start3A_288] : memref<1024x16xf32, #tpu.memory_space<vmem>> -> memref<128x16xf32, #tpu.memory_space<vmem>>
    %dma_start3A_290 = arith.constant 0 : i32
    %dma_start3A_291 = tpu.memref_slice %arg8[%dma_start3A_286, %dma_start3A_290] : memref<80x128xi32, #tpu.memory_space<vmem>> -> memref<1x128xi32, #tpu.memory_space<vmem>>
    %dma_start3A_292 = tpu.memref_squeeze %dma_start3A_291 : memref<1x128xi32, #tpu.memory_space<vmem>> -> memref<128xi32, #tpu.memory_space<vmem>>
    %dma_start3A_293 = arith.constant 0 : i32
    %dma_start3A_294 = arith.constant 0 : i32
    %dma_start3A_295 = tpu.memref_slice %arg10[%dma_start3A_293, %dma_start3A_294] : memref<10240x16xf32, #tpu.memory_space<vmem_shared>> -> memref<10240x16xf32, #tpu.memory_space<vmem_shared>>
    tpu.enqueue_indirect_dma source(%dma_start3A_289 : memref<128x16xf32, #tpu.memory_space<vmem>>) target(%dma_start3A_295 : memref<10240x16xf32, #tpu.memory_space<vmem_shared>>) offsets(%dma_start3A_292 : memref<128xi32, #tpu.memory_space<vmem>>) semaphore(%arg24 : memref<!tpu.dma_semaphore, #tpu.memory_space<semaphore_mem>>) {add = true}
    %dma_wait3A_296 = arith.constant 640 : i32
    %dma_wait3A_297 = arith.constant 0 : i32
    %dma_wait3A_298 = tpu.memref_slice %arg9[%dma_wait3A_296, %dma_wait3A_297] : memref<1024x16xf32, #tpu.memory_space<vmem>> -> memref<128x16xf32, #tpu.memory_space<vmem>>
    %dma_wait3A_299 = arith.constant 0 : i32
    %dma_wait3A_300 = arith.constant 0 : i32
    %dma_wait3A_301 = tpu.memref_slice %arg5[%dma_wait3A_299, %dma_wait3A_300] : memref<10240x16xf32, #tpu.memory_space<hbm>> -> memref<128x16xf32, #tpu.memory_space<hbm>>
    %dma_wait3A_302 = arith.constant 640 : i32
    %dma_wait3A_303 = arith.constant 0 : i32
    %dma_wait3A_304 = tpu.memref_slice %arg9[%dma_wait3A_302, %dma_wait3A_303] : memref<1024x16xf32, #tpu.memory_space<vmem>> -> memref<128x16xf32, #tpu.memory_space<vmem>>
    %dma_wait3A_305 = arith.constant 0 : i32
    %dma_wait3A_306 = arith.constant 0 : i32
    %dma_wait3A_307 = tpu.memref_slice %arg5[%dma_wait3A_305, %dma_wait3A_306] : memref<10240x16xf32, #tpu.memory_space<hbm>> -> memref<128x16xf32, #tpu.memory_space<hbm>>
    tpu.wait_dma2 semaphore(%arg24 : memref<!tpu.dma_semaphore, #tpu.memory_space<semaphore_mem>>) src(%dma_wait3A_307 : memref<128x16xf32, #tpu.memory_space<hbm>>) dst(%dma_wait3A_304 : memref<128x16xf32, #tpu.memory_space<vmem>>)
    %dma_wait3A_308 = arith.constant 768 : i32
    %dma_wait3A_309 = arith.constant 0 : i32
    %dma_wait3A_310 = tpu.memref_slice %arg9[%dma_wait3A_308, %dma_wait3A_309] : memref<1024x16xf32, #tpu.memory_space<vmem>> -> memref<128x16xf32, #tpu.memory_space<vmem>>
    %dma_wait3A_311 = arith.constant 0 : i32
    %dma_wait3A_312 = arith.constant 0 : i32
    %dma_wait3A_313 = tpu.memref_slice %arg5[%dma_wait3A_311, %dma_wait3A_312] : memref<10240x16xf32, #tpu.memory_space<hbm>> -> memref<128x16xf32, #tpu.memory_space<hbm>>
    %dma_wait3A_314 = arith.constant 768 : i32
    %dma_wait3A_315 = arith.constant 0 : i32
    %dma_wait3A_316 = tpu.memref_slice %arg9[%dma_wait3A_314, %dma_wait3A_315] : memref<1024x16xf32, #tpu.memory_space<vmem>> -> memref<128x16xf32, #tpu.memory_space<vmem>>
    %dma_wait3A_317 = arith.constant 0 : i32
    %dma_wait3A_318 = arith.constant 0 : i32
    %dma_wait3A_319 = tpu.memref_slice %arg5[%dma_wait3A_317, %dma_wait3A_318] : memref<10240x16xf32, #tpu.memory_space<hbm>> -> memref<128x16xf32, #tpu.memory_space<hbm>>
    tpu.wait_dma2 semaphore(%arg17 : memref<!tpu.dma_semaphore, #tpu.memory_space<semaphore_mem>>) src(%dma_wait3A_319 : memref<128x16xf32, #tpu.memory_space<hbm>>) dst(%dma_wait3A_316 : memref<128x16xf32, #tpu.memory_space<vmem>>)
    %dma_start3A_320 = arith.constant 78 : i32
    %dma_start3A_321 = arith.constant 768 : i32
    %dma_start3A_322 = arith.constant 0 : i32
    %dma_start3A_323 = tpu.memref_slice %arg9[%dma_start3A_321, %dma_start3A_322] : memref<1024x16xf32, #tpu.memory_space<vmem>> -> memref<128x16xf32, #tpu.memory_space<vmem>>
    %dma_start3A_324 = arith.constant 0 : i32
    %dma_start3A_325 = tpu.memref_slice %arg8[%dma_start3A_320, %dma_start3A_324] : memref<80x128xi32, #tpu.memory_space<vmem>> -> memref<1x128xi32, #tpu.memory_space<vmem>>
    %dma_start3A_326 = tpu.memref_squeeze %dma_start3A_325 : memref<1x128xi32, #tpu.memory_space<vmem>> -> memref<128xi32, #tpu.memory_space<vmem>>
    %dma_start3A_327 = arith.constant 0 : i32
    %dma_start3A_328 = arith.constant 0 : i32
    %dma_start3A_329 = tpu.memref_slice %arg10[%dma_start3A_327, %dma_start3A_328] : memref<10240x16xf32, #tpu.memory_space<vmem_shared>> -> memref<10240x16xf32, #tpu.memory_space<vmem_shared>>
    tpu.enqueue_indirect_dma source(%dma_start3A_323 : memref<128x16xf32, #tpu.memory_space<vmem>>) target(%dma_start3A_329 : memref<10240x16xf32, #tpu.memory_space<vmem_shared>>) offsets(%dma_start3A_326 : memref<128xi32, #tpu.memory_space<vmem>>) semaphore(%arg25 : memref<!tpu.dma_semaphore, #tpu.memory_space<semaphore_mem>>) {add = true}
    %dma_wait3A_330 = arith.constant 768 : i32
    %dma_wait3A_331 = arith.constant 0 : i32
    %dma_wait3A_332 = tpu.memref_slice %arg9[%dma_wait3A_330, %dma_wait3A_331] : memref<1024x16xf32, #tpu.memory_space<vmem>> -> memref<128x16xf32, #tpu.memory_space<vmem>>
    %dma_wait3A_333 = arith.constant 0 : i32
    %dma_wait3A_334 = arith.constant 0 : i32
    %dma_wait3A_335 = tpu.memref_slice %arg5[%dma_wait3A_333, %dma_wait3A_334] : memref<10240x16xf32, #tpu.memory_space<hbm>> -> memref<128x16xf32, #tpu.memory_space<hbm>>
    %dma_wait3A_336 = arith.constant 768 : i32
    %dma_wait3A_337 = arith.constant 0 : i32
    %dma_wait3A_338 = tpu.memref_slice %arg9[%dma_wait3A_336, %dma_wait3A_337] : memref<1024x16xf32, #tpu.memory_space<vmem>> -> memref<128x16xf32, #tpu.memory_space<vmem>>
    %dma_wait3A_339 = arith.constant 0 : i32
    %dma_wait3A_340 = arith.constant 0 : i32
    %dma_wait3A_341 = tpu.memref_slice %arg5[%dma_wait3A_339, %dma_wait3A_340] : memref<10240x16xf32, #tpu.memory_space<hbm>> -> memref<128x16xf32, #tpu.memory_space<hbm>>
    tpu.wait_dma2 semaphore(%arg25 : memref<!tpu.dma_semaphore, #tpu.memory_space<semaphore_mem>>) src(%dma_wait3A_341 : memref<128x16xf32, #tpu.memory_space<hbm>>) dst(%dma_wait3A_338 : memref<128x16xf32, #tpu.memory_space<vmem>>)
    %dma_wait3A_342 = arith.constant 896 : i32
    %dma_wait3A_343 = arith.constant 0 : i32
    %dma_wait3A_344 = tpu.memref_slice %arg9[%dma_wait3A_342, %dma_wait3A_343] : memref<1024x16xf32, #tpu.memory_space<vmem>> -> memref<128x16xf32, #tpu.memory_space<vmem>>
    %dma_wait3A_345 = arith.constant 0 : i32
    %dma_wait3A_346 = arith.constant 0 : i32
    %dma_wait3A_347 = tpu.memref_slice %arg5[%dma_wait3A_345, %dma_wait3A_346] : memref<10240x16xf32, #tpu.memory_space<hbm>> -> memref<128x16xf32, #tpu.memory_space<hbm>>
    %dma_wait3A_348 = arith.constant 896 : i32
    %dma_wait3A_349 = arith.constant 0 : i32
    %dma_wait3A_350 = tpu.memref_slice %arg9[%dma_wait3A_348, %dma_wait3A_349] : memref<1024x16xf32, #tpu.memory_space<vmem>> -> memref<128x16xf32, #tpu.memory_space<vmem>>
    %dma_wait3A_351 = arith.constant 0 : i32
    %dma_wait3A_352 = arith.constant 0 : i32
    %dma_wait3A_353 = tpu.memref_slice %arg5[%dma_wait3A_351, %dma_wait3A_352] : memref<10240x16xf32, #tpu.memory_space<hbm>> -> memref<128x16xf32, #tpu.memory_space<hbm>>
    tpu.wait_dma2 semaphore(%arg18 : memref<!tpu.dma_semaphore, #tpu.memory_space<semaphore_mem>>) src(%dma_wait3A_353 : memref<128x16xf32, #tpu.memory_space<hbm>>) dst(%dma_wait3A_350 : memref<128x16xf32, #tpu.memory_space<vmem>>)
    %dma_start3A_354 = arith.constant 79 : i32
    %dma_start3A_355 = arith.constant 896 : i32
    %dma_start3A_356 = arith.constant 0 : i32
    %dma_start3A_357 = tpu.memref_slice %arg9[%dma_start3A_355, %dma_start3A_356] : memref<1024x16xf32, #tpu.memory_space<vmem>> -> memref<128x16xf32, #tpu.memory_space<vmem>>
    %dma_start3A_358 = arith.constant 0 : i32
    %dma_start3A_359 = tpu.memref_slice %arg8[%dma_start3A_354, %dma_start3A_358] : memref<80x128xi32, #tpu.memory_space<vmem>> -> memref<1x128xi32, #tpu.memory_space<vmem>>
    %dma_start3A_360 = tpu.memref_squeeze %dma_start3A_359 : memref<1x128xi32, #tpu.memory_space<vmem>> -> memref<128xi32, #tpu.memory_space<vmem>>
    %dma_start3A_361 = arith.constant 0 : i32
    %dma_start3A_362 = arith.constant 0 : i32
    %dma_start3A_363 = tpu.memref_slice %arg10[%dma_start3A_361, %dma_start3A_362] : memref<10240x16xf32, #tpu.memory_space<vmem_shared>> -> memref<10240x16xf32, #tpu.memory_space<vmem_shared>>
    tpu.enqueue_indirect_dma source(%dma_start3A_357 : memref<128x16xf32, #tpu.memory_space<vmem>>) target(%dma_start3A_363 : memref<10240x16xf32, #tpu.memory_space<vmem_shared>>) offsets(%dma_start3A_360 : memref<128xi32, #tpu.memory_space<vmem>>) semaphore(%arg26 : memref<!tpu.dma_semaphore, #tpu.memory_space<semaphore_mem>>) {add = true}
    %dma_wait3A_364 = arith.constant 896 : i32
    %dma_wait3A_365 = arith.constant 0 : i32
    %dma_wait3A_366 = tpu.memref_slice %arg9[%dma_wait3A_364, %dma_wait3A_365] : memref<1024x16xf32, #tpu.memory_space<vmem>> -> memref<128x16xf32, #tpu.memory_space<vmem>>
    %dma_wait3A_367 = arith.constant 0 : i32
    %dma_wait3A_368 = arith.constant 0 : i32
    %dma_wait3A_369 = tpu.memref_slice %arg5[%dma_wait3A_367, %dma_wait3A_368] : memref<10240x16xf32, #tpu.memory_space<hbm>> -> memref<128x16xf32, #tpu.memory_space<hbm>>
    %dma_wait3A_370 = arith.constant 896 : i32
    %dma_wait3A_371 = arith.constant 0 : i32
    %dma_wait3A_372 = tpu.memref_slice %arg9[%dma_wait3A_370, %dma_wait3A_371] : memref<1024x16xf32, #tpu.memory_space<vmem>> -> memref<128x16xf32, #tpu.memory_space<vmem>>
    %dma_wait3A_373 = arith.constant 0 : i32
    %dma_wait3A_374 = arith.constant 0 : i32
    %dma_wait3A_375 = tpu.memref_slice %arg5[%dma_wait3A_373, %dma_wait3A_374] : memref<10240x16xf32, #tpu.memory_space<hbm>> -> memref<128x16xf32, #tpu.memory_space<hbm>>
    tpu.wait_dma2 semaphore(%arg26 : memref<!tpu.dma_semaphore, #tpu.memory_space<semaphore_mem>>) src(%dma_wait3A_375 : memref<128x16xf32, #tpu.memory_space<hbm>>) dst(%dma_wait3A_372 : memref<128x16xf32, #tpu.memory_space<vmem>>)
    %barrier3A_376 = arith.constant 0 : index
    tpu.barrier barrier_id(%barrier3A_376)
    %mul3A_377 = arith.constant 640 : i32
    %mul3A_378 = arith.muli %arg1, %mul3A_377 : i32
    %mul3A_379 = arith.constant 640 : i32
    %mul3A_380 = arith.muli %arg1, %mul3A_379 : i32
    "tpu.region"() ({
      %run_scoped3A = tpu.sem_alloc : memref<!tpu.dma_semaphore, #tpu.memory_space<semaphore_mem>>
      %dma_start3A_381 = arith.constant 0 : i32
      %dma_start3A_382 = tpu.memref_slice %arg6[%arg0, %mul3A_380, %dma_start3A_381] : memref<2x10240x16xf32, #tpu.memory_space<hbm>> -> memref<1x640x16xf32, #tpu.memory_space<hbm>>
      %dma_start3A_383 = tpu.memref_squeeze %dma_start3A_382 : memref<1x640x16xf32, #tpu.memory_space<hbm>> -> memref<640x16xf32, #tpu.memory_space<hbm>>
      %dma_start3A_384 = arith.constant 0 : i32
      %dma_start3A_385 = tpu.memref_slice %arg10[%mul3A_378, %dma_start3A_384] : memref<10240x16xf32, #tpu.memory_space<vmem_shared>> -> memref<640x16xf32, #tpu.memory_space<vmem_shared>>
      tpu.enqueue_dma source(%dma_start3A_385 : memref<640x16xf32, #tpu.memory_space<vmem_shared>>) target(%dma_start3A_383 : memref<640x16xf32, #tpu.memory_space<hbm>>) target_semaphore(%run_scoped3A : memref<!tpu.dma_semaphore, #tpu.memory_space<semaphore_mem>>)
      %dma_wait3A_386 = arith.constant 0 : i32
      %dma_wait3A_387 = tpu.memref_slice %arg6[%arg0, %mul3A_380, %dma_wait3A_386] : memref<2x10240x16xf32, #tpu.memory_space<hbm>> -> memref<1x640x16xf32, #tpu.memory_space<hbm>>
      %dma_wait3A_388 = tpu.memref_squeeze %dma_wait3A_387 : memref<1x640x16xf32, #tpu.memory_space<hbm>> -> memref<640x16xf32, #tpu.memory_space<hbm>>
      %dma_wait3A_389 = arith.constant 0 : i32
      %dma_wait3A_390 = tpu.memref_slice %arg10[%mul3A_378, %dma_wait3A_389] : memref<10240x16xf32, #tpu.memory_space<vmem_shared>> -> memref<640x16xf32, #tpu.memory_space<vmem_shared>>
      tpu.wait_dma2 semaphore(%run_scoped3A : memref<!tpu.dma_semaphore, #tpu.memory_space<semaphore_mem>>) src(%dma_wait3A_390 : memref<640x16xf32, #tpu.memory_space<vmem_shared>>) dst(%dma_wait3A_388 : memref<640x16xf32, #tpu.memory_space<hbm>>)
      tpu.yield
    }) : () -> ()
    return
  }
}

module attributes {stable_mosaic.version = 14 : i64} {
  func.func @_mm_body(%arg0: i32, %arg1: memref<2048x128xf32, #tpu.memory_space<vmem>>, %arg2: memref<128x64xf32, #tpu.memory_space<vmem>>, %arg3: memref<2048x64xf32, #tpu.memory_space<vmem>>) attributes {dimension_semantics = [#tpu.dimension_semantics<arbitrary>], iteration_bounds = array<i64: 5>, scalar_prefetch = 0 : i64, scratch_operands = 0 : i64, tpu.core_type = #tpu.core_type<tc>, window_params = [{transform_indices = @transform_0, window_bounds = array<i64: 2048, 128>}, {pipeline_mode = #tpu.pipeline_mode<synchronous>, transform_indices = @transform_1, window_bounds = array<i64: 128, 64>}, {transform_indices = @transform_2, window_bounds = array<i64: 2048, 64>}]} {
    %get3A = arith.constant 0 : index
    %get3A_0 = arith.constant 0 : index
    %get3A_1 = vector.load %arg1[%get3A, %get3A_0] : memref<2048x128xf32, #tpu.memory_space<vmem>>, vector<2048x128xf32>
    %get3A_2 = arith.constant 0 : index
    %get3A_3 = arith.constant 0 : index
    %get3A_4 = vector.load %arg2[%get3A_2, %get3A_3] : memref<128x64xf32, #tpu.memory_space<vmem>>, vector<128x64xf32>
    %dot_general3A = arith.constant dense<0.000000e+00> : vector<2048x64xf32>
    %dot_general3A_5 = tpu.matmul %get3A_1, %get3A_4, %dot_general3A {dimension_numbers = #tpu.dot_dimension_numbers<[1], [0], [0], [1], [0, 0, 1, 1], [], []>, transpose_lhs_hint = false} : vector<2048x128xf32>, vector<128x64xf32>, vector<2048x64xf32> -> vector<2048x64xf32>
    %swap3A = arith.constant 0 : index
    %swap3A_6 = arith.constant 0 : index
    %swap3A_7 = vector.load %arg3[%swap3A, %swap3A_6] : memref<2048x64xf32, #tpu.memory_space<vmem>>, vector<2048x64xf32>
    tpu.vector_store %arg3[%swap3A, %swap3A_6], %dot_general3A_5 {strides = array<i32>} : memref<2048x64xf32, #tpu.memory_space<vmem>>, vector<2048x64xf32>,
    return
  }
  func.func @transform_0(%arg0: i32) -> (i32, i32) {
    %c0_i32 = arith.constant 0 : i32
    %c0_i32_0 = arith.constant 0 : i32
    return %arg0, %c0_i32 : i32, i32
  }
  func.func @transform_1(%arg0: i32) -> (i32, i32) {
    %c0_i32 = arith.constant 0 : i32
    %c0_i32_0 = arith.constant 0 : i32
    %c0_i32_1 = arith.constant 0 : i32
    return %c0_i32, %c0_i32_0 : i32, i32
  }
  func.func @transform_2(%arg0: i32) -> (i32, i32) {
    %c0_i32 = arith.constant 0 : i32
    %c0_i32_0 = arith.constant 0 : i32
    return %arg0, %c0_i32 : i32, i32
  }
}

module attributes {stable_mosaic.version = 14 : i64} {
  func.func @_scale_body(%arg0: i32, %arg1: memref<32x10240xf32, #tpu.memory_space<vmem>>, %arg2: memref<2048x64xf32, #tpu.memory_space<vmem>>, %arg3: memref<2048x64xf32, #tpu.memory_space<vmem>>) attributes {dimension_semantics = [#tpu.dimension_semantics<arbitrary>], iteration_bounds = array<i64: 5>, scalar_prefetch = 0 : i64, scratch_operands = 0 : i64, tpu.core_type = #tpu.core_type<tc>, window_params = [{pipeline_mode = #tpu.pipeline_mode<synchronous>, transform_indices = @transform_0, window_bounds = array<i64: 32, 10240>}, {transform_indices = @transform_1, window_bounds = array<i64: 2048, 64>}, {transform_indices = @transform_2, window_bounds = array<i64: 2048, 64>}]} {
    %get3A = arith.constant 0 : index
    %get3A_0 = arith.constant 0 : index
    %get3A_1 = vector.load %arg2[%get3A, %get3A_0] : memref<2048x64xf32, #tpu.memory_space<vmem>>, vector<2048x64xf32>
    %mul3A = arith.constant 2048 : i32
    %mul3A_2 = arith.muli %arg0, %mul3A : i32
    %get3A_3 = arith.constant 0 : index
    %get3A_4 = arith.index_cast %mul3A_2 : i32 to index
    %get3A_5 = vector.load %arg1[%get3A_3, %get3A_4] : memref<32x10240xf32, #tpu.memory_space<vmem>>, vector<32x2048xf32>
    %reduce_sum3A = arith.constant dense<0.000000e+00> : vector<2048xf32>
    %reduce_sum3A_6 = vector.multi_reduction <add>, %get3A_5, %reduce_sum3A [0] : vector<32x2048xf32> to vector<2048xf32>
    %add3A = arith.constant 1.000000e+00 : f32
    %add3A_7 = vector.broadcast %add3A : f32 to vector<2048xf32>
    %add3A_8 = arith.addf %reduce_sum3A_6, %add3A_7 : vector<2048xf32>
    %rsqrt3A = math.rsqrt %add3A_8 : vector<2048xf32>
    %broadcast_in_dim3A = vector.shape_cast %rsqrt3A : vector<2048xf32> to vector<2048x1xf32>
    %mul3A_9 = vector.broadcast %broadcast_in_dim3A : vector<2048x1xf32> to vector<2048x64xf32>
    %mul3A_10 = arith.mulf %get3A_1, %mul3A_9 : vector<2048x64xf32>
    %swap3A = arith.constant 0 : index
    %swap3A_11 = arith.constant 0 : index
    %swap3A_12 = vector.load %arg3[%swap3A, %swap3A_11] : memref<2048x64xf32, #tpu.memory_space<vmem>>, vector<2048x64xf32>
    tpu.vector_store %arg3[%swap3A, %swap3A_11], %mul3A_10 {strides = array<i32>} : memref<2048x64xf32, #tpu.memory_space<vmem>>, vector<2048x64xf32>,
    return
  }
  func.func @transform_0(%arg0: i32) -> (i32, i32) {
    %c0_i32 = arith.constant 0 : i32
    %c0_i32_0 = arith.constant 0 : i32
    %c0_i32_1 = arith.constant 0 : i32
    return %c0_i32, %c0_i32_0 : i32, i32
  }
  func.func @transform_1(%arg0: i32) -> (i32, i32) {
    %c0_i32 = arith.constant 0 : i32
    %c0_i32_0 = arith.constant 0 : i32
    return %arg0, %c0_i32 : i32, i32
  }
  func.func @transform_2(%arg0: i32) -> (i32, i32) {
    %c0_i32 = arith.constant 0 : i32
    %c0_i32_0 = arith.constant 0 : i32
    return %arg0, %c0_i32 : i32, i32
  }
}

module attributes {stable_mosaic.version = 14 : i64} {
  func.func @_post1_body(%arg0: i32, %arg1: memref<32x10240xf32, #tpu.memory_space<vmem>>, %arg2: memref<2x2048x64xf32, #tpu.memory_space<vmem>>, %arg3: memref<2048x64xf32, #tpu.memory_space<vmem>>, %arg4: memref<1x64xf32, #tpu.memory_space<vmem>>, %arg5: memref<64x16xf32, #tpu.memory_space<vmem>>, %arg6: memref<2048x16xf32, #tpu.memory_space<vmem>>) attributes {dimension_semantics = [#tpu.dimension_semantics<arbitrary>], iteration_bounds = array<i64: 5>, scalar_prefetch = 0 : i64, scratch_operands = 0 : i64, tpu.core_type = #tpu.core_type<tc>, window_params = [{pipeline_mode = #tpu.pipeline_mode<synchronous>, transform_indices = @transform_0, window_bounds = array<i64: 32, 10240>}, {transform_indices = @transform_1, window_bounds = array<i64: 2, 2048, 64>}, {transform_indices = @transform_2, window_bounds = array<i64: 2048, 64>}, {pipeline_mode = #tpu.pipeline_mode<synchronous>, transform_indices = @transform_3, window_bounds = array<i64: 1, 64>}, {pipeline_mode = #tpu.pipeline_mode<synchronous>, transform_indices = @transform_4, window_bounds = array<i64: 64, 16>}, {transform_indices = @transform_5, window_bounds = array<i64: 2048, 16>}]} {
    %mul3A = arith.constant 2048 : i32
    %mul3A_0 = arith.muli %arg0, %mul3A : i32
    %get3A = arith.constant 0 : index
    %get3A_1 = arith.index_cast %mul3A_0 : i32 to index
    %get3A_2 = vector.load %arg1[%get3A, %get3A_1] : memref<32x10240xf32, #tpu.memory_space<vmem>>, vector<32x2048xf32>
    %reduce_sum3A = arith.constant dense<0.000000e+00> : vector<2048xf32>
    %reduce_sum3A_3 = vector.multi_reduction <add>, %get3A_2, %reduce_sum3A [0] : vector<32x2048xf32> to vector<2048xf32>
    %add3A = arith.constant 1.000000e+00 : f32
    %add3A_4 = vector.broadcast %add3A : f32 to vector<2048xf32>
    %add3A_5 = arith.addf %reduce_sum3A_3, %add3A_4 : vector<2048xf32>
    %rsqrt3A = math.rsqrt %add3A_5 : vector<2048xf32>
    %broadcast_in_dim3A = vector.shape_cast %rsqrt3A : vector<2048xf32> to vector<2048x1xf32>
    %get3A_6 = arith.constant 0 : index
    %get3A_7 = arith.constant 0 : index
    %get3A_8 = arith.constant 0 : index
    %get3A_9 = vector.load %arg2[%get3A_6, %get3A_7, %get3A_8] : memref<2x2048x64xf32, #tpu.memory_space<vmem>>, vector<1x2048x64xf32>
    %get3A_10 = vector.shape_cast %get3A_9 : vector<1x2048x64xf32> to vector<2048x64xf32>
    %get3A_11 = arith.constant 1 : index
    %get3A_12 = arith.constant 0 : index
    %get3A_13 = arith.constant 0 : index
    %get3A_14 = vector.load %arg2[%get3A_11, %get3A_12, %get3A_13] : memref<2x2048x64xf32, #tpu.memory_space<vmem>>, vector<1x2048x64xf32>
    %get3A_15 = vector.shape_cast %get3A_14 : vector<1x2048x64xf32> to vector<2048x64xf32>
    %add3A_16 = arith.addf %get3A_10, %get3A_15 : vector<2048x64xf32>
    %get3A_17 = arith.constant 0 : index
    %get3A_18 = arith.constant 0 : index
    %get3A_19 = vector.load %arg3[%get3A_17, %get3A_18] : memref<2048x64xf32, #tpu.memory_space<vmem>>, vector<2048x64xf32>
    %add3A_20 = arith.addf %add3A_16, %get3A_19 : vector<2048x64xf32>
    %mul3A_21 = vector.broadcast %broadcast_in_dim3A : vector<2048x1xf32> to vector<2048x64xf32>
    %mul3A_22 = arith.mulf %add3A_20, %mul3A_21 : vector<2048x64xf32>
    %get3A_23 = arith.constant 0 : index
    %get3A_24 = arith.constant 0 : index
    %get3A_25 = vector.load %arg4[%get3A_23, %get3A_24] : memref<1x64xf32, #tpu.memory_space<vmem>>, vector<1x64xf32>
    %add3A_26 = vector.broadcast %get3A_25 : vector<1x64xf32> to vector<2048x64xf32>
    %add3A_27 = arith.addf %mul3A_22, %add3A_26 : vector<2048x64xf32>
    %max3A = arith.constant 0.000000e+00 : f32
    %max3A_28 = vector.broadcast %max3A : f32 to vector<2048x64xf32>
    %max3A_29 = arith.maximumf %add3A_27, %max3A_28 : vector<2048x64xf32>
    %get3A_30 = arith.constant 0 : index
    %get3A_31 = arith.constant 0 : index
    %get3A_32 = vector.load %arg5[%get3A_30, %get3A_31] : memref<64x16xf32, #tpu.memory_space<vmem>>, vector<64x16xf32>
    %dot_general3A = arith.constant dense<0.000000e+00> : vector<2048x16xf32>
    %dot_general3A_33 = tpu.matmul %max3A_29, %get3A_32, %dot_general3A {dimension_numbers = #tpu.dot_dimension_numbers<[1], [0], [0], [1], [0, 0, 1, 1], [], []>, transpose_lhs_hint = false} : vector<2048x64xf32>, vector<64x16xf32>, vector<2048x16xf32> -> vector<2048x16xf32>
    %mul3A_34 = vector.broadcast %broadcast_in_dim3A : vector<2048x1xf32> to vector<2048x16xf32>
    %mul3A_35 = arith.mulf %dot_general3A_33, %mul3A_34 : vector<2048x16xf32>
    %swap3A = arith.constant 0 : index
    %swap3A_36 = arith.constant 0 : index
    %swap3A_37 = vector.load %arg6[%swap3A, %swap3A_36] : memref<2048x16xf32, #tpu.memory_space<vmem>>, vector<2048x16xf32>
    tpu.vector_store %arg6[%swap3A, %swap3A_36], %mul3A_35 {strides = array<i32>} : memref<2048x16xf32, #tpu.memory_space<vmem>>, vector<2048x16xf32>,
    return
  }
  func.func @transform_0(%arg0: i32) -> (i32, i32) {
    %c0_i32 = arith.constant 0 : i32
    %c0_i32_0 = arith.constant 0 : i32
    %c0_i32_1 = arith.constant 0 : i32
    return %c0_i32, %c0_i32_0 : i32, i32
  }
  func.func @transform_1(%arg0: i32) -> (i32, i32, i32) {
    %c0_i32 = arith.constant 0 : i32
    %c0_i32_0 = arith.constant 0 : i32
    %c0_i32_1 = arith.constant 0 : i32
    return %c0_i32, %arg0, %c0_i32_0 : i32, i32, i32
  }
  func.func @transform_2(%arg0: i32) -> (i32, i32) {
    %c0_i32 = arith.constant 0 : i32
    %c0_i32_0 = arith.constant 0 : i32
    return %arg0, %c0_i32 : i32, i32
  }
  func.func @transform_3(%arg0: i32) -> (i32, i32) {
    %c0_i32 = arith.constant 0 : i32
    %c0_i32_0 = arith.constant 0 : i32
    %c0_i32_1 = arith.constant 0 : i32
    return %c0_i32, %c0_i32_0 : i32, i32
  }
  func.func @transform_4(%arg0: i32) -> (i32, i32) {
    %c0_i32 = arith.constant 0 : i32
    %c0_i32_0 = arith.constant 0 : i32
    %c0_i32_1 = arith.constant 0 : i32
    return %c0_i32, %c0_i32_0 : i32, i32
  }
  func.func @transform_5(%arg0: i32) -> (i32, i32) {
    %c0_i32 = arith.constant 0 : i32
    %c0_i32_0 = arith.constant 0 : i32
    return %arg0, %c0_i32 : i32, i32
  }
}

module attributes {stable_mosaic.version = 14 : i64} {
  func.func @_post2_body(%arg0: i32, %arg1: memref<32x10240xf32, #tpu.memory_space<vmem>>, %arg2: memref<2x2048x16xf32, #tpu.memory_space<vmem>>, %arg3: memref<2048x16xf32, #tpu.memory_space<vmem>>, %arg4: memref<1x16xf32, #tpu.memory_space<vmem>>, %arg5: memref<2048x16xf32, #tpu.memory_space<vmem>>) attributes {dimension_semantics = [#tpu.dimension_semantics<arbitrary>], iteration_bounds = array<i64: 5>, scalar_prefetch = 0 : i64, scratch_operands = 0 : i64, tpu.core_type = #tpu.core_type<tc>, window_params = [{pipeline_mode = #tpu.pipeline_mode<synchronous>, transform_indices = @transform_0, window_bounds = array<i64: 32, 10240>}, {transform_indices = @transform_1, window_bounds = array<i64: 2, 2048, 16>}, {transform_indices = @transform_2, window_bounds = array<i64: 2048, 16>}, {pipeline_mode = #tpu.pipeline_mode<synchronous>, transform_indices = @transform_3, window_bounds = array<i64: 1, 16>}, {transform_indices = @transform_4, window_bounds = array<i64: 2048, 16>}]} {
    %mul3A = arith.constant 2048 : i32
    %mul3A_0 = arith.muli %arg0, %mul3A : i32
    %get3A = arith.constant 0 : index
    %get3A_1 = arith.index_cast %mul3A_0 : i32 to index
    %get3A_2 = vector.load %arg1[%get3A, %get3A_1] : memref<32x10240xf32, #tpu.memory_space<vmem>>, vector<32x2048xf32>
    %reduce_sum3A = arith.constant dense<0.000000e+00> : vector<2048xf32>
    %reduce_sum3A_3 = vector.multi_reduction <add>, %get3A_2, %reduce_sum3A [0] : vector<32x2048xf32> to vector<2048xf32>
    %add3A = arith.constant 1.000000e+00 : f32
    %add3A_4 = vector.broadcast %add3A : f32 to vector<2048xf32>
    %add3A_5 = arith.addf %reduce_sum3A_3, %add3A_4 : vector<2048xf32>
    %rsqrt3A = math.rsqrt %add3A_5 : vector<2048xf32>
    %broadcast_in_dim3A = vector.shape_cast %rsqrt3A : vector<2048xf32> to vector<2048x1xf32>
    %get3A_6 = arith.constant 0 : index
    %get3A_7 = arith.constant 0 : index
    %get3A_8 = arith.constant 0 : index
    %get3A_9 = vector.load %arg2[%get3A_6, %get3A_7, %get3A_8] : memref<2x2048x16xf32, #tpu.memory_space<vmem>>, vector<1x2048x16xf32>
    %get3A_10 = vector.shape_cast %get3A_9 : vector<1x2048x16xf32> to vector<2048x16xf32>
    %get3A_11 = arith.constant 1 : index
    %get3A_12 = arith.constant 0 : index
    %get3A_13 = arith.constant 0 : index
    %get3A_14 = vector.load %arg2[%get3A_11, %get3A_12, %get3A_13] : memref<2x2048x16xf32, #tpu.memory_space<vmem>>, vector<1x2048x16xf32>
    %get3A_15 = vector.shape_cast %get3A_14 : vector<1x2048x16xf32> to vector<2048x16xf32>
    %add3A_16 = arith.addf %get3A_10, %get3A_15 : vector<2048x16xf32>
    %get3A_17 = arith.constant 0 : index
    %get3A_18 = arith.constant 0 : index
    %get3A_19 = vector.load %arg3[%get3A_17, %get3A_18] : memref<2048x16xf32, #tpu.memory_space<vmem>>, vector<2048x16xf32>
    %add3A_20 = arith.addf %add3A_16, %get3A_19 : vector<2048x16xf32>
    %mul3A_21 = vector.broadcast %broadcast_in_dim3A : vector<2048x1xf32> to vector<2048x16xf32>
    %mul3A_22 = arith.mulf %add3A_20, %mul3A_21 : vector<2048x16xf32>
    %get3A_23 = arith.constant 0 : index
    %get3A_24 = arith.constant 0 : index
    %get3A_25 = vector.load %arg4[%get3A_23, %get3A_24] : memref<1x16xf32, #tpu.memory_space<vmem>>, vector<1x16xf32>
    %add3A_26 = vector.broadcast %get3A_25 : vector<1x16xf32> to vector<2048x16xf32>
    %add3A_27 = arith.addf %mul3A_22, %add3A_26 : vector<2048x16xf32>
    %reduce_max3A = arith.constant dense<0xFF800000> : vector<2048xf32>
    %reduce_max3A_28 = vector.multi_reduction <maximumf>, %add3A_27, %reduce_max3A [1] : vector<2048x16xf32> to vector<2048xf32>
    %broadcast_in_dim3A_29 = vector.shape_cast %reduce_max3A_28 : vector<2048xf32> to vector<2048x1xf32>
    %sub3A = vector.broadcast %broadcast_in_dim3A_29 : vector<2048x1xf32> to vector<2048x16xf32>
    %sub3A_30 = arith.subf %add3A_27, %sub3A : vector<2048x16xf32>
    %exp3A = math.exp %sub3A_30 : vector<2048x16xf32>
    %reduce_sum3A_31 = arith.constant dense<0.000000e+00> : vector<2048xf32>
    %reduce_sum3A_32 = vector.multi_reduction <add>, %exp3A, %reduce_sum3A_31 [1] : vector<2048x16xf32> to vector<2048xf32>
    %broadcast_in_dim3A_33 = vector.shape_cast %reduce_sum3A_32 : vector<2048xf32> to vector<2048x1xf32>
    %log3A = math.log %broadcast_in_dim3A_33 : vector<2048x1xf32>
    %add3A_34 = arith.addf %log3A, %broadcast_in_dim3A_29 : vector<2048x1xf32>
    %sub3A_35 = vector.broadcast %add3A_34 : vector<2048x1xf32> to vector<2048x16xf32>
    %sub3A_36 = arith.subf %add3A_27, %sub3A_35 : vector<2048x16xf32>
    %swap3A = arith.constant 0 : index
    %swap3A_37 = arith.constant 0 : index
    %swap3A_38 = vector.load %arg5[%swap3A, %swap3A_37] : memref<2048x16xf32, #tpu.memory_space<vmem>>, vector<2048x16xf32>
    tpu.vector_store %arg5[%swap3A, %swap3A_37], %sub3A_36 {strides = array<i32>} : memref<2048x16xf32, #tpu.memory_space<vmem>>, vector<2048x16xf32>,
    return
  }
  func.func @transform_0(%arg0: i32) -> (i32, i32) {
    %c0_i32 = arith.constant 0 : i32
    %c0_i32_0 = arith.constant 0 : i32
    %c0_i32_1 = arith.constant 0 : i32
    return %c0_i32, %c0_i32_0 : i32, i32
  }
  func.func @transform_1(%arg0: i32) -> (i32, i32, i32) {
    %c0_i32 = arith.constant 0 : i32
    %c0_i32_0 = arith.constant 0 : i32
    %c0_i32_1 = arith.constant 0 : i32
    return %c0_i32, %arg0, %c0_i32_0 : i32, i32, i32
  }
  func.func @transform_2(%arg0: i32) -> (i32, i32) {
    %c0_i32 = arith.constant 0 : i32
    %c0_i32_0 = arith.constant 0 : i32
    return %arg0, %c0_i32 : i32, i32
  }
  func.func @transform_3(%arg0: i32) -> (i32, i32) {
    %c0_i32 = arith.constant 0 : i32
    %c0_i32_0 = arith.constant 0 : i32
    %c0_i32_1 = arith.constant 0 : i32
    return %c0_i32, %c0_i32_0 : i32, i32
  }
  func.func @transform_4(%arg0: i32) -> (i32, i32) {
    %c0_i32 = arith.constant 0 : i32
    %c0_i32_0 = arith.constant 0 : i32
    return %arg0, %c0_i32 : i32, i32
  }
}

</mosaic_0001>

<sc_bundles>
// kernel: kernel.12.cloned.1.call-start
scs
__scs_entry_jumppad:
0x0: {  	(pc) =	sbr.rel $0x88, $3  }
0x1: {  	(tag) =	ssettag $0x0;
	lr =	simm.s32 $0x1  }
0x2: {  	[smem:$0x3F9B] =	sst lr;
	_ =	strace $0xD0000000  }
0x3: {  	_ = 	snop  }
0x4: {  	_ = 	snop  }
0x5: {  	_ = 	snop  }
0x6: {  	_ = 	snop  }
0x7: {  	_ = 	snop  }
__scs_overlays_trampoline_lowered:
0x8: {  	[smem:$0x3FAA] =	sst s0  }
0x9: {  	[smem:$0x3FAB] =	sst s1  }
0xa: {  	[smem:$0x3FAC] =	sst s2  }
0xb: {  	[smem:$0x3FAD] =	sst s3  }
0xc: {  	[smem:$0x3FAE] =	sst s4  }
0xd: {  	[smem:$0x3FAF] =	sst s5  }
0xe: {  	[smem:$0x3FB0] =	sst s6  }
0xf: {  	[smem:$0x3FB1] =	sst s7  }
0x10: {  	[smem:$0x3FB2] =	sst s8  }
0x11: {  	[smem:$0x3FB3] =	sst s9;
	s0 =	simm.s32 @!p0 $0x0  }
0x12: {  	s1 =	sld [smem:$0x3F99];
	s0 =	simm.s32 @p0 $0x1  }
0x13: {  	[smem:$0x3FB4] =	sst s0;
	s0 =	simm.s32 @!p1 $0x0  }
0x14: {  	s2 =	sld [smem:$0x3F98];
	s0 =	simm.s32 @p1 $0x1  }
0x15: {  	[smem:$0x3FB5] =	sst s0;
	s0 =	simm.s32 @!p2 $0x0  }
0x16: {  	s3 =	sld [smem:$0x3FDB];
	s0 =	simm.s32 @p2 $0x1  }
0x17: {  	s4 =	simm.s32 $0x1BF5;
	[smem:$0x3FB7] =	sst s0  }
0x18: {  	s0 =	sld [smem:$0x3F9A];
	_ =	swait.ge [sflag:s4], $0x0  }
0x19: {  	s7 =	sld [smem:$0x3F9B]  }
0x1a: {  	s8 =	sadd.s32 $0xFFFFE003, lr  }
0x1b: {  	s9 =	sadd.s32 $0xFFFFFEF7, lr;
	s5 =	simm.s32 $0xFFFFFFFF;
	p2 =	slt.u32 s8, $0xFFFFF086  }
0x1c: {  	p1 =	slt.u32 s9, $0xF7A;
	s5 =	simm.s32 @!p2 $0x0  }
0x1d: {  	s5 =	simm.s32 @p1 $0x1;
	p0 =	seq.s32 s7, s2  }
0x1e: {  	s7 =	smul.u32 @!p0 $0xF7A, s2;
	p2 =	seq.s32 @!p0 s5, $0x0  }
0x1f: {  	s9 =	smul.u32 $0xF7A, s1;
	s8 =	simm.s32 @!p0 $0x1BF5;
	p2 =	por !p2, p0  }
0x20: {  	[sflag:s8] =	ssyncset.s32 @!p0 $0xFFFFF086;
	s6 =	sadd.s32 @!p0 s3, s7;
	s7 =	simm.s32 @!p0 $0x108  }
0x21: {  	s3 =	sadd.s32 s3, s9;
	s6 =	sadd.s32 @!p0 $0x88, s6;
	s7 =	simm.s32 @p2 $0x1082  }
0x22: {  	[simem:s7], [sflag:s8] =	dma.local @!p0 [hbm:s6], $0xF7A  }
0x23: {  	s9 =	sor.u32 $0xD0000000, s2;
	s6 =	simm.s32 $0x108;
	_ =	swait.ge @!p0 [sflag:s8], $0x0  }
0x24: {  	s3 =	sadd.s32 $0x88, s3;
	s6 =	simm.s32 @!p1 $0x1082;
	[sflag:s4] =	ssyncset.s32 $0xFFFFF086  }
0x25: {  	[simem:s6], [sflag:s4] =	dma.local [hbm:s3], $0xF7A  }
0x26: {  	[smem:$0x3F9B] =	sst s1;
	(tag) =	ssettag s2;
	_ =	strace s9  }
0x27: {  	s1 =	sld [smem:$0x3FAB]  }
0x28: {  	s2 =	sld [smem:$0x3FAC]  }
0x29: {  	s4 =	sld [smem:$0x3FAE]  }
0x2a: {  	p0 =	seq.s32 s5, $0x0;
	s5 =	sld [smem:$0x3FAF]  }
0x2b: {  	s6 =	sld [smem:$0x3FB0]  }
0x2c: {  	s7 =	sld [smem:$0x3FB1]  }
0x2d: {  	s3 =	simm.s32 $0x108;
	s8 =	sld [smem:$0x3FB2]  }
0x2e: {  	s3 =	simm.s32 @!p0 $0x1082;
	s9 =	sld [smem:$0x3FB3]  }
0x2f: {  	lr =	sadd.s32 s0, s3;
	s0 =	sld [smem:$0x3FAA]  }
0x30: {  	s3 =	sld [smem:$0x3FAD]  }
0x31: {  	[smem:$0x3FB6] =	sst s10  }
0x32: {  	s10 =	sld [smem:$0x3FB4];
	_ =	sdelay $0x3  }
0x33: {  	p0 =	seq.s32 s10, $0x1;
	s10 =	sld [smem:$0x3FB6];
	_ =	sdelay $0x3  }
0x34: {  	[smem:$0x3FB6] =	sst s10  }
0x35: {  	s10 =	sld [smem:$0x3FB5];
	_ =	sdelay $0x3  }
0x36: {  	p1 =	seq.s32 s10, $0x1;
	s10 =	sld [smem:$0x3FB6];
	_ =	sdelay $0x3  }
0x37: {  	[smem:$0x3FB6] =	sst s10  }
0x38: {  	s10 =	sld [smem:$0x3FB7]  }
0x39: {  	_ = 	snop;
	(pc) =	sbr.ind lr, $3  }
0x3a: {  	_ = 	snop  }
0x3b: {  	_ = 	snop  }
0x3c: {  	p2 =	seq.s32 s10, $0x1;
	s10 =	sld [smem:$0x3FB6]  }
0x3d: {  	_ =	shalt  }
0x3e: {  	_ =	shalt  }
0x3f: {  	_ =	shalt  }
0x40: {  	_ =	shalt  }
0x41: {  	_ =	shalt  }
0x42: {  	_ =	shalt  }
0x43: {  	_ =	shalt  }
0x44: {  	_ =	shalt  }
0x45: {  	_ =	shalt  }
0x46: {  	_ =	shalt  }
0x47: {  	_ =	shalt  }
0x48: {  	_ =	shalt  }
0x49: {  	_ =	shalt  }
0x4a: {  	_ =	shalt  }
0x4b: {  	_ =	shalt  }
0x4c: {  	_ =	shalt  }
0x4d: {  	_ =	shalt  }
0x4e: {  	_ =	shalt  }
0x4f: {  	_ =	shalt  }
0x50: {  	_ =	shalt  }
0x51: {  	_ =	shalt  }
0x52: {  	_ =	shalt  }
0x53: {  	_ =	shalt  }
0x54: {  	_ =	shalt  }
0x55: {  	_ =	shalt  }
0x56: {  	_ =	shalt  }
0x57: {  	_ =	shalt  }
0x58: {  	_ =	shalt  }
0x59: {  	_ =	shalt  }
0x5a: {  	_ =	shalt  }
0x5b: {  	_ =	shalt  }
0x5c: {  	_ =	shalt  }
0x5d: {  	_ =	shalt  }
0x5e: {  	_ =	shalt  }
0x5f: {  	_ =	shalt  }
0x60: {  	_ =	shalt  }
0x61: {  	_ =	shalt  }
0x62: {  	_ =	shalt  }
0x63: {  	_ =	shalt  }
0x64: {  	_ =	shalt  }
0x65: {  	_ =	shalt  }
0x66: {  	_ =	shalt  }
0x67: {  	_ =	shalt  }
0x68: {  	_ =	shalt  }
0x69: {  	_ =	shalt  }
0x6a: {  	_ =	shalt  }
0x6b: {  	_ =	shalt  }
0x6c: {  	_ =	shalt  }
0x6d: {  	_ =	shalt  }
0x6e: {  	_ =	shalt  }
0x6f: {  	_ =	shalt  }
0x70: {  	_ =	shalt  }
0x71: {  	_ =	shalt  }
0x72: {  	_ =	shalt  }
0x73: {  	_ =	shalt  }
0x74: {  	_ =	shalt  }
0x75: {  	_ =	shalt  }
0x76: {  	_ =	shalt  }
0x77: {  	_ =	shalt  }
0x78: {  	_ =	shalt  }
0x79: {  	_ =	shalt  }
0x7a: {  	_ =	shalt  }
0x7b: {  	_ =	shalt  }
0x7c: {  	_ =	shalt  }
0x7d: {  	_ =	shalt  }
0x7e: {  	_ =	shalt  }
0x7f: {  	_ =	shalt  }
0x80: {  	_ =	shalt  }
0x81: {  	_ =	shalt  }
0x82: {  	_ =	shalt  }
0x83: {  	_ =	shalt  }
0x84: {  	_ =	shalt  }
0x85: {  	_ =	shalt  }
0x86: {  	_ =	shalt  }
0x87: {  	_ =	shalt  }
.Lfunc_end0:
.L_simem_size_0:
called_computation.1_lowered:
.L_overlay_start_0:
0x88: {  	s2 =	sld [smem:$0x3FD9]  }
0x89: {  	s3 =	sld [smem:$0x3FFE];
	_ =	sdelay $0x1  }
0x8a: {  	s1 =	srdreg.scid  }
0x8b: {  	s0 =	sand.u32 $0x1, s1  }
0x8c: {  	s16 =	sshll.u32 s0, $0xA;
	s2 =	sadd.s32 s3, s2  }
0x8d: {  	s2 =	sadd.s32 s2, s16  }
0x8e: {  	[smem:$0x3FC2] =	sst s2  }
0x8f: {  	_ = 	snop  }
0x90: {  	(tm) =	ssettm $0x1  }
0x91: {  	s17 =	sld [smem:$0x3FFB];
	_ =	sdelay $0x3  }
0x92: {  	_ =	strace s17  }
0x93: {  	s2 =	sld [smem:$0x3FFC];
	_ =	sdelay $0x3  }
0x94: {  	_ =	strace s2  }
0x95: {  	s2 =	sld [smem:$0x3FFD];
	_ =	sdelay $0x3  }
0x96: {  	_ =	strace s2  }
0x97: {  	_ =	strace $0x8FFFFFFF  }
0x98: {  	s18 =	sld [smem:$0x3FDB];
	_ =	sdelay $0x1  }
0x99: {  	s19 =	simm.s32 $_scs_section_size  }
0x9a: {  	s4 =	simm.s32 $_size__tile_overlayer_lowered;
	s5 =	simm.s32 $_tile_overlayer_lowered  }
0x9b: {  	s22 =	simm.s32 $0x1BFF;
	s21 =	sshll.u32 s5, $0x1;
	s2 =	sadd.s32 s19, s18  }
0x9c: {  	s6 =	simm.s32 $0x0;
	s20 =	sshll.u32 s4, $0x1;
	s4 =	sadd.s32 s21, s2  }
0x9d: {  	[timem:s6], [sflag:s22] =	dma.local [hbm:s4], s20  }
0x9e: {  	_ =	swait.ge [sflag:s22], s20  }
0x9f: {  	s3 =	ssub.s32 $0x0, s20;
	[sflag:s22] =	ssyncset.done $0x0  }
0xa0: {  	[sflag:s22] =	ssyncadd.s32 s3;
	_ =	sdelay $0x1  }
0xa1: {  	s23 =	simm.s32 $0x1B8B  }
0xa2: {  	_ =	swait.ge [sflag:s23], $0x1  }
0xa3: {  	[sflag:s23] =	ssyncset.done $0x0  }
0xa4: {  	s25 =	simm.s32 $0x1B8E;
	s24 =	sld [smem:$0x3FFE];
	[sflag:s23] =	ssyncadd.s32 $0xFFFFFFFF  }
0xa5: {  	s26 =	simm.s32 $execute0_lowered;
	[smem:$0x3FD2] =	sst s25  }
0xa6: {  	s4 =	sshll.u32 s26, $0x1;
	_ =	strace $0x80000049;
	[dreg:$0x1] =	wrdreg $0xFFFFFFFF  }
0xa7: {  	s28 =	simm.s32 $_size_execute0_lowered;
	s2 =	sadd.s32 s2, s4;
	[dreg:$0x0] =	wrdreg $0x0  }
0xa8: {  	s4 =	sshll.u32 s28, $0x1;
	[dreg:$0x2] =	wrdreg s2  }
0xa9: {  	[dreg:$0x3] =	wrdreg s4  }
0xaa: {  	[dreg:$0x4] =	wrdreg $0xC0  }
0xab: {  	_ =	task [dreg:s6], $0x5FFFF  }
0xac: {  	[dreg:$0x1] =	wrdreg $0xFFFFFFFF  }
0xad: {  	[dreg:$0x0] =	wrdreg $0x60  }
0xae: {  	[dreg:$0x2] =	wrdreg s24  }
0xaf: {  	[dreg:$0x3] =	wrdreg $0x150000  }
0xb0: {  	[dreg:$0x4] =	wrdreg $0x9  }
0xb1: {  	_ =	task.clear_ibuf [dreg:s6], $0x5FFFF;
	_ =	strace $0x90000049  }
0xb2: {  	s29 =	simm.s32 $0x9;
	_ =	strace $0x8000004B  }
0xb3: {  	_ =	swait.ge [sflag:s29], $0x1  }
0xb4: {  	[sflag:s29] =	ssyncadd.s32 $0xFFFFFFFF  }
0xb5: {  	_ =	strace $0x9000004B  }
0xb6: {  	_ =	sfence  }
0xb7: {  	s30 =	sld [smem:$0x0];
	_ =	sdelay $0x2  }
0xb8: {  	s31 =	sshll.u32 s1, $0xD;
	s1 =	sshrl.u32 s1, $0x2  }
0xb9: {  	s3 =	sand.u32 $0x4000, s31;
	s1 =	sadd.s32 s1, s30  }
0xba: {  	s0 =	sor.u32 s3, s0;
	s1 =	sshll.u32 s1, $0x11  }
0xbb: {  	s0 =	sor.u32 s1, s0  }
0xbc: {  	s0 =	sadd.s32 $0x8F2B, s0  }
0xbd: {  	[sflag:s0] =	ssyncadd.remote.s32 $0x1  }
0xbe: {  	_ =	sfence.sel $0xFFFF  }
0xbf: {  	[dreg:$0x0] =	wrdreg $0xFFFFFFFF;
	(pc) =	sbr.abs _section_cstart, $3  }
0xc0: {  	[dreg:$0x1] =	wrdreg $0xFFFFFFFF  }
0xc1: {  	_ =	task.clear_ibuf [dreg:s6], $0x2FFFF;
	_ =	strace $0x9FFFFFFF  }
0xc2: {  	(tm) =	ssettm $0x7FFFFFFF  }
0xc3: {  	_ =	shalt  }
tec
execute0_lowered:
.L_overlay_start_1:
0x0: {  	(tag) =	ssettag $0x1  }
0x1: {  	s0 =	rddreg [dreg:$0x0]  }
0x2: {  	s2 =	rddreg [dreg:$0x1]  }
0x3: {  	s3 =	simm.s32 $0x0;
	s11 =	stileid.u32;
	s1 =	srdreg.scid  }
0x4: {  	s15 =	simm.s32 $0x11;
	s16 =	simm.s32 $0x80;
	s17 =	simm.s32 $0x5000  }
0x5: {  	s18 =	simm.s32 $0x7000;
	s29 =	simm.s32 $0x11000;
	s31 =	simm.s32 $0x13000  }
0x6: {  	s28 =	simm.s32 $0xC;
	s30 =	simm.s32 $0x5;
	s12 =	simm.s32 $0x8  }
0x7: {  	s13 =	simm.s32 $0x10;
	[smem:$0x7FF] =	sst s3;
	s19 =	smul.u32 $0xA000, s11  }
0x8: {  	s1 =	sand.u32 $0x1, s1;
	s4 =	sadd.s32 $0x15A00, s0;
	s6 =	sadd.s32 $0x2000, s0  }
0x9: {  	s7 =	sadd.s32 $0x1C00, s0;
	s8 =	sshll.u32 s11, $0x1;
	s23 =	sshll.u32 s11, $0x6  }
0xa: {  	s24 =	sadd.s32 $0xBB00, s0;
	s11 =	simm.s32 $0xF;
	_ =	strace $0x8000004A  }
0xb: {  	s5 =	smul.u32 $0xA0000, s1;
	[dreg:$0x3] =	wrdreg s7;
	s9 =	ssub.s32 $0x2, s1  }
0xc: {  	s1 =	sor.u32 s1, s8;
	[dreg:$0x8] =	wrdreg s24;
	s24 =	simm.s32 $0xD000  }
0xd: {  	s20 =	sshrl.u32 s19, $0x3;
	s21 =	sshrl.u32 s9, $0x1;
	s10 =	smul.u32 $0x2800, s1  }
0xe: {  	s3 =	sadd.s32 s19, s2;
	s22 =	smul.u32 $0x500, s1;
	p0 =	seq.s32 s1, $0x1F  }
0xf: {  	s1 =	simm.s32 $0x9;
	s7 =	sadd.s32 s20, s0;
	s5 =	sadd.s32 s19, s5  }
0x10: {  	s8 =	ssub.s32 s9, s21;
	s14 =	sshrl.u32 s3, $0x3;
	s20 =	simm.s32 $0x9000  }
0x11: {  	s3 =	simm.s32 $0x2;
	s19 =	simm.s32 $0xA;
	s21 =	simm.s32 $0x3  }
0x12: {  	s5 =	sshrl.u32 s5, $0x3;
	s7 =	sadd.s32 $0x29A00, s7;
	s10 =	sshrl.u32 s10, $0x3  }
0x13: {  	s9 =	sadd.s32 s6, s22;
	s26 =	smax.u32 s8, $0x1;
	[dreg:$0xc] =	wrdreg s14  }
0x14: {  	s22 =	simm.s32 $0xB000;
	s8 =	simm.s32 $0x6;
	[dreg:$0x4] =	wrdreg s7  }
0x15: {  	s5 =	sadd.s32 s5, s0;
	s7 =	sor.u32 $0x1C11, s23;
	[dreg:$0x6] =	wrdreg s9  }
0x16: {  	s6 =	sadd.s32 s6, s10;
	s0 =	sadd.s32 $0x15740, s0;
	[dreg:$0xb] =	wrdreg s26  }
0x17: {  	s26 =	simm.s32 $0xF000;
	s23 =	simm.s32 $0xB;
	[dreg:$0x9] =	wrdreg s0  }
0x18: {  	s9 =	simm.s32 $0xE;
	s6 =	sadd.s32 $0x9C40, s6;
	[dreg:$0x5] =	wrdreg s7  }
0x19: {  	s10 =	simm.s32 $0x7;
	s25 =	sadd.s32 $0x3DA00, s5;
	[dreg:$0x7] =	wrdreg s6  }
0x1a: {  	s0 =	simm.s32 $0x1;
	s5 =	simm.s32 $0x0;
	[dreg:$0xa] =	wrdreg s25  }
0x1b: {  	s25 =	simm.s32 $0x4;
	s6 =	simm.s32 $0xD;
	[dreg:$0xd] =	wrdreg s5  }
.LBB2_1:
0x1c: {  	s5 =	rddreg [dreg:$0x4]  }
0x1d: {  	[spmem:s14], [sflag:s7] =	dma.local [hbm:s5], $0x1400  }
0x1e: {  	_ =	swait.ge [sflag:s15], $0x1400  }
0x1f: {  	s7 =	simm.s32 @p0 $0x0;
	[sflag:s15] =	ssyncset.done $0x0  }
0x20: {  	s14 =	simm.s32 @p0 $0x11;
	s5 =	rddreg [dreg:$0x8];
	[sflag:s15] =	ssyncadd.s32 $0xFFFFEC00  }
0x21: {  	[tilespmem:s7], [sflag:$0x11] =	stream.linear.gather @p0 [hbm4b:s5+s7], $0xA00, $0x38;
	[tilespmem:$0x1F000] =	vst v63  }
0x22: {  	_ =	swait.ge @p0 [sflag:s14], $0xA00  }
0x23: {  	[sflag:s14] =	ssyncset.done @p0 $0x0  }
0x24: {  	s15 =	simm.s32 @p0 $0xA00;
	s5 =	rddreg [dreg:$0x3];
	[sflag:s14] =	ssyncadd.s32 @p0 $0xFFFFF600  }
0x25: {  	[tilespmem:s15], [sflag:$0x11] =	stream.linear.gather @p0 [hbm4b:s5+s7], $0x1E00, $0x38;
	[tilespmem:$0x1F000] =	vst v63  }
0x26: {  	_ =	swait.ge @p0 [sflag:s14], $0x1E00  }
0x27: {  	s15 =	simm.s32 @p0 $0x2800;
	[sflag:s14] =	ssyncset.done @p0 $0x0  }
0x28: {  	s5 =	simm.s32 @p0 $0x0;
	s7 =	rddreg [dreg:$0x9];
	[sflag:s14] =	ssyncadd.s32 @p0 $0xFFFFE200  }
0x29: {  	[tilespmem:s15], [sflag:$0x11] =	stream.linear.gather @p0 [hbm4b:s7+s5], $0xA00, $0x38;
	[tilespmem:$0x1F000] =	vst v63  }
0x2a: {  	_ =	swait.ge @p0 [sflag:s14], $0xA00  }
0x2b: {  	s5 =	simm.s32 @p0 $0x0;
	[sflag:s14] =	ssyncset.done @p0 $0x0  }
0x2c: {  	s15 =	simm.s32 @p0 $0x3200;
	s7 =	rddreg [dreg:$0x3];
	[sflag:s14] =	ssyncadd.s32 @p0 $0xFFFFF600  }
0x2d: {  	[tilespmem:s15], [sflag:$0x11] =	stream.linear.gather @p0 [hbm4b:s7+s5], $0x1E00, $0x38;
	[tilespmem:$0x1F000] =	vst v63  }
0x2e: {  	_ =	swait.ge @p0 [sflag:s14], $0x1E00  }
0x2f: {  	s7 =	simm.s32 @!p0 $0x0;
	[sflag:s14] =	ssyncset.done @p0 $0x0  }
0x30: {  	s5 =	rddreg [dreg:$0x6];
	[sflag:s14] =	ssyncadd.s32 @p0 $0xFFFFE200;
	s14 =	simm.s32 @!p0 $0x11  }
0x31: {  	[tilespmem:s7], [sflag:$0x11] =	stream.linear.gather @!p0 [hbm4b:s5+s7], $0x2800, $0x38;
	[tilespmem:$0x1F000] =	vst v63  }
0x32: {  	_ =	swait.ge @!p0 [sflag:s14], $0x2800  }
0x33: {  	[sflag:s14] =	ssyncset.done @!p0 $0x0  }
0x34: {  	s15 =	simm.s32 @!p0 $0x2800;
	s5 =	rddreg [dreg:$0x7];
	[sflag:s14] =	ssyncadd.s32 @!p0 $0xFFFFD800  }
0x35: {  	[tilespmem:s15], [sflag:$0x11] =	stream.linear.gather @!p0 [hbm4b:s5+s7], $0x2800, $0x38;
	[tilespmem:$0x1F000] =	vst v63  }
0x36: {  	_ =	swait.ge @!p0 [sflag:s14], $0x2800  }
0x37: {  	[sflag:s14] =	ssyncset.done @!p0 $0x0  }
0x38: {  	[sflag:s14] =	ssyncadd.s32 @!p0 $0xFFFFD800  }
0x39: {  	s5 =	simm.s32 $0x0;
	[bflag:$0x0] =	sbarrier.arrive $0xFFFF  }
0x3a: {  	[tilespmem:s17], [sflag:$0x1] =	stream.indirect.gather [hbm4b:s4+s16], $0x40, s5, s16, $0xb8;
	[tilespmem:$0x1F000] =	vst v63  }
0x3b: {  	_ = 	snop  }
0x3c: {  	[tilespmem:s18], [sflag:$0x2] =	stream.indirect.gather [hbm4b:s4+s16], $0x40, s16, s16, $0xb8;
	[tilespmem:$0x1F000] =	vst v63  }
0x3d: {  	s7 =	simm.s32 $0x100  }
0x3e: {  	[tilespmem:s20], [sflag:$0x3] =	stream.indirect.gather [hbm4b:s4+s16], $0x40, s7, s16, $0xb8;
	[tilespmem:$0x1F000] =	vst v63  }
0x3f: {  	s14 =	simm.s32 $0x180  }
0x40: {  	[tilespmem:s22], [sflag:$0x4] =	stream.indirect.gather [hbm4b:s4+s16], $0x40, s14, s16, $0xb8;
	[tilespmem:$0x1F000] =	vst v63  }
0x41: {  	s15 =	simm.s32 $0x200  }
0x42: {  	[tilespmem:s24], [sflag:$0x5] =	stream.indirect.gather [hbm4b:s4+s16], $0x40, s15, s16, $0xb8;
	[tilespmem:$0x1F000] =	vst v63  }
0x43: {  	s7 =	simm.s32 $0x280  }
0x44: {  	[tilespmem:s26], [sflag:$0x6] =	stream.indirect.gather [hbm4b:s4+s16], $0x40, s7, s16, $0xb8;
	[tilespmem:$0x1F000] =	vst v63  }
0x45: {  	s14 =	simm.s32 $0x300  }
0x46: {  	[tilespmem:s29], [sflag:$0x7] =	stream.indirect.gather [hbm4b:s4+s16], $0x40, s14, s16, $0xb8;
	[tilespmem:$0x1F000] =	vst v63  }
0x47: {  	s15 =	simm.s32 $0x380  }
0x48: {  	[tilespmem:s31], [sflag:$0x8] =	stream.indirect.gather [hbm4b:s4+s16], $0x40, s15, s16, $0xb8;
	[tilespmem:$0x1F000] =	vst v63  }
0x49: {  	_ =	swait.ge [sflag:s0], $0x2000  }
0x4a: {  	[sflag:s0] =	ssyncset.done $0x0  }
0x4b: {  	s5 =	simm.s32 $0x2800;
	[sflag:s0] =	ssyncadd.s32 $0xFFFFE000  }
0x4c: {  	[spmem:s2] =	stream.indirect.scatter.add.f32 [tilespmem:s17], [sflag:$0x9], $0x40, s5, s16, $0xb8;
	[tilespmem:$0x1F000] =	vst v63  }
0x4d: {  	_ =	swait.ge [sflag:s1], $0x2000  }
0x4e: {  	[sflag:s1] =	ssyncset.done $0x0  }
0x4f: {  	s14 =	simm.s32 $0x400;
	[sflag:s1] =	ssyncadd.s32 $0xFFFFE000  }
0x50: {  	[tilespmem:s17], [sflag:$0x1] =	stream.indirect.gather [hbm4b:s4+s16], $0x40, s14, s16, $0xb8;
	[tilespmem:$0x1F000] =	vst v63  }
0x51: {  	_ =	swait.ge [sflag:s3], $0x2000  }
0x52: {  	[sflag:s3] =	ssyncset.done $0x0  }
0x53: {  	s15 =	simm.s32 $0x2880;
	[sflag:s3] =	ssyncadd.s32 $0xFFFFE000  }
0x54: {  	[spmem:s2] =	stream.indirect.scatter.add.f32 [tilespmem:s18], [sflag:$0xA], $0x40, s15, s16, $0xb8;
	[tilespmem:$0x1F000] =	vst v63  }
0x55: {  	_ =	swait.ge [sflag:s19], $0x2000  }
0x56: {  	[sflag:s19] =	ssyncset.done $0x0  }
0x57: {  	s5 =	simm.s32 $0x480;
	[sflag:s19] =	ssyncadd.s32 $0xFFFFE000  }
0x58: {  	[tilespmem:s18], [sflag:$0x2] =	stream.indirect.gather [hbm4b:s4+s16], $0x40, s5, s16, $0xb8;
	[tilespmem:$0x1F000] =	vst v63  }
0x59: {  	_ =	swait.ge [sflag:s21], $0x2000  }
0x5a: {  	[sflag:s21] =	ssyncset.done $0x0  }
0x5b: {  	s14 =	simm.s32 $0x2900;
	[sflag:s21] =	ssyncadd.s32 $0xFFFFE000  }
0x5c: {  	[spmem:s2] =	stream.indirect.scatter.add.f32 [tilespmem:s20], [sflag:$0xB], $0x40, s14, s16, $0xb8;
	[tilespmem:$0x1F000] =	vst v63  }
0x5d: {  	_ =	swait.ge [sflag:s23], $0x2000  }
0x5e: {  	[sflag:s23] =	ssyncset.done $0x0  }
0x5f: {  	s15 =	simm.s32 $0x500;
	[sflag:s23] =	ssyncadd.s32 $0xFFFFE000  }
0x60: {  	[tilespmem:s20], [sflag:$0x3] =	stream.indirect.gather [hbm4b:s4+s16], $0x40, s15, s16, $0xb8;
	[tilespmem:$0x1F000] =	vst v63  }
0x61: {  	_ =	swait.ge [sflag:s25], $0x2000  }
0x62: {  	[sflag:s25] =	ssyncset.done $0x0  }
0x63: {  	s5 =	simm.s32 $0x2980;
	[sflag:s25] =	ssyncadd.s32 $0xFFFFE000  }
0x64: {  	[spmem:s2] =	stream.indirect.scatter.add.f32 [tilespmem:s22], [sflag:$0xC], $0x40, s5, s16, $0xb8;
	[tilespmem:$0x1F000] =	vst v63  }
0x65: {  	_ =	swait.ge [sflag:s28], $0x2000  }
0x66: {  	[sflag:s28] =	ssyncset.done $0x0  }
0x67: {  	s14 =	simm.s32 $0x580;
	[sflag:s28] =	ssyncadd.s32 $0xFFFFE000  }
0x68: {  	[tilespmem:s22], [sflag:$0x4] =	stream.indirect.gather [hbm4b:s4+s16], $0x40, s14, s16, $0xb8;
	[tilespmem:$0x1F000] =	vst v63  }
0x69: {  	_ =	swait.ge [sflag:s30], $0x2000  }
0x6a: {  	[sflag:s30] =	ssyncset.done $0x0  }
0x6b: {  	s15 =	simm.s32 $0x2A00;
	[sflag:s30] =	ssyncadd.s32 $0xFFFFE000  }
0x6c: {  	[spmem:s2] =	stream.indirect.scatter.add.f32 [tilespmem:s24], [sflag:$0xD], $0x40, s15, s16, $0xb8;
	[tilespmem:$0x1F000] =	vst v63  }
0x6d: {  	_ =	swait.ge [sflag:s6], $0x2000  }
0x6e: {  	[sflag:s6] =	ssyncset.done $0x0  }
0x6f: {  	s5 =	simm.s32 $0x600;
	[sflag:s6] =	ssyncadd.s32 $0xFFFFE000  }
0x70: {  	[tilespmem:s24], [sflag:$0x5] =	stream.indirect.gather [hbm4b:s4+s16], $0x40, s5, s16, $0xb8;
	[tilespmem:$0x1F000] =	vst v63  }
0x71: {  	_ =	swait.ge [sflag:s8], $0x2000  }
0x72: {  	[sflag:s8] =	ssyncset.done $0x0  }
0x73: {  	s14 =	simm.s32 $0x2A80;
	[sflag:s8] =	ssyncadd.s32 $0xFFFFE000  }
0x74: {  	[spmem:s2] =	stream.indirect.scatter.add.f32 [tilespmem:s26], [sflag:$0xE], $0x40, s14, s16, $0xb8;
	[tilespmem:$0x1F000] =	vst v63  }
0x75: {  	_ =	swait.ge [sflag:s9], $0x2000  }
0x76: {  	[sflag:s9] =	ssyncset.done $0x0  }
0x77: {  	s15 =	simm.s32 $0x680;
	[sflag:s9] =	ssyncadd.s32 $0xFFFFE000  }
0x78: {  	[tilespmem:s26], [sflag:$0x6] =	stream.indirect.gather [hbm4b:s4+s16], $0x40, s15, s16, $0xb8;
	[tilespmem:$0x1F000] =	vst v63  }
0x79: {  	_ =	swait.ge [sflag:s10], $0x2000  }
0x7a: {  	[sflag:s10] =	ssyncset.done $0x0  }
0x7b: {  	s5 =	simm.s32 $0x2B00;
	[sflag:s10] =	ssyncadd.s32 $0xFFFFE000  }
0x7c: {  	[spmem:s2] =	stream.indirect.scatter.add.f32 [tilespmem:s29], [sflag:$0xF], $0x40, s5, s16, $0xb8;
	[tilespmem:$0x1F000] =	vst v63  }
0x7d: {  	_ =	swait.ge [sflag:s11], $0x2000  }
0x7e: {  	[sflag:s11] =	ssyncset.done $0x0  }
0x7f: {  	s14 =	simm.s32 $0x700;
	[sflag:s11] =	ssyncadd.s32 $0xFFFFE000  }
0x80: {  	[tilespmem:s29], [sflag:$0x7] =	stream.indirect.gather [hbm4b:s4+s16], $0x40, s14, s16, $0xb8;
	[tilespmem:$0x1F000] =	vst v63  }
0x81: {  	_ =	swait.ge [sflag:s12], $0x2000  }
0x82: {  	[sflag:s12] =	ssyncset.done $0x0  }
0x83: {  	s15 =	simm.s32 $0x2B80;
	[sflag:s12] =	ssyncadd.s32 $0xFFFFE000  }
0x84: {  	[spmem:s2] =	stream.indirect.scatter.add.f32 [tilespmem:s31], [sflag:$0x10], $0x40, s15, s16, $0xb8;
	[tilespmem:$0x1F000] =	vst v63  }
0x85: {  	_ =	swait.ge [sflag:s13], $0x2000  }
0x86: {  	[sflag:s13] =	ssyncset.done $0x0  }
0x87: {  	s7 =	simm.s32 $0x1000;
	s14 =	simm.s32 $0x780;
	[sflag:s13] =	ssyncadd.s32 $0xFFFFE000  }
.LBB2_2:
0x88: {  	[tilespmem:s31], [sflag:$0x8] =	stream.indirect.gather [hbm4b:s4+s16], $0x40, s14, s16, $0xb8;
	[tilespmem:$0x1F000] =	vst v63  }
0x89: {  	s14 =	smov.u32 s7  }
0x8a: {  	p1 =	sne.s32 s7, $0x8000;
	s7 =	sadd.s32 $0x1000, s7;
	_ =	swait.ge [sflag:s0], $0x2000  }
0x8b: {  	s14 =	sshra.s32 s14, $0x2;
	[sflag:s0] =	ssyncset.done $0x0  }
0x8c: {  	s15 =	sadd.s32 $0x2800, s14;
	[sflag:s0] =	ssyncadd.s32 $0xFFFFE000  }
0x8d: {  	[spmem:s2] =	stream.indirect.scatter.add.f32 [tilespmem:s17], [sflag:$0x9], $0x40, s15, s16, $0xb8;
	[tilespmem:$0x1F000] =	vst v63  }
0x8e: {  	_ =	swait.ge [sflag:s1], $0x2000  }
0x8f: {  	[sflag:s1] =	ssyncset.done $0x0  }
0x90: {  	s15 =	sadd.s32 $0x400, s14;
	[sflag:s1] =	ssyncadd.s32 $0xFFFFE000  }
0x91: {  	[tilespmem:s17], [sflag:$0x1] =	stream.indirect.gather [hbm4b:s4+s16], $0x40, s15, s16, $0xb8;
	[tilespmem:$0x1F000] =	vst v63  }
0x92: {  	_ =	swait.ge [sflag:s3], $0x2000  }
0x93: {  	[sflag:s3] =	ssyncset.done $0x0  }
0x94: {  	s15 =	sadd.s32 $0x2880, s14;
	[sflag:s3] =	ssyncadd.s32 $0xFFFFE000  }
0x95: {  	[spmem:s2] =	stream.indirect.scatter.add.f32 [tilespmem:s18], [sflag:$0xA], $0x40, s15, s16, $0xb8;
	[tilespmem:$0x1F000] =	vst v63  }
0x96: {  	_ =	swait.ge [sflag:s19], $0x2000  }
0x97: {  	[sflag:s19] =	ssyncset.done $0x0  }
0x98: {  	s15 =	sadd.s32 $0x480, s14;
	[sflag:s19] =	ssyncadd.s32 $0xFFFFE000  }
0x99: {  	[tilespmem:s18], [sflag:$0x2] =	stream.indirect.gather [hbm4b:s4+s16], $0x40, s15, s16, $0xb8;
	[tilespmem:$0x1F000] =	vst v63  }
0x9a: {  	_ =	swait.ge [sflag:s21], $0x2000  }
0x9b: {  	[sflag:s21] =	ssyncset.done $0x0  }
0x9c: {  	s15 =	sadd.s32 $0x2900, s14;
	[sflag:s21] =	ssyncadd.s32 $0xFFFFE000  }
0x9d: {  	[spmem:s2] =	stream.indirect.scatter.add.f32 [tilespmem:s20], [sflag:$0xB], $0x40, s15, s16, $0xb8;
	[tilespmem:$0x1F000] =	vst v63  }
0x9e: {  	_ =	swait.ge [sflag:s23], $0x2000  }
0x9f: {  	[sflag:s23] =	ssyncset.done $0x0  }
0xa0: {  	s15 =	sadd.s32 $0x500, s14;
	[sflag:s23] =	ssyncadd.s32 $0xFFFFE000  }
0xa1: {  	[tilespmem:s20], [sflag:$0x3] =	stream.indirect.gather [hbm4b:s4+s16], $0x40, s15, s16, $0xb8;
	[tilespmem:$0x1F000] =	vst v63  }
0xa2: {  	_ =	swait.ge [sflag:s25], $0x2000  }
0xa3: {  	[sflag:s25] =	ssyncset.done $0x0  }
0xa4: {  	s15 =	sadd.s32 $0x2980, s14;
	[sflag:s25] =	ssyncadd.s32 $0xFFFFE000  }
0xa5: {  	[spmem:s2] =	stream.indirect.scatter.add.f32 [tilespmem:s22], [sflag:$0xC], $0x40, s15, s16, $0xb8;
	[tilespmem:$0x1F000] =	vst v63  }
0xa6: {  	_ =	swait.ge [sflag:s28], $0x2000  }
0xa7: {  	[sflag:s28] =	ssyncset.done $0x0  }
0xa8: {  	s15 =	sadd.s32 $0x580, s14;
	[sflag:s28] =	ssyncadd.s32 $0xFFFFE000  }
0xa9: {  	[tilespmem:s22], [sflag:$0x4] =	stream.indirect.gather [hbm4b:s4+s16], $0x40, s15, s16, $0xb8;
	[tilespmem:$0x1F000] =	vst v63  }
0xaa: {  	_ =	swait.ge [sflag:s30], $0x2000  }
0xab: {  	[sflag:s30] =	ssyncset.done $0x0  }
0xac: {  	s15 =	sadd.s32 $0x2A00, s14;
	[sflag:s30] =	ssyncadd.s32 $0xFFFFE000  }
0xad: {  	[spmem:s2] =	stream.indirect.scatter.add.f32 [tilespmem:s24], [sflag:$0xD], $0x40, s15, s16, $0xb8;
	[tilespmem:$0x1F000] =	vst v63  }
0xae: {  	_ =	swait.ge [sflag:s6], $0x2000  }
0xaf: {  	[sflag:s6] =	ssyncset.done $0x0  }
0xb0: {  	s15 =	sadd.s32 $0x600, s14;
	[sflag:s6] =	ssyncadd.s32 $0xFFFFE000  }
0xb1: {  	[tilespmem:s24], [sflag:$0x5] =	stream.indirect.gather [hbm4b:s4+s16], $0x40, s15, s16, $0xb8;
	[tilespmem:$0x1F000] =	vst v63  }
0xb2: {  	_ =	swait.ge [sflag:s8], $0x2000  }
0xb3: {  	[sflag:s8] =	ssyncset.done $0x0  }
0xb4: {  	s15 =	sadd.s32 $0x2A80, s14;
	[sflag:s8] =	ssyncadd.s32 $0xFFFFE000  }
0xb5: {  	[spmem:s2] =	stream.indirect.scatter.add.f32 [tilespmem:s26], [sflag:$0xE], $0x40, s15, s16, $0xb8;
	[tilespmem:$0x1F000] =	vst v63  }
0xb6: {  	_ =	swait.ge [sflag:s9], $0x2000  }
0xb7: {  	[sflag:s9] =	ssyncset.done $0x0  }
0xb8: {  	s15 =	sadd.s32 $0x680, s14;
	[sflag:s9] =	ssyncadd.s32 $0xFFFFE000  }
0xb9: {  	[tilespmem:s26], [sflag:$0x6] =	stream.indirect.gather [hbm4b:s4+s16], $0x40, s15, s16, $0xb8;
	[tilespmem:$0x1F000] =	vst v63  }
0xba: {  	_ =	swait.ge [sflag:s10], $0x2000  }
0xbb: {  	[sflag:s10] =	ssyncset.done $0x0  }
0xbc: {  	s15 =	sadd.s32 $0x2B00, s14;
	[sflag:s10] =	ssyncadd.s32 $0xFFFFE000  }
0xbd: {  	[spmem:s2] =	stream.indirect.scatter.add.f32 [tilespmem:s29], [sflag:$0xF], $0x40, s15, s16, $0xb8;
	[tilespmem:$0x1F000] =	vst v63  }
0xbe: {  	_ =	swait.ge [sflag:s11], $0x2000  }
0xbf: {  	[sflag:s11] =	ssyncset.done $0x0  }
0xc0: {  	s15 =	sadd.s32 $0x700, s14;
	[sflag:s11] =	ssyncadd.s32 $0xFFFFE000  }
0xc1: {  	[tilespmem:s29], [sflag:$0x7] =	stream.indirect.gather [hbm4b:s4+s16], $0x40, s15, s16, $0xb8;
	[tilespmem:$0x1F000] =	vst v63  }
0xc2: {  	_ =	swait.ge [sflag:s12], $0x2000  }
0xc3: {  	[sflag:s12] =	ssyncset.done $0x0  }
.Ltmp0:
0xc4: {  	s15 =	sadd.s32 $0x2B80, s14;
	[sflag:s12] =	ssyncadd.s32 $0xFFFFE000;
	(pc) =	sbr.rel @p1 .LBB2_2-.Ltmp0, $4  }
0xc5: {  	[spmem:s2] =	stream.indirect.scatter.add.f32 [tilespmem:s31], [sflag:$0x10], $0x40, s15, s16, $0xb8;
	[tilespmem:$0x1F000] =	vst v63  }
0xc6: {  	_ =	swait.ge [sflag:s13], $0x2000  }
0xc7: {  	[sflag:s13] =	ssyncset.done $0x0  }
0xc8: {  	s14 =	sadd.s32 $0x780, s14;
	[sflag:s13] =	ssyncadd.s32 $0xFFFFE000  }
0xc9: {  	[tilespmem:s31], [sflag:$0x8] =	stream.indirect.gather [hbm4b:s4+s16], $0x40, s14, s16, $0xb8;
	[tilespmem:$0x1F000] =	vst v63  }
0xca: {  	_ =	swait.ge [sflag:s0], $0x2000  }
0xcb: {  	[sflag:s0] =	ssyncset.done $0x0  }
0xcc: {  	s5 =	simm.s32 $0x4C00;
	[sflag:s0] =	ssyncadd.s32 $0xFFFFE000  }
0xcd: {  	[spmem:s2] =	stream.indirect.scatter.add.f32 [tilespmem:s17], [sflag:$0x9], $0x40, s5, s16, $0xb8;
	[tilespmem:$0x1F000] =	vst v63  }
0xce: {  	_ =	swait.ge [sflag:s1], $0x2000  }
0xcf: {  	[sflag:s1] =	ssyncset.done $0x0  }
0xd0: {  	[sflag:s1] =	ssyncadd.s32 $0xFFFFE000  }
0xd1: {  	_ =	swait.ge [sflag:s3], $0x2000  }
0xd2: {  	[sflag:s3] =	ssyncset.done $0x0  }
0xd3: {  	s14 =	simm.s32 $0x4C80;
	[sflag:s3] =	ssyncadd.s32 $0xFFFFE000  }
0xd4: {  	[spmem:s2] =	stream.indirect.scatter.add.f32 [tilespmem:s18], [sflag:$0xA], $0x40, s14, s16, $0xb8;
	[tilespmem:$0x1F000] =	vst v63  }
0xd5: {  	_ =	swait.ge [sflag:s19], $0x2000  }
0xd6: {  	[sflag:s19] =	ssyncset.done $0x0  }
0xd7: {  	[sflag:s19] =	ssyncadd.s32 $0xFFFFE000  }
0xd8: {  	_ =	swait.ge [sflag:s21], $0x2000  }
0xd9: {  	[sflag:s21] =	ssyncset.done $0x0  }
0xda: {  	s15 =	simm.s32 $0x4D00;
	[sflag:s21] =	ssyncadd.s32 $0xFFFFE000  }
0xdb: {  	[spmem:s2] =	stream.indirect.scatter.add.f32 [tilespmem:s20], [sflag:$0xB], $0x40, s15, s16, $0xb8;
	[tilespmem:$0x1F000] =	vst v63  }
0xdc: {  	_ =	swait.ge [sflag:s23], $0x2000  }
0xdd: {  	[sflag:s23] =	ssyncset.done $0x0  }
0xde: {  	[sflag:s23] =	ssyncadd.s32 $0xFFFFE000  }
0xdf: {  	_ =	swait.ge [sflag:s25], $0x2000  }
0xe0: {  	[sflag:s25] =	ssyncset.done $0x0  }
0xe1: {  	s7 =	simm.s32 $0x4D80;
	[sflag:s25] =	ssyncadd.s32 $0xFFFFE000  }
0xe2: {  	[spmem:s2] =	stream.indirect.scatter.add.f32 [tilespmem:s22], [sflag:$0xC], $0x40, s7, s16, $0xb8;
	[tilespmem:$0x1F000] =	vst v63  }
0xe3: {  	_ =	swait.ge [sflag:s28], $0x2000  }
0xe4: {  	[sflag:s28] =	ssyncset.done $0x0  }
0xe5: {  	[sflag:s28] =	ssyncadd.s32 $0xFFFFE000  }
0xe6: {  	_ =	swait.ge [sflag:s30], $0x2000  }
0xe7: {  	[sflag:s30] =	ssyncset.done $0x0  }
0xe8: {  	s14 =	simm.s32 $0x4E00;
	[sflag:s30] =	ssyncadd.s32 $0xFFFFE000  }
0xe9: {  	[spmem:s2] =	stream.indirect.scatter.add.f32 [tilespmem:s24], [sflag:$0xD], $0x40, s14, s16, $0xb8;
	[tilespmem:$0x1F000] =	vst v63  }
0xea: {  	_ =	swait.ge [sflag:s6], $0x2000  }
0xeb: {  	[sflag:s6] =	ssyncset.done $0x0  }
0xec: {  	[sflag:s6] =	ssyncadd.s32 $0xFFFFE000  }
0xed: {  	_ =	swait.ge [sflag:s8], $0x2000  }
0xee: {  	[sflag:s8] =	ssyncset.done $0x0  }
0xef: {  	s15 =	simm.s32 $0x4E80;
	[sflag:s8] =	ssyncadd.s32 $0xFFFFE000  }
0xf0: {  	[spmem:s2] =	stream.indirect.scatter.add.f32 [tilespmem:s26], [sflag:$0xE], $0x40, s15, s16, $0xb8;
	[tilespmem:$0x1F000] =	vst v63  }
0xf1: {  	_ =	swait.ge [sflag:s9], $0x2000  }
0xf2: {  	[sflag:s9] =	ssyncset.done $0x0  }
0xf3: {  	[sflag:s9] =	ssyncadd.s32 $0xFFFFE000  }
0xf4: {  	_ =	swait.ge [sflag:s10], $0x2000  }
0xf5: {  	[sflag:s10] =	ssyncset.done $0x0  }
0xf6: {  	s7 =	simm.s32 $0x4F00;
	[sflag:s10] =	ssyncadd.s32 $0xFFFFE000  }
0xf7: {  	[spmem:s2] =	stream.indirect.scatter.add.f32 [tilespmem:s29], [sflag:$0xF], $0x40, s7, s16, $0xb8;
	[tilespmem:$0x1F000] =	vst v63  }
0xf8: {  	_ =	swait.ge [sflag:s11], $0x2000  }
0xf9: {  	[sflag:s11] =	ssyncset.done $0x0  }
0xfa: {  	[sflag:s11] =	ssyncadd.s32 $0xFFFFE000  }
0xfb: {  	_ =	swait.ge [sflag:s12], $0x2000  }
0xfc: {  	[sflag:s12] =	ssyncset.done $0x0  }
0xfd: {  	s14 =	simm.s32 $0x4F80;
	[sflag:s12] =	ssyncadd.s32 $0xFFFFE000  }
0xfe: {  	[spmem:s2] =	stream.indirect.scatter.add.f32 [tilespmem:s31], [sflag:$0x10], $0x40, s14, s16, $0xb8;
	[tilespmem:$0x1F000] =	vst v63  }
0xff: {  	_ =	swait.ge [sflag:s13], $0x2000  }
0x100: {  	[sflag:s13] =	ssyncset.done $0x0  }
0x101: {  	[sflag:s13] =	ssyncadd.s32 $0xFFFFE000  }
0x102: {  	[bflag:$0x0] =	sbarrier.arrive $0xFFFF  }
0x103: {  	s7 =	rddreg [dreg:$0x5]  }
0x104: {  	s15 =	rddreg [dreg:$0xa]  }
0x105: {  	s14 =	rddreg [dreg:$0xc]  }
0x106: {  	[hbm:s15], [sflag:s7] =	dma.local [spmem:s14], $0x1400  }
0x107: {  	s15 =	simm.s32 $0x11  }
0x108: {  	_ =	swait.ge [sflag:s15], $0x1400  }
0x109: {  	s5 =	rddreg [dreg:$0xd]  }
0x10a: {  	s7 =	sadd.s32 $0x1, s5;
	s5 =	rddreg [dreg:$0xb]  }
0x10b: {  	p1 =	sne.s32 s7, s5  }
.Ltmp1:
0x10c: {  	_ = 	snop;
	(pc) =	sbr.rel @p1 .LBB2_1-.Ltmp1, $3  }
0x10d: {  	_ =	sdelay $0x1  }
0x10e: {  	[sflag:s15] =	ssyncset.done $0x0;
	[dreg:$0xd] =	wrdreg s7  }
0x10f: {  	[sflag:s15] =	ssyncadd.s32 $0xFFFFEC00;
	s7 =	rddreg [dreg:$0x5]  }
0x110: {  	_ =	sfence.sel $0x180000  }
0x111: {  	[bflag:$0x0] =	sbarrier.arrive $0xFFFF  }
0x112: {  	_ =	strace $0x9000004A  }
0x113: {  	s0 =	stileid.u32;
	[bflag:$0x2] =	sbarrier.arrive $0xFFFF  }
0x114: {  	p0 =	sne.s32 s0, $0x0;
	s0 =	rddreg [dreg:$0x2]  }
0x115: {  	s0 =	sadd.s32 @!p0 $0x100000, s0  }
0x116: {  	[sflag:s0] =	ssyncadd.tile.s32 @!p0 $0x1;
	_ =	shalt  }
.Lfunc_end2:
_tile_overlayer_lowered:
.L_overlay_start_2:
0x117: {  	(tag) =	ssettag $0x2  }
0x118: {  	s0 =	rddreg [dreg:$0x0];
	s2 =	stileid.u32  }
0x119: {  	s1 =	rddreg [dreg:$0x1];
	p0 =	sne.s32 s2, $0x0  }
0x11a: {  	s3 =	rddreg [dreg:$0x2];
	[bflag:$0x3] =	sbarrier.arrive $0xFFFF;
	s2 =	simm.s32 @!p0 $0x1C11  }
0x11b: {  	[timem:s3], [sflag:s2] =	dma.local @!p0 [hbm:s0], s1  }
0x11c: {  	s0 =	simm.s32 @!p0 $0x11  }
0x11d: {  	_ =	swait.ge @!p0 [sflag:s0], s1  }
0x11e: {  	s1 =	ssub.s32 @!p0 $0x0, s1;
	[sflag:s0] =	ssyncset.done @!p0 $0x0  }
0x11f: {  	[sflag:s0] =	ssyncadd.s32 @!p0 s1  }
0x120: {  	[bflag:$0x3] =	sbarrier.arrive $0xFFFF  }
0x121: {  	_ =	shalt  }

// kernel: kernel.15.cloned.1.call-start
scs
__scs_entry_jumppad:
0x0: {  	(pc) =	sbr.rel $0x88, $3  }
0x1: {  	(tag) =	ssettag $0x0;
	lr =	simm.s32 $0x1  }
0x2: {  	[smem:$0x3F9B] =	sst lr;
	_ =	strace $0xD0000000  }
0x3: {  	_ = 	snop  }
0x4: {  	_ = 	snop  }
0x5: {  	_ = 	snop  }
0x6: {  	_ = 	snop  }
0x7: {  	_ = 	snop  }
__scs_overlays_trampoline_lowered:
0x8: {  	[smem:$0x3FAA] =	sst s0  }
0x9: {  	[smem:$0x3FAB] =	sst s1  }
0xa: {  	[smem:$0x3FAC] =	sst s2  }
0xb: {  	[smem:$0x3FAD] =	sst s3  }
0xc: {  	[smem:$0x3FAE] =	sst s4  }
0xd: {  	[smem:$0x3FAF] =	sst s5  }
0xe: {  	[smem:$0x3FB0] =	sst s6  }
0xf: {  	[smem:$0x3FB1] =	sst s7  }
0x10: {  	[smem:$0x3FB2] =	sst s8  }
0x11: {  	[smem:$0x3FB3] =	sst s9;
	s0 =	simm.s32 @!p0 $0x0  }
0x12: {  	s1 =	sld [smem:$0x3F99];
	s0 =	simm.s32 @p0 $0x1  }
0x13: {  	[smem:$0x3FB4] =	sst s0;
	s0 =	simm.s32 @!p1 $0x0  }
0x14: {  	s2 =	sld [smem:$0x3F98];
	s0 =	simm.s32 @p1 $0x1  }
0x15: {  	[smem:$0x3FB5] =	sst s0;
	s0 =	simm.s32 @!p2 $0x0  }
0x16: {  	s3 =	sld [smem:$0x3FDB];
	s0 =	simm.s32 @p2 $0x1  }
0x17: {  	s4 =	simm.s32 $0x1BF5;
	[smem:$0x3FB7] =	sst s0  }
0x18: {  	s0 =	sld [smem:$0x3F9A];
	_ =	swait.ge [sflag:s4], $0x0  }
0x19: {  	s7 =	sld [smem:$0x3F9B]  }
0x1a: {  	s8 =	sadd.s32 $0xFFFFE003, lr  }
0x1b: {  	s9 =	sadd.s32 $0xFFFFFEF7, lr;
	s5 =	simm.s32 $0xFFFFFFFF;
	p2 =	slt.u32 s8, $0xFFFFF086  }
0x1c: {  	p1 =	slt.u32 s9, $0xF7A;
	s5 =	simm.s32 @!p2 $0x0  }
0x1d: {  	s5 =	simm.s32 @p1 $0x1;
	p0 =	seq.s32 s7, s2  }
0x1e: {  	s7 =	smul.u32 @!p0 $0xF7A, s2;
	p2 =	seq.s32 @!p0 s5, $0x0  }
0x1f: {  	s9 =	smul.u32 $0xF7A, s1;
	s8 =	simm.s32 @!p0 $0x1BF5;
	p2 =	por !p2, p0  }
0x20: {  	[sflag:s8] =	ssyncset.s32 @!p0 $0xFFFFF086;
	s6 =	sadd.s32 @!p0 s3, s7;
	s7 =	simm.s32 @!p0 $0x108  }
0x21: {  	s3 =	sadd.s32 s3, s9;
	s6 =	sadd.s32 @!p0 $0x88, s6;
	s7 =	simm.s32 @p2 $0x1082  }
0x22: {  	[simem:s7], [sflag:s8] =	dma.local @!p0 [hbm:s6], $0xF7A  }
0x23: {  	s9 =	sor.u32 $0xD0000000, s2;
	s6 =	simm.s32 $0x108;
	_ =	swait.ge @!p0 [sflag:s8], $0x0  }
0x24: {  	s3 =	sadd.s32 $0x88, s3;
	s6 =	simm.s32 @!p1 $0x1082;
	[sflag:s4] =	ssyncset.s32 $0xFFFFF086  }
0x25: {  	[simem:s6], [sflag:s4] =	dma.local [hbm:s3], $0xF7A  }
0x26: {  	[smem:$0x3F9B] =	sst s1;
	(tag) =	ssettag s2;
	_ =	strace s9  }
0x27: {  	s1 =	sld [smem:$0x3FAB]  }
0x28: {  	s2 =	sld [smem:$0x3FAC]  }
0x29: {  	s4 =	sld [smem:$0x3FAE]  }
0x2a: {  	p0 =	seq.s32 s5, $0x0;
	s5 =	sld [smem:$0x3FAF]  }
0x2b: {  	s6 =	sld [smem:$0x3FB0]  }
0x2c: {  	s7 =	sld [smem:$0x3FB1]  }
0x2d: {  	s3 =	simm.s32 $0x108;
	s8 =	sld [smem:$0x3FB2]  }
0x2e: {  	s3 =	simm.s32 @!p0 $0x1082;
	s9 =	sld [smem:$0x3FB3]  }
0x2f: {  	lr =	sadd.s32 s0, s3;
	s0 =	sld [smem:$0x3FAA]  }
0x30: {  	s3 =	sld [smem:$0x3FAD]  }
0x31: {  	[smem:$0x3FB6] =	sst s10  }
0x32: {  	s10 =	sld [smem:$0x3FB4];
	_ =	sdelay $0x3  }
0x33: {  	p0 =	seq.s32 s10, $0x1;
	s10 =	sld [smem:$0x3FB6];
	_ =	sdelay $0x3  }
0x34: {  	[smem:$0x3FB6] =	sst s10  }
0x35: {  	s10 =	sld [smem:$0x3FB5];
	_ =	sdelay $0x3  }
0x36: {  	p1 =	seq.s32 s10, $0x1;
	s10 =	sld [smem:$0x3FB6];
	_ =	sdelay $0x3  }
0x37: {  	[smem:$0x3FB6] =	sst s10  }
0x38: {  	s10 =	sld [smem:$0x3FB7]  }
0x39: {  	_ = 	snop;
	(pc) =	sbr.ind lr, $3  }
0x3a: {  	_ = 	snop  }
0x3b: {  	_ = 	snop  }
0x3c: {  	p2 =	seq.s32 s10, $0x1;
	s10 =	sld [smem:$0x3FB6]  }
0x3d: {  	_ =	shalt  }
0x3e: {  	_ =	shalt  }
0x3f: {  	_ =	shalt  }
0x40: {  	_ =	shalt  }
0x41: {  	_ =	shalt  }
0x42: {  	_ =	shalt  }
0x43: {  	_ =	shalt  }
0x44: {  	_ =	shalt  }
0x45: {  	_ =	shalt  }
0x46: {  	_ =	shalt  }
0x47: {  	_ =	shalt  }
0x48: {  	_ =	shalt  }
0x49: {  	_ =	shalt  }
0x4a: {  	_ =	shalt  }
0x4b: {  	_ =	shalt  }
0x4c: {  	_ =	shalt  }
0x4d: {  	_ =	shalt  }
0x4e: {  	_ =	shalt  }
0x4f: {  	_ =	shalt  }
0x50: {  	_ =	shalt  }
0x51: {  	_ =	shalt  }
0x52: {  	_ =	shalt  }
0x53: {  	_ =	shalt  }
0x54: {  	_ =	shalt  }
0x55: {  	_ =	shalt  }
0x56: {  	_ =	shalt  }
0x57: {  	_ =	shalt  }
0x58: {  	_ =	shalt  }
0x59: {  	_ =	shalt  }
0x5a: {  	_ =	shalt  }
0x5b: {  	_ =	shalt  }
0x5c: {  	_ =	shalt  }
0x5d: {  	_ =	shalt  }
0x5e: {  	_ =	shalt  }
0x5f: {  	_ =	shalt  }
0x60: {  	_ =	shalt  }
0x61: {  	_ =	shalt  }
0x62: {  	_ =	shalt  }
0x63: {  	_ =	shalt  }
0x64: {  	_ =	shalt  }
0x65: {  	_ =	shalt  }
0x66: {  	_ =	shalt  }
0x67: {  	_ =	shalt  }
0x68: {  	_ =	shalt  }
0x69: {  	_ =	shalt  }
0x6a: {  	_ =	shalt  }
0x6b: {  	_ =	shalt  }
0x6c: {  	_ =	shalt  }
0x6d: {  	_ =	shalt  }
0x6e: {  	_ =	shalt  }
0x6f: {  	_ =	shalt  }
0x70: {  	_ =	shalt  }
0x71: {  	_ =	shalt  }
0x72: {  	_ =	shalt  }
0x73: {  	_ =	shalt  }
0x74: {  	_ =	shalt  }
0x75: {  	_ =	shalt  }
0x76: {  	_ =	shalt  }
0x77: {  	_ =	shalt  }
0x78: {  	_ =	shalt  }
0x79: {  	_ =	shalt  }
0x7a: {  	_ =	shalt  }
0x7b: {  	_ =	shalt  }
0x7c: {  	_ =	shalt  }
0x7d: {  	_ =	shalt  }
0x7e: {  	_ =	shalt  }
0x7f: {  	_ =	shalt  }
0x80: {  	_ =	shalt  }
0x81: {  	_ =	shalt  }
0x82: {  	_ =	shalt  }
0x83: {  	_ =	shalt  }
0x84: {  	_ =	shalt  }
0x85: {  	_ =	shalt  }
0x86: {  	_ =	shalt  }
0x87: {  	_ =	shalt  }
.Lfunc_end0:
.L_simem_size_0:
called_computation.2_lowered:
.L_overlay_start_0:
0x88: {  	s2 =	sld [smem:$0x3FD9]  }
0x89: {  	s3 =	sld [smem:$0x3FFE];
	_ =	sdelay $0x1  }
0x8a: {  	s1 =	srdreg.scid  }
0x8b: {  	s0 =	sand.u32 $0x1, s1  }
0x8c: {  	s16 =	sshll.u32 s0, $0xA;
	s2 =	sadd.s32 s3, s2  }
0x8d: {  	s2 =	sadd.s32 s2, s16  }
0x8e: {  	[smem:$0x3FC2] =	sst s2  }
0x8f: {  	_ = 	snop  }
0x90: {  	(tm) =	ssettm $0x1  }
0x91: {  	s17 =	sld [smem:$0x3FFB];
	_ =	sdelay $0x3  }
0x92: {  	_ =	strace s17  }
0x93: {  	s2 =	sld [smem:$0x3FFC];
	_ =	sdelay $0x3  }
0x94: {  	_ =	strace s2  }
0x95: {  	s2 =	sld [smem:$0x3FFD];
	_ =	sdelay $0x3  }
0x96: {  	_ =	strace s2  }
0x97: {  	_ =	strace $0x8FFFFFFF  }
0x98: {  	s18 =	sld [smem:$0x3FDB];
	_ =	sdelay $0x1  }
0x99: {  	s19 =	simm.s32 $_scs_section_size  }
0x9a: {  	s4 =	simm.s32 $_size__tile_overlayer_lowered;
	s5 =	simm.s32 $_tile_overlayer_lowered  }
0x9b: {  	s22 =	simm.s32 $0x1BFF;
	s21 =	sshll.u32 s5, $0x1;
	s2 =	sadd.s32 s19, s18  }
0x9c: {  	s6 =	simm.s32 $0x0;
	s20 =	sshll.u32 s4, $0x1;
	s4 =	sadd.s32 s21, s2  }
0x9d: {  	[timem:s6], [sflag:s22] =	dma.local [hbm:s4], s20  }
0x9e: {  	_ =	swait.ge [sflag:s22], s20  }
0x9f: {  	s3 =	ssub.s32 $0x0, s20;
	[sflag:s22] =	ssyncset.done $0x0  }
0xa0: {  	[sflag:s22] =	ssyncadd.s32 s3;
	_ =	sdelay $0x1  }
0xa1: {  	s23 =	simm.s32 $0x1B8B  }
0xa2: {  	_ =	swait.ge [sflag:s23], $0x1  }
0xa3: {  	[sflag:s23] =	ssyncset.done $0x0  }
0xa4: {  	s25 =	simm.s32 $0x1B8E;
	s24 =	sld [smem:$0x3FFE];
	[sflag:s23] =	ssyncadd.s32 $0xFFFFFFFF  }
0xa5: {  	s26 =	simm.s32 $execute0_lowered;
	[smem:$0x3FD2] =	sst s25  }
0xa6: {  	s4 =	sshll.u32 s26, $0x1;
	_ =	strace $0x8000004C;
	[dreg:$0x1] =	wrdreg $0xFFFFFFFF  }
0xa7: {  	s28 =	simm.s32 $_size_execute0_lowered;
	s2 =	sadd.s32 s2, s4;
	[dreg:$0x0] =	wrdreg $0x0  }
0xa8: {  	s4 =	sshll.u32 s28, $0x1;
	[dreg:$0x2] =	wrdreg s2  }
0xa9: {  	[dreg:$0x3] =	wrdreg s4  }
0xaa: {  	[dreg:$0x4] =	wrdreg $0xC0  }
0xab: {  	_ =	task [dreg:s6], $0x5FFFF  }
0xac: {  	[dreg:$0x1] =	wrdreg $0xFFFFFFFF  }
0xad: {  	[dreg:$0x0] =	wrdreg $0x60  }
0xae: {  	[dreg:$0x2] =	wrdreg s24  }
0xaf: {  	[dreg:$0x3] =	wrdreg $0x90000  }
0xb0: {  	[dreg:$0x4] =	wrdreg $0x9  }
0xb1: {  	_ =	task.clear_ibuf [dreg:s6], $0x5FFFF;
	_ =	strace $0x9000004C  }
0xb2: {  	s29 =	simm.s32 $0x9;
	_ =	strace $0x8000004E  }
0xb3: {  	_ =	swait.ge [sflag:s29], $0x1  }
0xb4: {  	[sflag:s29] =	ssyncadd.s32 $0xFFFFFFFF  }
0xb5: {  	_ =	strace $0x9000004E  }
0xb6: {  	_ =	sfence  }
0xb7: {  	s30 =	sld [smem:$0x0];
	_ =	sdelay $0x2  }
0xb8: {  	s31 =	sshll.u32 s1, $0xD;
	s1 =	sshrl.u32 s1, $0x2  }
0xb9: {  	s3 =	sand.u32 $0x4000, s31;
	s1 =	sadd.s32 s1, s30  }
0xba: {  	s0 =	sor.u32 s3, s0;
	s1 =	sshll.u32 s1, $0x11  }
0xbb: {  	s0 =	sor.u32 s1, s0  }
0xbc: {  	s0 =	sadd.s32 $0x8F2B, s0  }
0xbd: {  	[sflag:s0] =	ssyncadd.remote.s32 $0x1  }
0xbe: {  	_ =	sfence.sel $0xFFFF  }
0xbf: {  	[dreg:$0x0] =	wrdreg $0xFFFFFFFF;
	(pc) =	sbr.abs _section_cstart, $3  }
0xc0: {  	[dreg:$0x1] =	wrdreg $0xFFFFFFFF  }
0xc1: {  	_ =	task.clear_ibuf [dreg:s6], $0x2FFFF;
	_ =	strace $0x9FFFFFFF  }
0xc2: {  	(tm) =	ssettm $0x7FFFFFFF  }
0xc3: {  	_ =	shalt  }
tec
execute0_lowered:
.L_overlay_start_1:
0x0: {  	(tag) =	ssettag $0x1  }
0x1: {  	s0 =	rddreg [dreg:$0x0]  }
0x2: {  	s2 =	rddreg [dreg:$0x1]  }
0x3: {  	s3 =	simm.s32 $0x0;
	s11 =	stileid.u32;
	s1 =	srdreg.scid  }
0x4: {  	s15 =	simm.s32 $0x11;
	s16 =	simm.s32 $0x80;
	s17 =	simm.s32 $0x5000  }
0x5: {  	s18 =	simm.s32 $0x5800;
	s29 =	simm.s32 $0x8000;
	s31 =	simm.s32 $0x8800  }
0x6: {  	s28 =	simm.s32 $0xC;
	s30 =	simm.s32 $0x5;
	s12 =	simm.s32 $0x8  }
0x7: {  	s13 =	simm.s32 $0x10;
	[smem:$0x7FF] =	sst s3;
	s19 =	smul.u32 $0x2800, s11  }
0x8: {  	s1 =	sand.u32 $0x1, s1;
	s4 =	sadd.s32 $0x15A00, s0;
	s6 =	sadd.s32 $0x2000, s0  }
0x9: {  	s7 =	sadd.s32 $0x1C00, s0;
	s8 =	sshll.u32 s11, $0x1;
	s23 =	sshll.u32 s11, $0x6  }
0xa: {  	s24 =	sadd.s32 $0xBB00, s0;
	s11 =	simm.s32 $0xF;
	_ =	strace $0x8000004D  }
0xb: {  	s5 =	smul.u32 $0x28000, s1;
	[dreg:$0x3] =	wrdreg s7;
	s9 =	ssub.s32 $0x2, s1  }
0xc: {  	s1 =	sor.u32 s1, s8;
	[dreg:$0x8] =	wrdreg s24;
	s24 =	simm.s32 $0x7000  }
0xd: {  	s20 =	sshrl.u32 s19, $0x3;
	s21 =	sshrl.u32 s9, $0x1;
	s10 =	smul.u32 $0x2800, s1  }
0xe: {  	s3 =	sadd.s32 s19, s2;
	s22 =	smul.u32 $0x500, s1;
	p0 =	seq.s32 s1, $0x1F  }
0xf: {  	s1 =	simm.s32 $0x9;
	s7 =	sadd.s32 s20, s0;
	s5 =	sadd.s32 s19, s5  }
0x10: {  	s8 =	ssub.s32 s9, s21;
	s14 =	sshrl.u32 s3, $0x3;
	s20 =	simm.s32 $0x6000  }
0x11: {  	s3 =	simm.s32 $0x2;
	s19 =	simm.s32 $0xA;
	s21 =	simm.s32 $0x3  }
0x12: {  	s5 =	sshrl.u32 s5, $0x3;
	s7 =	sadd.s32 $0x1AA00, s7;
	s10 =	sshrl.u32 s10, $0x3  }
0x13: {  	s9 =	sadd.s32 s6, s22;
	s26 =	smax.u32 s8, $0x1;
	[dreg:$0xc] =	wrdreg s14  }
0x14: {  	s22 =	simm.s32 $0x6800;
	s8 =	simm.s32 $0x6;
	[dreg:$0x4] =	wrdreg s7  }
0x15: {  	s5 =	sadd.s32 s5, s0;
	s7 =	sor.u32 $0x1C11, s23;
	[dreg:$0x6] =	wrdreg s9  }
0x16: {  	s6 =	sadd.s32 s6, s10;
	s0 =	sadd.s32 $0x15740, s0;
	[dreg:$0xb] =	wrdreg s26  }
0x17: {  	s26 =	simm.s32 $0x7800;
	s23 =	simm.s32 $0xB;
	[dreg:$0x9] =	wrdreg s0  }
0x18: {  	s9 =	simm.s32 $0xE;
	s6 =	sadd.s32 $0x9C40, s6;
	[dreg:$0x5] =	wrdreg s7  }
0x19: {  	s10 =	simm.s32 $0x7;
	s25 =	sadd.s32 $0x1FA00, s5;
	[dreg:$0x7] =	wrdreg s6  }
0x1a: {  	s0 =	simm.s32 $0x1;
	s5 =	simm.s32 $0x0;
	[dreg:$0xa] =	wrdreg s25  }
0x1b: {  	s25 =	simm.s32 $0x4;
	s6 =	simm.s32 $0xD;
	[dreg:$0xd] =	wrdreg s5  }
.LBB2_1:
0x1c: {  	s5 =	rddreg [dreg:$0x4]  }
0x1d: {  	[spmem:s14], [sflag:s7] =	dma.local [hbm:s5], $0x500  }
0x1e: {  	_ =	swait.ge [sflag:s15], $0x500  }
0x1f: {  	s7 =	simm.s32 @p0 $0x0;
	[sflag:s15] =	ssyncset.done $0x0  }
0x20: {  	s14 =	simm.s32 @p0 $0x11;
	s5 =	rddreg [dreg:$0x8];
	[sflag:s15] =	ssyncadd.s32 $0xFFFFFB00  }
0x21: {  	[tilespmem:s7], [sflag:$0x11] =	stream.linear.gather @p0 [hbm4b:s5+s7], $0xA00, $0x38;
	[tilespmem:$0xB800] =	vst v63  }
0x22: {  	_ =	swait.ge @p0 [sflag:s14], $0xA00  }
0x23: {  	[sflag:s14] =	ssyncset.done @p0 $0x0  }
0x24: {  	s15 =	simm.s32 @p0 $0xA00;
	s5 =	rddreg [dreg:$0x3];
	[sflag:s14] =	ssyncadd.s32 @p0 $0xFFFFF600  }
0x25: {  	[tilespmem:s15], [sflag:$0x11] =	stream.linear.gather @p0 [hbm4b:s5+s7], $0x1E00, $0x38;
	[tilespmem:$0xB800] =	vst v63  }
0x26: {  	_ =	swait.ge @p0 [sflag:s14], $0x1E00  }
0x27: {  	s15 =	simm.s32 @p0 $0x2800;
	[sflag:s14] =	ssyncset.done @p0 $0x0  }
0x28: {  	s5 =	simm.s32 @p0 $0x0;
	s7 =	rddreg [dreg:$0x9];
	[sflag:s14] =	ssyncadd.s32 @p0 $0xFFFFE200  }
0x29: {  	[tilespmem:s15], [sflag:$0x11] =	stream.linear.gather @p0 [hbm4b:s7+s5], $0xA00, $0x38;
	[tilespmem:$0xB800] =	vst v63  }
0x2a: {  	_ =	swait.ge @p0 [sflag:s14], $0xA00  }
0x2b: {  	s5 =	simm.s32 @p0 $0x0;
	[sflag:s14] =	ssyncset.done @p0 $0x0  }
0x2c: {  	s15 =	simm.s32 @p0 $0x3200;
	s7 =	rddreg [dreg:$0x3];
	[sflag:s14] =	ssyncadd.s32 @p0 $0xFFFFF600  }
0x2d: {  	[tilespmem:s15], [sflag:$0x11] =	stream.linear.gather @p0 [hbm4b:s7+s5], $0x1E00, $0x38;
	[tilespmem:$0xB800] =	vst v63  }
0x2e: {  	_ =	swait.ge @p0 [sflag:s14], $0x1E00  }
0x2f: {  	s7 =	simm.s32 @!p0 $0x0;
	[sflag:s14] =	ssyncset.done @p0 $0x0  }
0x30: {  	s5 =	rddreg [dreg:$0x6];
	[sflag:s14] =	ssyncadd.s32 @p0 $0xFFFFE200;
	s14 =	simm.s32 @!p0 $0x11  }
0x31: {  	[tilespmem:s7], [sflag:$0x11] =	stream.linear.gather @!p0 [hbm4b:s5+s7], $0x2800, $0x38;
	[tilespmem:$0xB800] =	vst v63  }
0x32: {  	_ =	swait.ge @!p0 [sflag:s14], $0x2800  }
0x33: {  	[sflag:s14] =	ssyncset.done @!p0 $0x0  }
0x34: {  	s15 =	simm.s32 @!p0 $0x2800;
	s5 =	rddreg [dreg:$0x7];
	[sflag:s14] =	ssyncadd.s32 @!p0 $0xFFFFD800  }
0x35: {  	[tilespmem:s15], [sflag:$0x11] =	stream.linear.gather @!p0 [hbm4b:s5+s7], $0x2800, $0x38;
	[tilespmem:$0xB800] =	vst v63  }
0x36: {  	_ =	swait.ge @!p0 [sflag:s14], $0x2800  }
0x37: {  	[sflag:s14] =	ssyncset.done @!p0 $0x0  }
0x38: {  	[sflag:s14] =	ssyncadd.s32 @!p0 $0xFFFFD800  }
0x39: {  	s5 =	simm.s32 $0x0;
	[bflag:$0x0] =	sbarrier.arrive $0xFFFF  }
0x3a: {  	[tilespmem:s17], [sflag:$0x1] =	stream.indirect.gather [hbm4b:s4+s16], $0x10, s5, s16, $0xb8;
	[tilespmem:$0xB800] =	vst v63  }
0x3b: {  	_ = 	snop  }
0x3c: {  	[tilespmem:s18], [sflag:$0x2] =	stream.indirect.gather [hbm4b:s4+s16], $0x10, s16, s16, $0xb8;
	[tilespmem:$0xB800] =	vst v63  }
0x3d: {  	s7 =	simm.s32 $0x100  }
0x3e: {  	[tilespmem:s20], [sflag:$0x3] =	stream.indirect.gather [hbm4b:s4+s16], $0x10, s7, s16, $0xb8;
	[tilespmem:$0xB800] =	vst v63  }
0x3f: {  	s14 =	simm.s32 $0x180  }
0x40: {  	[tilespmem:s22], [sflag:$0x4] =	stream.indirect.gather [hbm4b:s4+s16], $0x10, s14, s16, $0xb8;
	[tilespmem:$0xB800] =	vst v63  }
0x41: {  	s15 =	simm.s32 $0x200  }
0x42: {  	[tilespmem:s24], [sflag:$0x5] =	stream.indirect.gather [hbm4b:s4+s16], $0x10, s15, s16, $0xb8;
	[tilespmem:$0xB800] =	vst v63  }
0x43: {  	s7 =	simm.s32 $0x280  }
0x44: {  	[tilespmem:s26], [sflag:$0x6] =	stream.indirect.gather [hbm4b:s4+s16], $0x10, s7, s16, $0xb8;
	[tilespmem:$0xB800] =	vst v63  }
0x45: {  	s14 =	simm.s32 $0x300  }
0x46: {  	[tilespmem:s29], [sflag:$0x7] =	stream.indirect.gather [hbm4b:s4+s16], $0x10, s14, s16, $0xb8;
	[tilespmem:$0xB800] =	vst v63  }
0x47: {  	s15 =	simm.s32 $0x380  }
0x48: {  	[tilespmem:s31], [sflag:$0x8] =	stream.indirect.gather [hbm4b:s4+s16], $0x10, s15, s16, $0xb8;
	[tilespmem:$0xB800] =	vst v63  }
0x49: {  	_ =	swait.ge [sflag:s0], $0x800  }
0x4a: {  	[sflag:s0] =	ssyncset.done $0x0  }
0x4b: {  	s5 =	simm.s32 $0x2800;
	[sflag:s0] =	ssyncadd.s32 $0xFFFFF800  }
0x4c: {  	[spmem:s2] =	stream.indirect.scatter.add.f32 [tilespmem:s17], [sflag:$0x9], $0x10, s5, s16, $0xb8;
	[tilespmem:$0xB800] =	vst v63  }
0x4d: {  	_ =	swait.ge [sflag:s1], $0x800  }
0x4e: {  	[sflag:s1] =	ssyncset.done $0x0  }
0x4f: {  	s14 =	simm.s32 $0x400;
	[sflag:s1] =	ssyncadd.s32 $0xFFFFF800  }
0x50: {  	[tilespmem:s17], [sflag:$0x1] =	stream.indirect.gather [hbm4b:s4+s16], $0x10, s14, s16, $0xb8;
	[tilespmem:$0xB800] =	vst v63  }
0x51: {  	_ =	swait.ge [sflag:s3], $0x800  }
0x52: {  	[sflag:s3] =	ssyncset.done $0x0  }
0x53: {  	s15 =	simm.s32 $0x2880;
	[sflag:s3] =	ssyncadd.s32 $0xFFFFF800  }
0x54: {  	[spmem:s2] =	stream.indirect.scatter.add.f32 [tilespmem:s18], [sflag:$0xA], $0x10, s15, s16, $0xb8;
	[tilespmem:$0xB800] =	vst v63  }
0x55: {  	_ =	swait.ge [sflag:s19], $0x800  }
0x56: {  	[sflag:s19] =	ssyncset.done $0x0  }
0x57: {  	s5 =	simm.s32 $0x480;
	[sflag:s19] =	ssyncadd.s32 $0xFFFFF800  }
0x58: {  	[tilespmem:s18], [sflag:$0x2] =	stream.indirect.gather [hbm4b:s4+s16], $0x10, s5, s16, $0xb8;
	[tilespmem:$0xB800] =	vst v63  }
0x59: {  	_ =	swait.ge [sflag:s21], $0x800  }
0x5a: {  	[sflag:s21] =	ssyncset.done $0x0  }
0x5b: {  	s14 =	simm.s32 $0x2900;
	[sflag:s21] =	ssyncadd.s32 $0xFFFFF800  }
0x5c: {  	[spmem:s2] =	stream.indirect.scatter.add.f32 [tilespmem:s20], [sflag:$0xB], $0x10, s14, s16, $0xb8;
	[tilespmem:$0xB800] =	vst v63  }
0x5d: {  	_ =	swait.ge [sflag:s23], $0x800  }
0x5e: {  	[sflag:s23] =	ssyncset.done $0x0  }
0x5f: {  	s15 =	simm.s32 $0x500;
	[sflag:s23] =	ssyncadd.s32 $0xFFFFF800  }
0x60: {  	[tilespmem:s20], [sflag:$0x3] =	stream.indirect.gather [hbm4b:s4+s16], $0x10, s15, s16, $0xb8;
	[tilespmem:$0xB800] =	vst v63  }
0x61: {  	_ =	swait.ge [sflag:s25], $0x800  }
0x62: {  	[sflag:s25] =	ssyncset.done $0x0  }
0x63: {  	s5 =	simm.s32 $0x2980;
	[sflag:s25] =	ssyncadd.s32 $0xFFFFF800  }
0x64: {  	[spmem:s2] =	stream.indirect.scatter.add.f32 [tilespmem:s22], [sflag:$0xC], $0x10, s5, s16, $0xb8;
	[tilespmem:$0xB800] =	vst v63  }
0x65: {  	_ =	swait.ge [sflag:s28], $0x800  }
0x66: {  	[sflag:s28] =	ssyncset.done $0x0  }
0x67: {  	s14 =	simm.s32 $0x580;
	[sflag:s28] =	ssyncadd.s32 $0xFFFFF800  }
0x68: {  	[tilespmem:s22], [sflag:$0x4] =	stream.indirect.gather [hbm4b:s4+s16], $0x10, s14, s16, $0xb8;
	[tilespmem:$0xB800] =	vst v63  }
0x69: {  	_ =	swait.ge [sflag:s30], $0x800  }
0x6a: {  	[sflag:s30] =	ssyncset.done $0x0  }
0x6b: {  	s15 =	simm.s32 $0x2A00;
	[sflag:s30] =	ssyncadd.s32 $0xFFFFF800  }
0x6c: {  	[spmem:s2] =	stream.indirect.scatter.add.f32 [tilespmem:s24], [sflag:$0xD], $0x10, s15, s16, $0xb8;
	[tilespmem:$0xB800] =	vst v63  }
0x6d: {  	_ =	swait.ge [sflag:s6], $0x800  }
0x6e: {  	[sflag:s6] =	ssyncset.done $0x0  }
0x6f: {  	s5 =	simm.s32 $0x600;
	[sflag:s6] =	ssyncadd.s32 $0xFFFFF800  }
0x70: {  	[tilespmem:s24], [sflag:$0x5] =	stream.indirect.gather [hbm4b:s4+s16], $0x10, s5, s16, $0xb8;
	[tilespmem:$0xB800] =	vst v63  }
0x71: {  	_ =	swait.ge [sflag:s8], $0x800  }
0x72: {  	[sflag:s8] =	ssyncset.done $0x0  }
0x73: {  	s14 =	simm.s32 $0x2A80;
	[sflag:s8] =	ssyncadd.s32 $0xFFFFF800  }
0x74: {  	[spmem:s2] =	stream.indirect.scatter.add.f32 [tilespmem:s26], [sflag:$0xE], $0x10, s14, s16, $0xb8;
	[tilespmem:$0xB800] =	vst v63  }
0x75: {  	_ =	swait.ge [sflag:s9], $0x800  }
0x76: {  	[sflag:s9] =	ssyncset.done $0x0  }
0x77: {  	s15 =	simm.s32 $0x680;
	[sflag:s9] =	ssyncadd.s32 $0xFFFFF800  }
0x78: {  	[tilespmem:s26], [sflag:$0x6] =	stream.indirect.gather [hbm4b:s4+s16], $0x10, s15, s16, $0xb8;
	[tilespmem:$0xB800] =	vst v63  }
0x79: {  	_ =	swait.ge [sflag:s10], $0x800  }
0x7a: {  	[sflag:s10] =	ssyncset.done $0x0  }
0x7b: {  	s5 =	simm.s32 $0x2B00;
	[sflag:s10] =	ssyncadd.s32 $0xFFFFF800  }
0x7c: {  	[spmem:s2] =	stream.indirect.scatter.add.f32 [tilespmem:s29], [sflag:$0xF], $0x10, s5, s16, $0xb8;
	[tilespmem:$0xB800] =	vst v63  }
0x7d: {  	_ =	swait.ge [sflag:s11], $0x800  }
0x7e: {  	[sflag:s11] =	ssyncset.done $0x0  }
0x7f: {  	s14 =	simm.s32 $0x700;
	[sflag:s11] =	ssyncadd.s32 $0xFFFFF800  }
0x80: {  	[tilespmem:s29], [sflag:$0x7] =	stream.indirect.gather [hbm4b:s4+s16], $0x10, s14, s16, $0xb8;
	[tilespmem:$0xB800] =	vst v63  }
0x81: {  	_ =	swait.ge [sflag:s12], $0x800  }
0x82: {  	[sflag:s12] =	ssyncset.done $0x0  }
0x83: {  	s15 =	simm.s32 $0x2B80;
	[sflag:s12] =	ssyncadd.s32 $0xFFFFF800  }
0x84: {  	[spmem:s2] =	stream.indirect.scatter.add.f32 [tilespmem:s31], [sflag:$0x10], $0x10, s15, s16, $0xb8;
	[tilespmem:$0xB800] =	vst v63  }
0x85: {  	_ =	swait.ge [sflag:s13], $0x800  }
0x86: {  	[sflag:s13] =	ssyncset.done $0x0  }
0x87: {  	s7 =	simm.s32 $0x1000;
	s14 =	simm.s32 $0x780;
	[sflag:s13] =	ssyncadd.s32 $0xFFFFF800  }
.LBB2_2:
0x88: {  	[tilespmem:s31], [sflag:$0x8] =	stream.indirect.gather [hbm4b:s4+s16], $0x10, s14, s16, $0xb8;
	[tilespmem:$0xB800] =	vst v63  }
0x89: {  	s14 =	smov.u32 s7  }
0x8a: {  	p1 =	sne.s32 s7, $0x8000;
	s7 =	sadd.s32 $0x1000, s7;
	_ =	swait.ge [sflag:s0], $0x800  }
0x8b: {  	s14 =	sshra.s32 s14, $0x2;
	[sflag:s0] =	ssyncset.done $0x0  }
0x8c: {  	s15 =	sadd.s32 $0x2800, s14;
	[sflag:s0] =	ssyncadd.s32 $0xFFFFF800  }
0x8d: {  	[spmem:s2] =	stream.indirect.scatter.add.f32 [tilespmem:s17], [sflag:$0x9], $0x10, s15, s16, $0xb8;
	[tilespmem:$0xB800] =	vst v63  }
0x8e: {  	_ =	swait.ge [sflag:s1], $0x800  }
0x8f: {  	[sflag:s1] =	ssyncset.done $0x0  }
0x90: {  	s15 =	sadd.s32 $0x400, s14;
	[sflag:s1] =	ssyncadd.s32 $0xFFFFF800  }
0x91: {  	[tilespmem:s17], [sflag:$0x1] =	stream.indirect.gather [hbm4b:s4+s16], $0x10, s15, s16, $0xb8;
	[tilespmem:$0xB800] =	vst v63  }
0x92: {  	_ =	swait.ge [sflag:s3], $0x800  }
0x93: {  	[sflag:s3] =	ssyncset.done $0x0  }
0x94: {  	s15 =	sadd.s32 $0x2880, s14;
	[sflag:s3] =	ssyncadd.s32 $0xFFFFF800  }
0x95: {  	[spmem:s2] =	stream.indirect.scatter.add.f32 [tilespmem:s18], [sflag:$0xA], $0x10, s15, s16, $0xb8;
	[tilespmem:$0xB800] =	vst v63  }
0x96: {  	_ =	swait.ge [sflag:s19], $0x800  }
0x97: {  	[sflag:s19] =	ssyncset.done $0x0  }
0x98: {  	s15 =	sadd.s32 $0x480, s14;
	[sflag:s19] =	ssyncadd.s32 $0xFFFFF800  }
0x99: {  	[tilespmem:s18], [sflag:$0x2] =	stream.indirect.gather [hbm4b:s4+s16], $0x10, s15, s16, $0xb8;
	[tilespmem:$0xB800] =	vst v63  }
0x9a: {  	_ =	swait.ge [sflag:s21], $0x800  }
0x9b: {  	[sflag:s21] =	ssyncset.done $0x0  }
0x9c: {  	s15 =	sadd.s32 $0x2900, s14;
	[sflag:s21] =	ssyncadd.s32 $0xFFFFF800  }
0x9d: {  	[spmem:s2] =	stream.indirect.scatter.add.f32 [tilespmem:s20], [sflag:$0xB], $0x10, s15, s16, $0xb8;
	[tilespmem:$0xB800] =	vst v63  }
0x9e: {  	_ =	swait.ge [sflag:s23], $0x800  }
0x9f: {  	[sflag:s23] =	ssyncset.done $0x0  }
0xa0: {  	s15 =	sadd.s32 $0x500, s14;
	[sflag:s23] =	ssyncadd.s32 $0xFFFFF800  }
0xa1: {  	[tilespmem:s20], [sflag:$0x3] =	stream.indirect.gather [hbm4b:s4+s16], $0x10, s15, s16, $0xb8;
	[tilespmem:$0xB800] =	vst v63  }
0xa2: {  	_ =	swait.ge [sflag:s25], $0x800  }
0xa3: {  	[sflag:s25] =	ssyncset.done $0x0  }
0xa4: {  	s15 =	sadd.s32 $0x2980, s14;
	[sflag:s25] =	ssyncadd.s32 $0xFFFFF800  }
0xa5: {  	[spmem:s2] =	stream.indirect.scatter.add.f32 [tilespmem:s22], [sflag:$0xC], $0x10, s15, s16, $0xb8;
	[tilespmem:$0xB800] =	vst v63  }
0xa6: {  	_ =	swait.ge [sflag:s28], $0x800  }
0xa7: {  	[sflag:s28] =	ssyncset.done $0x0  }
0xa8: {  	s15 =	sadd.s32 $0x580, s14;
	[sflag:s28] =	ssyncadd.s32 $0xFFFFF800  }
0xa9: {  	[tilespmem:s22], [sflag:$0x4] =	stream.indirect.gather [hbm4b:s4+s16], $0x10, s15, s16, $0xb8;
	[tilespmem:$0xB800] =	vst v63  }
0xaa: {  	_ =	swait.ge [sflag:s30], $0x800  }
0xab: {  	[sflag:s30] =	ssyncset.done $0x0  }
0xac: {  	s15 =	sadd.s32 $0x2A00, s14;
	[sflag:s30] =	ssyncadd.s32 $0xFFFFF800  }
0xad: {  	[spmem:s2] =	stream.indirect.scatter.add.f32 [tilespmem:s24], [sflag:$0xD], $0x10, s15, s16, $0xb8;
	[tilespmem:$0xB800] =	vst v63  }
0xae: {  	_ =	swait.ge [sflag:s6], $0x800  }
0xaf: {  	[sflag:s6] =	ssyncset.done $0x0  }
0xb0: {  	s15 =	sadd.s32 $0x600, s14;
	[sflag:s6] =	ssyncadd.s32 $0xFFFFF800  }
0xb1: {  	[tilespmem:s24], [sflag:$0x5] =	stream.indirect.gather [hbm4b:s4+s16], $0x10, s15, s16, $0xb8;
	[tilespmem:$0xB800] =	vst v63  }
0xb2: {  	_ =	swait.ge [sflag:s8], $0x800  }
0xb3: {  	[sflag:s8] =	ssyncset.done $0x0  }
0xb4: {  	s15 =	sadd.s32 $0x2A80, s14;
	[sflag:s8] =	ssyncadd.s32 $0xFFFFF800  }
0xb5: {  	[spmem:s2] =	stream.indirect.scatter.add.f32 [tilespmem:s26], [sflag:$0xE], $0x10, s15, s16, $0xb8;
	[tilespmem:$0xB800] =	vst v63  }
0xb6: {  	_ =	swait.ge [sflag:s9], $0x800  }
0xb7: {  	[sflag:s9] =	ssyncset.done $0x0  }
0xb8: {  	s15 =	sadd.s32 $0x680, s14;
	[sflag:s9] =	ssyncadd.s32 $0xFFFFF800  }
0xb9: {  	[tilespmem:s26], [sflag:$0x6] =	stream.indirect.gather [hbm4b:s4+s16], $0x10, s15, s16, $0xb8;
	[tilespmem:$0xB800] =	vst v63  }
0xba: {  	_ =	swait.ge [sflag:s10], $0x800  }
0xbb: {  	[sflag:s10] =	ssyncset.done $0x0  }
0xbc: {  	s15 =	sadd.s32 $0x2B00, s14;
	[sflag:s10] =	ssyncadd.s32 $0xFFFFF800  }
0xbd: {  	[spmem:s2] =	stream.indirect.scatter.add.f32 [tilespmem:s29], [sflag:$0xF], $0x10, s15, s16, $0xb8;
	[tilespmem:$0xB800] =	vst v63  }
0xbe: {  	_ =	swait.ge [sflag:s11], $0x800  }
0xbf: {  	[sflag:s11] =	ssyncset.done $0x0  }
0xc0: {  	s15 =	sadd.s32 $0x700, s14;
	[sflag:s11] =	ssyncadd.s32 $0xFFFFF800  }
0xc1: {  	[tilespmem:s29], [sflag:$0x7] =	stream.indirect.gather [hbm4b:s4+s16], $0x10, s15, s16, $0xb8;
	[tilespmem:$0xB800] =	vst v63  }
0xc2: {  	_ =	swait.ge [sflag:s12], $0x800  }
0xc3: {  	[sflag:s12] =	ssyncset.done $0x0  }
.Ltmp0:
0xc4: {  	s15 =	sadd.s32 $0x2B80, s14;
	[sflag:s12] =	ssyncadd.s32 $0xFFFFF800;
	(pc) =	sbr.rel @p1 .LBB2_2-.Ltmp0, $4  }
0xc5: {  	[spmem:s2] =	stream.indirect.scatter.add.f32 [tilespmem:s31], [sflag:$0x10], $0x10, s15, s16, $0xb8;
	[tilespmem:$0xB800] =	vst v63  }
0xc6: {  	_ =	swait.ge [sflag:s13], $0x800  }
0xc7: {  	[sflag:s13] =	ssyncset.done $0x0  }
0xc8: {  	s14 =	sadd.s32 $0x780, s14;
	[sflag:s13] =	ssyncadd.s32 $0xFFFFF800  }
0xc9: {  	[tilespmem:s31], [sflag:$0x8] =	stream.indirect.gather [hbm4b:s4+s16], $0x10, s14, s16, $0xb8;
	[tilespmem:$0xB800] =	vst v63  }
0xca: {  	_ =	swait.ge [sflag:s0], $0x800  }
0xcb: {  	[sflag:s0] =	ssyncset.done $0x0  }
0xcc: {  	s5 =	simm.s32 $0x4C00;
	[sflag:s0] =	ssyncadd.s32 $0xFFFFF800  }
0xcd: {  	[spmem:s2] =	stream.indirect.scatter.add.f32 [tilespmem:s17], [sflag:$0x9], $0x10, s5, s16, $0xb8;
	[tilespmem:$0xB800] =	vst v63  }
0xce: {  	_ =	swait.ge [sflag:s1], $0x800  }
0xcf: {  	[sflag:s1] =	ssyncset.done $0x0  }
0xd0: {  	[sflag:s1] =	ssyncadd.s32 $0xFFFFF800  }
0xd1: {  	_ =	swait.ge [sflag:s3], $0x800  }
0xd2: {  	[sflag:s3] =	ssyncset.done $0x0  }
0xd3: {  	s14 =	simm.s32 $0x4C80;
	[sflag:s3] =	ssyncadd.s32 $0xFFFFF800  }
0xd4: {  	[spmem:s2] =	stream.indirect.scatter.add.f32 [tilespmem:s18], [sflag:$0xA], $0x10, s14, s16, $0xb8;
	[tilespmem:$0xB800] =	vst v63  }
0xd5: {  	_ =	swait.ge [sflag:s19], $0x800  }
0xd6: {  	[sflag:s19] =	ssyncset.done $0x0  }
0xd7: {  	[sflag:s19] =	ssyncadd.s32 $0xFFFFF800  }
0xd8: {  	_ =	swait.ge [sflag:s21], $0x800  }
0xd9: {  	[sflag:s21] =	ssyncset.done $0x0  }
0xda: {  	s15 =	simm.s32 $0x4D00;
	[sflag:s21] =	ssyncadd.s32 $0xFFFFF800  }
0xdb: {  	[spmem:s2] =	stream.indirect.scatter.add.f32 [tilespmem:s20], [sflag:$0xB], $0x10, s15, s16, $0xb8;
	[tilespmem:$0xB800] =	vst v63  }
0xdc: {  	_ =	swait.ge [sflag:s23], $0x800  }
0xdd: {  	[sflag:s23] =	ssyncset.done $0x0  }
0xde: {  	[sflag:s23] =	ssyncadd.s32 $0xFFFFF800  }
0xdf: {  	_ =	swait.ge [sflag:s25], $0x800  }
0xe0: {  	[sflag:s25] =	ssyncset.done $0x0  }
0xe1: {  	s7 =	simm.s32 $0x4D80;
	[sflag:s25] =	ssyncadd.s32 $0xFFFFF800  }
0xe2: {  	[spmem:s2] =	stream.indirect.scatter.add.f32 [tilespmem:s22], [sflag:$0xC], $0x10, s7, s16, $0xb8;
	[tilespmem:$0xB800] =	vst v63  }
0xe3: {  	_ =	swait.ge [sflag:s28], $0x800  }
0xe4: {  	[sflag:s28] =	ssyncset.done $0x0  }
0xe5: {  	[sflag:s28] =	ssyncadd.s32 $0xFFFFF800  }
0xe6: {  	_ =	swait.ge [sflag:s30], $0x800  }
0xe7: {  	[sflag:s30] =	ssyncset.done $0x0  }
0xe8: {  	s14 =	simm.s32 $0x4E00;
	[sflag:s30] =	ssyncadd.s32 $0xFFFFF800  }
0xe9: {  	[spmem:s2] =	stream.indirect.scatter.add.f32 [tilespmem:s24], [sflag:$0xD], $0x10, s14, s16, $0xb8;
	[tilespmem:$0xB800] =	vst v63  }
0xea: {  	_ =	swait.ge [sflag:s6], $0x800  }
0xeb: {  	[sflag:s6] =	ssyncset.done $0x0  }
0xec: {  	[sflag:s6] =	ssyncadd.s32 $0xFFFFF800  }
0xed: {  	_ =	swait.ge [sflag:s8], $0x800  }
0xee: {  	[sflag:s8] =	ssyncset.done $0x0  }
0xef: {  	s15 =	simm.s32 $0x4E80;
	[sflag:s8] =	ssyncadd.s32 $0xFFFFF800  }
0xf0: {  	[spmem:s2] =	stream.indirect.scatter.add.f32 [tilespmem:s26], [sflag:$0xE], $0x10, s15, s16, $0xb8;
	[tilespmem:$0xB800] =	vst v63  }
0xf1: {  	_ =	swait.ge [sflag:s9], $0x800  }
0xf2: {  	[sflag:s9] =	ssyncset.done $0x0  }
0xf3: {  	[sflag:s9] =	ssyncadd.s32 $0xFFFFF800  }
0xf4: {  	_ =	swait.ge [sflag:s10], $0x800  }
0xf5: {  	[sflag:s10] =	ssyncset.done $0x0  }
0xf6: {  	s7 =	simm.s32 $0x4F00;
	[sflag:s10] =	ssyncadd.s32 $0xFFFFF800  }
0xf7: {  	[spmem:s2] =	stream.indirect.scatter.add.f32 [tilespmem:s29], [sflag:$0xF], $0x10, s7, s16, $0xb8;
	[tilespmem:$0xB800] =	vst v63  }
0xf8: {  	_ =	swait.ge [sflag:s11], $0x800  }
0xf9: {  	[sflag:s11] =	ssyncset.done $0x0  }
0xfa: {  	[sflag:s11] =	ssyncadd.s32 $0xFFFFF800  }
0xfb: {  	_ =	swait.ge [sflag:s12], $0x800  }
0xfc: {  	[sflag:s12] =	ssyncset.done $0x0  }
0xfd: {  	s14 =	simm.s32 $0x4F80;
	[sflag:s12] =	ssyncadd.s32 $0xFFFFF800  }
0xfe: {  	[spmem:s2] =	stream.indirect.scatter.add.f32 [tilespmem:s31], [sflag:$0x10], $0x10, s14, s16, $0xb8;
	[tilespmem:$0xB800] =	vst v63  }
0xff: {  	_ =	swait.ge [sflag:s13], $0x800  }
0x100: {  	[sflag:s13] =	ssyncset.done $0x0  }
0x101: {  	[sflag:s13] =	ssyncadd.s32 $0xFFFFF800  }
0x102: {  	[bflag:$0x0] =	sbarrier.arrive $0xFFFF  }
0x103: {  	s7 =	rddreg [dreg:$0x5]  }
0x104: {  	s15 =	rddreg [dreg:$0xa]  }
0x105: {  	s14 =	rddreg [dreg:$0xc]  }
0x106: {  	[hbm:s15], [sflag:s7] =	dma.local [spmem:s14], $0x500  }
0x107: {  	s15 =	simm.s32 $0x11  }
0x108: {  	_ =	swait.ge [sflag:s15], $0x500  }
0x109: {  	s5 =	rddreg [dreg:$0xd]  }
0x10a: {  	s7 =	sadd.s32 $0x1, s5;
	s5 =	rddreg [dreg:$0xb]  }
0x10b: {  	p1 =	sne.s32 s7, s5  }
.Ltmp1:
0x10c: {  	_ = 	snop;
	(pc) =	sbr.rel @p1 .LBB2_1-.Ltmp1, $3  }
0x10d: {  	_ =	sdelay $0x1  }
0x10e: {  	[sflag:s15] =	ssyncset.done $0x0;
	[dreg:$0xd] =	wrdreg s7  }
0x10f: {  	[sflag:s15] =	ssyncadd.s32 $0xFFFFFB00;
	s7 =	rddreg [dreg:$0x5]  }
0x110: {  	_ =	sfence.sel $0x180000  }
0x111: {  	[bflag:$0x0] =	sbarrier.arrive $0xFFFF  }
0x112: {  	_ =	strace $0x9000004D  }
0x113: {  	s0 =	stileid.u32;
	[bflag:$0x2] =	sbarrier.arrive $0xFFFF  }
0x114: {  	p0 =	sne.s32 s0, $0x0;
	s0 =	rddreg [dreg:$0x2]  }
0x115: {  	s0 =	sadd.s32 @!p0 $0x100000, s0  }
0x116: {  	[sflag:s0] =	ssyncadd.tile.s32 @!p0 $0x1;
	_ =	shalt  }
.Lfunc_end2:
_tile_overlayer_lowered:
.L_overlay_start_2:
0x117: {  	(tag) =	ssettag $0x2  }
0x118: {  	s0 =	rddreg [dreg:$0x0];
	s2 =	stileid.u32  }
0x119: {  	s1 =	rddreg [dreg:$0x1];
	p0 =	sne.s32 s2, $0x0  }
0x11a: {  	s3 =	rddreg [dreg:$0x2];
	[bflag:$0x3] =	sbarrier.arrive $0xFFFF;
	s2 =	simm.s32 @!p0 $0x1C11  }
0x11b: {  	[timem:s3], [sflag:s2] =	dma.local @!p0 [hbm:s0], s1  }
0x11c: {  	s0 =	simm.s32 @!p0 $0x11  }
0x11d: {  	_ =	swait.ge @!p0 [sflag:s0], s1  }
0x11e: {  	s1 =	ssub.s32 @!p0 $0x0, s1;
	[sflag:s0] =	ssyncset.done @!p0 $0x0  }
0x11f: {  	[sflag:s0] =	ssyncadd.s32 @!p0 s1  }
0x120: {  	[bflag:$0x3] =	sbarrier.arrive $0xFFFF  }
0x121: {  	_ =	shalt  }

// kernel: kernel.9.cloned.1.call-start
scs
__scs_entry_jumppad:
0x0: {  	(pc) =	sbr.rel $0x88, $3  }
0x1: {  	(tag) =	ssettag $0x0;
	lr =	simm.s32 $0x1  }
0x2: {  	[smem:$0x3F9B] =	sst lr;
	_ =	strace $0xD0000000  }
0x3: {  	_ = 	snop  }
0x4: {  	_ = 	snop  }
0x5: {  	_ = 	snop  }
0x6: {  	_ = 	snop  }
0x7: {  	_ = 	snop  }
__scs_overlays_trampoline_lowered:
0x8: {  	[smem:$0x3FAA] =	sst s0  }
0x9: {  	[smem:$0x3FAB] =	sst s1  }
0xa: {  	[smem:$0x3FAC] =	sst s2  }
0xb: {  	[smem:$0x3FAD] =	sst s3  }
0xc: {  	[smem:$0x3FAE] =	sst s4  }
0xd: {  	[smem:$0x3FAF] =	sst s5  }
0xe: {  	[smem:$0x3FB0] =	sst s6  }
0xf: {  	[smem:$0x3FB1] =	sst s7  }
0x10: {  	[smem:$0x3FB2] =	sst s8  }
0x11: {  	[smem:$0x3FB3] =	sst s9;
	s0 =	simm.s32 @!p0 $0x0  }
0x12: {  	s1 =	sld [smem:$0x3F99];
	s0 =	simm.s32 @p0 $0x1  }
0x13: {  	[smem:$0x3FB4] =	sst s0;
	s0 =	simm.s32 @!p1 $0x0  }
0x14: {  	s2 =	sld [smem:$0x3F98];
	s0 =	simm.s32 @p1 $0x1  }
0x15: {  	[smem:$0x3FB5] =	sst s0;
	s0 =	simm.s32 @!p2 $0x0  }
0x16: {  	s3 =	sld [smem:$0x3FDB];
	s0 =	simm.s32 @p2 $0x1  }
0x17: {  	s4 =	simm.s32 $0x1BF5;
	[smem:$0x3FB7] =	sst s0  }
0x18: {  	s0 =	sld [smem:$0x3F9A];
	_ =	swait.ge [sflag:s4], $0x0  }
0x19: {  	s7 =	sld [smem:$0x3F9B]  }
0x1a: {  	s8 =	sadd.s32 $0xFFFFE003, lr  }
0x1b: {  	s9 =	sadd.s32 $0xFFFFFEF7, lr;
	s5 =	simm.s32 $0xFFFFFFFF;
	p2 =	slt.u32 s8, $0xFFFFF086  }
0x1c: {  	p1 =	slt.u32 s9, $0xF7A;
	s5 =	simm.s32 @!p2 $0x0  }
0x1d: {  	s5 =	simm.s32 @p1 $0x1;
	p0 =	seq.s32 s7, s2  }
0x1e: {  	s7 =	smul.u32 @!p0 $0xF7A, s2;
	p2 =	seq.s32 @!p0 s5, $0x0  }
0x1f: {  	s9 =	smul.u32 $0xF7A, s1;
	s8 =	simm.s32 @!p0 $0x1BF5;
	p2 =	por !p2, p0  }
0x20: {  	[sflag:s8] =	ssyncset.s32 @!p0 $0xFFFFF086;
	s6 =	sadd.s32 @!p0 s3, s7;
	s7 =	simm.s32 @!p0 $0x108  }
0x21: {  	s3 =	sadd.s32 s3, s9;
	s6 =	sadd.s32 @!p0 $0x88, s6;
	s7 =	simm.s32 @p2 $0x1082  }
0x22: {  	[simem:s7], [sflag:s8] =	dma.local @!p0 [hbm:s6], $0xF7A  }
0x23: {  	s9 =	sor.u32 $0xD0000000, s2;
	s6 =	simm.s32 $0x108;
	_ =	swait.ge @!p0 [sflag:s8], $0x0  }
0x24: {  	s3 =	sadd.s32 $0x88, s3;
	s6 =	simm.s32 @!p1 $0x1082;
	[sflag:s4] =	ssyncset.s32 $0xFFFFF086  }
0x25: {  	[simem:s6], [sflag:s4] =	dma.local [hbm:s3], $0xF7A  }
0x26: {  	[smem:$0x3F9B] =	sst s1;
	(tag) =	ssettag s2;
	_ =	strace s9  }
0x27: {  	s1 =	sld [smem:$0x3FAB]  }
0x28: {  	s2 =	sld [smem:$0x3FAC]  }
0x29: {  	s4 =	sld [smem:$0x3FAE]  }
0x2a: {  	p0 =	seq.s32 s5, $0x0;
	s5 =	sld [smem:$0x3FAF]  }
0x2b: {  	s6 =	sld [smem:$0x3FB0]  }
0x2c: {  	s7 =	sld [smem:$0x3FB1]  }
0x2d: {  	s3 =	simm.s32 $0x108;
	s8 =	sld [smem:$0x3FB2]  }
0x2e: {  	s3 =	simm.s32 @!p0 $0x1082;
	s9 =	sld [smem:$0x3FB3]  }
0x2f: {  	lr =	sadd.s32 s0, s3;
	s0 =	sld [smem:$0x3FAA]  }
0x30: {  	s3 =	sld [smem:$0x3FAD]  }
0x31: {  	[smem:$0x3FB6] =	sst s10  }
0x32: {  	s10 =	sld [smem:$0x3FB4];
	_ =	sdelay $0x3  }
0x33: {  	p0 =	seq.s32 s10, $0x1;
	s10 =	sld [smem:$0x3FB6];
	_ =	sdelay $0x3  }
0x34: {  	[smem:$0x3FB6] =	sst s10  }
0x35: {  	s10 =	sld [smem:$0x3FB5];
	_ =	sdelay $0x3  }
0x36: {  	p1 =	seq.s32 s10, $0x1;
	s10 =	sld [smem:$0x3FB6];
	_ =	sdelay $0x3  }
0x37: {  	[smem:$0x3FB6] =	sst s10  }
0x38: {  	s10 =	sld [smem:$0x3FB7]  }
0x39: {  	_ = 	snop;
	(pc) =	sbr.ind lr, $3  }
0x3a: {  	_ = 	snop  }
0x3b: {  	_ = 	snop  }
0x3c: {  	p2 =	seq.s32 s10, $0x1;
	s10 =	sld [smem:$0x3FB6]  }
0x3d: {  	_ =	shalt  }
0x3e: {  	_ =	shalt  }
0x3f: {  	_ =	shalt  }
0x40: {  	_ =	shalt  }
0x41: {  	_ =	shalt  }
0x42: {  	_ =	shalt  }
0x43: {  	_ =	shalt  }
0x44: {  	_ =	shalt  }
0x45: {  	_ =	shalt  }
0x46: {  	_ =	shalt  }
0x47: {  	_ =	shalt  }
0x48: {  	_ =	shalt  }
0x49: {  	_ =	shalt  }
0x4a: {  	_ =	shalt  }
0x4b: {  	_ =	shalt  }
0x4c: {  	_ =	shalt  }
0x4d: {  	_ =	shalt  }
0x4e: {  	_ =	shalt  }
0x4f: {  	_ =	shalt  }
0x50: {  	_ =	shalt  }
0x51: {  	_ =	shalt  }
0x52: {  	_ =	shalt  }
0x53: {  	_ =	shalt  }
0x54: {  	_ =	shalt  }
0x55: {  	_ =	shalt  }
0x56: {  	_ =	shalt  }
0x57: {  	_ =	shalt  }
0x58: {  	_ =	shalt  }
0x59: {  	_ =	shalt  }
0x5a: {  	_ =	shalt  }
0x5b: {  	_ =	shalt  }
0x5c: {  	_ =	shalt  }
0x5d: {  	_ =	shalt  }
0x5e: {  	_ =	shalt  }
0x5f: {  	_ =	shalt  }
0x60: {  	_ =	shalt  }
0x61: {  	_ =	shalt  }
0x62: {  	_ =	shalt  }
0x63: {  	_ =	shalt  }
0x64: {  	_ =	shalt  }
0x65: {  	_ =	shalt  }
0x66: {  	_ =	shalt  }
0x67: {  	_ =	shalt  }
0x68: {  	_ =	shalt  }
0x69: {  	_ =	shalt  }
0x6a: {  	_ =	shalt  }
0x6b: {  	_ =	shalt  }
0x6c: {  	_ =	shalt  }
0x6d: {  	_ =	shalt  }
0x6e: {  	_ =	shalt  }
0x6f: {  	_ =	shalt  }
0x70: {  	_ =	shalt  }
0x71: {  	_ =	shalt  }
0x72: {  	_ =	shalt  }
0x73: {  	_ =	shalt  }
0x74: {  	_ =	shalt  }
0x75: {  	_ =	shalt  }
0x76: {  	_ =	shalt  }
0x77: {  	_ =	shalt  }
0x78: {  	_ =	shalt  }
0x79: {  	_ =	shalt  }
0x7a: {  	_ =	shalt  }
0x7b: {  	_ =	shalt  }
0x7c: {  	_ =	shalt  }
0x7d: {  	_ =	shalt  }
0x7e: {  	_ =	shalt  }
0x7f: {  	_ =	shalt  }
0x80: {  	_ =	shalt  }
0x81: {  	_ =	shalt  }
0x82: {  	_ =	shalt  }
0x83: {  	_ =	shalt  }
0x84: {  	_ =	shalt  }
0x85: {  	_ =	shalt  }
0x86: {  	_ =	shalt  }
0x87: {  	_ =	shalt  }
.Lfunc_end0:
.L_simem_size_0:
called_computation_lowered:
.L_overlay_start_0:
0x88: {  	s2 =	sld [smem:$0x3FD9]  }
0x89: {  	s3 =	sld [smem:$0x3FFE];
	_ =	sdelay $0x1  }
0x8a: {  	s1 =	srdreg.scid  }
0x8b: {  	s0 =	sand.u32 $0x1, s1  }
0x8c: {  	s17 =	sshll.u32 s0, $0xA;
	s2 =	sadd.s32 s3, s2  }
0x8d: {  	s2 =	sadd.s32 s2, s17  }
0x8e: {  	[smem:$0x3FC2] =	sst s2  }
0x8f: {  	_ = 	snop  }
0x90: {  	s2 =	sld [smem:$0x3FD0];
	(tm) =	ssettm $0x1  }
0x91: {  	s18 =	sld [smem:$0x3FFB];
	_ =	sdelay $0x3  }
0x92: {  	_ =	strace s18  }
0x93: {  	s3 =	sld [smem:$0x3FFC];
	_ =	sdelay $0x3  }
0x94: {  	_ =	strace s3  }
0x95: {  	s3 =	sld [smem:$0x3FFD];
	_ =	sdelay $0x3  }
0x96: {  	_ =	strace s3  }
0x97: {  	_ =	strace $0x8FFFFFFF  }
0x98: {  	s19 =	sld [smem:$0x3FDB];
	_ =	sdelay $0x1  }
0x99: {  	s4 =	simm.s32 $_scs_section_size  }
0x9a: {  	s5 =	simm.s32 $_size__tile_overlayer_lowered;
	s6 =	simm.s32 $_tile_overlayer_lowered  }
0x9b: {  	s22 =	simm.s32 $0x1BFF;
	s21 =	sshll.u32 s6, $0x1;
	s3 =	sadd.s32 s4, s19  }
0x9c: {  	s7 =	simm.s32 $0x0;
	s20 =	sshll.u32 s5, $0x1;
	s5 =	sadd.s32 s21, s3  }
0x9d: {  	[timem:s7], [sflag:s22] =	dma.local [hbm:s5], s20  }
0x9e: {  	_ =	swait.ge [sflag:s22], s20  }
0x9f: {  	s4 =	ssub.s32 $0x0, s20;
	[sflag:s22] =	ssyncset.done $0x0  }
0xa0: {  	[sflag:s22] =	ssyncadd.s32 s4;
	_ =	sdelay $0x1  }
0xa1: {  	s23 =	simm.s32 $0x1B8B  }
0xa2: {  	_ =	swait.ge [sflag:s23], $0x1  }
0xa3: {  	[sflag:s23] =	ssyncset.done $0x0  }
0xa4: {  	s25 =	simm.s32 $0x1B8E;
	s24 =	sld [smem:$0x3FFE];
	[sflag:s23] =	ssyncadd.s32 $0xFFFFFFFF  }
0xa5: {  	s26 =	simm.s32 $execute0_lowered;
	[smem:$0x3FD2] =	sst s25  }
0xa6: {  	s5 =	sshll.u32 s26, $0x1;
	_ =	strace $0x80000046;
	[dreg:$0x1] =	wrdreg $0xFFFFFFFF  }
0xa7: {  	s28 =	simm.s32 $_size_execute0_lowered;
	s3 =	sadd.s32 s3, s5;
	[dreg:$0x0] =	wrdreg $0x0  }
0xa8: {  	s5 =	sshll.u32 s28, $0x1;
	[dreg:$0x2] =	wrdreg s3  }
0xa9: {  	[dreg:$0x3] =	wrdreg s5  }
0xaa: {  	[dreg:$0x4] =	wrdreg $0xC0  }
0xab: {  	_ =	task [dreg:s7], $0x5FFFF  }
0xac: {  	[dreg:$0x1] =	wrdreg $0xFFFFFFFF  }
0xad: {  	[dreg:$0x0] =	wrdreg $0x60  }
0xae: {  	[dreg:$0x2] =	wrdreg s24  }
0xaf: {  	[dreg:$0x3] =	wrdreg s2  }
0xb0: {  	[dreg:$0x4] =	wrdreg $0x9  }
0xb1: {  	_ =	task.clear_ibuf [dreg:s7], $0x5FFFF;
	_ =	strace $0x90000046  }
0xb2: {  	s29 =	simm.s32 $0x9;
	_ =	strace $0x80000048  }
0xb3: {  	_ =	swait.ge [sflag:s29], $0x1  }
0xb4: {  	[sflag:s29] =	ssyncadd.s32 $0xFFFFFFFF  }
0xb5: {  	_ =	strace $0x90000048  }
0xb6: {  	_ =	sfence  }
0xb7: {  	s30 =	sld [smem:$0x0];
	_ =	sdelay $0x2  }
0xb8: {  	s31 =	sshll.u32 s1, $0xD;
	s1 =	sshrl.u32 s1, $0x2  }
0xb9: {  	s3 =	sand.u32 $0x4000, s31;
	s1 =	sadd.s32 s1, s30  }
0xba: {  	s0 =	sor.u32 s3, s0;
	s1 =	sshll.u32 s1, $0x11  }
0xbb: {  	s0 =	sor.u32 s1, s0  }
0xbc: {  	s0 =	sadd.s32 $0x8F2B, s0  }
0xbd: {  	[sflag:s0] =	ssyncadd.remote.s32 $0x1  }
0xbe: {  	_ =	sfence.sel $0xFFFF  }
0xbf: {  	[dreg:$0x0] =	wrdreg $0xFFFFFFFF;
	(pc) =	sbr.abs _section_cstart, $3  }
0xc0: {  	[dreg:$0x1] =	wrdreg $0xFFFFFFFF  }
0xc1: {  	_ =	task.clear_ibuf [dreg:s7], $0x2FFFF;
	_ =	strace $0x9FFFFFFF  }
0xc2: {  	(tm) =	ssettm $0x7FFFFFFF  }
0xc3: {  	_ =	shalt  }
tec
execute0_lowered:
.L_overlay_start_1:
0x0: {  	(tag) =	ssettag $0x1  }
0x1: {  	s6 =	rddreg [dreg:$0x0];
	s1 =	srdreg.scid  }
0x2: {  	s0 =	stileid.u32;
	s2 =	rddreg [dreg:$0x1]  }
0x3: {  	s3 =	simm.s32 $0x0;
	s5 =	sand.u32 $0x1, s1;
	s4 =	sshll.u32 s0, $0x1  }
0x4: {  	s11 =	simm.s32 $0x0;
	[smem:$0x7FF] =	sst s3;
	s9 =	sor.u32 s5, s4  }
0x5: {  	s1 =	rddreg [dreg:$0x2];
	_ =	strace $0x80000047;
	s7 =	smul.u32 $0x2800, s9  }
0x6: {  	s4 =	sadd.s32 $0x1C00, s6;
	s5 =	ssub.s32 $0x2, s5;
	s8 =	smul.u32 $0x500, s9  }
0x7: {  	s10 =	sshrl.u32 s5, $0x1;
	p0 =	seq.s32 s9, $0x1F;
	s7 =	sshrl.u32 s7, $0x3  }
0x8: {  	s9 =	simm.s32 $0x2800;
	s10 =	ssub.s32 s5, s10;
	s7 =	sadd.s32 s6, s7  }
0x9: {  	s8 =	sadd.s32 s8, s6;
	s6 =	sadd.s32 $0x15740, s6;
	s5 =	sadd.s32 $0xBC40, s7  }
0xa: {  	v0 =	vimm.f32 $1.000000000e+00;
	s7 =	sadd.s32 $0x15A00, s8;
	s8 =	smax.u32 s10, $0x1;
	s10 =	simm.s32 $0x1  }
.LBB2_1:
0xb: {  	[tilespmem:s9], [sflag:$0x1] =	stream.linear.gather [hbm4b:s2+s3], $0x2800, $0x38;
	[tilespmem:$0x5000] =	vst v63  }
0xc: {  	_ =	swait.ge [sflag:s10], $0x2800  }
0xd: {  	[sflag:s10] =	ssyncset.done $0x0  }
0xe: {  	s12 =	simm.s32 @p0 $0x0;
	s13 =	simm.s32 @p0 $0x1;
	[sflag:s10] =	ssyncadd.s32 $0xFFFFD800  }
0xf: {  	[tilespmem:s12], [sflag:$0x1] =	stream.linear.gather @p0 [hbm4b:s6+s12], $0xA00, $0x38;
	[tilespmem:$0x5000] =	vst v63  }
0x10: {  	_ =	swait.ge @p0 [sflag:s13], $0xA00  }
0x11: {  	[sflag:s13] =	ssyncset.done @p0 $0x0  }
0x12: {  	s14 =	simm.s32 @p0 $0xA00;
	[sflag:s13] =	ssyncadd.s32 @p0 $0xFFFFF600  }
0x13: {  	[tilespmem:s14], [sflag:$0x1] =	stream.linear.gather @p0 [hbm4b:s4+s12], $0x1E00, $0x38;
	[tilespmem:$0x5000] =	vst v63  }
0x14: {  	_ =	swait.ge @p0 [sflag:s13], $0x1E00  }
0x15: {  	[sflag:s13] =	ssyncset.done @p0 $0x0  }
0x16: {  	s12 =	simm.s32 @!p0 $0x0;
	[sflag:s13] =	ssyncadd.s32 @p0 $0xFFFFE200  }
0x17: {  	[tilespmem:s12], [sflag:$0x1] =	stream.linear.gather @!p0 [hbm4b:s5+s12], $0x2800, $0x38;
	[tilespmem:$0x5000] =	vst v63  }
0x18: {  	s12 =	simm.s32 @!p0 $0x1  }
0x19: {  	_ =	swait.ge @!p0 [sflag:s12], $0x2800  }
0x1a: {  	[sflag:s12] =	ssyncset.done @!p0 $0x0  }
0x1b: {  	[sflag:s12] =	ssyncadd.s32 @!p0 $0xFFFFD800;
	s12 =	simm.s32 $0x0  }
.LBB2_2:
0x1c: {  	s13 =	sshra.s32 s12, $0x2  }
0x1d: {  	v1 =	vld [tilespmem:s13+$0x0];
	_ =	sdelay $0x7  }
0x1e: {  	[tilespmem:v1+s9+$0x0] =	vst.idx.add.f32.msk $0xffff, v0  }
0x1f: {  	v1 =	vld [tilespmem:s13+$0x10];
	_ =	sdelay $0x7  }
0x20: {  	[tilespmem:v1+s9+$0x0] =	vst.idx.add.f32.msk $0xffff, v0  }
0x21: {  	v1 =	vld [tilespmem:s13+$0x20];
	_ =	sdelay $0x7  }
0x22: {  	[tilespmem:v1+s9+$0x0] =	vst.idx.add.f32.msk $0xffff, v0  }
0x23: {  	v1 =	vld [tilespmem:s13+$0x30];
	_ =	sdelay $0x7  }
0x24: {  	[tilespmem:v1+s9+$0x0] =	vst.idx.add.f32.msk $0xffff, v0  }
0x25: {  	v1 =	vld [tilespmem:s13+$0x40];
	_ =	sdelay $0x7  }
0x26: {  	[tilespmem:v1+s9+$0x0] =	vst.idx.add.f32.msk $0xffff, v0  }
0x27: {  	v1 =	vld [tilespmem:s13+$0x50];
	_ =	sdelay $0x7  }
0x28: {  	[tilespmem:v1+s9+$0x0] =	vst.idx.add.f32.msk $0xffff, v0  }
0x29: {  	v1 =	vld [tilespmem:s13+$0x60];
	_ =	sdelay $0x7  }
0x2a: {  	[tilespmem:v1+s9+$0x0] =	vst.idx.add.f32.msk $0xffff, v0  }
0x2b: {  	v1 =	vld [tilespmem:s13+$0x70];
	_ =	sdelay $0x2  }
0x2c: {  	p1 =	sne.s32 s12, $0x9E00  }
.Ltmp0:
0x2d: {  	_ = 	snop;
	(pc) =	sbr.rel @p1 .LBB2_2-.Ltmp0, $2  }
0x2e: {  	_ =	sdelay $0x2  }
0x2f: {  	s12 =	sadd.s32 $0x200, s12;
	[tilespmem:v1+s9+$0x0] =	vst.idx.add.f32.msk $0xffff, v0  }
0x30: {  	s11 =	sadd.s32 $0x1, s11  }
0x31: {  	p1 =	sne.s32 s11, s8  }
.Ltmp1:
0x32: {  	_ = 	snop;
	(pc) =	sbr.rel @p1 .LBB2_1-.Ltmp1, $4  }
0x33: {  	[hbm4b:s7+s3] =	stream.linear.scatter [tilespmem:s9], [sflag:$0x1], $0x2800, $0x38;
	[tilespmem:$0x5000] =	vst v63  }
0x34: {  	_ =	swait.ge [sflag:s10], $0x2800  }
0x35: {  	[sflag:s10] =	ssyncset.done $0x0  }
0x36: {  	[sflag:s10] =	ssyncadd.s32 $0xFFFFD800  }
0x37: {  	_ =	sfence.sel $0x180000  }
0x38: {  	[bflag:$0x0] =	sbarrier.arrive $0xFFFF  }
0x39: {  	p0 =	sne.s32 s0, $0x0;
	_ =	strace $0x90000047  }
0x3a: {  	s0 =	sadd.s32 @!p0 $0x100000, s1;
	[bflag:$0x2] =	sbarrier.arrive $0xFFFF  }
0x3b: {  	[sflag:s0] =	ssyncadd.tile.s32 @!p0 $0x1;
	_ =	shalt  }
.Lfunc_end2:
_tile_overlayer_lowered:
.L_overlay_start_2:
0x3c: {  	(tag) =	ssettag $0x2  }
0x3d: {  	s0 =	rddreg [dreg:$0x0];
	s2 =	stileid.u32  }
0x3e: {  	s1 =	rddreg [dreg:$0x1];
	p0 =	sne.s32 s2, $0x0  }
0x3f: {  	s3 =	rddreg [dreg:$0x2];
	[bflag:$0x3] =	sbarrier.arrive $0xFFFF;
	s2 =	simm.s32 @!p0 $0x1C01  }
0x40: {  	[timem:s3], [sflag:s2] =	dma.local @!p0 [hbm:s0], s1  }
0x41: {  	s0 =	simm.s32 @!p0 $0x1  }
0x42: {  	_ =	swait.ge @!p0 [sflag:s0], s1  }
0x43: {  	s1 =	ssub.s32 @!p0 $0x0, s1;
	[sflag:s0] =	ssyncset.done @!p0 $0x0  }
0x44: {  	[sflag:s0] =	ssyncadd.s32 @!p0 s1  }
0x45: {  	[bflag:$0x3] =	sbarrier.arrive $0xFFFF  }
0x46: {  	_ =	shalt  }

</sc_bundles>
